<compile_context>
chip_gen: v7x
topology: tpu7x:2x2x1
jax: 0.10.2.dev20260603
libtpu: 0.0.44.dev20260713+nightly
codegen_flags: <defaults>
</compile_context>

<pallas_src>
import functools

import jax
import jax.numpy as jnp
import numpy as np
from jax import lax
from jax.experimental import pallas as pl
from jax.experimental.pallas import tpu as pltpu
from jax.experimental.pallas import tpu_sc as plsc

N = 10000
E = 320000
H = 128
C = 16
L = 8
G = 64
ALPHA = 0.1
THETA = 0.5

NC = 2
NS = 16
NW = NC * NS
BLK = 128
BPT = 80
EPAD = NW * BPT * BLK
NPAD = 10240
SPAN = NPAD // NS
RB = 1000
NRB = N // RB


def _zero_vec16(ref):
    n = ref.shape[0]
    z = jnp.zeros((16,), jnp.float32)

    @pl.loop(0, n // 16)
    def _(j):
        ref[pl.ds(j * 16, 16)] = z


_SC_MESH = dict(core_axis_name="c", subcore_axis_name="s")


@functools.partial(
    pl.kernel,
    out_type=jax.ShapeDtypeStruct((NC, NPAD), jnp.float32),
    mesh=plsc.VectorSubcoreMesh(**_SC_MESH),
    scratch_types=[
        pltpu.VMEM((BPT, BLK), jnp.int32),
        pltpu.VMEM((BLK,), jnp.float32),
        pltpu.VMEM((SPAN,), jnp.float32),
        pltpu.VMEM_SHARED((NPAD,), jnp.float32),
    ],
)
def _sc_degree(dst_hbm, out_hbm, dst_v, ones_v, stage_v, deg_sh):
    c = lax.axis_index("c")
    s = lax.axis_index("s")
    wid = s * NC + c
    base = s * SPAN

    pltpu.sync_copy(dst_hbm.at[wid], dst_v)

    @pl.loop(0, BLK // 16)
    def _(j):
        ones_v[pl.ds(j * 16, 16)] = jnp.full((16,), 1.0, jnp.float32)

    _zero_vec16(stage_v)
    pltpu.sync_copy(stage_v, deg_sh.at[pl.ds(base, SPAN)])
    plsc.subcore_barrier()

    @pl.loop(0, BPT)
    def _(j):
        pltpu.sync_copy(ones_v, deg_sh.at[dst_v.at[j]], add=True)

    plsc.subcore_barrier()
    pltpu.sync_copy(deg_sh.at[pl.ds(base, SPAN)], stage_v)
    pltpu.sync_copy(stage_v, out_hbm.at[c, pl.ds(base, SPAN)])


@functools.partial(
    pl.kernel,
    out_type=jax.ShapeDtypeStruct((NC, NPAD, H), jnp.float32),
    mesh=plsc.VectorSubcoreMesh(**_SC_MESH),
    scratch_types=[
        pltpu.VMEM((BPT, BLK), jnp.int32),
        pltpu.VMEM((BPT, BLK), jnp.int32),
        pltpu.VMEM((BLK, H), jnp.float32),
        pltpu.VMEM_SHARED((NPAD, H), jnp.float32),
        pltpu.SemaphoreType.DMA,
    ],
)
def _sc_scatter(hs_hbm, src_hbm, dst_hbm, out_hbm, src_v, dst_v, rows_v,
                agg_sh, sem):
    c = lax.axis_index("c")
    s = lax.axis_index("s")
    wid = s * NC + c
    base = s * SPAN

    pltpu.sync_copy(src_hbm.at[wid], src_v)
    pltpu.sync_copy(dst_hbm.at[wid], dst_v)

    @pl.loop(0, BLK)
    def _(i):
        _zero_vec16(rows_v.at[i])

    @pl.loop(0, SPAN // BLK)
    def _(k):
        pltpu.sync_copy(rows_v, agg_sh.at[pl.ds(base + k * BLK, BLK)])

    plsc.subcore_barrier()

    @pl.loop(0, BPT)
    def _(j):
        pltpu.async_copy(hs_hbm.at[src_v.at[j]], rows_v, sem).wait()
        pltpu.sync_copy(rows_v, agg_sh.at[dst_v.at[j]], add=True)

    plsc.subcore_barrier()

    @pl.loop(0, SPAN // BLK)
    def _(k):
        off = base + k * BLK
        pltpu.sync_copy(agg_sh.at[pl.ds(off, BLK)], rows_v)
        pltpu.sync_copy(rows_v, out_hbm.at[c, pl.ds(off, BLK)])


def _tc_front(x, w1, b1, d0, d1):
    def body(x_ref, w_ref, b_ref, d0_ref, d1_ref, h_ref, hs_ref, dinv_ref):
        deg = d0_ref[...] + d1_ref[...] + 1.0
        dinv = lax.rsqrt(deg)
        h = jnp.dot(x_ref[...], w_ref[...], preferred_element_type=jnp.float32)
        h = jnp.maximum(h + b_ref[...], 0.0)
        h_ref[...] = h
        hs_ref[...] = h * dinv
        dinv_ref[...] = dinv

    return pl.pallas_call(
        body,
        grid=(NRB,),
        in_specs=[
            pl.BlockSpec((RB, H), lambda i: (i, 0)),
            pl.BlockSpec((H, H), lambda i: (0, 0)),
            pl.BlockSpec((1, H), lambda i: (0, 0)),
            pl.BlockSpec((RB, 1), lambda i: (i, 0)),
            pl.BlockSpec((RB, 1), lambda i: (i, 0)),
        ],
        out_specs=[
            pl.BlockSpec((RB, H), lambda i: (i, 0)),
            pl.BlockSpec((RB, H), lambda i: (i, 0)),
            pl.BlockSpec((RB, 1), lambda i: (i, 0)),
        ],
        out_shape=[
            jax.ShapeDtypeStruct((N, H), jnp.float32),
            jax.ShapeDtypeStruct((N, H), jnp.float32),
            jax.ShapeDtypeStruct((N, 1), jnp.float32),
        ],
    )(x, w1, b1, d0, d1)


def _tc_layer(a0, a1, hs, x0, dinv, w, beta):
    def body(a0_ref, a1_ref, hs_ref, x0_ref, dinv_ref, w_ref, b_ref,
             h_ref, hsn_ref):
        beta_v = b_ref[0, 0]
        agg = (a0_ref[...] + a1_ref[...] + hs_ref[...]) * dinv_ref[...]
        hh = (1.0 - ALPHA) * agg + ALPHA * x0_ref[...]
        mm = jnp.dot(hh, w_ref[...], preferred_element_type=jnp.float32)
        h = jnp.maximum((1.0 - beta_v) * hh + beta_v * mm, 0.0)
        h_ref[...] = h
        hsn_ref[...] = h * dinv_ref[...]

    return pl.pallas_call(
        body,
        grid=(NRB,),
        in_specs=[
            pl.BlockSpec((RB, H), lambda i: (i, 0)),
            pl.BlockSpec((RB, H), lambda i: (i, 0)),
            pl.BlockSpec((RB, H), lambda i: (i, 0)),
            pl.BlockSpec((RB, H), lambda i: (i, 0)),
            pl.BlockSpec((RB, 1), lambda i: (i, 0)),
            pl.BlockSpec((H, H), lambda i: (0, 0)),
            pl.BlockSpec((1, 1), lambda i: (0, 0)),
        ],
        out_specs=[
            pl.BlockSpec((RB, H), lambda i: (i, 0)),
            pl.BlockSpec((RB, H), lambda i: (i, 0)),
        ],
        out_shape=[
            jax.ShapeDtypeStruct((N, H), jnp.float32),
            jax.ShapeDtypeStruct((N, H), jnp.float32),
        ],
    )(a0, a1, hs, x0, dinv, w, beta)


def _tc_pool_head(batch3, h, w2, b2):
    def body(b3_ref, h_ref, w2_ref, b2_ref, o_ref, sums, counts):
        i = pl.program_id(0)

        @pl.when(i == 0)
        def _():
            sums[...] = jnp.zeros_like(sums)
            counts[...] = jnp.zeros_like(counts)

        bvec = b3_ref[...].reshape(1, RB)
        ids = lax.broadcasted_iota(jnp.int32, (G, RB), 0)
        mask = jnp.where(ids == bvec, 1.0, 0.0)
        sums[...] += jnp.dot(mask, h_ref[...],
                             preferred_element_type=jnp.float32)
        counts[...] += jnp.sum(mask, axis=1, keepdims=True)

        @pl.when(i == NRB - 1)
        def _():
            pooled = sums[...] / jnp.maximum(counts[...], 1.0)
            logits = jnp.dot(pooled, w2_ref[...],
                             preferred_element_type=jnp.float32) + b2_ref[...]
            m = jnp.max(logits, axis=-1, keepdims=True)
            e = logits - m
            o_ref[...] = e - jnp.log(jnp.sum(jnp.exp(e), axis=-1,
                                             keepdims=True))

    return pl.pallas_call(
        body,
        grid=(NRB,),
        in_specs=[
            pl.BlockSpec((1, 1, RB), lambda i: (i, 0, 0)),
            pl.BlockSpec((RB, H), lambda i: (i, 0)),
            pl.BlockSpec((H, C), lambda i: (0, 0)),
            pl.BlockSpec((1, C), lambda i: (0, 0)),
        ],
        out_specs=pl.BlockSpec((G, C), lambda i: (0, 0)),
        out_shape=jax.ShapeDtypeStruct((G, C), jnp.float32),
        scratch_shapes=[
            pltpu.VMEM((G, H), jnp.float32),
            pltpu.VMEM((G, 1), jnp.float32),
        ],
    )(batch3, h, w2, b2)


def kernel(x, lin1_w, lin1_b, conv_w, lin2_w, lin2_b, edge_index, batch):
    pad = EPAD - E
    src_p = jnp.concatenate(
        [edge_index[0].astype(jnp.int32),
         jnp.zeros((pad,), jnp.int32)]).reshape(NW, BPT, BLK)
    dst_p = jnp.concatenate(
        [edge_index[1].astype(jnp.int32),
         jnp.full((pad,), N, jnp.int32)]).reshape(NW, BPT, BLK)

    degraw = _sc_degree(dst_p)
    d0 = degraw[0, :N, None]
    d1 = degraw[1, :N, None]

    h, hs, dinv = _tc_front(x, lin1_w, lin1_b.reshape(1, H), d0, d1)
    x0 = h
    for l in range(L):
        beta = float(np.log(THETA / (l + 1) + 1.0))
        araw = _sc_scatter(hs, src_p, dst_p)
        h, hs = _tc_layer(araw[0, :N], araw[1, :N], hs, x0, dinv,
                          conv_w[l], jnp.full((1, 1), beta, jnp.float32))

    batch3 = batch.astype(jnp.int32).reshape(NRB, 1, RB)
    return _tc_pool_head(batch3, h, lin2_w, lin2_b.reshape(1, C))

# --- scband reference (transcript-rebuilt; emitter-appended) ---
"""Pipeline reference for scband-gcn2-12317966204984 (READ-ONLY COPY).

The authoritative reference and input builder live on the scoring server;
editing this copy changes nothing except your own understanding.
"""

import jax, jax.numpy as jnp
import numpy as np

N = 10000
E = 320000
D = 128
H = 128
C = 16
L = 8
G = 64
ALPHA = 0.1
THETA = 0.5


def setup_inputs(seed: int = 0):
    key = jax.random.key(seed)
    ks = jax.random.split(key, 9)
    x = jax.random.normal(ks[0], (N, D), dtype=jnp.float32)
    edge_index = jax.random.randint(ks[1], (2, E), 0, N)
    batch = jnp.sort(jax.random.randint(ks[2], (N,), 0, G))
    lin1_w = jax.random.normal(ks[3], (D, H), dtype=jnp.float32) / np.sqrt(D)
    lin1_b = jnp.zeros((H,), dtype=jnp.float32)
    conv_w = jax.random.normal(ks[4], (L, H, H), dtype=jnp.float32) / np.sqrt(H)
    lin2_w = jax.random.normal(ks[5], (H, C), dtype=jnp.float32) / np.sqrt(H)
    lin2_b = jnp.zeros((C,), dtype=jnp.float32)
    return {"x": x, "lin1_w": lin1_w, "lin1_b": lin1_b, "conv_w": conv_w,
            "lin2_w": lin2_w, "lin2_b": lin2_b, "edge_index": edge_index, "batch": batch}


def _gcn_norm(edge_index, num_nodes):
    # GCN normalization with self-loops: D^{-1/2} (A + I) D^{-1/2}
    src = edge_index[0]
    dst = edge_index[1]
    loop = jnp.arange(num_nodes, dtype=src.dtype)
    src = jnp.concatenate([src, loop])
    dst = jnp.concatenate([dst, loop])
    ones = jnp.ones(src.shape[0], dtype=jnp.float32)
    deg = jnp.zeros((num_nodes,), dtype=jnp.float32).at[dst].add(ones)
    dinv = jnp.where(deg > 0, 1.0 / jnp.sqrt(deg), 0.0)
    w = dinv[src] * dinv[dst]
    return src, dst, w


def reference(x, lin1_w, lin1_b, conv_w, lin2_w, lin2_b, edge_index, batch):
    # eval mode: dropout is identity
    h = jax.nn.relu(x @ lin1_w + lin1_b)
    x0 = h
    src, dst, w = _gcn_norm(edge_index, N)
    for l in range(L):
        beta = float(np.log(THETA / (l + 1) + 1.0))
        msg = h[src] * w[:, None]
        agg = jnp.zeros_like(h).at[dst].add(msg)
        hh = (1.0 - ALPHA) * agg + ALPHA * x0
        out = (1.0 - beta) * hh + beta * (hh @ conv_w[l])
        h = jax.nn.relu(out)
    sums = jax.ops.segment_sum(h, batch, num_segments=G)
    counts = jax.ops.segment_sum(jnp.ones((N, 1), dtype=jnp.float32), batch, num_segments=G)
    pooled = sums / jnp.maximum(counts, 1.0)
    logits = pooled @ lin2_w + lin2_b
    return jax.nn.log_softmax(logits, axis=-1)

if __name__ == "__main__":
    import jax
    _d = setup_inputs()
    print(jax.jit(kernel)(*tuple(_d.values())))

</pallas_src>

<mosaic_0001>
#map = affine_map<(d0, d1) -> (0, 0)>
#map1 = affine_map<(d0, d1) -> (0, 0, 0)>
module attributes {stable_mosaic.version = 14 : i64} {
  func.func @_sc_scatter(%arg0: i32, %arg1: i32, %arg2: memref<10000x128xf32, #tpu.memory_space<hbm>>, %arg3: memref<32x80x128xi32, #tpu.memory_space<hbm>>, %arg4: memref<32x80x128xi32, #tpu.memory_space<hbm>>, %arg5: memref<2x10240x128xf32, #tpu.memory_space<hbm>>, %arg6: memref<80x128xi32, #tpu.memory_space<vmem>>, %arg7: memref<80x128xi32, #tpu.memory_space<vmem>>, %arg8: memref<128x128xf32, #tpu.memory_space<vmem>>, %arg9: memref<10240x128xf32, #tpu.memory_space<vmem_shared>>, %arg10: memref<!tpu.dma_semaphore, #tpu.memory_space<semaphore_mem>>) attributes {dimension_semantics = [#tpu.dimension_semantics<core_parallel>, #tpu.dimension_semantics<subcore_parallel>], iteration_bounds = array<i64: 2, 16>, scalar_prefetch = 0 : i64, scratch_operands = 5 : i64, tpu.core_type = #tpu.core_type<sc_vector_subcore>, window_params = [{transform_indices = #map}, {transform_indices = #map1}, {transform_indices = #map1}, {transform_indices = #map1}]} {
    %mul3A = arith.constant 2 : i32
    %mul3A_0 = arith.muli %arg1, %mul3A : i32
    %add3A = arith.addi %mul3A_0, %arg0 : i32
    %mul3A_1 = arith.constant 640 : i32
    %mul3A_2 = arith.muli %arg1, %mul3A_1 : i32
    "tpu.region"() ({
      %run_scoped3A = tpu.sem_alloc : memref<!tpu.dma_semaphore, #tpu.memory_space<semaphore_mem>>
      %dma_start3A = arith.constant 0 : i32
      %dma_start3A_23 = arith.constant 0 : i32
      %dma_start3A_24 = tpu.memref_slice %arg3[%add3A, %dma_start3A, %dma_start3A_23] : memref<32x80x128xi32, #tpu.memory_space<hbm>> -> memref<1x80x128xi32, #tpu.memory_space<hbm>>
      %dma_start3A_25 = tpu.memref_squeeze %dma_start3A_24 : memref<1x80x128xi32, #tpu.memory_space<hbm>> -> memref<80x128xi32, #tpu.memory_space<hbm>>
      %dma_start3A_26 = arith.constant 0 : i32
      %dma_start3A_27 = arith.constant 0 : i32
      %dma_start3A_28 = tpu.memref_slice %arg3[%add3A, %dma_start3A_26, %dma_start3A_27] : memref<32x80x128xi32, #tpu.memory_space<hbm>> -> memref<1x80x128xi32, #tpu.memory_space<hbm>>
      %dma_start3A_29 = tpu.memref_squeeze %dma_start3A_28 : memref<1x80x128xi32, #tpu.memory_space<hbm>> -> memref<80x128xi32, #tpu.memory_space<hbm>>
      tpu.enqueue_dma source(%dma_start3A_29 : memref<80x128xi32, #tpu.memory_space<hbm>>) target(%arg6 : memref<80x128xi32, #tpu.memory_space<vmem>>) target_semaphore(%run_scoped3A : memref<!tpu.dma_semaphore, #tpu.memory_space<semaphore_mem>>)
      %dma_wait3A = arith.constant 0 : i32
      %dma_wait3A_30 = arith.constant 0 : i32
      %dma_wait3A_31 = tpu.memref_slice %arg3[%add3A, %dma_wait3A, %dma_wait3A_30] : memref<32x80x128xi32, #tpu.memory_space<hbm>> -> memref<1x80x128xi32, #tpu.memory_space<hbm>>
      %dma_wait3A_32 = tpu.memref_squeeze %dma_wait3A_31 : memref<1x80x128xi32, #tpu.memory_space<hbm>> -> memref<80x128xi32, #tpu.memory_space<hbm>>
      %dma_wait3A_33 = arith.constant 0 : i32
      %dma_wait3A_34 = arith.constant 0 : i32
      %dma_wait3A_35 = tpu.memref_slice %arg3[%add3A, %dma_wait3A_33, %dma_wait3A_34] : memref<32x80x128xi32, #tpu.memory_space<hbm>> -> memref<1x80x128xi32, #tpu.memory_space<hbm>>
      %dma_wait3A_36 = tpu.memref_squeeze %dma_wait3A_35 : memref<1x80x128xi32, #tpu.memory_space<hbm>> -> memref<80x128xi32, #tpu.memory_space<hbm>>
      tpu.wait_dma2 semaphore(%run_scoped3A : memref<!tpu.dma_semaphore, #tpu.memory_space<semaphore_mem>>) src(%dma_wait3A_36 : memref<80x128xi32, #tpu.memory_space<hbm>>) dst(%arg6 : memref<80x128xi32, #tpu.memory_space<vmem>>)
      tpu.yield
    }) : () -> ()
    "tpu.region"() ({
      %run_scoped3A = tpu.sem_alloc : memref<!tpu.dma_semaphore, #tpu.memory_space<semaphore_mem>>
      %dma_start3A = arith.constant 0 : i32
      %dma_start3A_23 = arith.constant 0 : i32
      %dma_start3A_24 = tpu.memref_slice %arg4[%add3A, %dma_start3A, %dma_start3A_23] : memref<32x80x128xi32, #tpu.memory_space<hbm>> -> memref<1x80x128xi32, #tpu.memory_space<hbm>>
      %dma_start3A_25 = tpu.memref_squeeze %dma_start3A_24 : memref<1x80x128xi32, #tpu.memory_space<hbm>> -> memref<80x128xi32, #tpu.memory_space<hbm>>
      %dma_start3A_26 = arith.constant 0 : i32
      %dma_start3A_27 = arith.constant 0 : i32
      %dma_start3A_28 = tpu.memref_slice %arg4[%add3A, %dma_start3A_26, %dma_start3A_27] : memref<32x80x128xi32, #tpu.memory_space<hbm>> -> memref<1x80x128xi32, #tpu.memory_space<hbm>>
      %dma_start3A_29 = tpu.memref_squeeze %dma_start3A_28 : memref<1x80x128xi32, #tpu.memory_space<hbm>> -> memref<80x128xi32, #tpu.memory_space<hbm>>
      tpu.enqueue_dma source(%dma_start3A_29 : memref<80x128xi32, #tpu.memory_space<hbm>>) target(%arg7 : memref<80x128xi32, #tpu.memory_space<vmem>>) target_semaphore(%run_scoped3A : memref<!tpu.dma_semaphore, #tpu.memory_space<semaphore_mem>>)
      %dma_wait3A = arith.constant 0 : i32
      %dma_wait3A_30 = arith.constant 0 : i32
      %dma_wait3A_31 = tpu.memref_slice %arg4[%add3A, %dma_wait3A, %dma_wait3A_30] : memref<32x80x128xi32, #tpu.memory_space<hbm>> -> memref<1x80x128xi32, #tpu.memory_space<hbm>>
      %dma_wait3A_32 = tpu.memref_squeeze %dma_wait3A_31 : memref<1x80x128xi32, #tpu.memory_space<hbm>> -> memref<80x128xi32, #tpu.memory_space<hbm>>
      %dma_wait3A_33 = arith.constant 0 : i32
      %dma_wait3A_34 = arith.constant 0 : i32
      %dma_wait3A_35 = tpu.memref_slice %arg4[%add3A, %dma_wait3A_33, %dma_wait3A_34] : memref<32x80x128xi32, #tpu.memory_space<hbm>> -> memref<1x80x128xi32, #tpu.memory_space<hbm>>
      %dma_wait3A_36 = tpu.memref_squeeze %dma_wait3A_35 : memref<1x80x128xi32, #tpu.memory_space<hbm>> -> memref<80x128xi32, #tpu.memory_space<hbm>>
      tpu.wait_dma2 semaphore(%run_scoped3A : memref<!tpu.dma_semaphore, #tpu.memory_space<semaphore_mem>>) src(%dma_wait3A_36 : memref<80x128xi32, #tpu.memory_space<hbm>>) dst(%arg7 : memref<80x128xi32, #tpu.memory_space<vmem>>)
      tpu.yield
    }) : () -> ()
    %scan3A = arith.constant 0 : i32
    %scan3A_3 = arith.constant 128 : i32
    %scan3A_4 = arith.addi %scan3A, %scan3A_3 : i32
    %scan3A_5 = arith.constant 1 : i32
    scf.for %scan3A_23 = %scan3A to %scan3A_4 step %scan3A_5  : i32 {
      %mul3A_24 = arith.constant 1 : i32
      %mul3A_25 = arith.muli %scan3A_23, %mul3A_24 : i32
      %add3A_26 = arith.constant 0 : i32
      %add3A_27 = arith.addi %add3A_26, %mul3A_25 : i32
      %broadcast_in_dim3A = arith.constant 0.000000e+00 : f32
      %broadcast_in_dim3A_28 = vector.broadcast %broadcast_in_dim3A : f32 to vector<16xf32>
      %scan3A_29 = arith.constant 0 : i32
      %scan3A_30 = arith.constant 8 : i32
      %scan3A_31 = arith.addi %scan3A_29, %scan3A_30 : i32
      %scan3A_32 = arith.constant 1 : i32
      scf.for %scan3A_34 = %scan3A_29 to %scan3A_31 step %scan3A_32  : i32 {
        %mul3A_35 = arith.constant 1 : i32
        %mul3A_36 = arith.muli %scan3A_34, %mul3A_35 : i32
        %add3A_37 = arith.constant 0 : i32
        %add3A_38 = arith.addi %add3A_37, %mul3A_36 : i32
        %mul3A_39 = arith.constant 16 : i32
        %mul3A_40 = arith.muli %add3A_38, %mul3A_39 : i32
        %swap3A = arith.constant 0 : i32
        %swap3A_41 = tpu.memref_slice %arg8[%add3A_27, %swap3A] : memref<128x128xf32, #tpu.memory_space<vmem>> -> memref<1x128xf32, #tpu.memory_space<vmem>>
        %swap3A_42 = tpu.memref_squeeze %swap3A_41 : memref<1x128xf32, #tpu.memory_space<vmem>> -> memref<128xf32, #tpu.memory_space<vmem>>
        %swap3A_43 = arith.index_cast %mul3A_40 : i32 to index
        %swap3A_44 = tpu.vector_load %swap3A_42[%swap3A_43] {strides = array<i32>} : memref<128xf32, #tpu.memory_space<vmem>>, vector<16xf32>,
        %swap3A_45 = vector.shape_cast %swap3A_44 : vector<16xf32> to vector<16xf32>
        %swap3A_46 = vector.shape_cast %broadcast_in_dim3A_28 : vector<16xf32> to vector<16xf32>
        tpu.vector_store %swap3A_42[%swap3A_43], %swap3A_46 {strides = array<i32>} : memref<128xf32, #tpu.memory_space<vmem>>, vector<16xf32>,
      }
      %scan3A_33 = arith.constant 8 : i32
    }
    %scan3A_6 = arith.constant 128 : i32
    %scan3A_7 = arith.constant 0 : i32
    %scan3A_8 = arith.constant 5 : i32
    %scan3A_9 = arith.addi %scan3A_7, %scan3A_8 : i32
    %scan3A_10 = arith.constant 1 : i32
    scf.for %scan3A_23 = %scan3A_7 to %scan3A_9 step %scan3A_10  : i32 {
      %mul3A_24 = arith.constant 1 : i32
      %mul3A_25 = arith.muli %scan3A_23, %mul3A_24 : i32
      %add3A_26 = arith.constant 0 : i32
      %add3A_27 = arith.addi %add3A_26, %mul3A_25 : i32
      %mul3A_28 = arith.constant 128 : i32
      %mul3A_29 = arith.muli %add3A_27, %mul3A_28 : i32
      %add3A_30 = arith.addi %mul3A_2, %mul3A_29 : i32
      "tpu.region"() ({
        %run_scoped3A = tpu.sem_alloc : memref<!tpu.dma_semaphore, #tpu.memory_space<semaphore_mem>>
        %dma_start3A = arith.constant 0 : i32
        %dma_start3A_31 = tpu.memref_slice %arg9[%add3A_30, %dma_start3A] : memref<10240x128xf32, #tpu.memory_space<vmem_shared>> -> memref<128x128xf32, #tpu.memory_space<vmem_shared>>
        %dma_start3A_32 = arith.constant 0 : i32
        %dma_start3A_33 = tpu.memref_slice %arg9[%add3A_30, %dma_start3A_32] : memref<10240x128xf32, #tpu.memory_space<vmem_shared>> -> memref<128x128xf32, #tpu.memory_space<vmem_shared>>
        tpu.enqueue_dma source(%arg8 : memref<128x128xf32, #tpu.memory_space<vmem>>) target(%dma_start3A_33 : memref<128x128xf32, #tpu.memory_space<vmem_shared>>) target_semaphore(%run_scoped3A : memref<!tpu.dma_semaphore, #tpu.memory_space<semaphore_mem>>)
        %dma_wait3A = arith.constant 0 : i32
        %dma_wait3A_34 = tpu.memref_slice %arg9[%add3A_30, %dma_wait3A] : memref<10240x128xf32, #tpu.memory_space<vmem_shared>> -> memref<128x128xf32, #tpu.memory_space<vmem_shared>>
        %dma_wait3A_35 = arith.constant 0 : i32
        %dma_wait3A_36 = tpu.memref_slice %arg9[%add3A_30, %dma_wait3A_35] : memref<10240x128xf32, #tpu.memory_space<vmem_shared>> -> memref<128x128xf32, #tpu.memory_space<vmem_shared>>
        tpu.wait_dma2 semaphore(%run_scoped3A : memref<!tpu.dma_semaphore, #tpu.memory_space<semaphore_mem>>) src(%arg8 : memref<128x128xf32, #tpu.memory_space<vmem>>) dst(%dma_wait3A_36 : memref<128x128xf32, #tpu.memory_space<vmem_shared>>)
        tpu.yield
      }) : () -> ()
    }
    %scan3A_11 = arith.constant 5 : i32
    %barrier3A = arith.constant 0 : index
    tpu.barrier barrier_id(%barrier3A)
    %scan3A_12 = arith.constant 0 : i32
    %scan3A_13 = arith.constant 80 : i32
    %scan3A_14 = arith.addi %scan3A_12, %scan3A_13 : i32
    %scan3A_15 = arith.constant 1 : i32
    scf.for %scan3A_23 = %scan3A_12 to %scan3A_14 step %scan3A_15  : i32 {
      %mul3A_24 = arith.constant 1 : i32
      %mul3A_25 = arith.muli %scan3A_23, %mul3A_24 : i32
      %add3A_26 = arith.constant 0 : i32
      %add3A_27 = arith.addi %add3A_26, %mul3A_25 : i32
      %dma_start3A = arith.constant 0 : i32
      %dma_start3A_28 = tpu.memref_slice %arg6[%add3A_27, %dma_start3A] : memref<80x128xi32, #tpu.memory_space<vmem>> -> memref<1x128xi32, #tpu.memory_space<vmem>>
      %dma_start3A_29 = tpu.memref_squeeze %dma_start3A_28 : memref<1x128xi32, #tpu.memory_space<vmem>> -> memref<128xi32, #tpu.memory_space<vmem>>
      %dma_start3A_30 = arith.constant 0 : i32
      %dma_start3A_31 = arith.constant 0 : i32
      %dma_start3A_32 = tpu.memref_slice %arg2[%dma_start3A_30, %dma_start3A_31] : memref<10000x128xf32, #tpu.memory_space<hbm>> -> memref<10000x128xf32, #tpu.memory_space<hbm>>
      tpu.enqueue_indirect_dma source(%dma_start3A_32 : memref<10000x128xf32, #tpu.memory_space<hbm>>) target(%arg8 : memref<128x128xf32, #tpu.memory_space<vmem>>) offsets(%dma_start3A_29 : memref<128xi32, #tpu.memory_space<vmem>>) semaphore(%arg10 : memref<!tpu.dma_semaphore, #tpu.memory_space<semaphore_mem>>)
      %dma_wait3A = arith.constant 0 : i32
      %dma_wait3A_33 = tpu.memref_slice %arg6[%add3A_27, %dma_wait3A] : memref<80x128xi32, #tpu.memory_space<vmem>> -> memref<1x128xi32, #tpu.memory_space<vmem>>
      %dma_wait3A_34 = tpu.memref_squeeze %dma_wait3A_33 : memref<1x128xi32, #tpu.memory_space<vmem>> -> memref<128xi32, #tpu.memory_space<vmem>>
      %dma_wait3A_35 = arith.constant 0 : i32
      %dma_wait3A_36 = arith.constant 0 : i32
      %dma_wait3A_37 = tpu.memref_slice %arg2[%dma_wait3A_35, %dma_wait3A_36] : memref<10000x128xf32, #tpu.memory_space<hbm>> -> memref<10000x128xf32, #tpu.memory_space<hbm>>
      tpu.wait_indirect_dma semaphore(%arg10 : memref<!tpu.dma_semaphore, #tpu.memory_space<semaphore_mem>>) src(%dma_wait3A_37 : memref<10000x128xf32, #tpu.memory_space<hbm>>) dst(%arg8 : memref<128x128xf32, #tpu.memory_space<vmem>>)
      "tpu.region"() ({
        %run_scoped3A = tpu.sem_alloc : memref<!tpu.dma_semaphore, #tpu.memory_space<semaphore_mem>>
        %dma_start3A_38 = arith.constant 0 : i32
        %dma_start3A_39 = tpu.memref_slice %arg7[%add3A_27, %dma_start3A_38] : memref<80x128xi32, #tpu.memory_space<vmem>> -> memref<1x128xi32, #tpu.memory_space<vmem>>
        %dma_start3A_40 = tpu.memref_squeeze %dma_start3A_39 : memref<1x128xi32, #tpu.memory_space<vmem>> -> memref<128xi32, #tpu.memory_space<vmem>>
        %dma_start3A_41 = arith.constant 0 : i32
        %dma_start3A_42 = arith.constant 0 : i32
        %dma_start3A_43 = tpu.memref_slice %arg9[%dma_start3A_41, %dma_start3A_42] : memref<10240x128xf32, #tpu.memory_space<vmem_shared>> -> memref<10240x128xf32, #tpu.memory_space<vmem_shared>>
        tpu.enqueue_indirect_dma source(%arg8 : memref<128x128xf32, #tpu.memory_space<vmem>>) target(%dma_start3A_43 : memref<10240x128xf32, #tpu.memory_space<vmem_shared>>) offsets(%dma_start3A_40 : memref<128xi32, #tpu.memory_space<vmem>>) semaphore(%run_scoped3A : memref<!tpu.dma_semaphore, #tpu.memory_space<semaphore_mem>>) {add = true}
        %dma_wait3A_44 = arith.constant 0 : i32
        %dma_wait3A_45 = tpu.memref_slice %arg7[%add3A_27, %dma_wait3A_44] : memref<80x128xi32, #tpu.memory_space<vmem>> -> memref<1x128xi32, #tpu.memory_space<vmem>>
        %dma_wait3A_46 = tpu.memref_squeeze %dma_wait3A_45 : memref<1x128xi32, #tpu.memory_space<vmem>> -> memref<128xi32, #tpu.memory_space<vmem>>
        %dma_wait3A_47 = arith.constant 0 : i32
        %dma_wait3A_48 = arith.constant 0 : i32
        %dma_wait3A_49 = tpu.memref_slice %arg9[%dma_wait3A_47, %dma_wait3A_48] : memref<10240x128xf32, #tpu.memory_space<vmem_shared>> -> memref<10240x128xf32, #tpu.memory_space<vmem_shared>>
        tpu.wait_indirect_dma semaphore(%run_scoped3A : memref<!tpu.dma_semaphore, #tpu.memory_space<semaphore_mem>>) src(%arg8 : memref<128x128xf32, #tpu.memory_space<vmem>>) dst(%dma_wait3A_49 : memref<10240x128xf32, #tpu.memory_space<vmem_shared>>)
        tpu.yield
      }) : () -> ()
    }
    %scan3A_16 = arith.constant 80 : i32
    %barrier3A_17 = arith.constant 0 : index
    tpu.barrier barrier_id(%barrier3A_17)
    %scan3A_18 = arith.constant 0 : i32
    %scan3A_19 = arith.constant 5 : i32
    %scan3A_20 = arith.addi %scan3A_18, %scan3A_19 : i32
    %scan3A_21 = arith.constant 1 : i32
    scf.for %scan3A_23 = %scan3A_18 to %scan3A_20 step %scan3A_21  : i32 {
      %mul3A_24 = arith.constant 1 : i32
      %mul3A_25 = arith.muli %scan3A_23, %mul3A_24 : i32
      %add3A_26 = arith.constant 0 : i32
      %add3A_27 = arith.addi %add3A_26, %mul3A_25 : i32
      %mul3A_28 = arith.constant 128 : i32
      %mul3A_29 = arith.muli %add3A_27, %mul3A_28 : i32
      %add3A_30 = arith.addi %mul3A_2, %mul3A_29 : i32
      "tpu.region"() ({
        %run_scoped3A = tpu.sem_alloc : memref<!tpu.dma_semaphore, #tpu.memory_space<semaphore_mem>>
        %dma_start3A = arith.constant 0 : i32
        %dma_start3A_31 = tpu.memref_slice %arg9[%add3A_30, %dma_start3A] : memref<10240x128xf32, #tpu.memory_space<vmem_shared>> -> memref<128x128xf32, #tpu.memory_space<vmem_shared>>
        %dma_start3A_32 = arith.constant 0 : i32
        %dma_start3A_33 = tpu.memref_slice %arg9[%add3A_30, %dma_start3A_32] : memref<10240x128xf32, #tpu.memory_space<vmem_shared>> -> memref<128x128xf32, #tpu.memory_space<vmem_shared>>
        tpu.enqueue_dma source(%dma_start3A_33 : memref<128x128xf32, #tpu.memory_space<vmem_shared>>) target(%arg8 : memref<128x128xf32, #tpu.memory_space<vmem>>) target_semaphore(%run_scoped3A : memref<!tpu.dma_semaphore, #tpu.memory_space<semaphore_mem>>)
        %dma_wait3A = arith.constant 0 : i32
        %dma_wait3A_34 = tpu.memref_slice %arg9[%add3A_30, %dma_wait3A] : memref<10240x128xf32, #tpu.memory_space<vmem_shared>> -> memref<128x128xf32, #tpu.memory_space<vmem_shared>>
        %dma_wait3A_35 = arith.constant 0 : i32
        %dma_wait3A_36 = tpu.memref_slice %arg9[%add3A_30, %dma_wait3A_35] : memref<10240x128xf32, #tpu.memory_space<vmem_shared>> -> memref<128x128xf32, #tpu.memory_space<vmem_shared>>
        tpu.wait_dma2 semaphore(%run_scoped3A : memref<!tpu.dma_semaphore, #tpu.memory_space<semaphore_mem>>) src(%dma_wait3A_36 : memref<128x128xf32, #tpu.memory_space<vmem_shared>>) dst(%arg8 : memref<128x128xf32, #tpu.memory_space<vmem>>)
        tpu.yield
      }) : () -> ()
      "tpu.region"() ({
        %run_scoped3A = tpu.sem_alloc : memref<!tpu.dma_semaphore, #tpu.memory_space<semaphore_mem>>
        %dma_start3A = arith.constant 0 : i32
        %dma_start3A_31 = tpu.memref_slice %arg5[%arg0, %add3A_30, %dma_start3A] : memref<2x10240x128xf32, #tpu.memory_space<hbm>> -> memref<1x128x128xf32, #tpu.memory_space<hbm>>
        %dma_start3A_32 = tpu.memref_squeeze %dma_start3A_31 : memref<1x128x128xf32, #tpu.memory_space<hbm>> -> memref<128x128xf32, #tpu.memory_space<hbm>>
        %dma_start3A_33 = arith.constant 0 : i32
        %dma_start3A_34 = tpu.memref_slice %arg5[%arg0, %add3A_30, %dma_start3A_33] : memref<2x10240x128xf32, #tpu.memory_space<hbm>> -> memref<1x128x128xf32, #tpu.memory_space<hbm>>
        %dma_start3A_35 = tpu.memref_squeeze %dma_start3A_34 : memref<1x128x128xf32, #tpu.memory_space<hbm>> -> memref<128x128xf32, #tpu.memory_space<hbm>>
        tpu.enqueue_dma source(%arg8 : memref<128x128xf32, #tpu.memory_space<vmem>>) target(%dma_start3A_35 : memref<128x128xf32, #tpu.memory_space<hbm>>) target_semaphore(%run_scoped3A : memref<!tpu.dma_semaphore, #tpu.memory_space<semaphore_mem>>)
        %dma_wait3A = arith.constant 0 : i32
        %dma_wait3A_36 = tpu.memref_slice %arg5[%arg0, %add3A_30, %dma_wait3A] : memref<2x10240x128xf32, #tpu.memory_space<hbm>> -> memref<1x128x128xf32, #tpu.memory_space<hbm>>
        %dma_wait3A_37 = tpu.memref_squeeze %dma_wait3A_36 : memref<1x128x128xf32, #tpu.memory_space<hbm>> -> memref<128x128xf32, #tpu.memory_space<hbm>>
        %dma_wait3A_38 = arith.constant 0 : i32
        %dma_wait3A_39 = tpu.memref_slice %arg5[%arg0, %add3A_30, %dma_wait3A_38] : memref<2x10240x128xf32, #tpu.memory_space<hbm>> -> memref<1x128x128xf32, #tpu.memory_space<hbm>>
        %dma_wait3A_40 = tpu.memref_squeeze %dma_wait3A_39 : memref<1x128x128xf32, #tpu.memory_space<hbm>> -> memref<128x128xf32, #tpu.memory_space<hbm>>
        tpu.wait_dma2 semaphore(%run_scoped3A : memref<!tpu.dma_semaphore, #tpu.memory_space<semaphore_mem>>) src(%arg8 : memref<128x128xf32, #tpu.memory_space<vmem>>) dst(%dma_wait3A_40 : memref<128x128xf32, #tpu.memory_space<hbm>>)
        tpu.yield
      }) : () -> ()
    }
    %scan3A_22 = arith.constant 5 : i32
    return
  }
}

#map = affine_map<(d0, d1) -> (0, 0, 0)>
#map1 = affine_map<(d0, d1) -> (0, 0)>
module attributes {stable_mosaic.version = 14 : i64} {
  func.func @_sc_degree(%arg0: i32, %arg1: i32, %arg2: memref<32x80x128xi32, #tpu.memory_space<hbm>>, %arg3: memref<2x10240xf32, #tpu.memory_space<hbm>>, %arg4: memref<80x128xi32, #tpu.memory_space<vmem>>, %arg5: memref<128xf32, #tpu.memory_space<vmem>>, %arg6: memref<640xf32, #tpu.memory_space<vmem>>, %arg7: memref<10240xf32, #tpu.memory_space<vmem_shared>>) attributes {dimension_semantics = [#tpu.dimension_semantics<core_parallel>, #tpu.dimension_semantics<subcore_parallel>], iteration_bounds = array<i64: 2, 16>, scalar_prefetch = 0 : i64, scratch_operands = 4 : i64, tpu.core_type = #tpu.core_type<sc_vector_subcore>, window_params = [{transform_indices = #map}, {transform_indices = #map1}]} {
    %mul3A = arith.constant 2 : i32
    %mul3A_0 = arith.muli %arg1, %mul3A : i32
    %add3A = arith.addi %mul3A_0, %arg0 : i32
    %mul3A_1 = arith.constant 640 : i32
    %mul3A_2 = arith.muli %arg1, %mul3A_1 : i32
    "tpu.region"() ({
      %run_scoped3A = tpu.sem_alloc : memref<!tpu.dma_semaphore, #tpu.memory_space<semaphore_mem>>
      %dma_start3A = arith.constant 0 : i32
      %dma_start3A_19 = arith.constant 0 : i32
      %dma_start3A_20 = tpu.memref_slice %arg2[%add3A, %dma_start3A, %dma_start3A_19] : memref<32x80x128xi32, #tpu.memory_space<hbm>> -> memref<1x80x128xi32, #tpu.memory_space<hbm>>
      %dma_start3A_21 = tpu.memref_squeeze %dma_start3A_20 : memref<1x80x128xi32, #tpu.memory_space<hbm>> -> memref<80x128xi32, #tpu.memory_space<hbm>>
      %dma_start3A_22 = arith.constant 0 : i32
      %dma_start3A_23 = arith.constant 0 : i32
      %dma_start3A_24 = tpu.memref_slice %arg2[%add3A, %dma_start3A_22, %dma_start3A_23] : memref<32x80x128xi32, #tpu.memory_space<hbm>> -> memref<1x80x128xi32, #tpu.memory_space<hbm>>
      %dma_start3A_25 = tpu.memref_squeeze %dma_start3A_24 : memref<1x80x128xi32, #tpu.memory_space<hbm>> -> memref<80x128xi32, #tpu.memory_space<hbm>>
      tpu.enqueue_dma source(%dma_start3A_25 : memref<80x128xi32, #tpu.memory_space<hbm>>) target(%arg4 : memref<80x128xi32, #tpu.memory_space<vmem>>) target_semaphore(%run_scoped3A : memref<!tpu.dma_semaphore, #tpu.memory_space<semaphore_mem>>)
      %dma_wait3A = arith.constant 0 : i32
      %dma_wait3A_26 = arith.constant 0 : i32
      %dma_wait3A_27 = tpu.memref_slice %arg2[%add3A, %dma_wait3A, %dma_wait3A_26] : memref<32x80x128xi32, #tpu.memory_space<hbm>> -> memref<1x80x128xi32, #tpu.memory_space<hbm>>
      %dma_wait3A_28 = tpu.memref_squeeze %dma_wait3A_27 : memref<1x80x128xi32, #tpu.memory_space<hbm>> -> memref<80x128xi32, #tpu.memory_space<hbm>>
      %dma_wait3A_29 = arith.constant 0 : i32
      %dma_wait3A_30 = arith.constant 0 : i32
      %dma_wait3A_31 = tpu.memref_slice %arg2[%add3A, %dma_wait3A_29, %dma_wait3A_30] : memref<32x80x128xi32, #tpu.memory_space<hbm>> -> memref<1x80x128xi32, #tpu.memory_space<hbm>>
      %dma_wait3A_32 = tpu.memref_squeeze %dma_wait3A_31 : memref<1x80x128xi32, #tpu.memory_space<hbm>> -> memref<80x128xi32, #tpu.memory_space<hbm>>
      tpu.wait_dma2 semaphore(%run_scoped3A : memref<!tpu.dma_semaphore, #tpu.memory_space<semaphore_mem>>) src(%dma_wait3A_32 : memref<80x128xi32, #tpu.memory_space<hbm>>) dst(%arg4 : memref<80x128xi32, #tpu.memory_space<vmem>>)
      tpu.yield
    }) : () -> ()
    %scan3A = arith.constant 0 : i32
    %scan3A_3 = arith.constant 8 : i32
    %scan3A_4 = arith.addi %scan3A, %scan3A_3 : i32
    %scan3A_5 = arith.constant 1 : i32
    scf.for %scan3A_19 = %scan3A to %scan3A_4 step %scan3A_5  : i32 {
      %mul3A_20 = arith.constant 1 : i32
      %mul3A_21 = arith.muli %scan3A_19, %mul3A_20 : i32
      %add3A_22 = arith.constant 0 : i32
      %add3A_23 = arith.addi %add3A_22, %mul3A_21 : i32
      %broadcast_in_dim3A_24 = arith.constant 1.000000e+00 : f32
      %broadcast_in_dim3A_25 = vector.broadcast %broadcast_in_dim3A_24 : f32 to vector<16xf32>
      %mul3A_26 = arith.constant 16 : i32
      %mul3A_27 = arith.muli %add3A_23, %mul3A_26 : i32
      %swap3A = arith.index_cast %mul3A_27 : i32 to index
      %swap3A_28 = tpu.vector_load %arg5[%swap3A] {strides = array<i32>} : memref<128xf32, #tpu.memory_space<vmem>>, vector<16xf32>,
      %swap3A_29 = vector.shape_cast %swap3A_28 : vector<16xf32> to vector<16xf32>
      %swap3A_30 = vector.shape_cast %broadcast_in_dim3A_25 : vector<16xf32> to vector<16xf32>
      tpu.vector_store %arg5[%swap3A], %swap3A_30 {strides = array<i32>} : memref<128xf32, #tpu.memory_space<vmem>>, vector<16xf32>,
    }
    %scan3A_6 = arith.constant 8 : i32
    %broadcast_in_dim3A = arith.constant 0.000000e+00 : f32
    %broadcast_in_dim3A_7 = vector.broadcast %broadcast_in_dim3A : f32 to vector<16xf32>
    %scan3A_8 = arith.constant 0 : i32
    %scan3A_9 = arith.constant 40 : i32
    %scan3A_10 = arith.addi %scan3A_8, %scan3A_9 : i32
    %scan3A_11 = arith.constant 1 : i32
    scf.for %scan3A_19 = %scan3A_8 to %scan3A_10 step %scan3A_11  : i32 {
      %mul3A_20 = arith.constant 1 : i32
      %mul3A_21 = arith.muli %scan3A_19, %mul3A_20 : i32
      %add3A_22 = arith.constant 0 : i32
      %add3A_23 = arith.addi %add3A_22, %mul3A_21 : i32
      %mul3A_24 = arith.constant 16 : i32
      %mul3A_25 = arith.muli %add3A_23, %mul3A_24 : i32
      %swap3A = arith.index_cast %mul3A_25 : i32 to index
      %swap3A_26 = tpu.vector_load %arg6[%swap3A] {strides = array<i32>} : memref<640xf32, #tpu.memory_space<vmem>>, vector<16xf32>,
      %swap3A_27 = vector.shape_cast %swap3A_26 : vector<16xf32> to vector<16xf32>
      %swap3A_28 = vector.shape_cast %broadcast_in_dim3A_7 : vector<16xf32> to vector<16xf32>
      tpu.vector_store %arg6[%swap3A], %swap3A_28 {strides = array<i32>} : memref<640xf32, #tpu.memory_space<vmem>>, vector<16xf32>,
    }
    %scan3A_12 = arith.constant 40 : i32
    "tpu.region"() ({
      %run_scoped3A = tpu.sem_alloc : memref<!tpu.dma_semaphore, #tpu.memory_space<semaphore_mem>>
      %dma_start3A = tpu.memref_slice %arg7[%mul3A_2] : memref<10240xf32, #tpu.memory_space<vmem_shared>> -> memref<640xf32, #tpu.memory_space<vmem_shared>>
      %dma_start3A_19 = tpu.memref_slice %arg7[%mul3A_2] : memref<10240xf32, #tpu.memory_space<vmem_shared>> -> memref<640xf32, #tpu.memory_space<vmem_shared>>
      tpu.enqueue_dma source(%arg6 : memref<640xf32, #tpu.memory_space<vmem>>) target(%dma_start3A_19 : memref<640xf32, #tpu.memory_space<vmem_shared>>) target_semaphore(%run_scoped3A : memref<!tpu.dma_semaphore, #tpu.memory_space<semaphore_mem>>)
      %dma_wait3A = tpu.memref_slice %arg7[%mul3A_2] : memref<10240xf32, #tpu.memory_space<vmem_shared>> -> memref<640xf32, #tpu.memory_space<vmem_shared>>
      %dma_wait3A_20 = tpu.memref_slice %arg7[%mul3A_2] : memref<10240xf32, #tpu.memory_space<vmem_shared>> -> memref<640xf32, #tpu.memory_space<vmem_shared>>
      tpu.wait_dma2 semaphore(%run_scoped3A : memref<!tpu.dma_semaphore, #tpu.memory_space<semaphore_mem>>) src(%arg6 : memref<640xf32, #tpu.memory_space<vmem>>) dst(%dma_wait3A_20 : memref<640xf32, #tpu.memory_space<vmem_shared>>)
      tpu.yield
    }) : () -> ()
    %barrier3A = arith.constant 0 : index
    tpu.barrier barrier_id(%barrier3A)
    %scan3A_13 = arith.constant 0 : i32
    %scan3A_14 = arith.constant 80 : i32
    %scan3A_15 = arith.addi %scan3A_13, %scan3A_14 : i32
    %scan3A_16 = arith.constant 1 : i32
    scf.for %scan3A_19 = %scan3A_13 to %scan3A_15 step %scan3A_16  : i32 {
      %mul3A_20 = arith.constant 1 : i32
      %mul3A_21 = arith.muli %scan3A_19, %mul3A_20 : i32
      %add3A_22 = arith.constant 0 : i32
      %add3A_23 = arith.addi %add3A_22, %mul3A_21 : i32
      "tpu.region"() ({
        %run_scoped3A = tpu.sem_alloc : memref<!tpu.dma_semaphore, #tpu.memory_space<semaphore_mem>>
        %dma_start3A = arith.constant 0 : i32
        %dma_start3A_24 = tpu.memref_slice %arg4[%add3A_23, %dma_start3A] : memref<80x128xi32, #tpu.memory_space<vmem>> -> memref<1x128xi32, #tpu.memory_space<vmem>>
        %dma_start3A_25 = tpu.memref_squeeze %dma_start3A_24 : memref<1x128xi32, #tpu.memory_space<vmem>> -> memref<128xi32, #tpu.memory_space<vmem>>
        %dma_start3A_26 = arith.constant 0 : i32
        %dma_start3A_27 = tpu.memref_slice %arg7[%dma_start3A_26] : memref<10240xf32, #tpu.memory_space<vmem_shared>> -> memref<10240xf32, #tpu.memory_space<vmem_shared>>
        tpu.enqueue_indirect_dma source(%arg5 : memref<128xf32, #tpu.memory_space<vmem>>) target(%dma_start3A_27 : memref<10240xf32, #tpu.memory_space<vmem_shared>>) offsets(%dma_start3A_25 : memref<128xi32, #tpu.memory_space<vmem>>) semaphore(%run_scoped3A : memref<!tpu.dma_semaphore, #tpu.memory_space<semaphore_mem>>) {add = true}
        %dma_wait3A = arith.constant 0 : i32
        %dma_wait3A_28 = tpu.memref_slice %arg4[%add3A_23, %dma_wait3A] : memref<80x128xi32, #tpu.memory_space<vmem>> -> memref<1x128xi32, #tpu.memory_space<vmem>>
        %dma_wait3A_29 = tpu.memref_squeeze %dma_wait3A_28 : memref<1x128xi32, #tpu.memory_space<vmem>> -> memref<128xi32, #tpu.memory_space<vmem>>
        %dma_wait3A_30 = arith.constant 0 : i32
        %dma_wait3A_31 = tpu.memref_slice %arg7[%dma_wait3A_30] : memref<10240xf32, #tpu.memory_space<vmem_shared>> -> memref<10240xf32, #tpu.memory_space<vmem_shared>>
        tpu.wait_indirect_dma semaphore(%run_scoped3A : memref<!tpu.dma_semaphore, #tpu.memory_space<semaphore_mem>>) src(%arg5 : memref<128xf32, #tpu.memory_space<vmem>>) dst(%dma_wait3A_31 : memref<10240xf32, #tpu.memory_space<vmem_shared>>)
        tpu.yield
      }) : () -> ()
    }
    %scan3A_17 = arith.constant 80 : i32
    %barrier3A_18 = arith.constant 0 : index
    tpu.barrier barrier_id(%barrier3A_18)
    "tpu.region"() ({
      %run_scoped3A = tpu.sem_alloc : memref<!tpu.dma_semaphore, #tpu.memory_space<semaphore_mem>>
      %dma_start3A = tpu.memref_slice %arg7[%mul3A_2] : memref<10240xf32, #tpu.memory_space<vmem_shared>> -> memref<640xf32, #tpu.memory_space<vmem_shared>>
      %dma_start3A_19 = tpu.memref_slice %arg7[%mul3A_2] : memref<10240xf32, #tpu.memory_space<vmem_shared>> -> memref<640xf32, #tpu.memory_space<vmem_shared>>
      tpu.enqueue_dma source(%dma_start3A_19 : memref<640xf32, #tpu.memory_space<vmem_shared>>) target(%arg6 : memref<640xf32, #tpu.memory_space<vmem>>) target_semaphore(%run_scoped3A : memref<!tpu.dma_semaphore, #tpu.memory_space<semaphore_mem>>)
      %dma_wait3A = tpu.memref_slice %arg7[%mul3A_2] : memref<10240xf32, #tpu.memory_space<vmem_shared>> -> memref<640xf32, #tpu.memory_space<vmem_shared>>
      %dma_wait3A_20 = tpu.memref_slice %arg7[%mul3A_2] : memref<10240xf32, #tpu.memory_space<vmem_shared>> -> memref<640xf32, #tpu.memory_space<vmem_shared>>
      tpu.wait_dma2 semaphore(%run_scoped3A : memref<!tpu.dma_semaphore, #tpu.memory_space<semaphore_mem>>) src(%dma_wait3A_20 : memref<640xf32, #tpu.memory_space<vmem_shared>>) dst(%arg6 : memref<640xf32, #tpu.memory_space<vmem>>)
      tpu.yield
    }) : () -> ()
    "tpu.region"() ({
      %run_scoped3A = tpu.sem_alloc : memref<!tpu.dma_semaphore, #tpu.memory_space<semaphore_mem>>
      %dma_start3A = tpu.memref_slice %arg3[%arg0, %mul3A_2] : memref<2x10240xf32, #tpu.memory_space<hbm>> -> memref<1x640xf32, #tpu.memory_space<hbm>>
      %dma_start3A_19 = tpu.memref_squeeze %dma_start3A : memref<1x640xf32, #tpu.memory_space<hbm>> -> memref<640xf32, #tpu.memory_space<hbm>>
      %dma_start3A_20 = tpu.memref_slice %arg3[%arg0, %mul3A_2] : memref<2x10240xf32, #tpu.memory_space<hbm>> -> memref<1x640xf32, #tpu.memory_space<hbm>>
      %dma_start3A_21 = tpu.memref_squeeze %dma_start3A_20 : memref<1x640xf32, #tpu.memory_space<hbm>> -> memref<640xf32, #tpu.memory_space<hbm>>
      tpu.enqueue_dma source(%arg6 : memref<640xf32, #tpu.memory_space<vmem>>) target(%dma_start3A_21 : memref<640xf32, #tpu.memory_space<hbm>>) target_semaphore(%run_scoped3A : memref<!tpu.dma_semaphore, #tpu.memory_space<semaphore_mem>>)
      %dma_wait3A = tpu.memref_slice %arg3[%arg0, %mul3A_2] : memref<2x10240xf32, #tpu.memory_space<hbm>> -> memref<1x640xf32, #tpu.memory_space<hbm>>
      %dma_wait3A_22 = tpu.memref_squeeze %dma_wait3A : memref<1x640xf32, #tpu.memory_space<hbm>> -> memref<640xf32, #tpu.memory_space<hbm>>
      %dma_wait3A_23 = tpu.memref_slice %arg3[%arg0, %mul3A_2] : memref<2x10240xf32, #tpu.memory_space<hbm>> -> memref<1x640xf32, #tpu.memory_space<hbm>>
      %dma_wait3A_24 = tpu.memref_squeeze %dma_wait3A_23 : memref<1x640xf32, #tpu.memory_space<hbm>> -> memref<640xf32, #tpu.memory_space<hbm>>
      tpu.wait_dma2 semaphore(%run_scoped3A : memref<!tpu.dma_semaphore, #tpu.memory_space<semaphore_mem>>) src(%arg6 : memref<640xf32, #tpu.memory_space<vmem>>) dst(%dma_wait3A_24 : memref<640xf32, #tpu.memory_space<hbm>>)
      tpu.yield
    }) : () -> ()
    return
  }
}

#map = affine_map<(d0, d1) -> (0, 0)>
#map1 = affine_map<(d0, d1) -> (0, 0, 0)>
module attributes {stable_mosaic.version = 14 : i64} {
  func.func @_sc_scatter(%arg0: i32, %arg1: i32, %arg2: memref<10000x128xf32, #tpu.memory_space<hbm>>, %arg3: memref<32x80x128xi32, #tpu.memory_space<hbm>>, %arg4: memref<32x80x128xi32, #tpu.memory_space<hbm>>, %arg5: memref<2x10240x128xf32, #tpu.memory_space<hbm>>, %arg6: memref<80x128xi32, #tpu.memory_space<vmem>>, %arg7: memref<80x128xi32, #tpu.memory_space<vmem>>, %arg8: memref<128x128xf32, #tpu.memory_space<vmem>>, %arg9: memref<10240x128xf32, #tpu.memory_space<vmem_shared>>, %arg10: memref<!tpu.dma_semaphore, #tpu.memory_space<semaphore_mem>>) attributes {dimension_semantics = [#tpu.dimension_semantics<core_parallel>, #tpu.dimension_semantics<subcore_parallel>], iteration_bounds = array<i64: 2, 16>, scalar_prefetch = 0 : i64, scratch_operands = 5 : i64, tpu.core_type = #tpu.core_type<sc_vector_subcore>, window_params = [{transform_indices = #map}, {transform_indices = #map1}, {transform_indices = #map1}, {transform_indices = #map1}]} {
    %mul3A = arith.constant 2 : i32
    %mul3A_0 = arith.muli %arg1, %mul3A : i32
    %add3A = arith.addi %mul3A_0, %arg0 : i32
    %mul3A_1 = arith.constant 640 : i32
    %mul3A_2 = arith.muli %arg1, %mul3A_1 : i32
    "tpu.region"() ({
      %run_scoped3A = tpu.sem_alloc : memref<!tpu.dma_semaphore, #tpu.memory_space<semaphore_mem>>
      %dma_start3A = arith.constant 0 : i32
      %dma_start3A_23 = arith.constant 0 : i32
      %dma_start3A_24 = tpu.memref_slice %arg3[%add3A, %dma_start3A, %dma_start3A_23] : memref<32x80x128xi32, #tpu.memory_space<hbm>> -> memref<1x80x128xi32, #tpu.memory_space<hbm>>
      %dma_start3A_25 = tpu.memref_squeeze %dma_start3A_24 : memref<1x80x128xi32, #tpu.memory_space<hbm>> -> memref<80x128xi32, #tpu.memory_space<hbm>>
      %dma_start3A_26 = arith.constant 0 : i32
      %dma_start3A_27 = arith.constant 0 : i32
      %dma_start3A_28 = tpu.memref_slice %arg3[%add3A, %dma_start3A_26, %dma_start3A_27] : memref<32x80x128xi32, #tpu.memory_space<hbm>> -> memref<1x80x128xi32, #tpu.memory_space<hbm>>
      %dma_start3A_29 = tpu.memref_squeeze %dma_start3A_28 : memref<1x80x128xi32, #tpu.memory_space<hbm>> -> memref<80x128xi32, #tpu.memory_space<hbm>>
      tpu.enqueue_dma source(%dma_start3A_29 : memref<80x128xi32, #tpu.memory_space<hbm>>) target(%arg6 : memref<80x128xi32, #tpu.memory_space<vmem>>) target_semaphore(%run_scoped3A : memref<!tpu.dma_semaphore, #tpu.memory_space<semaphore_mem>>)
      %dma_wait3A = arith.constant 0 : i32
      %dma_wait3A_30 = arith.constant 0 : i32
      %dma_wait3A_31 = tpu.memref_slice %arg3[%add3A, %dma_wait3A, %dma_wait3A_30] : memref<32x80x128xi32, #tpu.memory_space<hbm>> -> memref<1x80x128xi32, #tpu.memory_space<hbm>>
      %dma_wait3A_32 = tpu.memref_squeeze %dma_wait3A_31 : memref<1x80x128xi32, #tpu.memory_space<hbm>> -> memref<80x128xi32, #tpu.memory_space<hbm>>
      %dma_wait3A_33 = arith.constant 0 : i32
      %dma_wait3A_34 = arith.constant 0 : i32
      %dma_wait3A_35 = tpu.memref_slice %arg3[%add3A, %dma_wait3A_33, %dma_wait3A_34] : memref<32x80x128xi32, #tpu.memory_space<hbm>> -> memref<1x80x128xi32, #tpu.memory_space<hbm>>
      %dma_wait3A_36 = tpu.memref_squeeze %dma_wait3A_35 : memref<1x80x128xi32, #tpu.memory_space<hbm>> -> memref<80x128xi32, #tpu.memory_space<hbm>>
      tpu.wait_dma2 semaphore(%run_scoped3A : memref<!tpu.dma_semaphore, #tpu.memory_space<semaphore_mem>>) src(%dma_wait3A_36 : memref<80x128xi32, #tpu.memory_space<hbm>>) dst(%arg6 : memref<80x128xi32, #tpu.memory_space<vmem>>)
      tpu.yield
    }) : () -> ()
    "tpu.region"() ({
      %run_scoped3A = tpu.sem_alloc : memref<!tpu.dma_semaphore, #tpu.memory_space<semaphore_mem>>
      %dma_start3A = arith.constant 0 : i32
      %dma_start3A_23 = arith.constant 0 : i32
      %dma_start3A_24 = tpu.memref_slice %arg4[%add3A, %dma_start3A, %dma_start3A_23] : memref<32x80x128xi32, #tpu.memory_space<hbm>> -> memref<1x80x128xi32, #tpu.memory_space<hbm>>
      %dma_start3A_25 = tpu.memref_squeeze %dma_start3A_24 : memref<1x80x128xi32, #tpu.memory_space<hbm>> -> memref<80x128xi32, #tpu.memory_space<hbm>>
      %dma_start3A_26 = arith.constant 0 : i32
      %dma_start3A_27 = arith.constant 0 : i32
      %dma_start3A_28 = tpu.memref_slice %arg4[%add3A, %dma_start3A_26, %dma_start3A_27] : memref<32x80x128xi32, #tpu.memory_space<hbm>> -> memref<1x80x128xi32, #tpu.memory_space<hbm>>
      %dma_start3A_29 = tpu.memref_squeeze %dma_start3A_28 : memref<1x80x128xi32, #tpu.memory_space<hbm>> -> memref<80x128xi32, #tpu.memory_space<hbm>>
      tpu.enqueue_dma source(%dma_start3A_29 : memref<80x128xi32, #tpu.memory_space<hbm>>) target(%arg7 : memref<80x128xi32, #tpu.memory_space<vmem>>) target_semaphore(%run_scoped3A : memref<!tpu.dma_semaphore, #tpu.memory_space<semaphore_mem>>)
      %dma_wait3A = arith.constant 0 : i32
      %dma_wait3A_30 = arith.constant 0 : i32
      %dma_wait3A_31 = tpu.memref_slice %arg4[%add3A, %dma_wait3A, %dma_wait3A_30] : memref<32x80x128xi32, #tpu.memory_space<hbm>> -> memref<1x80x128xi32, #tpu.memory_space<hbm>>
      %dma_wait3A_32 = tpu.memref_squeeze %dma_wait3A_31 : memref<1x80x128xi32, #tpu.memory_space<hbm>> -> memref<80x128xi32, #tpu.memory_space<hbm>>
      %dma_wait3A_33 = arith.constant 0 : i32
      %dma_wait3A_34 = arith.constant 0 : i32
      %dma_wait3A_35 = tpu.memref_slice %arg4[%add3A, %dma_wait3A_33, %dma_wait3A_34] : memref<32x80x128xi32, #tpu.memory_space<hbm>> -> memref<1x80x128xi32, #tpu.memory_space<hbm>>
      %dma_wait3A_36 = tpu.memref_squeeze %dma_wait3A_35 : memref<1x80x128xi32, #tpu.memory_space<hbm>> -> memref<80x128xi32, #tpu.memory_space<hbm>>
      tpu.wait_dma2 semaphore(%run_scoped3A : memref<!tpu.dma_semaphore, #tpu.memory_space<semaphore_mem>>) src(%dma_wait3A_36 : memref<80x128xi32, #tpu.memory_space<hbm>>) dst(%arg7 : memref<80x128xi32, #tpu.memory_space<vmem>>)
      tpu.yield
    }) : () -> ()
    %scan3A = arith.constant 0 : i32
    %scan3A_3 = arith.constant 128 : i32
    %scan3A_4 = arith.addi %scan3A, %scan3A_3 : i32
    %scan3A_5 = arith.constant 1 : i32
    scf.for %scan3A_23 = %scan3A to %scan3A_4 step %scan3A_5  : i32 {
      %mul3A_24 = arith.constant 1 : i32
      %mul3A_25 = arith.muli %scan3A_23, %mul3A_24 : i32
      %add3A_26 = arith.constant 0 : i32
      %add3A_27 = arith.addi %add3A_26, %mul3A_25 : i32
      %broadcast_in_dim3A = arith.constant 0.000000e+00 : f32
      %broadcast_in_dim3A_28 = vector.broadcast %broadcast_in_dim3A : f32 to vector<16xf32>
      %scan3A_29 = arith.constant 0 : i32
      %scan3A_30 = arith.constant 8 : i32
      %scan3A_31 = arith.addi %scan3A_29, %scan3A_30 : i32
      %scan3A_32 = arith.constant 1 : i32
      scf.for %scan3A_34 = %scan3A_29 to %scan3A_31 step %scan3A_32  : i32 {
        %mul3A_35 = arith.constant 1 : i32
        %mul3A_36 = arith.muli %scan3A_34, %mul3A_35 : i32
        %add3A_37 = arith.constant 0 : i32
        %add3A_38 = arith.addi %add3A_37, %mul3A_36 : i32
        %mul3A_39 = arith.constant 16 : i32
        %mul3A_40 = arith.muli %add3A_38, %mul3A_39 : i32
        %swap3A = arith.constant 0 : i32
        %swap3A_41 = tpu.memref_slice %arg8[%add3A_27, %swap3A] : memref<128x128xf32, #tpu.memory_space<vmem>> -> memref<1x128xf32, #tpu.memory_space<vmem>>
        %swap3A_42 = tpu.memref_squeeze %swap3A_41 : memref<1x128xf32, #tpu.memory_space<vmem>> -> memref<128xf32, #tpu.memory_space<vmem>>
        %swap3A_43 = arith.index_cast %mul3A_40 : i32 to index
        %swap3A_44 = tpu.vector_load %swap3A_42[%swap3A_43] {strides = array<i32>} : memref<128xf32, #tpu.memory_space<vmem>>, vector<16xf32>,
        %swap3A_45 = vector.shape_cast %swap3A_44 : vector<16xf32> to vector<16xf32>
        %swap3A_46 = vector.shape_cast %broadcast_in_dim3A_28 : vector<16xf32> to vector<16xf32>
        tpu.vector_store %swap3A_42[%swap3A_43], %swap3A_46 {strides = array<i32>} : memref<128xf32, #tpu.memory_space<vmem>>, vector<16xf32>,
      }
      %scan3A_33 = arith.constant 8 : i32
    }
    %scan3A_6 = arith.constant 128 : i32
    %scan3A_7 = arith.constant 0 : i32
    %scan3A_8 = arith.constant 5 : i32
    %scan3A_9 = arith.addi %scan3A_7, %scan3A_8 : i32
    %scan3A_10 = arith.constant 1 : i32
    scf.for %scan3A_23 = %scan3A_7 to %scan3A_9 step %scan3A_10  : i32 {
      %mul3A_24 = arith.constant 1 : i32
      %mul3A_25 = arith.muli %scan3A_23, %mul3A_24 : i32
      %add3A_26 = arith.constant 0 : i32
      %add3A_27 = arith.addi %add3A_26, %mul3A_25 : i32
      %mul3A_28 = arith.constant 128 : i32
      %mul3A_29 = arith.muli %add3A_27, %mul3A_28 : i32
      %add3A_30 = arith.addi %mul3A_2, %mul3A_29 : i32
      "tpu.region"() ({
        %run_scoped3A = tpu.sem_alloc : memref<!tpu.dma_semaphore, #tpu.memory_space<semaphore_mem>>
        %dma_start3A = arith.constant 0 : i32
        %dma_start3A_31 = tpu.memref_slice %arg9[%add3A_30, %dma_start3A] : memref<10240x128xf32, #tpu.memory_space<vmem_shared>> -> memref<128x128xf32, #tpu.memory_space<vmem_shared>>
        %dma_start3A_32 = arith.constant 0 : i32
        %dma_start3A_33 = tpu.memref_slice %arg9[%add3A_30, %dma_start3A_32] : memref<10240x128xf32, #tpu.memory_space<vmem_shared>> -> memref<128x128xf32, #tpu.memory_space<vmem_shared>>
        tpu.enqueue_dma source(%arg8 : memref<128x128xf32, #tpu.memory_space<vmem>>) target(%dma_start3A_33 : memref<128x128xf32, #tpu.memory_space<vmem_shared>>) target_semaphore(%run_scoped3A : memref<!tpu.dma_semaphore, #tpu.memory_space<semaphore_mem>>)
        %dma_wait3A = arith.constant 0 : i32
        %dma_wait3A_34 = tpu.memref_slice %arg9[%add3A_30, %dma_wait3A] : memref<10240x128xf32, #tpu.memory_space<vmem_shared>> -> memref<128x128xf32, #tpu.memory_space<vmem_shared>>
        %dma_wait3A_35 = arith.constant 0 : i32
        %dma_wait3A_36 = tpu.memref_slice %arg9[%add3A_30, %dma_wait3A_35] : memref<10240x128xf32, #tpu.memory_space<vmem_shared>> -> memref<128x128xf32, #tpu.memory_space<vmem_shared>>
        tpu.wait_dma2 semaphore(%run_scoped3A : memref<!tpu.dma_semaphore, #tpu.memory_space<semaphore_mem>>) src(%arg8 : memref<128x128xf32, #tpu.memory_space<vmem>>) dst(%dma_wait3A_36 : memref<128x128xf32, #tpu.memory_space<vmem_shared>>)
        tpu.yield
      }) : () -> ()
    }
    %scan3A_11 = arith.constant 5 : i32
    %barrier3A = arith.constant 0 : index
    tpu.barrier barrier_id(%barrier3A)
    %scan3A_12 = arith.constant 0 : i32
    %scan3A_13 = arith.constant 80 : i32
    %scan3A_14 = arith.addi %scan3A_12, %scan3A_13 : i32
    %scan3A_15 = arith.constant 1 : i32
    scf.for %scan3A_23 = %scan3A_12 to %scan3A_14 step %scan3A_15  : i32 {
      %mul3A_24 = arith.constant 1 : i32
      %mul3A_25 = arith.muli %scan3A_23, %mul3A_24 : i32
      %add3A_26 = arith.constant 0 : i32
      %add3A_27 = arith.addi %add3A_26, %mul3A_25 : i32
      %dma_start3A = arith.constant 0 : i32
      %dma_start3A_28 = tpu.memref_slice %arg6[%add3A_27, %dma_start3A] : memref<80x128xi32, #tpu.memory_space<vmem>> -> memref<1x128xi32, #tpu.memory_space<vmem>>
      %dma_start3A_29 = tpu.memref_squeeze %dma_start3A_28 : memref<1x128xi32, #tpu.memory_space<vmem>> -> memref<128xi32, #tpu.memory_space<vmem>>
      %dma_start3A_30 = arith.constant 0 : i32
      %dma_start3A_31 = arith.constant 0 : i32
      %dma_start3A_32 = tpu.memref_slice %arg2[%dma_start3A_30, %dma_start3A_31] : memref<10000x128xf32, #tpu.memory_space<hbm>> -> memref<10000x128xf32, #tpu.memory_space<hbm>>
      tpu.enqueue_indirect_dma source(%dma_start3A_32 : memref<10000x128xf32, #tpu.memory_space<hbm>>) target(%arg8 : memref<128x128xf32, #tpu.memory_space<vmem>>) offsets(%dma_start3A_29 : memref<128xi32, #tpu.memory_space<vmem>>) semaphore(%arg10 : memref<!tpu.dma_semaphore, #tpu.memory_space<semaphore_mem>>)
      %dma_wait3A = arith.constant 0 : i32
      %dma_wait3A_33 = tpu.memref_slice %arg6[%add3A_27, %dma_wait3A] : memref<80x128xi32, #tpu.memory_space<vmem>> -> memref<1x128xi32, #tpu.memory_space<vmem>>
      %dma_wait3A_34 = tpu.memref_squeeze %dma_wait3A_33 : memref<1x128xi32, #tpu.memory_space<vmem>> -> memref<128xi32, #tpu.memory_space<vmem>>
      %dma_wait3A_35 = arith.constant 0 : i32
      %dma_wait3A_36 = arith.constant 0 : i32
      %dma_wait3A_37 = tpu.memref_slice %arg2[%dma_wait3A_35, %dma_wait3A_36] : memref<10000x128xf32, #tpu.memory_space<hbm>> -> memref<10000x128xf32, #tpu.memory_space<hbm>>
      tpu.wait_indirect_dma semaphore(%arg10 : memref<!tpu.dma_semaphore, #tpu.memory_space<semaphore_mem>>) src(%dma_wait3A_37 : memref<10000x128xf32, #tpu.memory_space<hbm>>) dst(%arg8 : memref<128x128xf32, #tpu.memory_space<vmem>>)
      "tpu.region"() ({
        %run_scoped3A = tpu.sem_alloc : memref<!tpu.dma_semaphore, #tpu.memory_space<semaphore_mem>>
        %dma_start3A_38 = arith.constant 0 : i32
        %dma_start3A_39 = tpu.memref_slice %arg7[%add3A_27, %dma_start3A_38] : memref<80x128xi32, #tpu.memory_space<vmem>> -> memref<1x128xi32, #tpu.memory_space<vmem>>
        %dma_start3A_40 = tpu.memref_squeeze %dma_start3A_39 : memref<1x128xi32, #tpu.memory_space<vmem>> -> memref<128xi32, #tpu.memory_space<vmem>>
        %dma_start3A_41 = arith.constant 0 : i32
        %dma_start3A_42 = arith.constant 0 : i32
        %dma_start3A_43 = tpu.memref_slice %arg9[%dma_start3A_41, %dma_start3A_42] : memref<10240x128xf32, #tpu.memory_space<vmem_shared>> -> memref<10240x128xf32, #tpu.memory_space<vmem_shared>>
        tpu.enqueue_indirect_dma source(%arg8 : memref<128x128xf32, #tpu.memory_space<vmem>>) target(%dma_start3A_43 : memref<10240x128xf32, #tpu.memory_space<vmem_shared>>) offsets(%dma_start3A_40 : memref<128xi32, #tpu.memory_space<vmem>>) semaphore(%run_scoped3A : memref<!tpu.dma_semaphore, #tpu.memory_space<semaphore_mem>>) {add = true}
        %dma_wait3A_44 = arith.constant 0 : i32
        %dma_wait3A_45 = tpu.memref_slice %arg7[%add3A_27, %dma_wait3A_44] : memref<80x128xi32, #tpu.memory_space<vmem>> -> memref<1x128xi32, #tpu.memory_space<vmem>>
        %dma_wait3A_46 = tpu.memref_squeeze %dma_wait3A_45 : memref<1x128xi32, #tpu.memory_space<vmem>> -> memref<128xi32, #tpu.memory_space<vmem>>
        %dma_wait3A_47 = arith.constant 0 : i32
        %dma_wait3A_48 = arith.constant 0 : i32
        %dma_wait3A_49 = tpu.memref_slice %arg9[%dma_wait3A_47, %dma_wait3A_48] : memref<10240x128xf32, #tpu.memory_space<vmem_shared>> -> memref<10240x128xf32, #tpu.memory_space<vmem_shared>>
        tpu.wait_indirect_dma semaphore(%run_scoped3A : memref<!tpu.dma_semaphore, #tpu.memory_space<semaphore_mem>>) src(%arg8 : memref<128x128xf32, #tpu.memory_space<vmem>>) dst(%dma_wait3A_49 : memref<10240x128xf32, #tpu.memory_space<vmem_shared>>)
        tpu.yield
      }) : () -> ()
    }
    %scan3A_16 = arith.constant 80 : i32
    %barrier3A_17 = arith.constant 0 : index
    tpu.barrier barrier_id(%barrier3A_17)
    %scan3A_18 = arith.constant 0 : i32
    %scan3A_19 = arith.constant 5 : i32
    %scan3A_20 = arith.addi %scan3A_18, %scan3A_19 : i32
    %scan3A_21 = arith.constant 1 : i32
    scf.for %scan3A_23 = %scan3A_18 to %scan3A_20 step %scan3A_21  : i32 {
      %mul3A_24 = arith.constant 1 : i32
      %mul3A_25 = arith.muli %scan3A_23, %mul3A_24 : i32
      %add3A_26 = arith.constant 0 : i32
      %add3A_27 = arith.addi %add3A_26, %mul3A_25 : i32
      %mul3A_28 = arith.constant 128 : i32
      %mul3A_29 = arith.muli %add3A_27, %mul3A_28 : i32
      %add3A_30 = arith.addi %mul3A_2, %mul3A_29 : i32
      "tpu.region"() ({
        %run_scoped3A = tpu.sem_alloc : memref<!tpu.dma_semaphore, #tpu.memory_space<semaphore_mem>>
        %dma_start3A = arith.constant 0 : i32
        %dma_start3A_31 = tpu.memref_slice %arg9[%add3A_30, %dma_start3A] : memref<10240x128xf32, #tpu.memory_space<vmem_shared>> -> memref<128x128xf32, #tpu.memory_space<vmem_shared>>
        %dma_start3A_32 = arith.constant 0 : i32
        %dma_start3A_33 = tpu.memref_slice %arg9[%add3A_30, %dma_start3A_32] : memref<10240x128xf32, #tpu.memory_space<vmem_shared>> -> memref<128x128xf32, #tpu.memory_space<vmem_shared>>
        tpu.enqueue_dma source(%dma_start3A_33 : memref<128x128xf32, #tpu.memory_space<vmem_shared>>) target(%arg8 : memref<128x128xf32, #tpu.memory_space<vmem>>) target_semaphore(%run_scoped3A : memref<!tpu.dma_semaphore, #tpu.memory_space<semaphore_mem>>)
        %dma_wait3A = arith.constant 0 : i32
        %dma_wait3A_34 = tpu.memref_slice %arg9[%add3A_30, %dma_wait3A] : memref<10240x128xf32, #tpu.memory_space<vmem_shared>> -> memref<128x128xf32, #tpu.memory_space<vmem_shared>>
        %dma_wait3A_35 = arith.constant 0 : i32
        %dma_wait3A_36 = tpu.memref_slice %arg9[%add3A_30, %dma_wait3A_35] : memref<10240x128xf32, #tpu.memory_space<vmem_shared>> -> memref<128x128xf32, #tpu.memory_space<vmem_shared>>
        tpu.wait_dma2 semaphore(%run_scoped3A : memref<!tpu.dma_semaphore, #tpu.memory_space<semaphore_mem>>) src(%dma_wait3A_36 : memref<128x128xf32, #tpu.memory_space<vmem_shared>>) dst(%arg8 : memref<128x128xf32, #tpu.memory_space<vmem>>)
        tpu.yield
      }) : () -> ()
      "tpu.region"() ({
        %run_scoped3A = tpu.sem_alloc : memref<!tpu.dma_semaphore, #tpu.memory_space<semaphore_mem>>
        %dma_start3A = arith.constant 0 : i32
        %dma_start3A_31 = tpu.memref_slice %arg5[%arg0, %add3A_30, %dma_start3A] : memref<2x10240x128xf32, #tpu.memory_space<hbm>> -> memref<1x128x128xf32, #tpu.memory_space<hbm>>
        %dma_start3A_32 = tpu.memref_squeeze %dma_start3A_31 : memref<1x128x128xf32, #tpu.memory_space<hbm>> -> memref<128x128xf32, #tpu.memory_space<hbm>>
        %dma_start3A_33 = arith.constant 0 : i32
        %dma_start3A_34 = tpu.memref_slice %arg5[%arg0, %add3A_30, %dma_start3A_33] : memref<2x10240x128xf32, #tpu.memory_space<hbm>> -> memref<1x128x128xf32, #tpu.memory_space<hbm>>
        %dma_start3A_35 = tpu.memref_squeeze %dma_start3A_34 : memref<1x128x128xf32, #tpu.memory_space<hbm>> -> memref<128x128xf32, #tpu.memory_space<hbm>>
        tpu.enqueue_dma source(%arg8 : memref<128x128xf32, #tpu.memory_space<vmem>>) target(%dma_start3A_35 : memref<128x128xf32, #tpu.memory_space<hbm>>) target_semaphore(%run_scoped3A : memref<!tpu.dma_semaphore, #tpu.memory_space<semaphore_mem>>)
        %dma_wait3A = arith.constant 0 : i32
        %dma_wait3A_36 = tpu.memref_slice %arg5[%arg0, %add3A_30, %dma_wait3A] : memref<2x10240x128xf32, #tpu.memory_space<hbm>> -> memref<1x128x128xf32, #tpu.memory_space<hbm>>
        %dma_wait3A_37 = tpu.memref_squeeze %dma_wait3A_36 : memref<1x128x128xf32, #tpu.memory_space<hbm>> -> memref<128x128xf32, #tpu.memory_space<hbm>>
        %dma_wait3A_38 = arith.constant 0 : i32
        %dma_wait3A_39 = tpu.memref_slice %arg5[%arg0, %add3A_30, %dma_wait3A_38] : memref<2x10240x128xf32, #tpu.memory_space<hbm>> -> memref<1x128x128xf32, #tpu.memory_space<hbm>>
        %dma_wait3A_40 = tpu.memref_squeeze %dma_wait3A_39 : memref<1x128x128xf32, #tpu.memory_space<hbm>> -> memref<128x128xf32, #tpu.memory_space<hbm>>
        tpu.wait_dma2 semaphore(%run_scoped3A : memref<!tpu.dma_semaphore, #tpu.memory_space<semaphore_mem>>) src(%arg8 : memref<128x128xf32, #tpu.memory_space<vmem>>) dst(%dma_wait3A_40 : memref<128x128xf32, #tpu.memory_space<hbm>>)
        tpu.yield
      }) : () -> ()
    }
    %scan3A_22 = arith.constant 5 : i32
    return
  }
}

#map = affine_map<(d0, d1) -> (0, 0)>
#map1 = affine_map<(d0, d1) -> (0, 0, 0)>
module attributes {stable_mosaic.version = 14 : i64} {
  func.func @_sc_scatter(%arg0: i32, %arg1: i32, %arg2: memref<10000x128xf32, #tpu.memory_space<hbm>>, %arg3: memref<32x80x128xi32, #tpu.memory_space<hbm>>, %arg4: memref<32x80x128xi32, #tpu.memory_space<hbm>>, %arg5: memref<2x10240x128xf32, #tpu.memory_space<hbm>>, %arg6: memref<80x128xi32, #tpu.memory_space<vmem>>, %arg7: memref<80x128xi32, #tpu.memory_space<vmem>>, %arg8: memref<128x128xf32, #tpu.memory_space<vmem>>, %arg9: memref<10240x128xf32, #tpu.memory_space<vmem_shared>>, %arg10: memref<!tpu.dma_semaphore, #tpu.memory_space<semaphore_mem>>) attributes {dimension_semantics = [#tpu.dimension_semantics<core_parallel>, #tpu.dimension_semantics<subcore_parallel>], iteration_bounds = array<i64: 2, 16>, scalar_prefetch = 0 : i64, scratch_operands = 5 : i64, tpu.core_type = #tpu.core_type<sc_vector_subcore>, window_params = [{transform_indices = #map}, {transform_indices = #map1}, {transform_indices = #map1}, {transform_indices = #map1}]} {
    %mul3A = arith.constant 2 : i32
    %mul3A_0 = arith.muli %arg1, %mul3A : i32
    %add3A = arith.addi %mul3A_0, %arg0 : i32
    %mul3A_1 = arith.constant 640 : i32
    %mul3A_2 = arith.muli %arg1, %mul3A_1 : i32
    "tpu.region"() ({
      %run_scoped3A = tpu.sem_alloc : memref<!tpu.dma_semaphore, #tpu.memory_space<semaphore_mem>>
      %dma_start3A = arith.constant 0 : i32
      %dma_start3A_23 = arith.constant 0 : i32
      %dma_start3A_24 = tpu.memref_slice %arg3[%add3A, %dma_start3A, %dma_start3A_23] : memref<32x80x128xi32, #tpu.memory_space<hbm>> -> memref<1x80x128xi32, #tpu.memory_space<hbm>>
      %dma_start3A_25 = tpu.memref_squeeze %dma_start3A_24 : memref<1x80x128xi32, #tpu.memory_space<hbm>> -> memref<80x128xi32, #tpu.memory_space<hbm>>
      %dma_start3A_26 = arith.constant 0 : i32
      %dma_start3A_27 = arith.constant 0 : i32
      %dma_start3A_28 = tpu.memref_slice %arg3[%add3A, %dma_start3A_26, %dma_start3A_27] : memref<32x80x128xi32, #tpu.memory_space<hbm>> -> memref<1x80x128xi32, #tpu.memory_space<hbm>>
      %dma_start3A_29 = tpu.memref_squeeze %dma_start3A_28 : memref<1x80x128xi32, #tpu.memory_space<hbm>> -> memref<80x128xi32, #tpu.memory_space<hbm>>
      tpu.enqueue_dma source(%dma_start3A_29 : memref<80x128xi32, #tpu.memory_space<hbm>>) target(%arg6 : memref<80x128xi32, #tpu.memory_space<vmem>>) target_semaphore(%run_scoped3A : memref<!tpu.dma_semaphore, #tpu.memory_space<semaphore_mem>>)
      %dma_wait3A = arith.constant 0 : i32
      %dma_wait3A_30 = arith.constant 0 : i32
      %dma_wait3A_31 = tpu.memref_slice %arg3[%add3A, %dma_wait3A, %dma_wait3A_30] : memref<32x80x128xi32, #tpu.memory_space<hbm>> -> memref<1x80x128xi32, #tpu.memory_space<hbm>>
      %dma_wait3A_32 = tpu.memref_squeeze %dma_wait3A_31 : memref<1x80x128xi32, #tpu.memory_space<hbm>> -> memref<80x128xi32, #tpu.memory_space<hbm>>
      %dma_wait3A_33 = arith.constant 0 : i32
      %dma_wait3A_34 = arith.constant 0 : i32
      %dma_wait3A_35 = tpu.memref_slice %arg3[%add3A, %dma_wait3A_33, %dma_wait3A_34] : memref<32x80x128xi32, #tpu.memory_space<hbm>> -> memref<1x80x128xi32, #tpu.memory_space<hbm>>
      %dma_wait3A_36 = tpu.memref_squeeze %dma_wait3A_35 : memref<1x80x128xi32, #tpu.memory_space<hbm>> -> memref<80x128xi32, #tpu.memory_space<hbm>>
      tpu.wait_dma2 semaphore(%run_scoped3A : memref<!tpu.dma_semaphore, #tpu.memory_space<semaphore_mem>>) src(%dma_wait3A_36 : memref<80x128xi32, #tpu.memory_space<hbm>>) dst(%arg6 : memref<80x128xi32, #tpu.memory_space<vmem>>)
      tpu.yield
    }) : () -> ()
    "tpu.region"() ({
      %run_scoped3A = tpu.sem_alloc : memref<!tpu.dma_semaphore, #tpu.memory_space<semaphore_mem>>
      %dma_start3A = arith.constant 0 : i32
      %dma_start3A_23 = arith.constant 0 : i32
      %dma_start3A_24 = tpu.memref_slice %arg4[%add3A, %dma_start3A, %dma_start3A_23] : memref<32x80x128xi32, #tpu.memory_space<hbm>> -> memref<1x80x128xi32, #tpu.memory_space<hbm>>
      %dma_start3A_25 = tpu.memref_squeeze %dma_start3A_24 : memref<1x80x128xi32, #tpu.memory_space<hbm>> -> memref<80x128xi32, #tpu.memory_space<hbm>>
      %dma_start3A_26 = arith.constant 0 : i32
      %dma_start3A_27 = arith.constant 0 : i32
      %dma_start3A_28 = tpu.memref_slice %arg4[%add3A, %dma_start3A_26, %dma_start3A_27] : memref<32x80x128xi32, #tpu.memory_space<hbm>> -> memref<1x80x128xi32, #tpu.memory_space<hbm>>
      %dma_start3A_29 = tpu.memref_squeeze %dma_start3A_28 : memref<1x80x128xi32, #tpu.memory_space<hbm>> -> memref<80x128xi32, #tpu.memory_space<hbm>>
      tpu.enqueue_dma source(%dma_start3A_29 : memref<80x128xi32, #tpu.memory_space<hbm>>) target(%arg7 : memref<80x128xi32, #tpu.memory_space<vmem>>) target_semaphore(%run_scoped3A : memref<!tpu.dma_semaphore, #tpu.memory_space<semaphore_mem>>)
      %dma_wait3A = arith.constant 0 : i32
      %dma_wait3A_30 = arith.constant 0 : i32
      %dma_wait3A_31 = tpu.memref_slice %arg4[%add3A, %dma_wait3A, %dma_wait3A_30] : memref<32x80x128xi32, #tpu.memory_space<hbm>> -> memref<1x80x128xi32, #tpu.memory_space<hbm>>
      %dma_wait3A_32 = tpu.memref_squeeze %dma_wait3A_31 : memref<1x80x128xi32, #tpu.memory_space<hbm>> -> memref<80x128xi32, #tpu.memory_space<hbm>>
      %dma_wait3A_33 = arith.constant 0 : i32
      %dma_wait3A_34 = arith.constant 0 : i32
      %dma_wait3A_35 = tpu.memref_slice %arg4[%add3A, %dma_wait3A_33, %dma_wait3A_34] : memref<32x80x128xi32, #tpu.memory_space<hbm>> -> memref<1x80x128xi32, #tpu.memory_space<hbm>>
      %dma_wait3A_36 = tpu.memref_squeeze %dma_wait3A_35 : memref<1x80x128xi32, #tpu.memory_space<hbm>> -> memref<80x128xi32, #tpu.memory_space<hbm>>
      tpu.wait_dma2 semaphore(%run_scoped3A : memref<!tpu.dma_semaphore, #tpu.memory_space<semaphore_mem>>) src(%dma_wait3A_36 : memref<80x128xi32, #tpu.memory_space<hbm>>) dst(%arg7 : memref<80x128xi32, #tpu.memory_space<vmem>>)
      tpu.yield
    }) : () -> ()
    %scan3A = arith.constant 0 : i32
    %scan3A_3 = arith.constant 128 : i32
    %scan3A_4 = arith.addi %scan3A, %scan3A_3 : i32
    %scan3A_5 = arith.constant 1 : i32
    scf.for %scan3A_23 = %scan3A to %scan3A_4 step %scan3A_5  : i32 {
      %mul3A_24 = arith.constant 1 : i32
      %mul3A_25 = arith.muli %scan3A_23, %mul3A_24 : i32
      %add3A_26 = arith.constant 0 : i32
      %add3A_27 = arith.addi %add3A_26, %mul3A_25 : i32
      %broadcast_in_dim3A = arith.constant 0.000000e+00 : f32
      %broadcast_in_dim3A_28 = vector.broadcast %broadcast_in_dim3A : f32 to vector<16xf32>
      %scan3A_29 = arith.constant 0 : i32
      %scan3A_30 = arith.constant 8 : i32
      %scan3A_31 = arith.addi %scan3A_29, %scan3A_30 : i32
      %scan3A_32 = arith.constant 1 : i32
      scf.for %scan3A_34 = %scan3A_29 to %scan3A_31 step %scan3A_32  : i32 {
        %mul3A_35 = arith.constant 1 : i32
        %mul3A_36 = arith.muli %scan3A_34, %mul3A_35 : i32
        %add3A_37 = arith.constant 0 : i32
        %add3A_38 = arith.addi %add3A_37, %mul3A_36 : i32
        %mul3A_39 = arith.constant 16 : i32
        %mul3A_40 = arith.muli %add3A_38, %mul3A_39 : i32
        %swap3A = arith.constant 0 : i32
        %swap3A_41 = tpu.memref_slice %arg8[%add3A_27, %swap3A] : memref<128x128xf32, #tpu.memory_space<vmem>> -> memref<1x128xf32, #tpu.memory_space<vmem>>
        %swap3A_42 = tpu.memref_squeeze %swap3A_41 : memref<1x128xf32, #tpu.memory_space<vmem>> -> memref<128xf32, #tpu.memory_space<vmem>>
        %swap3A_43 = arith.index_cast %mul3A_40 : i32 to index
        %swap3A_44 = tpu.vector_load %swap3A_42[%swap3A_43] {strides = array<i32>} : memref<128xf32, #tpu.memory_space<vmem>>, vector<16xf32>,
        %swap3A_45 = vector.shape_cast %swap3A_44 : vector<16xf32> to vector<16xf32>
        %swap3A_46 = vector.shape_cast %broadcast_in_dim3A_28 : vector<16xf32> to vector<16xf32>
        tpu.vector_store %swap3A_42[%swap3A_43], %swap3A_46 {strides = array<i32>} : memref<128xf32, #tpu.memory_space<vmem>>, vector<16xf32>,
      }
      %scan3A_33 = arith.constant 8 : i32
    }
    %scan3A_6 = arith.constant 128 : i32
    %scan3A_7 = arith.constant 0 : i32
    %scan3A_8 = arith.constant 5 : i32
    %scan3A_9 = arith.addi %scan3A_7, %scan3A_8 : i32
    %scan3A_10 = arith.constant 1 : i32
    scf.for %scan3A_23 = %scan3A_7 to %scan3A_9 step %scan3A_10  : i32 {
      %mul3A_24 = arith.constant 1 : i32
      %mul3A_25 = arith.muli %scan3A_23, %mul3A_24 : i32
      %add3A_26 = arith.constant 0 : i32
      %add3A_27 = arith.addi %add3A_26, %mul3A_25 : i32
      %mul3A_28 = arith.constant 128 : i32
      %mul3A_29 = arith.muli %add3A_27, %mul3A_28 : i32
      %add3A_30 = arith.addi %mul3A_2, %mul3A_29 : i32
      "tpu.region"() ({
        %run_scoped3A = tpu.sem_alloc : memref<!tpu.dma_semaphore, #tpu.memory_space<semaphore_mem>>
        %dma_start3A = arith.constant 0 : i32
        %dma_start3A_31 = tpu.memref_slice %arg9[%add3A_30, %dma_start3A] : memref<10240x128xf32, #tpu.memory_space<vmem_shared>> -> memref<128x128xf32, #tpu.memory_space<vmem_shared>>
        %dma_start3A_32 = arith.constant 0 : i32
        %dma_start3A_33 = tpu.memref_slice %arg9[%add3A_30, %dma_start3A_32] : memref<10240x128xf32, #tpu.memory_space<vmem_shared>> -> memref<128x128xf32, #tpu.memory_space<vmem_shared>>
        tpu.enqueue_dma source(%arg8 : memref<128x128xf32, #tpu.memory_space<vmem>>) target(%dma_start3A_33 : memref<128x128xf32, #tpu.memory_space<vmem_shared>>) target_semaphore(%run_scoped3A : memref<!tpu.dma_semaphore, #tpu.memory_space<semaphore_mem>>)
        %dma_wait3A = arith.constant 0 : i32
        %dma_wait3A_34 = tpu.memref_slice %arg9[%add3A_30, %dma_wait3A] : memref<10240x128xf32, #tpu.memory_space<vmem_shared>> -> memref<128x128xf32, #tpu.memory_space<vmem_shared>>
        %dma_wait3A_35 = arith.constant 0 : i32
        %dma_wait3A_36 = tpu.memref_slice %arg9[%add3A_30, %dma_wait3A_35] : memref<10240x128xf32, #tpu.memory_space<vmem_shared>> -> memref<128x128xf32, #tpu.memory_space<vmem_shared>>
        tpu.wait_dma2 semaphore(%run_scoped3A : memref<!tpu.dma_semaphore, #tpu.memory_space<semaphore_mem>>) src(%arg8 : memref<128x128xf32, #tpu.memory_space<vmem>>) dst(%dma_wait3A_36 : memref<128x128xf32, #tpu.memory_space<vmem_shared>>)
        tpu.yield
      }) : () -> ()
    }
    %scan3A_11 = arith.constant 5 : i32
    %barrier3A = arith.constant 0 : index
    tpu.barrier barrier_id(%barrier3A)
    %scan3A_12 = arith.constant 0 : i32
    %scan3A_13 = arith.constant 80 : i32
    %scan3A_14 = arith.addi %scan3A_12, %scan3A_13 : i32
    %scan3A_15 = arith.constant 1 : i32
    scf.for %scan3A_23 = %scan3A_12 to %scan3A_14 step %scan3A_15  : i32 {
      %mul3A_24 = arith.constant 1 : i32
      %mul3A_25 = arith.muli %scan3A_23, %mul3A_24 : i32
      %add3A_26 = arith.constant 0 : i32
      %add3A_27 = arith.addi %add3A_26, %mul3A_25 : i32
      %dma_start3A = arith.constant 0 : i32
      %dma_start3A_28 = tpu.memref_slice %arg6[%add3A_27, %dma_start3A] : memref<80x128xi32, #tpu.memory_space<vmem>> -> memref<1x128xi32, #tpu.memory_space<vmem>>
      %dma_start3A_29 = tpu.memref_squeeze %dma_start3A_28 : memref<1x128xi32, #tpu.memory_space<vmem>> -> memref<128xi32, #tpu.memory_space<vmem>>
      %dma_start3A_30 = arith.constant 0 : i32
      %dma_start3A_31 = arith.constant 0 : i32
      %dma_start3A_32 = tpu.memref_slice %arg2[%dma_start3A_30, %dma_start3A_31] : memref<10000x128xf32, #tpu.memory_space<hbm>> -> memref<10000x128xf32, #tpu.memory_space<hbm>>
      tpu.enqueue_indirect_dma source(%dma_start3A_32 : memref<10000x128xf32, #tpu.memory_space<hbm>>) target(%arg8 : memref<128x128xf32, #tpu.memory_space<vmem>>) offsets(%dma_start3A_29 : memref<128xi32, #tpu.memory_space<vmem>>) semaphore(%arg10 : memref<!tpu.dma_semaphore, #tpu.memory_space<semaphore_mem>>)
      %dma_wait3A = arith.constant 0 : i32
      %dma_wait3A_33 = tpu.memref_slice %arg6[%add3A_27, %dma_wait3A] : memref<80x128xi32, #tpu.memory_space<vmem>> -> memref<1x128xi32, #tpu.memory_space<vmem>>
      %dma_wait3A_34 = tpu.memref_squeeze %dma_wait3A_33 : memref<1x128xi32, #tpu.memory_space<vmem>> -> memref<128xi32, #tpu.memory_space<vmem>>
      %dma_wait3A_35 = arith.constant 0 : i32
      %dma_wait3A_36 = arith.constant 0 : i32
      %dma_wait3A_37 = tpu.memref_slice %arg2[%dma_wait3A_35, %dma_wait3A_36] : memref<10000x128xf32, #tpu.memory_space<hbm>> -> memref<10000x128xf32, #tpu.memory_space<hbm>>
      tpu.wait_indirect_dma semaphore(%arg10 : memref<!tpu.dma_semaphore, #tpu.memory_space<semaphore_mem>>) src(%dma_wait3A_37 : memref<10000x128xf32, #tpu.memory_space<hbm>>) dst(%arg8 : memref<128x128xf32, #tpu.memory_space<vmem>>)
      "tpu.region"() ({
        %run_scoped3A = tpu.sem_alloc : memref<!tpu.dma_semaphore, #tpu.memory_space<semaphore_mem>>
        %dma_start3A_38 = arith.constant 0 : i32
        %dma_start3A_39 = tpu.memref_slice %arg7[%add3A_27, %dma_start3A_38] : memref<80x128xi32, #tpu.memory_space<vmem>> -> memref<1x128xi32, #tpu.memory_space<vmem>>
        %dma_start3A_40 = tpu.memref_squeeze %dma_start3A_39 : memref<1x128xi32, #tpu.memory_space<vmem>> -> memref<128xi32, #tpu.memory_space<vmem>>
        %dma_start3A_41 = arith.constant 0 : i32
        %dma_start3A_42 = arith.constant 0 : i32
        %dma_start3A_43 = tpu.memref_slice %arg9[%dma_start3A_41, %dma_start3A_42] : memref<10240x128xf32, #tpu.memory_space<vmem_shared>> -> memref<10240x128xf32, #tpu.memory_space<vmem_shared>>
        tpu.enqueue_indirect_dma source(%arg8 : memref<128x128xf32, #tpu.memory_space<vmem>>) target(%dma_start3A_43 : memref<10240x128xf32, #tpu.memory_space<vmem_shared>>) offsets(%dma_start3A_40 : memref<128xi32, #tpu.memory_space<vmem>>) semaphore(%run_scoped3A : memref<!tpu.dma_semaphore, #tpu.memory_space<semaphore_mem>>) {add = true}
        %dma_wait3A_44 = arith.constant 0 : i32
        %dma_wait3A_45 = tpu.memref_slice %arg7[%add3A_27, %dma_wait3A_44] : memref<80x128xi32, #tpu.memory_space<vmem>> -> memref<1x128xi32, #tpu.memory_space<vmem>>
        %dma_wait3A_46 = tpu.memref_squeeze %dma_wait3A_45 : memref<1x128xi32, #tpu.memory_space<vmem>> -> memref<128xi32, #tpu.memory_space<vmem>>
        %dma_wait3A_47 = arith.constant 0 : i32
        %dma_wait3A_48 = arith.constant 0 : i32
        %dma_wait3A_49 = tpu.memref_slice %arg9[%dma_wait3A_47, %dma_wait3A_48] : memref<10240x128xf32, #tpu.memory_space<vmem_shared>> -> memref<10240x128xf32, #tpu.memory_space<vmem_shared>>
        tpu.wait_indirect_dma semaphore(%run_scoped3A : memref<!tpu.dma_semaphore, #tpu.memory_space<semaphore_mem>>) src(%arg8 : memref<128x128xf32, #tpu.memory_space<vmem>>) dst(%dma_wait3A_49 : memref<10240x128xf32, #tpu.memory_space<vmem_shared>>)
        tpu.yield
      }) : () -> ()
    }
    %scan3A_16 = arith.constant 80 : i32
    %barrier3A_17 = arith.constant 0 : index
    tpu.barrier barrier_id(%barrier3A_17)
    %scan3A_18 = arith.constant 0 : i32
    %scan3A_19 = arith.constant 5 : i32
    %scan3A_20 = arith.addi %scan3A_18, %scan3A_19 : i32
    %scan3A_21 = arith.constant 1 : i32
    scf.for %scan3A_23 = %scan3A_18 to %scan3A_20 step %scan3A_21  : i32 {
      %mul3A_24 = arith.constant 1 : i32
      %mul3A_25 = arith.muli %scan3A_23, %mul3A_24 : i32
      %add3A_26 = arith.constant 0 : i32
      %add3A_27 = arith.addi %add3A_26, %mul3A_25 : i32
      %mul3A_28 = arith.constant 128 : i32
      %mul3A_29 = arith.muli %add3A_27, %mul3A_28 : i32
      %add3A_30 = arith.addi %mul3A_2, %mul3A_29 : i32
      "tpu.region"() ({
        %run_scoped3A = tpu.sem_alloc : memref<!tpu.dma_semaphore, #tpu.memory_space<semaphore_mem>>
        %dma_start3A = arith.constant 0 : i32
        %dma_start3A_31 = tpu.memref_slice %arg9[%add3A_30, %dma_start3A] : memref<10240x128xf32, #tpu.memory_space<vmem_shared>> -> memref<128x128xf32, #tpu.memory_space<vmem_shared>>
        %dma_start3A_32 = arith.constant 0 : i32
        %dma_start3A_33 = tpu.memref_slice %arg9[%add3A_30, %dma_start3A_32] : memref<10240x128xf32, #tpu.memory_space<vmem_shared>> -> memref<128x128xf32, #tpu.memory_space<vmem_shared>>
        tpu.enqueue_dma source(%dma_start3A_33 : memref<128x128xf32, #tpu.memory_space<vmem_shared>>) target(%arg8 : memref<128x128xf32, #tpu.memory_space<vmem>>) target_semaphore(%run_scoped3A : memref<!tpu.dma_semaphore, #tpu.memory_space<semaphore_mem>>)
        %dma_wait3A = arith.constant 0 : i32
        %dma_wait3A_34 = tpu.memref_slice %arg9[%add3A_30, %dma_wait3A] : memref<10240x128xf32, #tpu.memory_space<vmem_shared>> -> memref<128x128xf32, #tpu.memory_space<vmem_shared>>
        %dma_wait3A_35 = arith.constant 0 : i32
        %dma_wait3A_36 = tpu.memref_slice %arg9[%add3A_30, %dma_wait3A_35] : memref<10240x128xf32, #tpu.memory_space<vmem_shared>> -> memref<128x128xf32, #tpu.memory_space<vmem_shared>>
        tpu.wait_dma2 semaphore(%run_scoped3A : memref<!tpu.dma_semaphore, #tpu.memory_space<semaphore_mem>>) src(%dma_wait3A_36 : memref<128x128xf32, #tpu.memory_space<vmem_shared>>) dst(%arg8 : memref<128x128xf32, #tpu.memory_space<vmem>>)
        tpu.yield
      }) : () -> ()
      "tpu.region"() ({
        %run_scoped3A = tpu.sem_alloc : memref<!tpu.dma_semaphore, #tpu.memory_space<semaphore_mem>>
        %dma_start3A = arith.constant 0 : i32
        %dma_start3A_31 = tpu.memref_slice %arg5[%arg0, %add3A_30, %dma_start3A] : memref<2x10240x128xf32, #tpu.memory_space<hbm>> -> memref<1x128x128xf32, #tpu.memory_space<hbm>>
        %dma_start3A_32 = tpu.memref_squeeze %dma_start3A_31 : memref<1x128x128xf32, #tpu.memory_space<hbm>> -> memref<128x128xf32, #tpu.memory_space<hbm>>
        %dma_start3A_33 = arith.constant 0 : i32
        %dma_start3A_34 = tpu.memref_slice %arg5[%arg0, %add3A_30, %dma_start3A_33] : memref<2x10240x128xf32, #tpu.memory_space<hbm>> -> memref<1x128x128xf32, #tpu.memory_space<hbm>>
        %dma_start3A_35 = tpu.memref_squeeze %dma_start3A_34 : memref<1x128x128xf32, #tpu.memory_space<hbm>> -> memref<128x128xf32, #tpu.memory_space<hbm>>
        tpu.enqueue_dma source(%arg8 : memref<128x128xf32, #tpu.memory_space<vmem>>) target(%dma_start3A_35 : memref<128x128xf32, #tpu.memory_space<hbm>>) target_semaphore(%run_scoped3A : memref<!tpu.dma_semaphore, #tpu.memory_space<semaphore_mem>>)
        %dma_wait3A = arith.constant 0 : i32
        %dma_wait3A_36 = tpu.memref_slice %arg5[%arg0, %add3A_30, %dma_wait3A] : memref<2x10240x128xf32, #tpu.memory_space<hbm>> -> memref<1x128x128xf32, #tpu.memory_space<hbm>>
        %dma_wait3A_37 = tpu.memref_squeeze %dma_wait3A_36 : memref<1x128x128xf32, #tpu.memory_space<hbm>> -> memref<128x128xf32, #tpu.memory_space<hbm>>
        %dma_wait3A_38 = arith.constant 0 : i32
        %dma_wait3A_39 = tpu.memref_slice %arg5[%arg0, %add3A_30, %dma_wait3A_38] : memref<2x10240x128xf32, #tpu.memory_space<hbm>> -> memref<1x128x128xf32, #tpu.memory_space<hbm>>
        %dma_wait3A_40 = tpu.memref_squeeze %dma_wait3A_39 : memref<1x128x128xf32, #tpu.memory_space<hbm>> -> memref<128x128xf32, #tpu.memory_space<hbm>>
        tpu.wait_dma2 semaphore(%run_scoped3A : memref<!tpu.dma_semaphore, #tpu.memory_space<semaphore_mem>>) src(%arg8 : memref<128x128xf32, #tpu.memory_space<vmem>>) dst(%dma_wait3A_40 : memref<128x128xf32, #tpu.memory_space<hbm>>)
        tpu.yield
      }) : () -> ()
    }
    %scan3A_22 = arith.constant 5 : i32
    return
  }
}

#map = affine_map<(d0, d1) -> (0, 0)>
#map1 = affine_map<(d0, d1) -> (0, 0, 0)>
module attributes {stable_mosaic.version = 14 : i64} {
  func.func @_sc_scatter(%arg0: i32, %arg1: i32, %arg2: memref<10000x128xf32, #tpu.memory_space<hbm>>, %arg3: memref<32x80x128xi32, #tpu.memory_space<hbm>>, %arg4: memref<32x80x128xi32, #tpu.memory_space<hbm>>, %arg5: memref<2x10240x128xf32, #tpu.memory_space<hbm>>, %arg6: memref<80x128xi32, #tpu.memory_space<vmem>>, %arg7: memref<80x128xi32, #tpu.memory_space<vmem>>, %arg8: memref<128x128xf32, #tpu.memory_space<vmem>>, %arg9: memref<10240x128xf32, #tpu.memory_space<vmem_shared>>, %arg10: memref<!tpu.dma_semaphore, #tpu.memory_space<semaphore_mem>>) attributes {dimension_semantics = [#tpu.dimension_semantics<core_parallel>, #tpu.dimension_semantics<subcore_parallel>], iteration_bounds = array<i64: 2, 16>, scalar_prefetch = 0 : i64, scratch_operands = 5 : i64, tpu.core_type = #tpu.core_type<sc_vector_subcore>, window_params = [{transform_indices = #map}, {transform_indices = #map1}, {transform_indices = #map1}, {transform_indices = #map1}]} {
    %mul3A = arith.constant 2 : i32
    %mul3A_0 = arith.muli %arg1, %mul3A : i32
    %add3A = arith.addi %mul3A_0, %arg0 : i32
    %mul3A_1 = arith.constant 640 : i32
    %mul3A_2 = arith.muli %arg1, %mul3A_1 : i32
    "tpu.region"() ({
      %run_scoped3A = tpu.sem_alloc : memref<!tpu.dma_semaphore, #tpu.memory_space<semaphore_mem>>
      %dma_start3A = arith.constant 0 : i32
      %dma_start3A_23 = arith.constant 0 : i32
      %dma_start3A_24 = tpu.memref_slice %arg3[%add3A, %dma_start3A, %dma_start3A_23] : memref<32x80x128xi32, #tpu.memory_space<hbm>> -> memref<1x80x128xi32, #tpu.memory_space<hbm>>
      %dma_start3A_25 = tpu.memref_squeeze %dma_start3A_24 : memref<1x80x128xi32, #tpu.memory_space<hbm>> -> memref<80x128xi32, #tpu.memory_space<hbm>>
      %dma_start3A_26 = arith.constant 0 : i32
      %dma_start3A_27 = arith.constant 0 : i32
      %dma_start3A_28 = tpu.memref_slice %arg3[%add3A, %dma_start3A_26, %dma_start3A_27] : memref<32x80x128xi32, #tpu.memory_space<hbm>> -> memref<1x80x128xi32, #tpu.memory_space<hbm>>
      %dma_start3A_29 = tpu.memref_squeeze %dma_start3A_28 : memref<1x80x128xi32, #tpu.memory_space<hbm>> -> memref<80x128xi32, #tpu.memory_space<hbm>>
      tpu.enqueue_dma source(%dma_start3A_29 : memref<80x128xi32, #tpu.memory_space<hbm>>) target(%arg6 : memref<80x128xi32, #tpu.memory_space<vmem>>) target_semaphore(%run_scoped3A : memref<!tpu.dma_semaphore, #tpu.memory_space<semaphore_mem>>)
      %dma_wait3A = arith.constant 0 : i32
      %dma_wait3A_30 = arith.constant 0 : i32
      %dma_wait3A_31 = tpu.memref_slice %arg3[%add3A, %dma_wait3A, %dma_wait3A_30] : memref<32x80x128xi32, #tpu.memory_space<hbm>> -> memref<1x80x128xi32, #tpu.memory_space<hbm>>
      %dma_wait3A_32 = tpu.memref_squeeze %dma_wait3A_31 : memref<1x80x128xi32, #tpu.memory_space<hbm>> -> memref<80x128xi32, #tpu.memory_space<hbm>>
      %dma_wait3A_33 = arith.constant 0 : i32
      %dma_wait3A_34 = arith.constant 0 : i32
      %dma_wait3A_35 = tpu.memref_slice %arg3[%add3A, %dma_wait3A_33, %dma_wait3A_34] : memref<32x80x128xi32, #tpu.memory_space<hbm>> -> memref<1x80x128xi32, #tpu.memory_space<hbm>>
      %dma_wait3A_36 = tpu.memref_squeeze %dma_wait3A_35 : memref<1x80x128xi32, #tpu.memory_space<hbm>> -> memref<80x128xi32, #tpu.memory_space<hbm>>
      tpu.wait_dma2 semaphore(%run_scoped3A : memref<!tpu.dma_semaphore, #tpu.memory_space<semaphore_mem>>) src(%dma_wait3A_36 : memref<80x128xi32, #tpu.memory_space<hbm>>) dst(%arg6 : memref<80x128xi32, #tpu.memory_space<vmem>>)
      tpu.yield
    }) : () -> ()
    "tpu.region"() ({
      %run_scoped3A = tpu.sem_alloc : memref<!tpu.dma_semaphore, #tpu.memory_space<semaphore_mem>>
      %dma_start3A = arith.constant 0 : i32
      %dma_start3A_23 = arith.constant 0 : i32
      %dma_start3A_24 = tpu.memref_slice %arg4[%add3A, %dma_start3A, %dma_start3A_23] : memref<32x80x128xi32, #tpu.memory_space<hbm>> -> memref<1x80x128xi32, #tpu.memory_space<hbm>>
      %dma_start3A_25 = tpu.memref_squeeze %dma_start3A_24 : memref<1x80x128xi32, #tpu.memory_space<hbm>> -> memref<80x128xi32, #tpu.memory_space<hbm>>
      %dma_start3A_26 = arith.constant 0 : i32
      %dma_start3A_27 = arith.constant 0 : i32
      %dma_start3A_28 = tpu.memref_slice %arg4[%add3A, %dma_start3A_26, %dma_start3A_27] : memref<32x80x128xi32, #tpu.memory_space<hbm>> -> memref<1x80x128xi32, #tpu.memory_space<hbm>>
      %dma_start3A_29 = tpu.memref_squeeze %dma_start3A_28 : memref<1x80x128xi32, #tpu.memory_space<hbm>> -> memref<80x128xi32, #tpu.memory_space<hbm>>
      tpu.enqueue_dma source(%dma_start3A_29 : memref<80x128xi32, #tpu.memory_space<hbm>>) target(%arg7 : memref<80x128xi32, #tpu.memory_space<vmem>>) target_semaphore(%run_scoped3A : memref<!tpu.dma_semaphore, #tpu.memory_space<semaphore_mem>>)
      %dma_wait3A = arith.constant 0 : i32
      %dma_wait3A_30 = arith.constant 0 : i32
      %dma_wait3A_31 = tpu.memref_slice %arg4[%add3A, %dma_wait3A, %dma_wait3A_30] : memref<32x80x128xi32, #tpu.memory_space<hbm>> -> memref<1x80x128xi32, #tpu.memory_space<hbm>>
      %dma_wait3A_32 = tpu.memref_squeeze %dma_wait3A_31 : memref<1x80x128xi32, #tpu.memory_space<hbm>> -> memref<80x128xi32, #tpu.memory_space<hbm>>
      %dma_wait3A_33 = arith.constant 0 : i32
      %dma_wait3A_34 = arith.constant 0 : i32
      %dma_wait3A_35 = tpu.memref_slice %arg4[%add3A, %dma_wait3A_33, %dma_wait3A_34] : memref<32x80x128xi32, #tpu.memory_space<hbm>> -> memref<1x80x128xi32, #tpu.memory_space<hbm>>
      %dma_wait3A_36 = tpu.memref_squeeze %dma_wait3A_35 : memref<1x80x128xi32, #tpu.memory_space<hbm>> -> memref<80x128xi32, #tpu.memory_space<hbm>>
      tpu.wait_dma2 semaphore(%run_scoped3A : memref<!tpu.dma_semaphore, #tpu.memory_space<semaphore_mem>>) src(%dma_wait3A_36 : memref<80x128xi32, #tpu.memory_space<hbm>>) dst(%arg7 : memref<80x128xi32, #tpu.memory_space<vmem>>)
      tpu.yield
    }) : () -> ()
    %scan3A = arith.constant 0 : i32
    %scan3A_3 = arith.constant 128 : i32
    %scan3A_4 = arith.addi %scan3A, %scan3A_3 : i32
    %scan3A_5 = arith.constant 1 : i32
    scf.for %scan3A_23 = %scan3A to %scan3A_4 step %scan3A_5  : i32 {
      %mul3A_24 = arith.constant 1 : i32
      %mul3A_25 = arith.muli %scan3A_23, %mul3A_24 : i32
      %add3A_26 = arith.constant 0 : i32
      %add3A_27 = arith.addi %add3A_26, %mul3A_25 : i32
      %broadcast_in_dim3A = arith.constant 0.000000e+00 : f32
      %broadcast_in_dim3A_28 = vector.broadcast %broadcast_in_dim3A : f32 to vector<16xf32>
      %scan3A_29 = arith.constant 0 : i32
      %scan3A_30 = arith.constant 8 : i32
      %scan3A_31 = arith.addi %scan3A_29, %scan3A_30 : i32
      %scan3A_32 = arith.constant 1 : i32
      scf.for %scan3A_34 = %scan3A_29 to %scan3A_31 step %scan3A_32  : i32 {
        %mul3A_35 = arith.constant 1 : i32
        %mul3A_36 = arith.muli %scan3A_34, %mul3A_35 : i32
        %add3A_37 = arith.constant 0 : i32
        %add3A_38 = arith.addi %add3A_37, %mul3A_36 : i32
        %mul3A_39 = arith.constant 16 : i32
        %mul3A_40 = arith.muli %add3A_38, %mul3A_39 : i32
        %swap3A = arith.constant 0 : i32
        %swap3A_41 = tpu.memref_slice %arg8[%add3A_27, %swap3A] : memref<128x128xf32, #tpu.memory_space<vmem>> -> memref<1x128xf32, #tpu.memory_space<vmem>>
        %swap3A_42 = tpu.memref_squeeze %swap3A_41 : memref<1x128xf32, #tpu.memory_space<vmem>> -> memref<128xf32, #tpu.memory_space<vmem>>
        %swap3A_43 = arith.index_cast %mul3A_40 : i32 to index
        %swap3A_44 = tpu.vector_load %swap3A_42[%swap3A_43] {strides = array<i32>} : memref<128xf32, #tpu.memory_space<vmem>>, vector<16xf32>,
        %swap3A_45 = vector.shape_cast %swap3A_44 : vector<16xf32> to vector<16xf32>
        %swap3A_46 = vector.shape_cast %broadcast_in_dim3A_28 : vector<16xf32> to vector<16xf32>
        tpu.vector_store %swap3A_42[%swap3A_43], %swap3A_46 {strides = array<i32>} : memref<128xf32, #tpu.memory_space<vmem>>, vector<16xf32>,
      }
      %scan3A_33 = arith.constant 8 : i32
    }
    %scan3A_6 = arith.constant 128 : i32
    %scan3A_7 = arith.constant 0 : i32
    %scan3A_8 = arith.constant 5 : i32
    %scan3A_9 = arith.addi %scan3A_7, %scan3A_8 : i32
    %scan3A_10 = arith.constant 1 : i32
    scf.for %scan3A_23 = %scan3A_7 to %scan3A_9 step %scan3A_10  : i32 {
      %mul3A_24 = arith.constant 1 : i32
      %mul3A_25 = arith.muli %scan3A_23, %mul3A_24 : i32
      %add3A_26 = arith.constant 0 : i32
      %add3A_27 = arith.addi %add3A_26, %mul3A_25 : i32
      %mul3A_28 = arith.constant 128 : i32
      %mul3A_29 = arith.muli %add3A_27, %mul3A_28 : i32
      %add3A_30 = arith.addi %mul3A_2, %mul3A_29 : i32
      "tpu.region"() ({
        %run_scoped3A = tpu.sem_alloc : memref<!tpu.dma_semaphore, #tpu.memory_space<semaphore_mem>>
        %dma_start3A = arith.constant 0 : i32
        %dma_start3A_31 = tpu.memref_slice %arg9[%add3A_30, %dma_start3A] : memref<10240x128xf32, #tpu.memory_space<vmem_shared>> -> memref<128x128xf32, #tpu.memory_space<vmem_shared>>
        %dma_start3A_32 = arith.constant 0 : i32
        %dma_start3A_33 = tpu.memref_slice %arg9[%add3A_30, %dma_start3A_32] : memref<10240x128xf32, #tpu.memory_space<vmem_shared>> -> memref<128x128xf32, #tpu.memory_space<vmem_shared>>
        tpu.enqueue_dma source(%arg8 : memref<128x128xf32, #tpu.memory_space<vmem>>) target(%dma_start3A_33 : memref<128x128xf32, #tpu.memory_space<vmem_shared>>) target_semaphore(%run_scoped3A : memref<!tpu.dma_semaphore, #tpu.memory_space<semaphore_mem>>)
        %dma_wait3A = arith.constant 0 : i32
        %dma_wait3A_34 = tpu.memref_slice %arg9[%add3A_30, %dma_wait3A] : memref<10240x128xf32, #tpu.memory_space<vmem_shared>> -> memref<128x128xf32, #tpu.memory_space<vmem_shared>>
        %dma_wait3A_35 = arith.constant 0 : i32
        %dma_wait3A_36 = tpu.memref_slice %arg9[%add3A_30, %dma_wait3A_35] : memref<10240x128xf32, #tpu.memory_space<vmem_shared>> -> memref<128x128xf32, #tpu.memory_space<vmem_shared>>
        tpu.wait_dma2 semaphore(%run_scoped3A : memref<!tpu.dma_semaphore, #tpu.memory_space<semaphore_mem>>) src(%arg8 : memref<128x128xf32, #tpu.memory_space<vmem>>) dst(%dma_wait3A_36 : memref<128x128xf32, #tpu.memory_space<vmem_shared>>)
        tpu.yield
      }) : () -> ()
    }
    %scan3A_11 = arith.constant 5 : i32
    %barrier3A = arith.constant 0 : index
    tpu.barrier barrier_id(%barrier3A)
    %scan3A_12 = arith.constant 0 : i32
    %scan3A_13 = arith.constant 80 : i32
    %scan3A_14 = arith.addi %scan3A_12, %scan3A_13 : i32
    %scan3A_15 = arith.constant 1 : i32
    scf.for %scan3A_23 = %scan3A_12 to %scan3A_14 step %scan3A_15  : i32 {
      %mul3A_24 = arith.constant 1 : i32
      %mul3A_25 = arith.muli %scan3A_23, %mul3A_24 : i32
      %add3A_26 = arith.constant 0 : i32
      %add3A_27 = arith.addi %add3A_26, %mul3A_25 : i32
      %dma_start3A = arith.constant 0 : i32
      %dma_start3A_28 = tpu.memref_slice %arg6[%add3A_27, %dma_start3A] : memref<80x128xi32, #tpu.memory_space<vmem>> -> memref<1x128xi32, #tpu.memory_space<vmem>>
      %dma_start3A_29 = tpu.memref_squeeze %dma_start3A_28 : memref<1x128xi32, #tpu.memory_space<vmem>> -> memref<128xi32, #tpu.memory_space<vmem>>
      %dma_start3A_30 = arith.constant 0 : i32
      %dma_start3A_31 = arith.constant 0 : i32
      %dma_start3A_32 = tpu.memref_slice %arg2[%dma_start3A_30, %dma_start3A_31] : memref<10000x128xf32, #tpu.memory_space<hbm>> -> memref<10000x128xf32, #tpu.memory_space<hbm>>
      tpu.enqueue_indirect_dma source(%dma_start3A_32 : memref<10000x128xf32, #tpu.memory_space<hbm>>) target(%arg8 : memref<128x128xf32, #tpu.memory_space<vmem>>) offsets(%dma_start3A_29 : memref<128xi32, #tpu.memory_space<vmem>>) semaphore(%arg10 : memref<!tpu.dma_semaphore, #tpu.memory_space<semaphore_mem>>)
      %dma_wait3A = arith.constant 0 : i32
      %dma_wait3A_33 = tpu.memref_slice %arg6[%add3A_27, %dma_wait3A] : memref<80x128xi32, #tpu.memory_space<vmem>> -> memref<1x128xi32, #tpu.memory_space<vmem>>
      %dma_wait3A_34 = tpu.memref_squeeze %dma_wait3A_33 : memref<1x128xi32, #tpu.memory_space<vmem>> -> memref<128xi32, #tpu.memory_space<vmem>>
      %dma_wait3A_35 = arith.constant 0 : i32
      %dma_wait3A_36 = arith.constant 0 : i32
      %dma_wait3A_37 = tpu.memref_slice %arg2[%dma_wait3A_35, %dma_wait3A_36] : memref<10000x128xf32, #tpu.memory_space<hbm>> -> memref<10000x128xf32, #tpu.memory_space<hbm>>
      tpu.wait_indirect_dma semaphore(%arg10 : memref<!tpu.dma_semaphore, #tpu.memory_space<semaphore_mem>>) src(%dma_wait3A_37 : memref<10000x128xf32, #tpu.memory_space<hbm>>) dst(%arg8 : memref<128x128xf32, #tpu.memory_space<vmem>>)
      "tpu.region"() ({
        %run_scoped3A = tpu.sem_alloc : memref<!tpu.dma_semaphore, #tpu.memory_space<semaphore_mem>>
        %dma_start3A_38 = arith.constant 0 : i32
        %dma_start3A_39 = tpu.memref_slice %arg7[%add3A_27, %dma_start3A_38] : memref<80x128xi32, #tpu.memory_space<vmem>> -> memref<1x128xi32, #tpu.memory_space<vmem>>
        %dma_start3A_40 = tpu.memref_squeeze %dma_start3A_39 : memref<1x128xi32, #tpu.memory_space<vmem>> -> memref<128xi32, #tpu.memory_space<vmem>>
        %dma_start3A_41 = arith.constant 0 : i32
        %dma_start3A_42 = arith.constant 0 : i32
        %dma_start3A_43 = tpu.memref_slice %arg9[%dma_start3A_41, %dma_start3A_42] : memref<10240x128xf32, #tpu.memory_space<vmem_shared>> -> memref<10240x128xf32, #tpu.memory_space<vmem_shared>>
        tpu.enqueue_indirect_dma source(%arg8 : memref<128x128xf32, #tpu.memory_space<vmem>>) target(%dma_start3A_43 : memref<10240x128xf32, #tpu.memory_space<vmem_shared>>) offsets(%dma_start3A_40 : memref<128xi32, #tpu.memory_space<vmem>>) semaphore(%run_scoped3A : memref<!tpu.dma_semaphore, #tpu.memory_space<semaphore_mem>>) {add = true}
        %dma_wait3A_44 = arith.constant 0 : i32
        %dma_wait3A_45 = tpu.memref_slice %arg7[%add3A_27, %dma_wait3A_44] : memref<80x128xi32, #tpu.memory_space<vmem>> -> memref<1x128xi32, #tpu.memory_space<vmem>>
        %dma_wait3A_46 = tpu.memref_squeeze %dma_wait3A_45 : memref<1x128xi32, #tpu.memory_space<vmem>> -> memref<128xi32, #tpu.memory_space<vmem>>
        %dma_wait3A_47 = arith.constant 0 : i32
        %dma_wait3A_48 = arith.constant 0 : i32
        %dma_wait3A_49 = tpu.memref_slice %arg9[%dma_wait3A_47, %dma_wait3A_48] : memref<10240x128xf32, #tpu.memory_space<vmem_shared>> -> memref<10240x128xf32, #tpu.memory_space<vmem_shared>>
        tpu.wait_indirect_dma semaphore(%run_scoped3A : memref<!tpu.dma_semaphore, #tpu.memory_space<semaphore_mem>>) src(%arg8 : memref<128x128xf32, #tpu.memory_space<vmem>>) dst(%dma_wait3A_49 : memref<10240x128xf32, #tpu.memory_space<vmem_shared>>)
        tpu.yield
      }) : () -> ()
    }
    %scan3A_16 = arith.constant 80 : i32
    %barrier3A_17 = arith.constant 0 : index
    tpu.barrier barrier_id(%barrier3A_17)
    %scan3A_18 = arith.constant 0 : i32
    %scan3A_19 = arith.constant 5 : i32
    %scan3A_20 = arith.addi %scan3A_18, %scan3A_19 : i32
    %scan3A_21 = arith.constant 1 : i32
    scf.for %scan3A_23 = %scan3A_18 to %scan3A_20 step %scan3A_21  : i32 {
      %mul3A_24 = arith.constant 1 : i32
      %mul3A_25 = arith.muli %scan3A_23, %mul3A_24 : i32
      %add3A_26 = arith.constant 0 : i32
      %add3A_27 = arith.addi %add3A_26, %mul3A_25 : i32
      %mul3A_28 = arith.constant 128 : i32
      %mul3A_29 = arith.muli %add3A_27, %mul3A_28 : i32
      %add3A_30 = arith.addi %mul3A_2, %mul3A_29 : i32
      "tpu.region"() ({
        %run_scoped3A = tpu.sem_alloc : memref<!tpu.dma_semaphore, #tpu.memory_space<semaphore_mem>>
        %dma_start3A = arith.constant 0 : i32
        %dma_start3A_31 = tpu.memref_slice %arg9[%add3A_30, %dma_start3A] : memref<10240x128xf32, #tpu.memory_space<vmem_shared>> -> memref<128x128xf32, #tpu.memory_space<vmem_shared>>
        %dma_start3A_32 = arith.constant 0 : i32
        %dma_start3A_33 = tpu.memref_slice %arg9[%add3A_30, %dma_start3A_32] : memref<10240x128xf32, #tpu.memory_space<vmem_shared>> -> memref<128x128xf32, #tpu.memory_space<vmem_shared>>
        tpu.enqueue_dma source(%dma_start3A_33 : memref<128x128xf32, #tpu.memory_space<vmem_shared>>) target(%arg8 : memref<128x128xf32, #tpu.memory_space<vmem>>) target_semaphore(%run_scoped3A : memref<!tpu.dma_semaphore, #tpu.memory_space<semaphore_mem>>)
        %dma_wait3A = arith.constant 0 : i32
        %dma_wait3A_34 = tpu.memref_slice %arg9[%add3A_30, %dma_wait3A] : memref<10240x128xf32, #tpu.memory_space<vmem_shared>> -> memref<128x128xf32, #tpu.memory_space<vmem_shared>>
        %dma_wait3A_35 = arith.constant 0 : i32
        %dma_wait3A_36 = tpu.memref_slice %arg9[%add3A_30, %dma_wait3A_35] : memref<10240x128xf32, #tpu.memory_space<vmem_shared>> -> memref<128x128xf32, #tpu.memory_space<vmem_shared>>
        tpu.wait_dma2 semaphore(%run_scoped3A : memref<!tpu.dma_semaphore, #tpu.memory_space<semaphore_mem>>) src(%dma_wait3A_36 : memref<128x128xf32, #tpu.memory_space<vmem_shared>>) dst(%arg8 : memref<128x128xf32, #tpu.memory_space<vmem>>)
        tpu.yield
      }) : () -> ()
      "tpu.region"() ({
        %run_scoped3A = tpu.sem_alloc : memref<!tpu.dma_semaphore, #tpu.memory_space<semaphore_mem>>
        %dma_start3A = arith.constant 0 : i32
        %dma_start3A_31 = tpu.memref_slice %arg5[%arg0, %add3A_30, %dma_start3A] : memref<2x10240x128xf32, #tpu.memory_space<hbm>> -> memref<1x128x128xf32, #tpu.memory_space<hbm>>
        %dma_start3A_32 = tpu.memref_squeeze %dma_start3A_31 : memref<1x128x128xf32, #tpu.memory_space<hbm>> -> memref<128x128xf32, #tpu.memory_space<hbm>>
        %dma_start3A_33 = arith.constant 0 : i32
        %dma_start3A_34 = tpu.memref_slice %arg5[%arg0, %add3A_30, %dma_start3A_33] : memref<2x10240x128xf32, #tpu.memory_space<hbm>> -> memref<1x128x128xf32, #tpu.memory_space<hbm>>
        %dma_start3A_35 = tpu.memref_squeeze %dma_start3A_34 : memref<1x128x128xf32, #tpu.memory_space<hbm>> -> memref<128x128xf32, #tpu.memory_space<hbm>>
        tpu.enqueue_dma source(%arg8 : memref<128x128xf32, #tpu.memory_space<vmem>>) target(%dma_start3A_35 : memref<128x128xf32, #tpu.memory_space<hbm>>) target_semaphore(%run_scoped3A : memref<!tpu.dma_semaphore, #tpu.memory_space<semaphore_mem>>)
        %dma_wait3A = arith.constant 0 : i32
        %dma_wait3A_36 = tpu.memref_slice %arg5[%arg0, %add3A_30, %dma_wait3A] : memref<2x10240x128xf32, #tpu.memory_space<hbm>> -> memref<1x128x128xf32, #tpu.memory_space<hbm>>
        %dma_wait3A_37 = tpu.memref_squeeze %dma_wait3A_36 : memref<1x128x128xf32, #tpu.memory_space<hbm>> -> memref<128x128xf32, #tpu.memory_space<hbm>>
        %dma_wait3A_38 = arith.constant 0 : i32
        %dma_wait3A_39 = tpu.memref_slice %arg5[%arg0, %add3A_30, %dma_wait3A_38] : memref<2x10240x128xf32, #tpu.memory_space<hbm>> -> memref<1x128x128xf32, #tpu.memory_space<hbm>>
        %dma_wait3A_40 = tpu.memref_squeeze %dma_wait3A_39 : memref<1x128x128xf32, #tpu.memory_space<hbm>> -> memref<128x128xf32, #tpu.memory_space<hbm>>
        tpu.wait_dma2 semaphore(%run_scoped3A : memref<!tpu.dma_semaphore, #tpu.memory_space<semaphore_mem>>) src(%arg8 : memref<128x128xf32, #tpu.memory_space<vmem>>) dst(%dma_wait3A_40 : memref<128x128xf32, #tpu.memory_space<hbm>>)
        tpu.yield
      }) : () -> ()
    }
    %scan3A_22 = arith.constant 5 : i32
    return
  }
}

#map = affine_map<(d0, d1) -> (0, 0)>
#map1 = affine_map<(d0, d1) -> (0, 0, 0)>
module attributes {stable_mosaic.version = 14 : i64} {
  func.func @_sc_scatter(%arg0: i32, %arg1: i32, %arg2: memref<10000x128xf32, #tpu.memory_space<hbm>>, %arg3: memref<32x80x128xi32, #tpu.memory_space<hbm>>, %arg4: memref<32x80x128xi32, #tpu.memory_space<hbm>>, %arg5: memref<2x10240x128xf32, #tpu.memory_space<hbm>>, %arg6: memref<80x128xi32, #tpu.memory_space<vmem>>, %arg7: memref<80x128xi32, #tpu.memory_space<vmem>>, %arg8: memref<128x128xf32, #tpu.memory_space<vmem>>, %arg9: memref<10240x128xf32, #tpu.memory_space<vmem_shared>>, %arg10: memref<!tpu.dma_semaphore, #tpu.memory_space<semaphore_mem>>) attributes {dimension_semantics = [#tpu.dimension_semantics<core_parallel>, #tpu.dimension_semantics<subcore_parallel>], iteration_bounds = array<i64: 2, 16>, scalar_prefetch = 0 : i64, scratch_operands = 5 : i64, tpu.core_type = #tpu.core_type<sc_vector_subcore>, window_params = [{transform_indices = #map}, {transform_indices = #map1}, {transform_indices = #map1}, {transform_indices = #map1}]} {
    %mul3A = arith.constant 2 : i32
    %mul3A_0 = arith.muli %arg1, %mul3A : i32
    %add3A = arith.addi %mul3A_0, %arg0 : i32
    %mul3A_1 = arith.constant 640 : i32
    %mul3A_2 = arith.muli %arg1, %mul3A_1 : i32
    "tpu.region"() ({
      %run_scoped3A = tpu.sem_alloc : memref<!tpu.dma_semaphore, #tpu.memory_space<semaphore_mem>>
      %dma_start3A = arith.constant 0 : i32
      %dma_start3A_23 = arith.constant 0 : i32
      %dma_start3A_24 = tpu.memref_slice %arg3[%add3A, %dma_start3A, %dma_start3A_23] : memref<32x80x128xi32, #tpu.memory_space<hbm>> -> memref<1x80x128xi32, #tpu.memory_space<hbm>>
      %dma_start3A_25 = tpu.memref_squeeze %dma_start3A_24 : memref<1x80x128xi32, #tpu.memory_space<hbm>> -> memref<80x128xi32, #tpu.memory_space<hbm>>
      %dma_start3A_26 = arith.constant 0 : i32
      %dma_start3A_27 = arith.constant 0 : i32
      %dma_start3A_28 = tpu.memref_slice %arg3[%add3A, %dma_start3A_26, %dma_start3A_27] : memref<32x80x128xi32, #tpu.memory_space<hbm>> -> memref<1x80x128xi32, #tpu.memory_space<hbm>>
      %dma_start3A_29 = tpu.memref_squeeze %dma_start3A_28 : memref<1x80x128xi32, #tpu.memory_space<hbm>> -> memref<80x128xi32, #tpu.memory_space<hbm>>
      tpu.enqueue_dma source(%dma_start3A_29 : memref<80x128xi32, #tpu.memory_space<hbm>>) target(%arg6 : memref<80x128xi32, #tpu.memory_space<vmem>>) target_semaphore(%run_scoped3A : memref<!tpu.dma_semaphore, #tpu.memory_space<semaphore_mem>>)
      %dma_wait3A = arith.constant 0 : i32
      %dma_wait3A_30 = arith.constant 0 : i32
      %dma_wait3A_31 = tpu.memref_slice %arg3[%add3A, %dma_wait3A, %dma_wait3A_30] : memref<32x80x128xi32, #tpu.memory_space<hbm>> -> memref<1x80x128xi32, #tpu.memory_space<hbm>>
      %dma_wait3A_32 = tpu.memref_squeeze %dma_wait3A_31 : memref<1x80x128xi32, #tpu.memory_space<hbm>> -> memref<80x128xi32, #tpu.memory_space<hbm>>
      %dma_wait3A_33 = arith.constant 0 : i32
      %dma_wait3A_34 = arith.constant 0 : i32
      %dma_wait3A_35 = tpu.memref_slice %arg3[%add3A, %dma_wait3A_33, %dma_wait3A_34] : memref<32x80x128xi32, #tpu.memory_space<hbm>> -> memref<1x80x128xi32, #tpu.memory_space<hbm>>
      %dma_wait3A_36 = tpu.memref_squeeze %dma_wait3A_35 : memref<1x80x128xi32, #tpu.memory_space<hbm>> -> memref<80x128xi32, #tpu.memory_space<hbm>>
      tpu.wait_dma2 semaphore(%run_scoped3A : memref<!tpu.dma_semaphore, #tpu.memory_space<semaphore_mem>>) src(%dma_wait3A_36 : memref<80x128xi32, #tpu.memory_space<hbm>>) dst(%arg6 : memref<80x128xi32, #tpu.memory_space<vmem>>)
      tpu.yield
    }) : () -> ()
    "tpu.region"() ({
      %run_scoped3A = tpu.sem_alloc : memref<!tpu.dma_semaphore, #tpu.memory_space<semaphore_mem>>
      %dma_start3A = arith.constant 0 : i32
      %dma_start3A_23 = arith.constant 0 : i32
      %dma_start3A_24 = tpu.memref_slice %arg4[%add3A, %dma_start3A, %dma_start3A_23] : memref<32x80x128xi32, #tpu.memory_space<hbm>> -> memref<1x80x128xi32, #tpu.memory_space<hbm>>
      %dma_start3A_25 = tpu.memref_squeeze %dma_start3A_24 : memref<1x80x128xi32, #tpu.memory_space<hbm>> -> memref<80x128xi32, #tpu.memory_space<hbm>>
      %dma_start3A_26 = arith.constant 0 : i32
      %dma_start3A_27 = arith.constant 0 : i32
      %dma_start3A_28 = tpu.memref_slice %arg4[%add3A, %dma_start3A_26, %dma_start3A_27] : memref<32x80x128xi32, #tpu.memory_space<hbm>> -> memref<1x80x128xi32, #tpu.memory_space<hbm>>
      %dma_start3A_29 = tpu.memref_squeeze %dma_start3A_28 : memref<1x80x128xi32, #tpu.memory_space<hbm>> -> memref<80x128xi32, #tpu.memory_space<hbm>>
      tpu.enqueue_dma source(%dma_start3A_29 : memref<80x128xi32, #tpu.memory_space<hbm>>) target(%arg7 : memref<80x128xi32, #tpu.memory_space<vmem>>) target_semaphore(%run_scoped3A : memref<!tpu.dma_semaphore, #tpu.memory_space<semaphore_mem>>)
      %dma_wait3A = arith.constant 0 : i32
      %dma_wait3A_30 = arith.constant 0 : i32
      %dma_wait3A_31 = tpu.memref_slice %arg4[%add3A, %dma_wait3A, %dma_wait3A_30] : memref<32x80x128xi32, #tpu.memory_space<hbm>> -> memref<1x80x128xi32, #tpu.memory_space<hbm>>
      %dma_wait3A_32 = tpu.memref_squeeze %dma_wait3A_31 : memref<1x80x128xi32, #tpu.memory_space<hbm>> -> memref<80x128xi32, #tpu.memory_space<hbm>>
      %dma_wait3A_33 = arith.constant 0 : i32
      %dma_wait3A_34 = arith.constant 0 : i32
      %dma_wait3A_35 = tpu.memref_slice %arg4[%add3A, %dma_wait3A_33, %dma_wait3A_34] : memref<32x80x128xi32, #tpu.memory_space<hbm>> -> memref<1x80x128xi32, #tpu.memory_space<hbm>>
      %dma_wait3A_36 = tpu.memref_squeeze %dma_wait3A_35 : memref<1x80x128xi32, #tpu.memory_space<hbm>> -> memref<80x128xi32, #tpu.memory_space<hbm>>
      tpu.wait_dma2 semaphore(%run_scoped3A : memref<!tpu.dma_semaphore, #tpu.memory_space<semaphore_mem>>) src(%dma_wait3A_36 : memref<80x128xi32, #tpu.memory_space<hbm>>) dst(%arg7 : memref<80x128xi32, #tpu.memory_space<vmem>>)
      tpu.yield
    }) : () -> ()
    %scan3A = arith.constant 0 : i32
    %scan3A_3 = arith.constant 128 : i32
    %scan3A_4 = arith.addi %scan3A, %scan3A_3 : i32
    %scan3A_5 = arith.constant 1 : i32
    scf.for %scan3A_23 = %scan3A to %scan3A_4 step %scan3A_5  : i32 {
      %mul3A_24 = arith.constant 1 : i32
      %mul3A_25 = arith.muli %scan3A_23, %mul3A_24 : i32
      %add3A_26 = arith.constant 0 : i32
      %add3A_27 = arith.addi %add3A_26, %mul3A_25 : i32
      %broadcast_in_dim3A = arith.constant 0.000000e+00 : f32
      %broadcast_in_dim3A_28 = vector.broadcast %broadcast_in_dim3A : f32 to vector<16xf32>
      %scan3A_29 = arith.constant 0 : i32
      %scan3A_30 = arith.constant 8 : i32
      %scan3A_31 = arith.addi %scan3A_29, %scan3A_30 : i32
      %scan3A_32 = arith.constant 1 : i32
      scf.for %scan3A_34 = %scan3A_29 to %scan3A_31 step %scan3A_32  : i32 {
        %mul3A_35 = arith.constant 1 : i32
        %mul3A_36 = arith.muli %scan3A_34, %mul3A_35 : i32
        %add3A_37 = arith.constant 0 : i32
        %add3A_38 = arith.addi %add3A_37, %mul3A_36 : i32
        %mul3A_39 = arith.constant 16 : i32
        %mul3A_40 = arith.muli %add3A_38, %mul3A_39 : i32
        %swap3A = arith.constant 0 : i32
        %swap3A_41 = tpu.memref_slice %arg8[%add3A_27, %swap3A] : memref<128x128xf32, #tpu.memory_space<vmem>> -> memref<1x128xf32, #tpu.memory_space<vmem>>
        %swap3A_42 = tpu.memref_squeeze %swap3A_41 : memref<1x128xf32, #tpu.memory_space<vmem>> -> memref<128xf32, #tpu.memory_space<vmem>>
        %swap3A_43 = arith.index_cast %mul3A_40 : i32 to index
        %swap3A_44 = tpu.vector_load %swap3A_42[%swap3A_43] {strides = array<i32>} : memref<128xf32, #tpu.memory_space<vmem>>, vector<16xf32>,
        %swap3A_45 = vector.shape_cast %swap3A_44 : vector<16xf32> to vector<16xf32>
        %swap3A_46 = vector.shape_cast %broadcast_in_dim3A_28 : vector<16xf32> to vector<16xf32>
        tpu.vector_store %swap3A_42[%swap3A_43], %swap3A_46 {strides = array<i32>} : memref<128xf32, #tpu.memory_space<vmem>>, vector<16xf32>,
      }
      %scan3A_33 = arith.constant 8 : i32
    }
    %scan3A_6 = arith.constant 128 : i32
    %scan3A_7 = arith.constant 0 : i32
    %scan3A_8 = arith.constant 5 : i32
    %scan3A_9 = arith.addi %scan3A_7, %scan3A_8 : i32
    %scan3A_10 = arith.constant 1 : i32
    scf.for %scan3A_23 = %scan3A_7 to %scan3A_9 step %scan3A_10  : i32 {
      %mul3A_24 = arith.constant 1 : i32
      %mul3A_25 = arith.muli %scan3A_23, %mul3A_24 : i32
      %add3A_26 = arith.constant 0 : i32
      %add3A_27 = arith.addi %add3A_26, %mul3A_25 : i32
      %mul3A_28 = arith.constant 128 : i32
      %mul3A_29 = arith.muli %add3A_27, %mul3A_28 : i32
      %add3A_30 = arith.addi %mul3A_2, %mul3A_29 : i32
      "tpu.region"() ({
        %run_scoped3A = tpu.sem_alloc : memref<!tpu.dma_semaphore, #tpu.memory_space<semaphore_mem>>
        %dma_start3A = arith.constant 0 : i32
        %dma_start3A_31 = tpu.memref_slice %arg9[%add3A_30, %dma_start3A] : memref<10240x128xf32, #tpu.memory_space<vmem_shared>> -> memref<128x128xf32, #tpu.memory_space<vmem_shared>>
        %dma_start3A_32 = arith.constant 0 : i32
        %dma_start3A_33 = tpu.memref_slice %arg9[%add3A_30, %dma_start3A_32] : memref<10240x128xf32, #tpu.memory_space<vmem_shared>> -> memref<128x128xf32, #tpu.memory_space<vmem_shared>>
        tpu.enqueue_dma source(%arg8 : memref<128x128xf32, #tpu.memory_space<vmem>>) target(%dma_start3A_33 : memref<128x128xf32, #tpu.memory_space<vmem_shared>>) target_semaphore(%run_scoped3A : memref<!tpu.dma_semaphore, #tpu.memory_space<semaphore_mem>>)
        %dma_wait3A = arith.constant 0 : i32
        %dma_wait3A_34 = tpu.memref_slice %arg9[%add3A_30, %dma_wait3A] : memref<10240x128xf32, #tpu.memory_space<vmem_shared>> -> memref<128x128xf32, #tpu.memory_space<vmem_shared>>
        %dma_wait3A_35 = arith.constant 0 : i32
        %dma_wait3A_36 = tpu.memref_slice %arg9[%add3A_30, %dma_wait3A_35] : memref<10240x128xf32, #tpu.memory_space<vmem_shared>> -> memref<128x128xf32, #tpu.memory_space<vmem_shared>>
        tpu.wait_dma2 semaphore(%run_scoped3A : memref<!tpu.dma_semaphore, #tpu.memory_space<semaphore_mem>>) src(%arg8 : memref<128x128xf32, #tpu.memory_space<vmem>>) dst(%dma_wait3A_36 : memref<128x128xf32, #tpu.memory_space<vmem_shared>>)
        tpu.yield
      }) : () -> ()
    }
    %scan3A_11 = arith.constant 5 : i32
    %barrier3A = arith.constant 0 : index
    tpu.barrier barrier_id(%barrier3A)
    %scan3A_12 = arith.constant 0 : i32
    %scan3A_13 = arith.constant 80 : i32
    %scan3A_14 = arith.addi %scan3A_12, %scan3A_13 : i32
    %scan3A_15 = arith.constant 1 : i32
    scf.for %scan3A_23 = %scan3A_12 to %scan3A_14 step %scan3A_15  : i32 {
      %mul3A_24 = arith.constant 1 : i32
      %mul3A_25 = arith.muli %scan3A_23, %mul3A_24 : i32
      %add3A_26 = arith.constant 0 : i32
      %add3A_27 = arith.addi %add3A_26, %mul3A_25 : i32
      %dma_start3A = arith.constant 0 : i32
      %dma_start3A_28 = tpu.memref_slice %arg6[%add3A_27, %dma_start3A] : memref<80x128xi32, #tpu.memory_space<vmem>> -> memref<1x128xi32, #tpu.memory_space<vmem>>
      %dma_start3A_29 = tpu.memref_squeeze %dma_start3A_28 : memref<1x128xi32, #tpu.memory_space<vmem>> -> memref<128xi32, #tpu.memory_space<vmem>>
      %dma_start3A_30 = arith.constant 0 : i32
      %dma_start3A_31 = arith.constant 0 : i32
      %dma_start3A_32 = tpu.memref_slice %arg2[%dma_start3A_30, %dma_start3A_31] : memref<10000x128xf32, #tpu.memory_space<hbm>> -> memref<10000x128xf32, #tpu.memory_space<hbm>>
      tpu.enqueue_indirect_dma source(%dma_start3A_32 : memref<10000x128xf32, #tpu.memory_space<hbm>>) target(%arg8 : memref<128x128xf32, #tpu.memory_space<vmem>>) offsets(%dma_start3A_29 : memref<128xi32, #tpu.memory_space<vmem>>) semaphore(%arg10 : memref<!tpu.dma_semaphore, #tpu.memory_space<semaphore_mem>>)
      %dma_wait3A = arith.constant 0 : i32
      %dma_wait3A_33 = tpu.memref_slice %arg6[%add3A_27, %dma_wait3A] : memref<80x128xi32, #tpu.memory_space<vmem>> -> memref<1x128xi32, #tpu.memory_space<vmem>>
      %dma_wait3A_34 = tpu.memref_squeeze %dma_wait3A_33 : memref<1x128xi32, #tpu.memory_space<vmem>> -> memref<128xi32, #tpu.memory_space<vmem>>
      %dma_wait3A_35 = arith.constant 0 : i32
      %dma_wait3A_36 = arith.constant 0 : i32
      %dma_wait3A_37 = tpu.memref_slice %arg2[%dma_wait3A_35, %dma_wait3A_36] : memref<10000x128xf32, #tpu.memory_space<hbm>> -> memref<10000x128xf32, #tpu.memory_space<hbm>>
      tpu.wait_indirect_dma semaphore(%arg10 : memref<!tpu.dma_semaphore, #tpu.memory_space<semaphore_mem>>) src(%dma_wait3A_37 : memref<10000x128xf32, #tpu.memory_space<hbm>>) dst(%arg8 : memref<128x128xf32, #tpu.memory_space<vmem>>)
      "tpu.region"() ({
        %run_scoped3A = tpu.sem_alloc : memref<!tpu.dma_semaphore, #tpu.memory_space<semaphore_mem>>
        %dma_start3A_38 = arith.constant 0 : i32
        %dma_start3A_39 = tpu.memref_slice %arg7[%add3A_27, %dma_start3A_38] : memref<80x128xi32, #tpu.memory_space<vmem>> -> memref<1x128xi32, #tpu.memory_space<vmem>>
        %dma_start3A_40 = tpu.memref_squeeze %dma_start3A_39 : memref<1x128xi32, #tpu.memory_space<vmem>> -> memref<128xi32, #tpu.memory_space<vmem>>
        %dma_start3A_41 = arith.constant 0 : i32
        %dma_start3A_42 = arith.constant 0 : i32
        %dma_start3A_43 = tpu.memref_slice %arg9[%dma_start3A_41, %dma_start3A_42] : memref<10240x128xf32, #tpu.memory_space<vmem_shared>> -> memref<10240x128xf32, #tpu.memory_space<vmem_shared>>
        tpu.enqueue_indirect_dma source(%arg8 : memref<128x128xf32, #tpu.memory_space<vmem>>) target(%dma_start3A_43 : memref<10240x128xf32, #tpu.memory_space<vmem_shared>>) offsets(%dma_start3A_40 : memref<128xi32, #tpu.memory_space<vmem>>) semaphore(%run_scoped3A : memref<!tpu.dma_semaphore, #tpu.memory_space<semaphore_mem>>) {add = true}
        %dma_wait3A_44 = arith.constant 0 : i32
        %dma_wait3A_45 = tpu.memref_slice %arg7[%add3A_27, %dma_wait3A_44] : memref<80x128xi32, #tpu.memory_space<vmem>> -> memref<1x128xi32, #tpu.memory_space<vmem>>
        %dma_wait3A_46 = tpu.memref_squeeze %dma_wait3A_45 : memref<1x128xi32, #tpu.memory_space<vmem>> -> memref<128xi32, #tpu.memory_space<vmem>>
        %dma_wait3A_47 = arith.constant 0 : i32
        %dma_wait3A_48 = arith.constant 0 : i32
        %dma_wait3A_49 = tpu.memref_slice %arg9[%dma_wait3A_47, %dma_wait3A_48] : memref<10240x128xf32, #tpu.memory_space<vmem_shared>> -> memref<10240x128xf32, #tpu.memory_space<vmem_shared>>
        tpu.wait_indirect_dma semaphore(%run_scoped3A : memref<!tpu.dma_semaphore, #tpu.memory_space<semaphore_mem>>) src(%arg8 : memref<128x128xf32, #tpu.memory_space<vmem>>) dst(%dma_wait3A_49 : memref<10240x128xf32, #tpu.memory_space<vmem_shared>>)
        tpu.yield
      }) : () -> ()
    }
    %scan3A_16 = arith.constant 80 : i32
    %barrier3A_17 = arith.constant 0 : index
    tpu.barrier barrier_id(%barrier3A_17)
    %scan3A_18 = arith.constant 0 : i32
    %scan3A_19 = arith.constant 5 : i32
    %scan3A_20 = arith.addi %scan3A_18, %scan3A_19 : i32
    %scan3A_21 = arith.constant 1 : i32
    scf.for %scan3A_23 = %scan3A_18 to %scan3A_20 step %scan3A_21  : i32 {
      %mul3A_24 = arith.constant 1 : i32
      %mul3A_25 = arith.muli %scan3A_23, %mul3A_24 : i32
      %add3A_26 = arith.constant 0 : i32
      %add3A_27 = arith.addi %add3A_26, %mul3A_25 : i32
      %mul3A_28 = arith.constant 128 : i32
      %mul3A_29 = arith.muli %add3A_27, %mul3A_28 : i32
      %add3A_30 = arith.addi %mul3A_2, %mul3A_29 : i32
      "tpu.region"() ({
        %run_scoped3A = tpu.sem_alloc : memref<!tpu.dma_semaphore, #tpu.memory_space<semaphore_mem>>
        %dma_start3A = arith.constant 0 : i32
        %dma_start3A_31 = tpu.memref_slice %arg9[%add3A_30, %dma_start3A] : memref<10240x128xf32, #tpu.memory_space<vmem_shared>> -> memref<128x128xf32, #tpu.memory_space<vmem_shared>>
        %dma_start3A_32 = arith.constant 0 : i32
        %dma_start3A_33 = tpu.memref_slice %arg9[%add3A_30, %dma_start3A_32] : memref<10240x128xf32, #tpu.memory_space<vmem_shared>> -> memref<128x128xf32, #tpu.memory_space<vmem_shared>>
        tpu.enqueue_dma source(%dma_start3A_33 : memref<128x128xf32, #tpu.memory_space<vmem_shared>>) target(%arg8 : memref<128x128xf32, #tpu.memory_space<vmem>>) target_semaphore(%run_scoped3A : memref<!tpu.dma_semaphore, #tpu.memory_space<semaphore_mem>>)
        %dma_wait3A = arith.constant 0 : i32
        %dma_wait3A_34 = tpu.memref_slice %arg9[%add3A_30, %dma_wait3A] : memref<10240x128xf32, #tpu.memory_space<vmem_shared>> -> memref<128x128xf32, #tpu.memory_space<vmem_shared>>
        %dma_wait3A_35 = arith.constant 0 : i32
        %dma_wait3A_36 = tpu.memref_slice %arg9[%add3A_30, %dma_wait3A_35] : memref<10240x128xf32, #tpu.memory_space<vmem_shared>> -> memref<128x128xf32, #tpu.memory_space<vmem_shared>>
        tpu.wait_dma2 semaphore(%run_scoped3A : memref<!tpu.dma_semaphore, #tpu.memory_space<semaphore_mem>>) src(%dma_wait3A_36 : memref<128x128xf32, #tpu.memory_space<vmem_shared>>) dst(%arg8 : memref<128x128xf32, #tpu.memory_space<vmem>>)
        tpu.yield
      }) : () -> ()
      "tpu.region"() ({
        %run_scoped3A = tpu.sem_alloc : memref<!tpu.dma_semaphore, #tpu.memory_space<semaphore_mem>>
        %dma_start3A = arith.constant 0 : i32
        %dma_start3A_31 = tpu.memref_slice %arg5[%arg0, %add3A_30, %dma_start3A] : memref<2x10240x128xf32, #tpu.memory_space<hbm>> -> memref<1x128x128xf32, #tpu.memory_space<hbm>>
        %dma_start3A_32 = tpu.memref_squeeze %dma_start3A_31 : memref<1x128x128xf32, #tpu.memory_space<hbm>> -> memref<128x128xf32, #tpu.memory_space<hbm>>
        %dma_start3A_33 = arith.constant 0 : i32
        %dma_start3A_34 = tpu.memref_slice %arg5[%arg0, %add3A_30, %dma_start3A_33] : memref<2x10240x128xf32, #tpu.memory_space<hbm>> -> memref<1x128x128xf32, #tpu.memory_space<hbm>>
        %dma_start3A_35 = tpu.memref_squeeze %dma_start3A_34 : memref<1x128x128xf32, #tpu.memory_space<hbm>> -> memref<128x128xf32, #tpu.memory_space<hbm>>
        tpu.enqueue_dma source(%arg8 : memref<128x128xf32, #tpu.memory_space<vmem>>) target(%dma_start3A_35 : memref<128x128xf32, #tpu.memory_space<hbm>>) target_semaphore(%run_scoped3A : memref<!tpu.dma_semaphore, #tpu.memory_space<semaphore_mem>>)
        %dma_wait3A = arith.constant 0 : i32
        %dma_wait3A_36 = tpu.memref_slice %arg5[%arg0, %add3A_30, %dma_wait3A] : memref<2x10240x128xf32, #tpu.memory_space<hbm>> -> memref<1x128x128xf32, #tpu.memory_space<hbm>>
        %dma_wait3A_37 = tpu.memref_squeeze %dma_wait3A_36 : memref<1x128x128xf32, #tpu.memory_space<hbm>> -> memref<128x128xf32, #tpu.memory_space<hbm>>
        %dma_wait3A_38 = arith.constant 0 : i32
        %dma_wait3A_39 = tpu.memref_slice %arg5[%arg0, %add3A_30, %dma_wait3A_38] : memref<2x10240x128xf32, #tpu.memory_space<hbm>> -> memref<1x128x128xf32, #tpu.memory_space<hbm>>
        %dma_wait3A_40 = tpu.memref_squeeze %dma_wait3A_39 : memref<1x128x128xf32, #tpu.memory_space<hbm>> -> memref<128x128xf32, #tpu.memory_space<hbm>>
        tpu.wait_dma2 semaphore(%run_scoped3A : memref<!tpu.dma_semaphore, #tpu.memory_space<semaphore_mem>>) src(%arg8 : memref<128x128xf32, #tpu.memory_space<vmem>>) dst(%dma_wait3A_40 : memref<128x128xf32, #tpu.memory_space<hbm>>)
        tpu.yield
      }) : () -> ()
    }
    %scan3A_22 = arith.constant 5 : i32
    return
  }
}

#map = affine_map<(d0, d1) -> (0, 0)>
#map1 = affine_map<(d0, d1) -> (0, 0, 0)>
module attributes {stable_mosaic.version = 14 : i64} {
  func.func @_sc_scatter(%arg0: i32, %arg1: i32, %arg2: memref<10000x128xf32, #tpu.memory_space<hbm>>, %arg3: memref<32x80x128xi32, #tpu.memory_space<hbm>>, %arg4: memref<32x80x128xi32, #tpu.memory_space<hbm>>, %arg5: memref<2x10240x128xf32, #tpu.memory_space<hbm>>, %arg6: memref<80x128xi32, #tpu.memory_space<vmem>>, %arg7: memref<80x128xi32, #tpu.memory_space<vmem>>, %arg8: memref<128x128xf32, #tpu.memory_space<vmem>>, %arg9: memref<10240x128xf32, #tpu.memory_space<vmem_shared>>, %arg10: memref<!tpu.dma_semaphore, #tpu.memory_space<semaphore_mem>>) attributes {dimension_semantics = [#tpu.dimension_semantics<core_parallel>, #tpu.dimension_semantics<subcore_parallel>], iteration_bounds = array<i64: 2, 16>, scalar_prefetch = 0 : i64, scratch_operands = 5 : i64, tpu.core_type = #tpu.core_type<sc_vector_subcore>, window_params = [{transform_indices = #map}, {transform_indices = #map1}, {transform_indices = #map1}, {transform_indices = #map1}]} {
    %mul3A = arith.constant 2 : i32
    %mul3A_0 = arith.muli %arg1, %mul3A : i32
    %add3A = arith.addi %mul3A_0, %arg0 : i32
    %mul3A_1 = arith.constant 640 : i32
    %mul3A_2 = arith.muli %arg1, %mul3A_1 : i32
    "tpu.region"() ({
      %run_scoped3A = tpu.sem_alloc : memref<!tpu.dma_semaphore, #tpu.memory_space<semaphore_mem>>
      %dma_start3A = arith.constant 0 : i32
      %dma_start3A_23 = arith.constant 0 : i32
      %dma_start3A_24 = tpu.memref_slice %arg3[%add3A, %dma_start3A, %dma_start3A_23] : memref<32x80x128xi32, #tpu.memory_space<hbm>> -> memref<1x80x128xi32, #tpu.memory_space<hbm>>
      %dma_start3A_25 = tpu.memref_squeeze %dma_start3A_24 : memref<1x80x128xi32, #tpu.memory_space<hbm>> -> memref<80x128xi32, #tpu.memory_space<hbm>>
      %dma_start3A_26 = arith.constant 0 : i32
      %dma_start3A_27 = arith.constant 0 : i32
      %dma_start3A_28 = tpu.memref_slice %arg3[%add3A, %dma_start3A_26, %dma_start3A_27] : memref<32x80x128xi32, #tpu.memory_space<hbm>> -> memref<1x80x128xi32, #tpu.memory_space<hbm>>
      %dma_start3A_29 = tpu.memref_squeeze %dma_start3A_28 : memref<1x80x128xi32, #tpu.memory_space<hbm>> -> memref<80x128xi32, #tpu.memory_space<hbm>>
      tpu.enqueue_dma source(%dma_start3A_29 : memref<80x128xi32, #tpu.memory_space<hbm>>) target(%arg6 : memref<80x128xi32, #tpu.memory_space<vmem>>) target_semaphore(%run_scoped3A : memref<!tpu.dma_semaphore, #tpu.memory_space<semaphore_mem>>)
      %dma_wait3A = arith.constant 0 : i32
      %dma_wait3A_30 = arith.constant 0 : i32
      %dma_wait3A_31 = tpu.memref_slice %arg3[%add3A, %dma_wait3A, %dma_wait3A_30] : memref<32x80x128xi32, #tpu.memory_space<hbm>> -> memref<1x80x128xi32, #tpu.memory_space<hbm>>
      %dma_wait3A_32 = tpu.memref_squeeze %dma_wait3A_31 : memref<1x80x128xi32, #tpu.memory_space<hbm>> -> memref<80x128xi32, #tpu.memory_space<hbm>>
      %dma_wait3A_33 = arith.constant 0 : i32
      %dma_wait3A_34 = arith.constant 0 : i32
      %dma_wait3A_35 = tpu.memref_slice %arg3[%add3A, %dma_wait3A_33, %dma_wait3A_34] : memref<32x80x128xi32, #tpu.memory_space<hbm>> -> memref<1x80x128xi32, #tpu.memory_space<hbm>>
      %dma_wait3A_36 = tpu.memref_squeeze %dma_wait3A_35 : memref<1x80x128xi32, #tpu.memory_space<hbm>> -> memref<80x128xi32, #tpu.memory_space<hbm>>
      tpu.wait_dma2 semaphore(%run_scoped3A : memref<!tpu.dma_semaphore, #tpu.memory_space<semaphore_mem>>) src(%dma_wait3A_36 : memref<80x128xi32, #tpu.memory_space<hbm>>) dst(%arg6 : memref<80x128xi32, #tpu.memory_space<vmem>>)
      tpu.yield
    }) : () -> ()
    "tpu.region"() ({
      %run_scoped3A = tpu.sem_alloc : memref<!tpu.dma_semaphore, #tpu.memory_space<semaphore_mem>>
      %dma_start3A = arith.constant 0 : i32
      %dma_start3A_23 = arith.constant 0 : i32
      %dma_start3A_24 = tpu.memref_slice %arg4[%add3A, %dma_start3A, %dma_start3A_23] : memref<32x80x128xi32, #tpu.memory_space<hbm>> -> memref<1x80x128xi32, #tpu.memory_space<hbm>>
      %dma_start3A_25 = tpu.memref_squeeze %dma_start3A_24 : memref<1x80x128xi32, #tpu.memory_space<hbm>> -> memref<80x128xi32, #tpu.memory_space<hbm>>
      %dma_start3A_26 = arith.constant 0 : i32
      %dma_start3A_27 = arith.constant 0 : i32
      %dma_start3A_28 = tpu.memref_slice %arg4[%add3A, %dma_start3A_26, %dma_start3A_27] : memref<32x80x128xi32, #tpu.memory_space<hbm>> -> memref<1x80x128xi32, #tpu.memory_space<hbm>>
      %dma_start3A_29 = tpu.memref_squeeze %dma_start3A_28 : memref<1x80x128xi32, #tpu.memory_space<hbm>> -> memref<80x128xi32, #tpu.memory_space<hbm>>
      tpu.enqueue_dma source(%dma_start3A_29 : memref<80x128xi32, #tpu.memory_space<hbm>>) target(%arg7 : memref<80x128xi32, #tpu.memory_space<vmem>>) target_semaphore(%run_scoped3A : memref<!tpu.dma_semaphore, #tpu.memory_space<semaphore_mem>>)
      %dma_wait3A = arith.constant 0 : i32
      %dma_wait3A_30 = arith.constant 0 : i32
      %dma_wait3A_31 = tpu.memref_slice %arg4[%add3A, %dma_wait3A, %dma_wait3A_30] : memref<32x80x128xi32, #tpu.memory_space<hbm>> -> memref<1x80x128xi32, #tpu.memory_space<hbm>>
      %dma_wait3A_32 = tpu.memref_squeeze %dma_wait3A_31 : memref<1x80x128xi32, #tpu.memory_space<hbm>> -> memref<80x128xi32, #tpu.memory_space<hbm>>
      %dma_wait3A_33 = arith.constant 0 : i32
      %dma_wait3A_34 = arith.constant 0 : i32
      %dma_wait3A_35 = tpu.memref_slice %arg4[%add3A, %dma_wait3A_33, %dma_wait3A_34] : memref<32x80x128xi32, #tpu.memory_space<hbm>> -> memref<1x80x128xi32, #tpu.memory_space<hbm>>
      %dma_wait3A_36 = tpu.memref_squeeze %dma_wait3A_35 : memref<1x80x128xi32, #tpu.memory_space<hbm>> -> memref<80x128xi32, #tpu.memory_space<hbm>>
      tpu.wait_dma2 semaphore(%run_scoped3A : memref<!tpu.dma_semaphore, #tpu.memory_space<semaphore_mem>>) src(%dma_wait3A_36 : memref<80x128xi32, #tpu.memory_space<hbm>>) dst(%arg7 : memref<80x128xi32, #tpu.memory_space<vmem>>)
      tpu.yield
    }) : () -> ()
    %scan3A = arith.constant 0 : i32
    %scan3A_3 = arith.constant 128 : i32
    %scan3A_4 = arith.addi %scan3A, %scan3A_3 : i32
    %scan3A_5 = arith.constant 1 : i32
    scf.for %scan3A_23 = %scan3A to %scan3A_4 step %scan3A_5  : i32 {
      %mul3A_24 = arith.constant 1 : i32
      %mul3A_25 = arith.muli %scan3A_23, %mul3A_24 : i32
      %add3A_26 = arith.constant 0 : i32
      %add3A_27 = arith.addi %add3A_26, %mul3A_25 : i32
      %broadcast_in_dim3A = arith.constant 0.000000e+00 : f32
      %broadcast_in_dim3A_28 = vector.broadcast %broadcast_in_dim3A : f32 to vector<16xf32>
      %scan3A_29 = arith.constant 0 : i32
      %scan3A_30 = arith.constant 8 : i32
      %scan3A_31 = arith.addi %scan3A_29, %scan3A_30 : i32
      %scan3A_32 = arith.constant 1 : i32
      scf.for %scan3A_34 = %scan3A_29 to %scan3A_31 step %scan3A_32  : i32 {
        %mul3A_35 = arith.constant 1 : i32
        %mul3A_36 = arith.muli %scan3A_34, %mul3A_35 : i32
        %add3A_37 = arith.constant 0 : i32
        %add3A_38 = arith.addi %add3A_37, %mul3A_36 : i32
        %mul3A_39 = arith.constant 16 : i32
        %mul3A_40 = arith.muli %add3A_38, %mul3A_39 : i32
        %swap3A = arith.constant 0 : i32
        %swap3A_41 = tpu.memref_slice %arg8[%add3A_27, %swap3A] : memref<128x128xf32, #tpu.memory_space<vmem>> -> memref<1x128xf32, #tpu.memory_space<vmem>>
        %swap3A_42 = tpu.memref_squeeze %swap3A_41 : memref<1x128xf32, #tpu.memory_space<vmem>> -> memref<128xf32, #tpu.memory_space<vmem>>
        %swap3A_43 = arith.index_cast %mul3A_40 : i32 to index
        %swap3A_44 = tpu.vector_load %swap3A_42[%swap3A_43] {strides = array<i32>} : memref<128xf32, #tpu.memory_space<vmem>>, vector<16xf32>,
        %swap3A_45 = vector.shape_cast %swap3A_44 : vector<16xf32> to vector<16xf32>
        %swap3A_46 = vector.shape_cast %broadcast_in_dim3A_28 : vector<16xf32> to vector<16xf32>
        tpu.vector_store %swap3A_42[%swap3A_43], %swap3A_46 {strides = array<i32>} : memref<128xf32, #tpu.memory_space<vmem>>, vector<16xf32>,
      }
      %scan3A_33 = arith.constant 8 : i32
    }
    %scan3A_6 = arith.constant 128 : i32
    %scan3A_7 = arith.constant 0 : i32
    %scan3A_8 = arith.constant 5 : i32
    %scan3A_9 = arith.addi %scan3A_7, %scan3A_8 : i32
    %scan3A_10 = arith.constant 1 : i32
    scf.for %scan3A_23 = %scan3A_7 to %scan3A_9 step %scan3A_10  : i32 {
      %mul3A_24 = arith.constant 1 : i32
      %mul3A_25 = arith.muli %scan3A_23, %mul3A_24 : i32
      %add3A_26 = arith.constant 0 : i32
      %add3A_27 = arith.addi %add3A_26, %mul3A_25 : i32
      %mul3A_28 = arith.constant 128 : i32
      %mul3A_29 = arith.muli %add3A_27, %mul3A_28 : i32
      %add3A_30 = arith.addi %mul3A_2, %mul3A_29 : i32
      "tpu.region"() ({
        %run_scoped3A = tpu.sem_alloc : memref<!tpu.dma_semaphore, #tpu.memory_space<semaphore_mem>>
        %dma_start3A = arith.constant 0 : i32
        %dma_start3A_31 = tpu.memref_slice %arg9[%add3A_30, %dma_start3A] : memref<10240x128xf32, #tpu.memory_space<vmem_shared>> -> memref<128x128xf32, #tpu.memory_space<vmem_shared>>
        %dma_start3A_32 = arith.constant 0 : i32
        %dma_start3A_33 = tpu.memref_slice %arg9[%add3A_30, %dma_start3A_32] : memref<10240x128xf32, #tpu.memory_space<vmem_shared>> -> memref<128x128xf32, #tpu.memory_space<vmem_shared>>
        tpu.enqueue_dma source(%arg8 : memref<128x128xf32, #tpu.memory_space<vmem>>) target(%dma_start3A_33 : memref<128x128xf32, #tpu.memory_space<vmem_shared>>) target_semaphore(%run_scoped3A : memref<!tpu.dma_semaphore, #tpu.memory_space<semaphore_mem>>)
        %dma_wait3A = arith.constant 0 : i32
        %dma_wait3A_34 = tpu.memref_slice %arg9[%add3A_30, %dma_wait3A] : memref<10240x128xf32, #tpu.memory_space<vmem_shared>> -> memref<128x128xf32, #tpu.memory_space<vmem_shared>>
        %dma_wait3A_35 = arith.constant 0 : i32
        %dma_wait3A_36 = tpu.memref_slice %arg9[%add3A_30, %dma_wait3A_35] : memref<10240x128xf32, #tpu.memory_space<vmem_shared>> -> memref<128x128xf32, #tpu.memory_space<vmem_shared>>
        tpu.wait_dma2 semaphore(%run_scoped3A : memref<!tpu.dma_semaphore, #tpu.memory_space<semaphore_mem>>) src(%arg8 : memref<128x128xf32, #tpu.memory_space<vmem>>) dst(%dma_wait3A_36 : memref<128x128xf32, #tpu.memory_space<vmem_shared>>)
        tpu.yield
      }) : () -> ()
    }
    %scan3A_11 = arith.constant 5 : i32
    %barrier3A = arith.constant 0 : index
    tpu.barrier barrier_id(%barrier3A)
    %scan3A_12 = arith.constant 0 : i32
    %scan3A_13 = arith.constant 80 : i32
    %scan3A_14 = arith.addi %scan3A_12, %scan3A_13 : i32
    %scan3A_15 = arith.constant 1 : i32
    scf.for %scan3A_23 = %scan3A_12 to %scan3A_14 step %scan3A_15  : i32 {
      %mul3A_24 = arith.constant 1 : i32
      %mul3A_25 = arith.muli %scan3A_23, %mul3A_24 : i32
      %add3A_26 = arith.constant 0 : i32
      %add3A_27 = arith.addi %add3A_26, %mul3A_25 : i32
      %dma_start3A = arith.constant 0 : i32
      %dma_start3A_28 = tpu.memref_slice %arg6[%add3A_27, %dma_start3A] : memref<80x128xi32, #tpu.memory_space<vmem>> -> memref<1x128xi32, #tpu.memory_space<vmem>>
      %dma_start3A_29 = tpu.memref_squeeze %dma_start3A_28 : memref<1x128xi32, #tpu.memory_space<vmem>> -> memref<128xi32, #tpu.memory_space<vmem>>
      %dma_start3A_30 = arith.constant 0 : i32
      %dma_start3A_31 = arith.constant 0 : i32
      %dma_start3A_32 = tpu.memref_slice %arg2[%dma_start3A_30, %dma_start3A_31] : memref<10000x128xf32, #tpu.memory_space<hbm>> -> memref<10000x128xf32, #tpu.memory_space<hbm>>
      tpu.enqueue_indirect_dma source(%dma_start3A_32 : memref<10000x128xf32, #tpu.memory_space<hbm>>) target(%arg8 : memref<128x128xf32, #tpu.memory_space<vmem>>) offsets(%dma_start3A_29 : memref<128xi32, #tpu.memory_space<vmem>>) semaphore(%arg10 : memref<!tpu.dma_semaphore, #tpu.memory_space<semaphore_mem>>)
      %dma_wait3A = arith.constant 0 : i32
      %dma_wait3A_33 = tpu.memref_slice %arg6[%add3A_27, %dma_wait3A] : memref<80x128xi32, #tpu.memory_space<vmem>> -> memref<1x128xi32, #tpu.memory_space<vmem>>
      %dma_wait3A_34 = tpu.memref_squeeze %dma_wait3A_33 : memref<1x128xi32, #tpu.memory_space<vmem>> -> memref<128xi32, #tpu.memory_space<vmem>>
      %dma_wait3A_35 = arith.constant 0 : i32
      %dma_wait3A_36 = arith.constant 0 : i32
      %dma_wait3A_37 = tpu.memref_slice %arg2[%dma_wait3A_35, %dma_wait3A_36] : memref<10000x128xf32, #tpu.memory_space<hbm>> -> memref<10000x128xf32, #tpu.memory_space<hbm>>
      tpu.wait_indirect_dma semaphore(%arg10 : memref<!tpu.dma_semaphore, #tpu.memory_space<semaphore_mem>>) src(%dma_wait3A_37 : memref<10000x128xf32, #tpu.memory_space<hbm>>) dst(%arg8 : memref<128x128xf32, #tpu.memory_space<vmem>>)
      "tpu.region"() ({
        %run_scoped3A = tpu.sem_alloc : memref<!tpu.dma_semaphore, #tpu.memory_space<semaphore_mem>>
        %dma_start3A_38 = arith.constant 0 : i32
        %dma_start3A_39 = tpu.memref_slice %arg7[%add3A_27, %dma_start3A_38] : memref<80x128xi32, #tpu.memory_space<vmem>> -> memref<1x128xi32, #tpu.memory_space<vmem>>
        %dma_start3A_40 = tpu.memref_squeeze %dma_start3A_39 : memref<1x128xi32, #tpu.memory_space<vmem>> -> memref<128xi32, #tpu.memory_space<vmem>>
        %dma_start3A_41 = arith.constant 0 : i32
        %dma_start3A_42 = arith.constant 0 : i32
        %dma_start3A_43 = tpu.memref_slice %arg9[%dma_start3A_41, %dma_start3A_42] : memref<10240x128xf32, #tpu.memory_space<vmem_shared>> -> memref<10240x128xf32, #tpu.memory_space<vmem_shared>>
        tpu.enqueue_indirect_dma source(%arg8 : memref<128x128xf32, #tpu.memory_space<vmem>>) target(%dma_start3A_43 : memref<10240x128xf32, #tpu.memory_space<vmem_shared>>) offsets(%dma_start3A_40 : memref<128xi32, #tpu.memory_space<vmem>>) semaphore(%run_scoped3A : memref<!tpu.dma_semaphore, #tpu.memory_space<semaphore_mem>>) {add = true}
        %dma_wait3A_44 = arith.constant 0 : i32
        %dma_wait3A_45 = tpu.memref_slice %arg7[%add3A_27, %dma_wait3A_44] : memref<80x128xi32, #tpu.memory_space<vmem>> -> memref<1x128xi32, #tpu.memory_space<vmem>>
        %dma_wait3A_46 = tpu.memref_squeeze %dma_wait3A_45 : memref<1x128xi32, #tpu.memory_space<vmem>> -> memref<128xi32, #tpu.memory_space<vmem>>
        %dma_wait3A_47 = arith.constant 0 : i32
        %dma_wait3A_48 = arith.constant 0 : i32
        %dma_wait3A_49 = tpu.memref_slice %arg9[%dma_wait3A_47, %dma_wait3A_48] : memref<10240x128xf32, #tpu.memory_space<vmem_shared>> -> memref<10240x128xf32, #tpu.memory_space<vmem_shared>>
        tpu.wait_indirect_dma semaphore(%run_scoped3A : memref<!tpu.dma_semaphore, #tpu.memory_space<semaphore_mem>>) src(%arg8 : memref<128x128xf32, #tpu.memory_space<vmem>>) dst(%dma_wait3A_49 : memref<10240x128xf32, #tpu.memory_space<vmem_shared>>)
        tpu.yield
      }) : () -> ()
    }
    %scan3A_16 = arith.constant 80 : i32
    %barrier3A_17 = arith.constant 0 : index
    tpu.barrier barrier_id(%barrier3A_17)
    %scan3A_18 = arith.constant 0 : i32
    %scan3A_19 = arith.constant 5 : i32
    %scan3A_20 = arith.addi %scan3A_18, %scan3A_19 : i32
    %scan3A_21 = arith.constant 1 : i32
    scf.for %scan3A_23 = %scan3A_18 to %scan3A_20 step %scan3A_21  : i32 {
      %mul3A_24 = arith.constant 1 : i32
      %mul3A_25 = arith.muli %scan3A_23, %mul3A_24 : i32
      %add3A_26 = arith.constant 0 : i32
      %add3A_27 = arith.addi %add3A_26, %mul3A_25 : i32
      %mul3A_28 = arith.constant 128 : i32
      %mul3A_29 = arith.muli %add3A_27, %mul3A_28 : i32
      %add3A_30 = arith.addi %mul3A_2, %mul3A_29 : i32
      "tpu.region"() ({
        %run_scoped3A = tpu.sem_alloc : memref<!tpu.dma_semaphore, #tpu.memory_space<semaphore_mem>>
        %dma_start3A = arith.constant 0 : i32
        %dma_start3A_31 = tpu.memref_slice %arg9[%add3A_30, %dma_start3A] : memref<10240x128xf32, #tpu.memory_space<vmem_shared>> -> memref<128x128xf32, #tpu.memory_space<vmem_shared>>
        %dma_start3A_32 = arith.constant 0 : i32
        %dma_start3A_33 = tpu.memref_slice %arg9[%add3A_30, %dma_start3A_32] : memref<10240x128xf32, #tpu.memory_space<vmem_shared>> -> memref<128x128xf32, #tpu.memory_space<vmem_shared>>
        tpu.enqueue_dma source(%dma_start3A_33 : memref<128x128xf32, #tpu.memory_space<vmem_shared>>) target(%arg8 : memref<128x128xf32, #tpu.memory_space<vmem>>) target_semaphore(%run_scoped3A : memref<!tpu.dma_semaphore, #tpu.memory_space<semaphore_mem>>)
        %dma_wait3A = arith.constant 0 : i32
        %dma_wait3A_34 = tpu.memref_slice %arg9[%add3A_30, %dma_wait3A] : memref<10240x128xf32, #tpu.memory_space<vmem_shared>> -> memref<128x128xf32, #tpu.memory_space<vmem_shared>>
        %dma_wait3A_35 = arith.constant 0 : i32
        %dma_wait3A_36 = tpu.memref_slice %arg9[%add3A_30, %dma_wait3A_35] : memref<10240x128xf32, #tpu.memory_space<vmem_shared>> -> memref<128x128xf32, #tpu.memory_space<vmem_shared>>
        tpu.wait_dma2 semaphore(%run_scoped3A : memref<!tpu.dma_semaphore, #tpu.memory_space<semaphore_mem>>) src(%dma_wait3A_36 : memref<128x128xf32, #tpu.memory_space<vmem_shared>>) dst(%arg8 : memref<128x128xf32, #tpu.memory_space<vmem>>)
        tpu.yield
      }) : () -> ()
      "tpu.region"() ({
        %run_scoped3A = tpu.sem_alloc : memref<!tpu.dma_semaphore, #tpu.memory_space<semaphore_mem>>
        %dma_start3A = arith.constant 0 : i32
        %dma_start3A_31 = tpu.memref_slice %arg5[%arg0, %add3A_30, %dma_start3A] : memref<2x10240x128xf32, #tpu.memory_space<hbm>> -> memref<1x128x128xf32, #tpu.memory_space<hbm>>
        %dma_start3A_32 = tpu.memref_squeeze %dma_start3A_31 : memref<1x128x128xf32, #tpu.memory_space<hbm>> -> memref<128x128xf32, #tpu.memory_space<hbm>>
        %dma_start3A_33 = arith.constant 0 : i32
        %dma_start3A_34 = tpu.memref_slice %arg5[%arg0, %add3A_30, %dma_start3A_33] : memref<2x10240x128xf32, #tpu.memory_space<hbm>> -> memref<1x128x128xf32, #tpu.memory_space<hbm>>
        %dma_start3A_35 = tpu.memref_squeeze %dma_start3A_34 : memref<1x128x128xf32, #tpu.memory_space<hbm>> -> memref<128x128xf32, #tpu.memory_space<hbm>>
        tpu.enqueue_dma source(%arg8 : memref<128x128xf32, #tpu.memory_space<vmem>>) target(%dma_start3A_35 : memref<128x128xf32, #tpu.memory_space<hbm>>) target_semaphore(%run_scoped3A : memref<!tpu.dma_semaphore, #tpu.memory_space<semaphore_mem>>)
        %dma_wait3A = arith.constant 0 : i32
        %dma_wait3A_36 = tpu.memref_slice %arg5[%arg0, %add3A_30, %dma_wait3A] : memref<2x10240x128xf32, #tpu.memory_space<hbm>> -> memref<1x128x128xf32, #tpu.memory_space<hbm>>
        %dma_wait3A_37 = tpu.memref_squeeze %dma_wait3A_36 : memref<1x128x128xf32, #tpu.memory_space<hbm>> -> memref<128x128xf32, #tpu.memory_space<hbm>>
        %dma_wait3A_38 = arith.constant 0 : i32
        %dma_wait3A_39 = tpu.memref_slice %arg5[%arg0, %add3A_30, %dma_wait3A_38] : memref<2x10240x128xf32, #tpu.memory_space<hbm>> -> memref<1x128x128xf32, #tpu.memory_space<hbm>>
        %dma_wait3A_40 = tpu.memref_squeeze %dma_wait3A_39 : memref<1x128x128xf32, #tpu.memory_space<hbm>> -> memref<128x128xf32, #tpu.memory_space<hbm>>
        tpu.wait_dma2 semaphore(%run_scoped3A : memref<!tpu.dma_semaphore, #tpu.memory_space<semaphore_mem>>) src(%arg8 : memref<128x128xf32, #tpu.memory_space<vmem>>) dst(%dma_wait3A_40 : memref<128x128xf32, #tpu.memory_space<hbm>>)
        tpu.yield
      }) : () -> ()
    }
    %scan3A_22 = arith.constant 5 : i32
    return
  }
}

#map = affine_map<(d0, d1) -> (0, 0)>
#map1 = affine_map<(d0, d1) -> (0, 0, 0)>
module attributes {stable_mosaic.version = 14 : i64} {
  func.func @_sc_scatter(%arg0: i32, %arg1: i32, %arg2: memref<10000x128xf32, #tpu.memory_space<hbm>>, %arg3: memref<32x80x128xi32, #tpu.memory_space<hbm>>, %arg4: memref<32x80x128xi32, #tpu.memory_space<hbm>>, %arg5: memref<2x10240x128xf32, #tpu.memory_space<hbm>>, %arg6: memref<80x128xi32, #tpu.memory_space<vmem>>, %arg7: memref<80x128xi32, #tpu.memory_space<vmem>>, %arg8: memref<128x128xf32, #tpu.memory_space<vmem>>, %arg9: memref<10240x128xf32, #tpu.memory_space<vmem_shared>>, %arg10: memref<!tpu.dma_semaphore, #tpu.memory_space<semaphore_mem>>) attributes {dimension_semantics = [#tpu.dimension_semantics<core_parallel>, #tpu.dimension_semantics<subcore_parallel>], iteration_bounds = array<i64: 2, 16>, scalar_prefetch = 0 : i64, scratch_operands = 5 : i64, tpu.core_type = #tpu.core_type<sc_vector_subcore>, window_params = [{transform_indices = #map}, {transform_indices = #map1}, {transform_indices = #map1}, {transform_indices = #map1}]} {
    %mul3A = arith.constant 2 : i32
    %mul3A_0 = arith.muli %arg1, %mul3A : i32
    %add3A = arith.addi %mul3A_0, %arg0 : i32
    %mul3A_1 = arith.constant 640 : i32
    %mul3A_2 = arith.muli %arg1, %mul3A_1 : i32
    "tpu.region"() ({
      %run_scoped3A = tpu.sem_alloc : memref<!tpu.dma_semaphore, #tpu.memory_space<semaphore_mem>>
      %dma_start3A = arith.constant 0 : i32
      %dma_start3A_23 = arith.constant 0 : i32
      %dma_start3A_24 = tpu.memref_slice %arg3[%add3A, %dma_start3A, %dma_start3A_23] : memref<32x80x128xi32, #tpu.memory_space<hbm>> -> memref<1x80x128xi32, #tpu.memory_space<hbm>>
      %dma_start3A_25 = tpu.memref_squeeze %dma_start3A_24 : memref<1x80x128xi32, #tpu.memory_space<hbm>> -> memref<80x128xi32, #tpu.memory_space<hbm>>
      %dma_start3A_26 = arith.constant 0 : i32
      %dma_start3A_27 = arith.constant 0 : i32
      %dma_start3A_28 = tpu.memref_slice %arg3[%add3A, %dma_start3A_26, %dma_start3A_27] : memref<32x80x128xi32, #tpu.memory_space<hbm>> -> memref<1x80x128xi32, #tpu.memory_space<hbm>>
      %dma_start3A_29 = tpu.memref_squeeze %dma_start3A_28 : memref<1x80x128xi32, #tpu.memory_space<hbm>> -> memref<80x128xi32, #tpu.memory_space<hbm>>
      tpu.enqueue_dma source(%dma_start3A_29 : memref<80x128xi32, #tpu.memory_space<hbm>>) target(%arg6 : memref<80x128xi32, #tpu.memory_space<vmem>>) target_semaphore(%run_scoped3A : memref<!tpu.dma_semaphore, #tpu.memory_space<semaphore_mem>>)
      %dma_wait3A = arith.constant 0 : i32
      %dma_wait3A_30 = arith.constant 0 : i32
      %dma_wait3A_31 = tpu.memref_slice %arg3[%add3A, %dma_wait3A, %dma_wait3A_30] : memref<32x80x128xi32, #tpu.memory_space<hbm>> -> memref<1x80x128xi32, #tpu.memory_space<hbm>>
      %dma_wait3A_32 = tpu.memref_squeeze %dma_wait3A_31 : memref<1x80x128xi32, #tpu.memory_space<hbm>> -> memref<80x128xi32, #tpu.memory_space<hbm>>
      %dma_wait3A_33 = arith.constant 0 : i32
      %dma_wait3A_34 = arith.constant 0 : i32
      %dma_wait3A_35 = tpu.memref_slice %arg3[%add3A, %dma_wait3A_33, %dma_wait3A_34] : memref<32x80x128xi32, #tpu.memory_space<hbm>> -> memref<1x80x128xi32, #tpu.memory_space<hbm>>
      %dma_wait3A_36 = tpu.memref_squeeze %dma_wait3A_35 : memref<1x80x128xi32, #tpu.memory_space<hbm>> -> memref<80x128xi32, #tpu.memory_space<hbm>>
      tpu.wait_dma2 semaphore(%run_scoped3A : memref<!tpu.dma_semaphore, #tpu.memory_space<semaphore_mem>>) src(%dma_wait3A_36 : memref<80x128xi32, #tpu.memory_space<hbm>>) dst(%arg6 : memref<80x128xi32, #tpu.memory_space<vmem>>)
      tpu.yield
    }) : () -> ()
    "tpu.region"() ({
      %run_scoped3A = tpu.sem_alloc : memref<!tpu.dma_semaphore, #tpu.memory_space<semaphore_mem>>
      %dma_start3A = arith.constant 0 : i32
      %dma_start3A_23 = arith.constant 0 : i32
      %dma_start3A_24 = tpu.memref_slice %arg4[%add3A, %dma_start3A, %dma_start3A_23] : memref<32x80x128xi32, #tpu.memory_space<hbm>> -> memref<1x80x128xi32, #tpu.memory_space<hbm>>
      %dma_start3A_25 = tpu.memref_squeeze %dma_start3A_24 : memref<1x80x128xi32, #tpu.memory_space<hbm>> -> memref<80x128xi32, #tpu.memory_space<hbm>>
      %dma_start3A_26 = arith.constant 0 : i32
      %dma_start3A_27 = arith.constant 0 : i32
      %dma_start3A_28 = tpu.memref_slice %arg4[%add3A, %dma_start3A_26, %dma_start3A_27] : memref<32x80x128xi32, #tpu.memory_space<hbm>> -> memref<1x80x128xi32, #tpu.memory_space<hbm>>
      %dma_start3A_29 = tpu.memref_squeeze %dma_start3A_28 : memref<1x80x128xi32, #tpu.memory_space<hbm>> -> memref<80x128xi32, #tpu.memory_space<hbm>>
      tpu.enqueue_dma source(%dma_start3A_29 : memref<80x128xi32, #tpu.memory_space<hbm>>) target(%arg7 : memref<80x128xi32, #tpu.memory_space<vmem>>) target_semaphore(%run_scoped3A : memref<!tpu.dma_semaphore, #tpu.memory_space<semaphore_mem>>)
      %dma_wait3A = arith.constant 0 : i32
      %dma_wait3A_30 = arith.constant 0 : i32
      %dma_wait3A_31 = tpu.memref_slice %arg4[%add3A, %dma_wait3A, %dma_wait3A_30] : memref<32x80x128xi32, #tpu.memory_space<hbm>> -> memref<1x80x128xi32, #tpu.memory_space<hbm>>
      %dma_wait3A_32 = tpu.memref_squeeze %dma_wait3A_31 : memref<1x80x128xi32, #tpu.memory_space<hbm>> -> memref<80x128xi32, #tpu.memory_space<hbm>>
      %dma_wait3A_33 = arith.constant 0 : i32
      %dma_wait3A_34 = arith.constant 0 : i32
      %dma_wait3A_35 = tpu.memref_slice %arg4[%add3A, %dma_wait3A_33, %dma_wait3A_34] : memref<32x80x128xi32, #tpu.memory_space<hbm>> -> memref<1x80x128xi32, #tpu.memory_space<hbm>>
      %dma_wait3A_36 = tpu.memref_squeeze %dma_wait3A_35 : memref<1x80x128xi32, #tpu.memory_space<hbm>> -> memref<80x128xi32, #tpu.memory_space<hbm>>
      tpu.wait_dma2 semaphore(%run_scoped3A : memref<!tpu.dma_semaphore, #tpu.memory_space<semaphore_mem>>) src(%dma_wait3A_36 : memref<80x128xi32, #tpu.memory_space<hbm>>) dst(%arg7 : memref<80x128xi32, #tpu.memory_space<vmem>>)
      tpu.yield
    }) : () -> ()
    %scan3A = arith.constant 0 : i32
    %scan3A_3 = arith.constant 128 : i32
    %scan3A_4 = arith.addi %scan3A, %scan3A_3 : i32
    %scan3A_5 = arith.constant 1 : i32
    scf.for %scan3A_23 = %scan3A to %scan3A_4 step %scan3A_5  : i32 {
      %mul3A_24 = arith.constant 1 : i32
      %mul3A_25 = arith.muli %scan3A_23, %mul3A_24 : i32
      %add3A_26 = arith.constant 0 : i32
      %add3A_27 = arith.addi %add3A_26, %mul3A_25 : i32
      %broadcast_in_dim3A = arith.constant 0.000000e+00 : f32
      %broadcast_in_dim3A_28 = vector.broadcast %broadcast_in_dim3A : f32 to vector<16xf32>
      %scan3A_29 = arith.constant 0 : i32
      %scan3A_30 = arith.constant 8 : i32
      %scan3A_31 = arith.addi %scan3A_29, %scan3A_30 : i32
      %scan3A_32 = arith.constant 1 : i32
      scf.for %scan3A_34 = %scan3A_29 to %scan3A_31 step %scan3A_32  : i32 {
        %mul3A_35 = arith.constant 1 : i32
        %mul3A_36 = arith.muli %scan3A_34, %mul3A_35 : i32
        %add3A_37 = arith.constant 0 : i32
        %add3A_38 = arith.addi %add3A_37, %mul3A_36 : i32
        %mul3A_39 = arith.constant 16 : i32
        %mul3A_40 = arith.muli %add3A_38, %mul3A_39 : i32
        %swap3A = arith.constant 0 : i32
        %swap3A_41 = tpu.memref_slice %arg8[%add3A_27, %swap3A] : memref<128x128xf32, #tpu.memory_space<vmem>> -> memref<1x128xf32, #tpu.memory_space<vmem>>
        %swap3A_42 = tpu.memref_squeeze %swap3A_41 : memref<1x128xf32, #tpu.memory_space<vmem>> -> memref<128xf32, #tpu.memory_space<vmem>>
        %swap3A_43 = arith.index_cast %mul3A_40 : i32 to index
        %swap3A_44 = tpu.vector_load %swap3A_42[%swap3A_43] {strides = array<i32>} : memref<128xf32, #tpu.memory_space<vmem>>, vector<16xf32>,
        %swap3A_45 = vector.shape_cast %swap3A_44 : vector<16xf32> to vector<16xf32>
        %swap3A_46 = vector.shape_cast %broadcast_in_dim3A_28 : vector<16xf32> to vector<16xf32>
        tpu.vector_store %swap3A_42[%swap3A_43], %swap3A_46 {strides = array<i32>} : memref<128xf32, #tpu.memory_space<vmem>>, vector<16xf32>,
      }
      %scan3A_33 = arith.constant 8 : i32
    }
    %scan3A_6 = arith.constant 128 : i32
    %scan3A_7 = arith.constant 0 : i32
    %scan3A_8 = arith.constant 5 : i32
    %scan3A_9 = arith.addi %scan3A_7, %scan3A_8 : i32
    %scan3A_10 = arith.constant 1 : i32
    scf.for %scan3A_23 = %scan3A_7 to %scan3A_9 step %scan3A_10  : i32 {
      %mul3A_24 = arith.constant 1 : i32
      %mul3A_25 = arith.muli %scan3A_23, %mul3A_24 : i32
      %add3A_26 = arith.constant 0 : i32
      %add3A_27 = arith.addi %add3A_26, %mul3A_25 : i32
      %mul3A_28 = arith.constant 128 : i32
      %mul3A_29 = arith.muli %add3A_27, %mul3A_28 : i32
      %add3A_30 = arith.addi %mul3A_2, %mul3A_29 : i32
      "tpu.region"() ({
        %run_scoped3A = tpu.sem_alloc : memref<!tpu.dma_semaphore, #tpu.memory_space<semaphore_mem>>
        %dma_start3A = arith.constant 0 : i32
        %dma_start3A_31 = tpu.memref_slice %arg9[%add3A_30, %dma_start3A] : memref<10240x128xf32, #tpu.memory_space<vmem_shared>> -> memref<128x128xf32, #tpu.memory_space<vmem_shared>>
        %dma_start3A_32 = arith.constant 0 : i32
        %dma_start3A_33 = tpu.memref_slice %arg9[%add3A_30, %dma_start3A_32] : memref<10240x128xf32, #tpu.memory_space<vmem_shared>> -> memref<128x128xf32, #tpu.memory_space<vmem_shared>>
        tpu.enqueue_dma source(%arg8 : memref<128x128xf32, #tpu.memory_space<vmem>>) target(%dma_start3A_33 : memref<128x128xf32, #tpu.memory_space<vmem_shared>>) target_semaphore(%run_scoped3A : memref<!tpu.dma_semaphore, #tpu.memory_space<semaphore_mem>>)
        %dma_wait3A = arith.constant 0 : i32
        %dma_wait3A_34 = tpu.memref_slice %arg9[%add3A_30, %dma_wait3A] : memref<10240x128xf32, #tpu.memory_space<vmem_shared>> -> memref<128x128xf32, #tpu.memory_space<vmem_shared>>
        %dma_wait3A_35 = arith.constant 0 : i32
        %dma_wait3A_36 = tpu.memref_slice %arg9[%add3A_30, %dma_wait3A_35] : memref<10240x128xf32, #tpu.memory_space<vmem_shared>> -> memref<128x128xf32, #tpu.memory_space<vmem_shared>>
        tpu.wait_dma2 semaphore(%run_scoped3A : memref<!tpu.dma_semaphore, #tpu.memory_space<semaphore_mem>>) src(%arg8 : memref<128x128xf32, #tpu.memory_space<vmem>>) dst(%dma_wait3A_36 : memref<128x128xf32, #tpu.memory_space<vmem_shared>>)
        tpu.yield
      }) : () -> ()
    }
    %scan3A_11 = arith.constant 5 : i32
    %barrier3A = arith.constant 0 : index
    tpu.barrier barrier_id(%barrier3A)
    %scan3A_12 = arith.constant 0 : i32
    %scan3A_13 = arith.constant 80 : i32
    %scan3A_14 = arith.addi %scan3A_12, %scan3A_13 : i32
    %scan3A_15 = arith.constant 1 : i32
    scf.for %scan3A_23 = %scan3A_12 to %scan3A_14 step %scan3A_15  : i32 {
      %mul3A_24 = arith.constant 1 : i32
      %mul3A_25 = arith.muli %scan3A_23, %mul3A_24 : i32
      %add3A_26 = arith.constant 0 : i32
      %add3A_27 = arith.addi %add3A_26, %mul3A_25 : i32
      %dma_start3A = arith.constant 0 : i32
      %dma_start3A_28 = tpu.memref_slice %arg6[%add3A_27, %dma_start3A] : memref<80x128xi32, #tpu.memory_space<vmem>> -> memref<1x128xi32, #tpu.memory_space<vmem>>
      %dma_start3A_29 = tpu.memref_squeeze %dma_start3A_28 : memref<1x128xi32, #tpu.memory_space<vmem>> -> memref<128xi32, #tpu.memory_space<vmem>>
      %dma_start3A_30 = arith.constant 0 : i32
      %dma_start3A_31 = arith.constant 0 : i32
      %dma_start3A_32 = tpu.memref_slice %arg2[%dma_start3A_30, %dma_start3A_31] : memref<10000x128xf32, #tpu.memory_space<hbm>> -> memref<10000x128xf32, #tpu.memory_space<hbm>>
      tpu.enqueue_indirect_dma source(%dma_start3A_32 : memref<10000x128xf32, #tpu.memory_space<hbm>>) target(%arg8 : memref<128x128xf32, #tpu.memory_space<vmem>>) offsets(%dma_start3A_29 : memref<128xi32, #tpu.memory_space<vmem>>) semaphore(%arg10 : memref<!tpu.dma_semaphore, #tpu.memory_space<semaphore_mem>>)
      %dma_wait3A = arith.constant 0 : i32
      %dma_wait3A_33 = tpu.memref_slice %arg6[%add3A_27, %dma_wait3A] : memref<80x128xi32, #tpu.memory_space<vmem>> -> memref<1x128xi32, #tpu.memory_space<vmem>>
      %dma_wait3A_34 = tpu.memref_squeeze %dma_wait3A_33 : memref<1x128xi32, #tpu.memory_space<vmem>> -> memref<128xi32, #tpu.memory_space<vmem>>
      %dma_wait3A_35 = arith.constant 0 : i32
      %dma_wait3A_36 = arith.constant 0 : i32
      %dma_wait3A_37 = tpu.memref_slice %arg2[%dma_wait3A_35, %dma_wait3A_36] : memref<10000x128xf32, #tpu.memory_space<hbm>> -> memref<10000x128xf32, #tpu.memory_space<hbm>>
      tpu.wait_indirect_dma semaphore(%arg10 : memref<!tpu.dma_semaphore, #tpu.memory_space<semaphore_mem>>) src(%dma_wait3A_37 : memref<10000x128xf32, #tpu.memory_space<hbm>>) dst(%arg8 : memref<128x128xf32, #tpu.memory_space<vmem>>)
      "tpu.region"() ({
        %run_scoped3A = tpu.sem_alloc : memref<!tpu.dma_semaphore, #tpu.memory_space<semaphore_mem>>
        %dma_start3A_38 = arith.constant 0 : i32
        %dma_start3A_39 = tpu.memref_slice %arg7[%add3A_27, %dma_start3A_38] : memref<80x128xi32, #tpu.memory_space<vmem>> -> memref<1x128xi32, #tpu.memory_space<vmem>>
        %dma_start3A_40 = tpu.memref_squeeze %dma_start3A_39 : memref<1x128xi32, #tpu.memory_space<vmem>> -> memref<128xi32, #tpu.memory_space<vmem>>
        %dma_start3A_41 = arith.constant 0 : i32
        %dma_start3A_42 = arith.constant 0 : i32
        %dma_start3A_43 = tpu.memref_slice %arg9[%dma_start3A_41, %dma_start3A_42] : memref<10240x128xf32, #tpu.memory_space<vmem_shared>> -> memref<10240x128xf32, #tpu.memory_space<vmem_shared>>
        tpu.enqueue_indirect_dma source(%arg8 : memref<128x128xf32, #tpu.memory_space<vmem>>) target(%dma_start3A_43 : memref<10240x128xf32, #tpu.memory_space<vmem_shared>>) offsets(%dma_start3A_40 : memref<128xi32, #tpu.memory_space<vmem>>) semaphore(%run_scoped3A : memref<!tpu.dma_semaphore, #tpu.memory_space<semaphore_mem>>) {add = true}
        %dma_wait3A_44 = arith.constant 0 : i32
        %dma_wait3A_45 = tpu.memref_slice %arg7[%add3A_27, %dma_wait3A_44] : memref<80x128xi32, #tpu.memory_space<vmem>> -> memref<1x128xi32, #tpu.memory_space<vmem>>
        %dma_wait3A_46 = tpu.memref_squeeze %dma_wait3A_45 : memref<1x128xi32, #tpu.memory_space<vmem>> -> memref<128xi32, #tpu.memory_space<vmem>>
        %dma_wait3A_47 = arith.constant 0 : i32
        %dma_wait3A_48 = arith.constant 0 : i32
        %dma_wait3A_49 = tpu.memref_slice %arg9[%dma_wait3A_47, %dma_wait3A_48] : memref<10240x128xf32, #tpu.memory_space<vmem_shared>> -> memref<10240x128xf32, #tpu.memory_space<vmem_shared>>
        tpu.wait_indirect_dma semaphore(%run_scoped3A : memref<!tpu.dma_semaphore, #tpu.memory_space<semaphore_mem>>) src(%arg8 : memref<128x128xf32, #tpu.memory_space<vmem>>) dst(%dma_wait3A_49 : memref<10240x128xf32, #tpu.memory_space<vmem_shared>>)
        tpu.yield
      }) : () -> ()
    }
    %scan3A_16 = arith.constant 80 : i32
    %barrier3A_17 = arith.constant 0 : index
    tpu.barrier barrier_id(%barrier3A_17)
    %scan3A_18 = arith.constant 0 : i32
    %scan3A_19 = arith.constant 5 : i32
    %scan3A_20 = arith.addi %scan3A_18, %scan3A_19 : i32
    %scan3A_21 = arith.constant 1 : i32
    scf.for %scan3A_23 = %scan3A_18 to %scan3A_20 step %scan3A_21  : i32 {
      %mul3A_24 = arith.constant 1 : i32
      %mul3A_25 = arith.muli %scan3A_23, %mul3A_24 : i32
      %add3A_26 = arith.constant 0 : i32
      %add3A_27 = arith.addi %add3A_26, %mul3A_25 : i32
      %mul3A_28 = arith.constant 128 : i32
      %mul3A_29 = arith.muli %add3A_27, %mul3A_28 : i32
      %add3A_30 = arith.addi %mul3A_2, %mul3A_29 : i32
      "tpu.region"() ({
        %run_scoped3A = tpu.sem_alloc : memref<!tpu.dma_semaphore, #tpu.memory_space<semaphore_mem>>
        %dma_start3A = arith.constant 0 : i32
        %dma_start3A_31 = tpu.memref_slice %arg9[%add3A_30, %dma_start3A] : memref<10240x128xf32, #tpu.memory_space<vmem_shared>> -> memref<128x128xf32, #tpu.memory_space<vmem_shared>>
        %dma_start3A_32 = arith.constant 0 : i32
        %dma_start3A_33 = tpu.memref_slice %arg9[%add3A_30, %dma_start3A_32] : memref<10240x128xf32, #tpu.memory_space<vmem_shared>> -> memref<128x128xf32, #tpu.memory_space<vmem_shared>>
        tpu.enqueue_dma source(%dma_start3A_33 : memref<128x128xf32, #tpu.memory_space<vmem_shared>>) target(%arg8 : memref<128x128xf32, #tpu.memory_space<vmem>>) target_semaphore(%run_scoped3A : memref<!tpu.dma_semaphore, #tpu.memory_space<semaphore_mem>>)
        %dma_wait3A = arith.constant 0 : i32
        %dma_wait3A_34 = tpu.memref_slice %arg9[%add3A_30, %dma_wait3A] : memref<10240x128xf32, #tpu.memory_space<vmem_shared>> -> memref<128x128xf32, #tpu.memory_space<vmem_shared>>
        %dma_wait3A_35 = arith.constant 0 : i32
        %dma_wait3A_36 = tpu.memref_slice %arg9[%add3A_30, %dma_wait3A_35] : memref<10240x128xf32, #tpu.memory_space<vmem_shared>> -> memref<128x128xf32, #tpu.memory_space<vmem_shared>>
        tpu.wait_dma2 semaphore(%run_scoped3A : memref<!tpu.dma_semaphore, #tpu.memory_space<semaphore_mem>>) src(%dma_wait3A_36 : memref<128x128xf32, #tpu.memory_space<vmem_shared>>) dst(%arg8 : memref<128x128xf32, #tpu.memory_space<vmem>>)
        tpu.yield
      }) : () -> ()
      "tpu.region"() ({
        %run_scoped3A = tpu.sem_alloc : memref<!tpu.dma_semaphore, #tpu.memory_space<semaphore_mem>>
        %dma_start3A = arith.constant 0 : i32
        %dma_start3A_31 = tpu.memref_slice %arg5[%arg0, %add3A_30, %dma_start3A] : memref<2x10240x128xf32, #tpu.memory_space<hbm>> -> memref<1x128x128xf32, #tpu.memory_space<hbm>>
        %dma_start3A_32 = tpu.memref_squeeze %dma_start3A_31 : memref<1x128x128xf32, #tpu.memory_space<hbm>> -> memref<128x128xf32, #tpu.memory_space<hbm>>
        %dma_start3A_33 = arith.constant 0 : i32
        %dma_start3A_34 = tpu.memref_slice %arg5[%arg0, %add3A_30, %dma_start3A_33] : memref<2x10240x128xf32, #tpu.memory_space<hbm>> -> memref<1x128x128xf32, #tpu.memory_space<hbm>>
        %dma_start3A_35 = tpu.memref_squeeze %dma_start3A_34 : memref<1x128x128xf32, #tpu.memory_space<hbm>> -> memref<128x128xf32, #tpu.memory_space<hbm>>
        tpu.enqueue_dma source(%arg8 : memref<128x128xf32, #tpu.memory_space<vmem>>) target(%dma_start3A_35 : memref<128x128xf32, #tpu.memory_space<hbm>>) target_semaphore(%run_scoped3A : memref<!tpu.dma_semaphore, #tpu.memory_space<semaphore_mem>>)
        %dma_wait3A = arith.constant 0 : i32
        %dma_wait3A_36 = tpu.memref_slice %arg5[%arg0, %add3A_30, %dma_wait3A] : memref<2x10240x128xf32, #tpu.memory_space<hbm>> -> memref<1x128x128xf32, #tpu.memory_space<hbm>>
        %dma_wait3A_37 = tpu.memref_squeeze %dma_wait3A_36 : memref<1x128x128xf32, #tpu.memory_space<hbm>> -> memref<128x128xf32, #tpu.memory_space<hbm>>
        %dma_wait3A_38 = arith.constant 0 : i32
        %dma_wait3A_39 = tpu.memref_slice %arg5[%arg0, %add3A_30, %dma_wait3A_38] : memref<2x10240x128xf32, #tpu.memory_space<hbm>> -> memref<1x128x128xf32, #tpu.memory_space<hbm>>
        %dma_wait3A_40 = tpu.memref_squeeze %dma_wait3A_39 : memref<1x128x128xf32, #tpu.memory_space<hbm>> -> memref<128x128xf32, #tpu.memory_space<hbm>>
        tpu.wait_dma2 semaphore(%run_scoped3A : memref<!tpu.dma_semaphore, #tpu.memory_space<semaphore_mem>>) src(%arg8 : memref<128x128xf32, #tpu.memory_space<vmem>>) dst(%dma_wait3A_40 : memref<128x128xf32, #tpu.memory_space<hbm>>)
        tpu.yield
      }) : () -> ()
    }
    %scan3A_22 = arith.constant 5 : i32
    return
  }
}

#map = affine_map<(d0, d1) -> (0, 0)>
#map1 = affine_map<(d0, d1) -> (0, 0, 0)>
module attributes {stable_mosaic.version = 14 : i64} {
  func.func @_sc_scatter(%arg0: i32, %arg1: i32, %arg2: memref<10000x128xf32, #tpu.memory_space<hbm>>, %arg3: memref<32x80x128xi32, #tpu.memory_space<hbm>>, %arg4: memref<32x80x128xi32, #tpu.memory_space<hbm>>, %arg5: memref<2x10240x128xf32, #tpu.memory_space<hbm>>, %arg6: memref<80x128xi32, #tpu.memory_space<vmem>>, %arg7: memref<80x128xi32, #tpu.memory_space<vmem>>, %arg8: memref<128x128xf32, #tpu.memory_space<vmem>>, %arg9: memref<10240x128xf32, #tpu.memory_space<vmem_shared>>, %arg10: memref<!tpu.dma_semaphore, #tpu.memory_space<semaphore_mem>>) attributes {dimension_semantics = [#tpu.dimension_semantics<core_parallel>, #tpu.dimension_semantics<subcore_parallel>], iteration_bounds = array<i64: 2, 16>, scalar_prefetch = 0 : i64, scratch_operands = 5 : i64, tpu.core_type = #tpu.core_type<sc_vector_subcore>, window_params = [{transform_indices = #map}, {transform_indices = #map1}, {transform_indices = #map1}, {transform_indices = #map1}]} {
    %mul3A = arith.constant 2 : i32
    %mul3A_0 = arith.muli %arg1, %mul3A : i32
    %add3A = arith.addi %mul3A_0, %arg0 : i32
    %mul3A_1 = arith.constant 640 : i32
    %mul3A_2 = arith.muli %arg1, %mul3A_1 : i32
    "tpu.region"() ({
      %run_scoped3A = tpu.sem_alloc : memref<!tpu.dma_semaphore, #tpu.memory_space<semaphore_mem>>
      %dma_start3A = arith.constant 0 : i32
      %dma_start3A_23 = arith.constant 0 : i32
      %dma_start3A_24 = tpu.memref_slice %arg3[%add3A, %dma_start3A, %dma_start3A_23] : memref<32x80x128xi32, #tpu.memory_space<hbm>> -> memref<1x80x128xi32, #tpu.memory_space<hbm>>
      %dma_start3A_25 = tpu.memref_squeeze %dma_start3A_24 : memref<1x80x128xi32, #tpu.memory_space<hbm>> -> memref<80x128xi32, #tpu.memory_space<hbm>>
      %dma_start3A_26 = arith.constant 0 : i32
      %dma_start3A_27 = arith.constant 0 : i32
      %dma_start3A_28 = tpu.memref_slice %arg3[%add3A, %dma_start3A_26, %dma_start3A_27] : memref<32x80x128xi32, #tpu.memory_space<hbm>> -> memref<1x80x128xi32, #tpu.memory_space<hbm>>
      %dma_start3A_29 = tpu.memref_squeeze %dma_start3A_28 : memref<1x80x128xi32, #tpu.memory_space<hbm>> -> memref<80x128xi32, #tpu.memory_space<hbm>>
      tpu.enqueue_dma source(%dma_start3A_29 : memref<80x128xi32, #tpu.memory_space<hbm>>) target(%arg6 : memref<80x128xi32, #tpu.memory_space<vmem>>) target_semaphore(%run_scoped3A : memref<!tpu.dma_semaphore, #tpu.memory_space<semaphore_mem>>)
      %dma_wait3A = arith.constant 0 : i32
      %dma_wait3A_30 = arith.constant 0 : i32
      %dma_wait3A_31 = tpu.memref_slice %arg3[%add3A, %dma_wait3A, %dma_wait3A_30] : memref<32x80x128xi32, #tpu.memory_space<hbm>> -> memref<1x80x128xi32, #tpu.memory_space<hbm>>
      %dma_wait3A_32 = tpu.memref_squeeze %dma_wait3A_31 : memref<1x80x128xi32, #tpu.memory_space<hbm>> -> memref<80x128xi32, #tpu.memory_space<hbm>>
      %dma_wait3A_33 = arith.constant 0 : i32
      %dma_wait3A_34 = arith.constant 0 : i32
      %dma_wait3A_35 = tpu.memref_slice %arg3[%add3A, %dma_wait3A_33, %dma_wait3A_34] : memref<32x80x128xi32, #tpu.memory_space<hbm>> -> memref<1x80x128xi32, #tpu.memory_space<hbm>>
      %dma_wait3A_36 = tpu.memref_squeeze %dma_wait3A_35 : memref<1x80x128xi32, #tpu.memory_space<hbm>> -> memref<80x128xi32, #tpu.memory_space<hbm>>
      tpu.wait_dma2 semaphore(%run_scoped3A : memref<!tpu.dma_semaphore, #tpu.memory_space<semaphore_mem>>) src(%dma_wait3A_36 : memref<80x128xi32, #tpu.memory_space<hbm>>) dst(%arg6 : memref<80x128xi32, #tpu.memory_space<vmem>>)
      tpu.yield
    }) : () -> ()
    "tpu.region"() ({
      %run_scoped3A = tpu.sem_alloc : memref<!tpu.dma_semaphore, #tpu.memory_space<semaphore_mem>>
      %dma_start3A = arith.constant 0 : i32
      %dma_start3A_23 = arith.constant 0 : i32
      %dma_start3A_24 = tpu.memref_slice %arg4[%add3A, %dma_start3A, %dma_start3A_23] : memref<32x80x128xi32, #tpu.memory_space<hbm>> -> memref<1x80x128xi32, #tpu.memory_space<hbm>>
      %dma_start3A_25 = tpu.memref_squeeze %dma_start3A_24 : memref<1x80x128xi32, #tpu.memory_space<hbm>> -> memref<80x128xi32, #tpu.memory_space<hbm>>
      %dma_start3A_26 = arith.constant 0 : i32
      %dma_start3A_27 = arith.constant 0 : i32
      %dma_start3A_28 = tpu.memref_slice %arg4[%add3A, %dma_start3A_26, %dma_start3A_27] : memref<32x80x128xi32, #tpu.memory_space<hbm>> -> memref<1x80x128xi32, #tpu.memory_space<hbm>>
      %dma_start3A_29 = tpu.memref_squeeze %dma_start3A_28 : memref<1x80x128xi32, #tpu.memory_space<hbm>> -> memref<80x128xi32, #tpu.memory_space<hbm>>
      tpu.enqueue_dma source(%dma_start3A_29 : memref<80x128xi32, #tpu.memory_space<hbm>>) target(%arg7 : memref<80x128xi32, #tpu.memory_space<vmem>>) target_semaphore(%run_scoped3A : memref<!tpu.dma_semaphore, #tpu.memory_space<semaphore_mem>>)
      %dma_wait3A = arith.constant 0 : i32
      %dma_wait3A_30 = arith.constant 0 : i32
      %dma_wait3A_31 = tpu.memref_slice %arg4[%add3A, %dma_wait3A, %dma_wait3A_30] : memref<32x80x128xi32, #tpu.memory_space<hbm>> -> memref<1x80x128xi32, #tpu.memory_space<hbm>>
      %dma_wait3A_32 = tpu.memref_squeeze %dma_wait3A_31 : memref<1x80x128xi32, #tpu.memory_space<hbm>> -> memref<80x128xi32, #tpu.memory_space<hbm>>
      %dma_wait3A_33 = arith.constant 0 : i32
      %dma_wait3A_34 = arith.constant 0 : i32
      %dma_wait3A_35 = tpu.memref_slice %arg4[%add3A, %dma_wait3A_33, %dma_wait3A_34] : memref<32x80x128xi32, #tpu.memory_space<hbm>> -> memref<1x80x128xi32, #tpu.memory_space<hbm>>
      %dma_wait3A_36 = tpu.memref_squeeze %dma_wait3A_35 : memref<1x80x128xi32, #tpu.memory_space<hbm>> -> memref<80x128xi32, #tpu.memory_space<hbm>>
      tpu.wait_dma2 semaphore(%run_scoped3A : memref<!tpu.dma_semaphore, #tpu.memory_space<semaphore_mem>>) src(%dma_wait3A_36 : memref<80x128xi32, #tpu.memory_space<hbm>>) dst(%arg7 : memref<80x128xi32, #tpu.memory_space<vmem>>)
      tpu.yield
    }) : () -> ()
    %scan3A = arith.constant 0 : i32
    %scan3A_3 = arith.constant 128 : i32
    %scan3A_4 = arith.addi %scan3A, %scan3A_3 : i32
    %scan3A_5 = arith.constant 1 : i32
    scf.for %scan3A_23 = %scan3A to %scan3A_4 step %scan3A_5  : i32 {
      %mul3A_24 = arith.constant 1 : i32
      %mul3A_25 = arith.muli %scan3A_23, %mul3A_24 : i32
      %add3A_26 = arith.constant 0 : i32
      %add3A_27 = arith.addi %add3A_26, %mul3A_25 : i32
      %broadcast_in_dim3A = arith.constant 0.000000e+00 : f32
      %broadcast_in_dim3A_28 = vector.broadcast %broadcast_in_dim3A : f32 to vector<16xf32>
      %scan3A_29 = arith.constant 0 : i32
      %scan3A_30 = arith.constant 8 : i32
      %scan3A_31 = arith.addi %scan3A_29, %scan3A_30 : i32
      %scan3A_32 = arith.constant 1 : i32
      scf.for %scan3A_34 = %scan3A_29 to %scan3A_31 step %scan3A_32  : i32 {
        %mul3A_35 = arith.constant 1 : i32
        %mul3A_36 = arith.muli %scan3A_34, %mul3A_35 : i32
        %add3A_37 = arith.constant 0 : i32
        %add3A_38 = arith.addi %add3A_37, %mul3A_36 : i32
        %mul3A_39 = arith.constant 16 : i32
        %mul3A_40 = arith.muli %add3A_38, %mul3A_39 : i32
        %swap3A = arith.constant 0 : i32
        %swap3A_41 = tpu.memref_slice %arg8[%add3A_27, %swap3A] : memref<128x128xf32, #tpu.memory_space<vmem>> -> memref<1x128xf32, #tpu.memory_space<vmem>>
        %swap3A_42 = tpu.memref_squeeze %swap3A_41 : memref<1x128xf32, #tpu.memory_space<vmem>> -> memref<128xf32, #tpu.memory_space<vmem>>
        %swap3A_43 = arith.index_cast %mul3A_40 : i32 to index
        %swap3A_44 = tpu.vector_load %swap3A_42[%swap3A_43] {strides = array<i32>} : memref<128xf32, #tpu.memory_space<vmem>>, vector<16xf32>,
        %swap3A_45 = vector.shape_cast %swap3A_44 : vector<16xf32> to vector<16xf32>
        %swap3A_46 = vector.shape_cast %broadcast_in_dim3A_28 : vector<16xf32> to vector<16xf32>
        tpu.vector_store %swap3A_42[%swap3A_43], %swap3A_46 {strides = array<i32>} : memref<128xf32, #tpu.memory_space<vmem>>, vector<16xf32>,
      }
      %scan3A_33 = arith.constant 8 : i32
    }
    %scan3A_6 = arith.constant 128 : i32
    %scan3A_7 = arith.constant 0 : i32
    %scan3A_8 = arith.constant 5 : i32
    %scan3A_9 = arith.addi %scan3A_7, %scan3A_8 : i32
    %scan3A_10 = arith.constant 1 : i32
    scf.for %scan3A_23 = %scan3A_7 to %scan3A_9 step %scan3A_10  : i32 {
      %mul3A_24 = arith.constant 1 : i32
      %mul3A_25 = arith.muli %scan3A_23, %mul3A_24 : i32
      %add3A_26 = arith.constant 0 : i32
      %add3A_27 = arith.addi %add3A_26, %mul3A_25 : i32
      %mul3A_28 = arith.constant 128 : i32
      %mul3A_29 = arith.muli %add3A_27, %mul3A_28 : i32
      %add3A_30 = arith.addi %mul3A_2, %mul3A_29 : i32
      "tpu.region"() ({
        %run_scoped3A = tpu.sem_alloc : memref<!tpu.dma_semaphore, #tpu.memory_space<semaphore_mem>>
        %dma_start3A = arith.constant 0 : i32
        %dma_start3A_31 = tpu.memref_slice %arg9[%add3A_30, %dma_start3A] : memref<10240x128xf32, #tpu.memory_space<vmem_shared>> -> memref<128x128xf32, #tpu.memory_space<vmem_shared>>
        %dma_start3A_32 = arith.constant 0 : i32
        %dma_start3A_33 = tpu.memref_slice %arg9[%add3A_30, %dma_start3A_32] : memref<10240x128xf32, #tpu.memory_space<vmem_shared>> -> memref<128x128xf32, #tpu.memory_space<vmem_shared>>
        tpu.enqueue_dma source(%arg8 : memref<128x128xf32, #tpu.memory_space<vmem>>) target(%dma_start3A_33 : memref<128x128xf32, #tpu.memory_space<vmem_shared>>) target_semaphore(%run_scoped3A : memref<!tpu.dma_semaphore, #tpu.memory_space<semaphore_mem>>)
        %dma_wait3A = arith.constant 0 : i32
        %dma_wait3A_34 = tpu.memref_slice %arg9[%add3A_30, %dma_wait3A] : memref<10240x128xf32, #tpu.memory_space<vmem_shared>> -> memref<128x128xf32, #tpu.memory_space<vmem_shared>>
        %dma_wait3A_35 = arith.constant 0 : i32
        %dma_wait3A_36 = tpu.memref_slice %arg9[%add3A_30, %dma_wait3A_35] : memref<10240x128xf32, #tpu.memory_space<vmem_shared>> -> memref<128x128xf32, #tpu.memory_space<vmem_shared>>
        tpu.wait_dma2 semaphore(%run_scoped3A : memref<!tpu.dma_semaphore, #tpu.memory_space<semaphore_mem>>) src(%arg8 : memref<128x128xf32, #tpu.memory_space<vmem>>) dst(%dma_wait3A_36 : memref<128x128xf32, #tpu.memory_space<vmem_shared>>)
        tpu.yield
      }) : () -> ()
    }
    %scan3A_11 = arith.constant 5 : i32
    %barrier3A = arith.constant 0 : index
    tpu.barrier barrier_id(%barrier3A)
    %scan3A_12 = arith.constant 0 : i32
    %scan3A_13 = arith.constant 80 : i32
    %scan3A_14 = arith.addi %scan3A_12, %scan3A_13 : i32
    %scan3A_15 = arith.constant 1 : i32
    scf.for %scan3A_23 = %scan3A_12 to %scan3A_14 step %scan3A_15  : i32 {
      %mul3A_24 = arith.constant 1 : i32
      %mul3A_25 = arith.muli %scan3A_23, %mul3A_24 : i32
      %add3A_26 = arith.constant 0 : i32
      %add3A_27 = arith.addi %add3A_26, %mul3A_25 : i32
      %dma_start3A = arith.constant 0 : i32
      %dma_start3A_28 = tpu.memref_slice %arg6[%add3A_27, %dma_start3A] : memref<80x128xi32, #tpu.memory_space<vmem>> -> memref<1x128xi32, #tpu.memory_space<vmem>>
      %dma_start3A_29 = tpu.memref_squeeze %dma_start3A_28 : memref<1x128xi32, #tpu.memory_space<vmem>> -> memref<128xi32, #tpu.memory_space<vmem>>
      %dma_start3A_30 = arith.constant 0 : i32
      %dma_start3A_31 = arith.constant 0 : i32
      %dma_start3A_32 = tpu.memref_slice %arg2[%dma_start3A_30, %dma_start3A_31] : memref<10000x128xf32, #tpu.memory_space<hbm>> -> memref<10000x128xf32, #tpu.memory_space<hbm>>
      tpu.enqueue_indirect_dma source(%dma_start3A_32 : memref<10000x128xf32, #tpu.memory_space<hbm>>) target(%arg8 : memref<128x128xf32, #tpu.memory_space<vmem>>) offsets(%dma_start3A_29 : memref<128xi32, #tpu.memory_space<vmem>>) semaphore(%arg10 : memref<!tpu.dma_semaphore, #tpu.memory_space<semaphore_mem>>)
      %dma_wait3A = arith.constant 0 : i32
      %dma_wait3A_33 = tpu.memref_slice %arg6[%add3A_27, %dma_wait3A] : memref<80x128xi32, #tpu.memory_space<vmem>> -> memref<1x128xi32, #tpu.memory_space<vmem>>
      %dma_wait3A_34 = tpu.memref_squeeze %dma_wait3A_33 : memref<1x128xi32, #tpu.memory_space<vmem>> -> memref<128xi32, #tpu.memory_space<vmem>>
      %dma_wait3A_35 = arith.constant 0 : i32
      %dma_wait3A_36 = arith.constant 0 : i32
      %dma_wait3A_37 = tpu.memref_slice %arg2[%dma_wait3A_35, %dma_wait3A_36] : memref<10000x128xf32, #tpu.memory_space<hbm>> -> memref<10000x128xf32, #tpu.memory_space<hbm>>
      tpu.wait_indirect_dma semaphore(%arg10 : memref<!tpu.dma_semaphore, #tpu.memory_space<semaphore_mem>>) src(%dma_wait3A_37 : memref<10000x128xf32, #tpu.memory_space<hbm>>) dst(%arg8 : memref<128x128xf32, #tpu.memory_space<vmem>>)
      "tpu.region"() ({
        %run_scoped3A = tpu.sem_alloc : memref<!tpu.dma_semaphore, #tpu.memory_space<semaphore_mem>>
        %dma_start3A_38 = arith.constant 0 : i32
        %dma_start3A_39 = tpu.memref_slice %arg7[%add3A_27, %dma_start3A_38] : memref<80x128xi32, #tpu.memory_space<vmem>> -> memref<1x128xi32, #tpu.memory_space<vmem>>
        %dma_start3A_40 = tpu.memref_squeeze %dma_start3A_39 : memref<1x128xi32, #tpu.memory_space<vmem>> -> memref<128xi32, #tpu.memory_space<vmem>>
        %dma_start3A_41 = arith.constant 0 : i32
        %dma_start3A_42 = arith.constant 0 : i32
        %dma_start3A_43 = tpu.memref_slice %arg9[%dma_start3A_41, %dma_start3A_42] : memref<10240x128xf32, #tpu.memory_space<vmem_shared>> -> memref<10240x128xf32, #tpu.memory_space<vmem_shared>>
        tpu.enqueue_indirect_dma source(%arg8 : memref<128x128xf32, #tpu.memory_space<vmem>>) target(%dma_start3A_43 : memref<10240x128xf32, #tpu.memory_space<vmem_shared>>) offsets(%dma_start3A_40 : memref<128xi32, #tpu.memory_space<vmem>>) semaphore(%run_scoped3A : memref<!tpu.dma_semaphore, #tpu.memory_space<semaphore_mem>>) {add = true}
        %dma_wait3A_44 = arith.constant 0 : i32
        %dma_wait3A_45 = tpu.memref_slice %arg7[%add3A_27, %dma_wait3A_44] : memref<80x128xi32, #tpu.memory_space<vmem>> -> memref<1x128xi32, #tpu.memory_space<vmem>>
        %dma_wait3A_46 = tpu.memref_squeeze %dma_wait3A_45 : memref<1x128xi32, #tpu.memory_space<vmem>> -> memref<128xi32, #tpu.memory_space<vmem>>
        %dma_wait3A_47 = arith.constant 0 : i32
        %dma_wait3A_48 = arith.constant 0 : i32
        %dma_wait3A_49 = tpu.memref_slice %arg9[%dma_wait3A_47, %dma_wait3A_48] : memref<10240x128xf32, #tpu.memory_space<vmem_shared>> -> memref<10240x128xf32, #tpu.memory_space<vmem_shared>>
        tpu.wait_indirect_dma semaphore(%run_scoped3A : memref<!tpu.dma_semaphore, #tpu.memory_space<semaphore_mem>>) src(%arg8 : memref<128x128xf32, #tpu.memory_space<vmem>>) dst(%dma_wait3A_49 : memref<10240x128xf32, #tpu.memory_space<vmem_shared>>)
        tpu.yield
      }) : () -> ()
    }
    %scan3A_16 = arith.constant 80 : i32
    %barrier3A_17 = arith.constant 0 : index
    tpu.barrier barrier_id(%barrier3A_17)
    %scan3A_18 = arith.constant 0 : i32
    %scan3A_19 = arith.constant 5 : i32
    %scan3A_20 = arith.addi %scan3A_18, %scan3A_19 : i32
    %scan3A_21 = arith.constant 1 : i32
    scf.for %scan3A_23 = %scan3A_18 to %scan3A_20 step %scan3A_21  : i32 {
      %mul3A_24 = arith.constant 1 : i32
      %mul3A_25 = arith.muli %scan3A_23, %mul3A_24 : i32
      %add3A_26 = arith.constant 0 : i32
      %add3A_27 = arith.addi %add3A_26, %mul3A_25 : i32
      %mul3A_28 = arith.constant 128 : i32
      %mul3A_29 = arith.muli %add3A_27, %mul3A_28 : i32
      %add3A_30 = arith.addi %mul3A_2, %mul3A_29 : i32
      "tpu.region"() ({
        %run_scoped3A = tpu.sem_alloc : memref<!tpu.dma_semaphore, #tpu.memory_space<semaphore_mem>>
        %dma_start3A = arith.constant 0 : i32
        %dma_start3A_31 = tpu.memref_slice %arg9[%add3A_30, %dma_start3A] : memref<10240x128xf32, #tpu.memory_space<vmem_shared>> -> memref<128x128xf32, #tpu.memory_space<vmem_shared>>
        %dma_start3A_32 = arith.constant 0 : i32
        %dma_start3A_33 = tpu.memref_slice %arg9[%add3A_30, %dma_start3A_32] : memref<10240x128xf32, #tpu.memory_space<vmem_shared>> -> memref<128x128xf32, #tpu.memory_space<vmem_shared>>
        tpu.enqueue_dma source(%dma_start3A_33 : memref<128x128xf32, #tpu.memory_space<vmem_shared>>) target(%arg8 : memref<128x128xf32, #tpu.memory_space<vmem>>) target_semaphore(%run_scoped3A : memref<!tpu.dma_semaphore, #tpu.memory_space<semaphore_mem>>)
        %dma_wait3A = arith.constant 0 : i32
        %dma_wait3A_34 = tpu.memref_slice %arg9[%add3A_30, %dma_wait3A] : memref<10240x128xf32, #tpu.memory_space<vmem_shared>> -> memref<128x128xf32, #tpu.memory_space<vmem_shared>>
        %dma_wait3A_35 = arith.constant 0 : i32
        %dma_wait3A_36 = tpu.memref_slice %arg9[%add3A_30, %dma_wait3A_35] : memref<10240x128xf32, #tpu.memory_space<vmem_shared>> -> memref<128x128xf32, #tpu.memory_space<vmem_shared>>
        tpu.wait_dma2 semaphore(%run_scoped3A : memref<!tpu.dma_semaphore, #tpu.memory_space<semaphore_mem>>) src(%dma_wait3A_36 : memref<128x128xf32, #tpu.memory_space<vmem_shared>>) dst(%arg8 : memref<128x128xf32, #tpu.memory_space<vmem>>)
        tpu.yield
      }) : () -> ()
      "tpu.region"() ({
        %run_scoped3A = tpu.sem_alloc : memref<!tpu.dma_semaphore, #tpu.memory_space<semaphore_mem>>
        %dma_start3A = arith.constant 0 : i32
        %dma_start3A_31 = tpu.memref_slice %arg5[%arg0, %add3A_30, %dma_start3A] : memref<2x10240x128xf32, #tpu.memory_space<hbm>> -> memref<1x128x128xf32, #tpu.memory_space<hbm>>
        %dma_start3A_32 = tpu.memref_squeeze %dma_start3A_31 : memref<1x128x128xf32, #tpu.memory_space<hbm>> -> memref<128x128xf32, #tpu.memory_space<hbm>>
        %dma_start3A_33 = arith.constant 0 : i32
        %dma_start3A_34 = tpu.memref_slice %arg5[%arg0, %add3A_30, %dma_start3A_33] : memref<2x10240x128xf32, #tpu.memory_space<hbm>> -> memref<1x128x128xf32, #tpu.memory_space<hbm>>
        %dma_start3A_35 = tpu.memref_squeeze %dma_start3A_34 : memref<1x128x128xf32, #tpu.memory_space<hbm>> -> memref<128x128xf32, #tpu.memory_space<hbm>>
        tpu.enqueue_dma source(%arg8 : memref<128x128xf32, #tpu.memory_space<vmem>>) target(%dma_start3A_35 : memref<128x128xf32, #tpu.memory_space<hbm>>) target_semaphore(%run_scoped3A : memref<!tpu.dma_semaphore, #tpu.memory_space<semaphore_mem>>)
        %dma_wait3A = arith.constant 0 : i32
        %dma_wait3A_36 = tpu.memref_slice %arg5[%arg0, %add3A_30, %dma_wait3A] : memref<2x10240x128xf32, #tpu.memory_space<hbm>> -> memref<1x128x128xf32, #tpu.memory_space<hbm>>
        %dma_wait3A_37 = tpu.memref_squeeze %dma_wait3A_36 : memref<1x128x128xf32, #tpu.memory_space<hbm>> -> memref<128x128xf32, #tpu.memory_space<hbm>>
        %dma_wait3A_38 = arith.constant 0 : i32
        %dma_wait3A_39 = tpu.memref_slice %arg5[%arg0, %add3A_30, %dma_wait3A_38] : memref<2x10240x128xf32, #tpu.memory_space<hbm>> -> memref<1x128x128xf32, #tpu.memory_space<hbm>>
        %dma_wait3A_40 = tpu.memref_squeeze %dma_wait3A_39 : memref<1x128x128xf32, #tpu.memory_space<hbm>> -> memref<128x128xf32, #tpu.memory_space<hbm>>
        tpu.wait_dma2 semaphore(%run_scoped3A : memref<!tpu.dma_semaphore, #tpu.memory_space<semaphore_mem>>) src(%arg8 : memref<128x128xf32, #tpu.memory_space<vmem>>) dst(%dma_wait3A_40 : memref<128x128xf32, #tpu.memory_space<hbm>>)
        tpu.yield
      }) : () -> ()
    }
    %scan3A_22 = arith.constant 5 : i32
    return
  }
}

module attributes {stable_mosaic.version = 14 : i64} {
  func.func @body(%arg0: i32, %arg1: memref<1000x128xf32, #tpu.memory_space<vmem>>, %arg2: memref<128x128xf32, #tpu.memory_space<vmem>>, %arg3: memref<1x128xf32, #tpu.memory_space<vmem>>, %arg4: memref<1000x1xf32, #tpu.memory_space<vmem>>, %arg5: memref<1000x1xf32, #tpu.memory_space<vmem>>, %arg6: memref<1000x128xf32, #tpu.memory_space<vmem>>, %arg7: memref<1000x128xf32, #tpu.memory_space<vmem>>, %arg8: memref<1000x1xf32, #tpu.memory_space<vmem>>) attributes {dimension_semantics = [#tpu.dimension_semantics<arbitrary>], iteration_bounds = array<i64: 10>, scalar_prefetch = 0 : i64, scratch_operands = 0 : i64, tpu.core_type = #tpu.core_type<tc>, window_params = [{transform_indices = @transform_0, window_bounds = array<i64: 1000, 128>}, {pipeline_mode = #tpu.pipeline_mode<synchronous>, transform_indices = @transform_1, window_bounds = array<i64: 128, 128>}, {pipeline_mode = #tpu.pipeline_mode<synchronous>, transform_indices = @transform_2, window_bounds = array<i64: 1, 128>}, {transform_indices = @transform_3, window_bounds = array<i64: 1000, 1>}, {transform_indices = @transform_4, window_bounds = array<i64: 1000, 1>}, {transform_indices = @transform_5, window_bounds = array<i64: 1000, 128>}, {transform_indices = @transform_6, window_bounds = array<i64: 1000, 128>}, {transform_indices = @transform_7, window_bounds = array<i64: 1000, 1>}]} {
    %get3A = arith.constant 0 : index
    %get3A_0 = arith.constant 0 : index
    %get3A_1 = vector.load %arg4[%get3A, %get3A_0] : memref<1000x1xf32, #tpu.memory_space<vmem>>, vector<1000x1xf32>
    %get3A_2 = arith.constant 0 : index
    %get3A_3 = arith.constant 0 : index
    %get3A_4 = vector.load %arg5[%get3A_2, %get3A_3] : memref<1000x1xf32, #tpu.memory_space<vmem>>, vector<1000x1xf32>
    %add3A = arith.addf %get3A_1, %get3A_4 : vector<1000x1xf32>
    %add3A_5 = arith.constant 1.000000e+00 : f32
    %add3A_6 = vector.broadcast %add3A_5 : f32 to vector<1000x1xf32>
    %add3A_7 = arith.addf %add3A, %add3A_6 : vector<1000x1xf32>
    %rsqrt3A = math.rsqrt %add3A_7 : vector<1000x1xf32>
    %get3A_8 = arith.constant 0 : index
    %get3A_9 = arith.constant 0 : index
    %get3A_10 = vector.load %arg1[%get3A_8, %get3A_9] : memref<1000x128xf32, #tpu.memory_space<vmem>>, vector<1000x128xf32>
    %get3A_11 = arith.constant 0 : index
    %get3A_12 = arith.constant 0 : index
    %get3A_13 = vector.load %arg2[%get3A_11, %get3A_12] : memref<128x128xf32, #tpu.memory_space<vmem>>, vector<128x128xf32>
    %dot_general3A = arith.constant dense<0.000000e+00> : vector<1000x128xf32>
    %dot_general3A_14 = tpu.matmul %get3A_10, %get3A_13, %dot_general3A {dimension_numbers = #tpu.dot_dimension_numbers<[1], [0], [0], [1], [0, 0, 1, 1], [], []>, transpose_lhs_hint = false} : vector<1000x128xf32>, vector<128x128xf32>, vector<1000x128xf32> -> vector<1000x128xf32>
    %get3A_15 = arith.constant 0 : index
    %get3A_16 = arith.constant 0 : index
    %get3A_17 = vector.load %arg3[%get3A_15, %get3A_16] : memref<1x128xf32, #tpu.memory_space<vmem>>, vector<1x128xf32>
    %add3A_18 = vector.broadcast %get3A_17 : vector<1x128xf32> to vector<1000x128xf32>
    %add3A_19 = arith.addf %dot_general3A_14, %add3A_18 : vector<1000x128xf32>
    %max3A = arith.constant 0.000000e+00 : f32
    %max3A_20 = vector.broadcast %max3A : f32 to vector<1000x128xf32>
    %max3A_21 = arith.maximumf %add3A_19, %max3A_20 : vector<1000x128xf32>
    %swap3A = arith.constant 0 : index
    %swap3A_22 = arith.constant 0 : index
    %swap3A_23 = vector.load %arg6[%swap3A, %swap3A_22] : memref<1000x128xf32, #tpu.memory_space<vmem>>, vector<1000x128xf32>
    tpu.vector_store %arg6[%swap3A, %swap3A_22], %max3A_21 {strides = array<i32>} : memref<1000x128xf32, #tpu.memory_space<vmem>>, vector<1000x128xf32>,
    %mul3A = vector.broadcast %rsqrt3A : vector<1000x1xf32> to vector<1000x128xf32>
    %mul3A_24 = arith.mulf %max3A_21, %mul3A : vector<1000x128xf32>
    %swap3A_25 = arith.constant 0 : index
    %swap3A_26 = arith.constant 0 : index
    %swap3A_27 = vector.load %arg7[%swap3A_25, %swap3A_26] : memref<1000x128xf32, #tpu.memory_space<vmem>>, vector<1000x128xf32>
    tpu.vector_store %arg7[%swap3A_25, %swap3A_26], %mul3A_24 {strides = array<i32>} : memref<1000x128xf32, #tpu.memory_space<vmem>>, vector<1000x128xf32>,
    %swap3A_28 = arith.constant 0 : index
    %swap3A_29 = arith.constant 0 : index
    %swap3A_30 = vector.load %arg8[%swap3A_28, %swap3A_29] : memref<1000x1xf32, #tpu.memory_space<vmem>>, vector<1000x1xf32>
    tpu.vector_store %arg8[%swap3A_28, %swap3A_29], %rsqrt3A {strides = array<i32>} : memref<1000x1xf32, #tpu.memory_space<vmem>>, vector<1000x1xf32>,
    return
  }
  func.func @transform_0(%arg0: i32) -> (i32, i32) {
    %c0_i32 = arith.constant 0 : i32
    %c0_i32_0 = arith.constant 0 : i32
    return %arg0, %c0_i32 : i32, i32
  }
  func.func @transform_1(%arg0: i32) -> (i32, i32) {
    %c0_i32 = arith.constant 0 : i32
    %c0_i32_0 = arith.constant 0 : i32
    %c0_i32_1 = arith.constant 0 : i32
    return %c0_i32, %c0_i32_0 : i32, i32
  }
  func.func @transform_2(%arg0: i32) -> (i32, i32) {
    %c0_i32 = arith.constant 0 : i32
    %c0_i32_0 = arith.constant 0 : i32
    %c0_i32_1 = arith.constant 0 : i32
    return %c0_i32, %c0_i32_0 : i32, i32
  }
  func.func @transform_3(%arg0: i32) -> (i32, i32) {
    %c0_i32 = arith.constant 0 : i32
    %c0_i32_0 = arith.constant 0 : i32
    return %arg0, %c0_i32 : i32, i32
  }
  func.func @transform_4(%arg0: i32) -> (i32, i32) {
    %c0_i32 = arith.constant 0 : i32
    %c0_i32_0 = arith.constant 0 : i32
    return %arg0, %c0_i32 : i32, i32
  }
  func.func @transform_5(%arg0: i32) -> (i32, i32) {
    %c0_i32 = arith.constant 0 : i32
    %c0_i32_0 = arith.constant 0 : i32
    return %arg0, %c0_i32 : i32, i32
  }
  func.func @transform_6(%arg0: i32) -> (i32, i32) {
    %c0_i32 = arith.constant 0 : i32
    %c0_i32_0 = arith.constant 0 : i32
    return %arg0, %c0_i32 : i32, i32
  }
  func.func @transform_7(%arg0: i32) -> (i32, i32) {
    %c0_i32 = arith.constant 0 : i32
    %c0_i32_0 = arith.constant 0 : i32
    return %arg0, %c0_i32 : i32, i32
  }
}

module attributes {stable_mosaic.version = 14 : i64} {
  func.func @body(%arg0: i32, %arg1: memref<1000x128xf32, #tpu.memory_space<vmem>>, %arg2: memref<1000x128xf32, #tpu.memory_space<vmem>>, %arg3: memref<1000x128xf32, #tpu.memory_space<vmem>>, %arg4: memref<1000x128xf32, #tpu.memory_space<vmem>>, %arg5: memref<1000x1xf32, #tpu.memory_space<vmem>>, %arg6: memref<128x128xf32, #tpu.memory_space<vmem>>, %arg7: memref<1x1xf32, #tpu.memory_space<vmem>>, %arg8: memref<1000x128xf32, #tpu.memory_space<vmem>>, %arg9: memref<1000x128xf32, #tpu.memory_space<vmem>>) attributes {dimension_semantics = [#tpu.dimension_semantics<arbitrary>], iteration_bounds = array<i64: 10>, scalar_prefetch = 0 : i64, scratch_operands = 0 : i64, tpu.core_type = #tpu.core_type<tc>, window_params = [{transform_indices = @transform_0, window_bounds = array<i64: 1000, 128>}, {transform_indices = @transform_1, window_bounds = array<i64: 1000, 128>}, {transform_indices = @transform_2, window_bounds = array<i64: 1000, 128>}, {transform_indices = @transform_3, window_bounds = array<i64: 1000, 128>}, {transform_indices = @transform_4, window_bounds = array<i64: 1000, 1>}, {pipeline_mode = #tpu.pipeline_mode<synchronous>, transform_indices = @transform_5, window_bounds = array<i64: 128, 128>}, {pipeline_mode = #tpu.pipeline_mode<synchronous>, transform_indices = @transform_6, window_bounds = array<i64: 1, 1>}, {transform_indices = @transform_7, window_bounds = array<i64: 1000, 128>}, {transform_indices = @transform_8, window_bounds = array<i64: 1000, 128>}]} {
    %get3A = arith.constant 0 : index
    %get3A_0 = arith.constant 0 : index
    %get3A_1 = vector.load %arg7[%get3A, %get3A_0] : memref<1x1xf32, #tpu.memory_space<vmem>>, vector<1x1xf32>
    %get3A_2 = vector.extract %get3A_1[0, 0] : f32 from vector<1x1xf32>
    %get3A_3 = arith.constant 0 : index
    %get3A_4 = arith.constant 0 : index
    %get3A_5 = vector.load %arg1[%get3A_3, %get3A_4] : memref<1000x128xf32, #tpu.memory_space<vmem>>, vector<1000x128xf32>
    %get3A_6 = arith.constant 0 : index
    %get3A_7 = arith.constant 0 : index
    %get3A_8 = vector.load %arg2[%get3A_6, %get3A_7] : memref<1000x128xf32, #tpu.memory_space<vmem>>, vector<1000x128xf32>
    %add3A = arith.addf %get3A_5, %get3A_8 : vector<1000x128xf32>
    %get3A_9 = arith.constant 0 : index
    %get3A_10 = arith.constant 0 : index
    %get3A_11 = vector.load %arg3[%get3A_9, %get3A_10] : memref<1000x128xf32, #tpu.memory_space<vmem>>, vector<1000x128xf32>
    %add3A_12 = arith.addf %add3A, %get3A_11 : vector<1000x128xf32>
    %get3A_13 = arith.constant 0 : index
    %get3A_14 = arith.constant 0 : index
    %get3A_15 = vector.load %arg5[%get3A_13, %get3A_14] : memref<1000x1xf32, #tpu.memory_space<vmem>>, vector<1000x1xf32>
    %mul3A = vector.broadcast %get3A_15 : vector<1000x1xf32> to vector<1000x128xf32>
    %mul3A_16 = arith.mulf %add3A_12, %mul3A : vector<1000x128xf32>
    %mul3A_17 = arith.constant 0.899999976 : f32
    %mul3A_18 = vector.broadcast %mul3A_17 : f32 to vector<1000x128xf32>
    %mul3A_19 = arith.mulf %mul3A_18, %mul3A_16 : vector<1000x128xf32>
    %get3A_20 = arith.constant 0 : index
    %get3A_21 = arith.constant 0 : index
    %get3A_22 = vector.load %arg4[%get3A_20, %get3A_21] : memref<1000x128xf32, #tpu.memory_space<vmem>>, vector<1000x128xf32>
    %mul3A_23 = arith.constant 1.000000e-01 : f32
    %mul3A_24 = vector.broadcast %mul3A_23 : f32 to vector<1000x128xf32>
    %mul3A_25 = arith.mulf %mul3A_24, %get3A_22 : vector<1000x128xf32>
    %add3A_26 = arith.addf %mul3A_19, %mul3A_25 : vector<1000x128xf32>
    %get3A_27 = arith.constant 0 : index
    %get3A_28 = arith.constant 0 : index
    %get3A_29 = vector.load %arg6[%get3A_27, %get3A_28] : memref<128x128xf32, #tpu.memory_space<vmem>>, vector<128x128xf32>
    %dot_general3A = arith.constant dense<0.000000e+00> : vector<1000x128xf32>
    %dot_general3A_30 = tpu.matmul %add3A_26, %get3A_29, %dot_general3A {dimension_numbers = #tpu.dot_dimension_numbers<[1], [0], [0], [1], [0, 0, 1, 1], [], []>, transpose_lhs_hint = false} : vector<1000x128xf32>, vector<128x128xf32>, vector<1000x128xf32> -> vector<1000x128xf32>
    %sub3A = arith.constant 1.000000e+00 : f32
    %sub3A_31 = arith.subf %sub3A, %get3A_2 : f32
    %mul3A_32 = vector.broadcast %sub3A_31 : f32 to vector<1000x128xf32>
    %mul3A_33 = arith.mulf %mul3A_32, %add3A_26 : vector<1000x128xf32>
    %mul3A_34 = vector.broadcast %get3A_2 : f32 to vector<1000x128xf32>
    %mul3A_35 = arith.mulf %mul3A_34, %dot_general3A_30 : vector<1000x128xf32>
    %add3A_36 = arith.addf %mul3A_33, %mul3A_35 : vector<1000x128xf32>
    %max3A = arith.constant 0.000000e+00 : f32
    %max3A_37 = vector.broadcast %max3A : f32 to vector<1000x128xf32>
    %max3A_38 = arith.maximumf %add3A_36, %max3A_37 : vector<1000x128xf32>
    %swap3A = arith.constant 0 : index
    %swap3A_39 = arith.constant 0 : index
    %swap3A_40 = vector.load %arg8[%swap3A, %swap3A_39] : memref<1000x128xf32, #tpu.memory_space<vmem>>, vector<1000x128xf32>
    tpu.vector_store %arg8[%swap3A, %swap3A_39], %max3A_38 {strides = array<i32>} : memref<1000x128xf32, #tpu.memory_space<vmem>>, vector<1000x128xf32>,
    %get3A_41 = arith.constant 0 : index
    %get3A_42 = arith.constant 0 : index
    %get3A_43 = vector.load %arg5[%get3A_41, %get3A_42] : memref<1000x1xf32, #tpu.memory_space<vmem>>, vector<1000x1xf32>
    %mul3A_44 = vector.broadcast %get3A_43 : vector<1000x1xf32> to vector<1000x128xf32>
    %mul3A_45 = arith.mulf %max3A_38, %mul3A_44 : vector<1000x128xf32>
    %swap3A_46 = arith.constant 0 : index
    %swap3A_47 = arith.constant 0 : index
    %swap3A_48 = vector.load %arg9[%swap3A_46, %swap3A_47] : memref<1000x128xf32, #tpu.memory_space<vmem>>, vector<1000x128xf32>
    tpu.vector_store %arg9[%swap3A_46, %swap3A_47], %mul3A_45 {strides = array<i32>} : memref<1000x128xf32, #tpu.memory_space<vmem>>, vector<1000x128xf32>,
    return
  }
  func.func @transform_0(%arg0: i32) -> (i32, i32) {
    %c0_i32 = arith.constant 0 : i32
    %c0_i32_0 = arith.constant 0 : i32
    return %arg0, %c0_i32 : i32, i32
  }
  func.func @transform_1(%arg0: i32) -> (i32, i32) {
    %c0_i32 = arith.constant 0 : i32
    %c0_i32_0 = arith.constant 0 : i32
    return %arg0, %c0_i32 : i32, i32
  }
  func.func @transform_2(%arg0: i32) -> (i32, i32) {
    %c0_i32 = arith.constant 0 : i32
    %c0_i32_0 = arith.constant 0 : i32
    return %arg0, %c0_i32 : i32, i32
  }
  func.func @transform_3(%arg0: i32) -> (i32, i32) {
    %c0_i32 = arith.constant 0 : i32
    %c0_i32_0 = arith.constant 0 : i32
    return %arg0, %c0_i32 : i32, i32
  }
  func.func @transform_4(%arg0: i32) -> (i32, i32) {
    %c0_i32 = arith.constant 0 : i32
    %c0_i32_0 = arith.constant 0 : i32
    return %arg0, %c0_i32 : i32, i32
  }
  func.func @transform_5(%arg0: i32) -> (i32, i32) {
    %c0_i32 = arith.constant 0 : i32
    %c0_i32_0 = arith.constant 0 : i32
    %c0_i32_1 = arith.constant 0 : i32
    return %c0_i32, %c0_i32_0 : i32, i32
  }
  func.func @transform_6(%arg0: i32) -> (i32, i32) {
    %c0_i32 = arith.constant 0 : i32
    %c0_i32_0 = arith.constant 0 : i32
    %c0_i32_1 = arith.constant 0 : i32
    return %c0_i32, %c0_i32_0 : i32, i32
  }
  func.func @transform_7(%arg0: i32) -> (i32, i32) {
    %c0_i32 = arith.constant 0 : i32
    %c0_i32_0 = arith.constant 0 : i32
    return %arg0, %c0_i32 : i32, i32
  }
  func.func @transform_8(%arg0: i32) -> (i32, i32) {
    %c0_i32 = arith.constant 0 : i32
    %c0_i32_0 = arith.constant 0 : i32
    return %arg0, %c0_i32 : i32, i32
  }
}

module attributes {stable_mosaic.version = 14 : i64} {
  func.func @body(%arg0: i32, %arg1: memref<1000x128xf32, #tpu.memory_space<vmem>>, %arg2: memref<1000x128xf32, #tpu.memory_space<vmem>>, %arg3: memref<1000x128xf32, #tpu.memory_space<vmem>>, %arg4: memref<1000x128xf32, #tpu.memory_space<vmem>>, %arg5: memref<1000x1xf32, #tpu.memory_space<vmem>>, %arg6: memref<128x128xf32, #tpu.memory_space<vmem>>, %arg7: memref<1x1xf32, #tpu.memory_space<vmem>>, %arg8: memref<1000x128xf32, #tpu.memory_space<vmem>>, %arg9: memref<1000x128xf32, #tpu.memory_space<vmem>>) attributes {dimension_semantics = [#tpu.dimension_semantics<arbitrary>], iteration_bounds = array<i64: 10>, scalar_prefetch = 0 : i64, scratch_operands = 0 : i64, tpu.core_type = #tpu.core_type<tc>, window_params = [{transform_indices = @transform_0, window_bounds = array<i64: 1000, 128>}, {transform_indices = @transform_1, window_bounds = array<i64: 1000, 128>}, {transform_indices = @transform_2, window_bounds = array<i64: 1000, 128>}, {transform_indices = @transform_3, window_bounds = array<i64: 1000, 128>}, {transform_indices = @transform_4, window_bounds = array<i64: 1000, 1>}, {pipeline_mode = #tpu.pipeline_mode<synchronous>, transform_indices = @transform_5, window_bounds = array<i64: 128, 128>}, {pipeline_mode = #tpu.pipeline_mode<synchronous>, transform_indices = @transform_6, window_bounds = array<i64: 1, 1>}, {transform_indices = @transform_7, window_bounds = array<i64: 1000, 128>}, {transform_indices = @transform_8, window_bounds = array<i64: 1000, 128>}]} {
    %get3A = arith.constant 0 : index
    %get3A_0 = arith.constant 0 : index
    %get3A_1 = vector.load %arg7[%get3A, %get3A_0] : memref<1x1xf32, #tpu.memory_space<vmem>>, vector<1x1xf32>
    %get3A_2 = vector.extract %get3A_1[0, 0] : f32 from vector<1x1xf32>
    %get3A_3 = arith.constant 0 : index
    %get3A_4 = arith.constant 0 : index
    %get3A_5 = vector.load %arg1[%get3A_3, %get3A_4] : memref<1000x128xf32, #tpu.memory_space<vmem>>, vector<1000x128xf32>
    %get3A_6 = arith.constant 0 : index
    %get3A_7 = arith.constant 0 : index
    %get3A_8 = vector.load %arg2[%get3A_6, %get3A_7] : memref<1000x128xf32, #tpu.memory_space<vmem>>, vector<1000x128xf32>
    %add3A = arith.addf %get3A_5, %get3A_8 : vector<1000x128xf32>
    %get3A_9 = arith.constant 0 : index
    %get3A_10 = arith.constant 0 : index
    %get3A_11 = vector.load %arg3[%get3A_9, %get3A_10] : memref<1000x128xf32, #tpu.memory_space<vmem>>, vector<1000x128xf32>
    %add3A_12 = arith.addf %add3A, %get3A_11 : vector<1000x128xf32>
    %get3A_13 = arith.constant 0 : index
    %get3A_14 = arith.constant 0 : index
    %get3A_15 = vector.load %arg5[%get3A_13, %get3A_14] : memref<1000x1xf32, #tpu.memory_space<vmem>>, vector<1000x1xf32>
    %mul3A = vector.broadcast %get3A_15 : vector<1000x1xf32> to vector<1000x128xf32>
    %mul3A_16 = arith.mulf %add3A_12, %mul3A : vector<1000x128xf32>
    %mul3A_17 = arith.constant 0.899999976 : f32
    %mul3A_18 = vector.broadcast %mul3A_17 : f32 to vector<1000x128xf32>
    %mul3A_19 = arith.mulf %mul3A_18, %mul3A_16 : vector<1000x128xf32>
    %get3A_20 = arith.constant 0 : index
    %get3A_21 = arith.constant 0 : index
    %get3A_22 = vector.load %arg4[%get3A_20, %get3A_21] : memref<1000x128xf32, #tpu.memory_space<vmem>>, vector<1000x128xf32>
    %mul3A_23 = arith.constant 1.000000e-01 : f32
    %mul3A_24 = vector.broadcast %mul3A_23 : f32 to vector<1000x128xf32>
    %mul3A_25 = arith.mulf %mul3A_24, %get3A_22 : vector<1000x128xf32>
    %add3A_26 = arith.addf %mul3A_19, %mul3A_25 : vector<1000x128xf32>
    %get3A_27 = arith.constant 0 : index
    %get3A_28 = arith.constant 0 : index
    %get3A_29 = vector.load %arg6[%get3A_27, %get3A_28] : memref<128x128xf32, #tpu.memory_space<vmem>>, vector<128x128xf32>
    %dot_general3A = arith.constant dense<0.000000e+00> : vector<1000x128xf32>
    %dot_general3A_30 = tpu.matmul %add3A_26, %get3A_29, %dot_general3A {dimension_numbers = #tpu.dot_dimension_numbers<[1], [0], [0], [1], [0, 0, 1, 1], [], []>, transpose_lhs_hint = false} : vector<1000x128xf32>, vector<128x128xf32>, vector<1000x128xf32> -> vector<1000x128xf32>
    %sub3A = arith.constant 1.000000e+00 : f32
    %sub3A_31 = arith.subf %sub3A, %get3A_2 : f32
    %mul3A_32 = vector.broadcast %sub3A_31 : f32 to vector<1000x128xf32>
    %mul3A_33 = arith.mulf %mul3A_32, %add3A_26 : vector<1000x128xf32>
    %mul3A_34 = vector.broadcast %get3A_2 : f32 to vector<1000x128xf32>
    %mul3A_35 = arith.mulf %mul3A_34, %dot_general3A_30 : vector<1000x128xf32>
    %add3A_36 = arith.addf %mul3A_33, %mul3A_35 : vector<1000x128xf32>
    %max3A = arith.constant 0.000000e+00 : f32
    %max3A_37 = vector.broadcast %max3A : f32 to vector<1000x128xf32>
    %max3A_38 = arith.maximumf %add3A_36, %max3A_37 : vector<1000x128xf32>
    %swap3A = arith.constant 0 : index
    %swap3A_39 = arith.constant 0 : index
    %swap3A_40 = vector.load %arg8[%swap3A, %swap3A_39] : memref<1000x128xf32, #tpu.memory_space<vmem>>, vector<1000x128xf32>
    tpu.vector_store %arg8[%swap3A, %swap3A_39], %max3A_38 {strides = array<i32>} : memref<1000x128xf32, #tpu.memory_space<vmem>>, vector<1000x128xf32>,
    %get3A_41 = arith.constant 0 : index
    %get3A_42 = arith.constant 0 : index
    %get3A_43 = vector.load %arg5[%get3A_41, %get3A_42] : memref<1000x1xf32, #tpu.memory_space<vmem>>, vector<1000x1xf32>
    %mul3A_44 = vector.broadcast %get3A_43 : vector<1000x1xf32> to vector<1000x128xf32>
    %mul3A_45 = arith.mulf %max3A_38, %mul3A_44 : vector<1000x128xf32>
    %swap3A_46 = arith.constant 0 : index
    %swap3A_47 = arith.constant 0 : index
    %swap3A_48 = vector.load %arg9[%swap3A_46, %swap3A_47] : memref<1000x128xf32, #tpu.memory_space<vmem>>, vector<1000x128xf32>
    tpu.vector_store %arg9[%swap3A_46, %swap3A_47], %mul3A_45 {strides = array<i32>} : memref<1000x128xf32, #tpu.memory_space<vmem>>, vector<1000x128xf32>,
    return
  }
  func.func @transform_0(%arg0: i32) -> (i32, i32) {
    %c0_i32 = arith.constant 0 : i32
    %c0_i32_0 = arith.constant 0 : i32
    return %arg0, %c0_i32 : i32, i32
  }
  func.func @transform_1(%arg0: i32) -> (i32, i32) {
    %c0_i32 = arith.constant 0 : i32
    %c0_i32_0 = arith.constant 0 : i32
    return %arg0, %c0_i32 : i32, i32
  }
  func.func @transform_2(%arg0: i32) -> (i32, i32) {
    %c0_i32 = arith.constant 0 : i32
    %c0_i32_0 = arith.constant 0 : i32
    return %arg0, %c0_i32 : i32, i32
  }
  func.func @transform_3(%arg0: i32) -> (i32, i32) {
    %c0_i32 = arith.constant 0 : i32
    %c0_i32_0 = arith.constant 0 : i32
    return %arg0, %c0_i32 : i32, i32
  }
  func.func @transform_4(%arg0: i32) -> (i32, i32) {
    %c0_i32 = arith.constant 0 : i32
    %c0_i32_0 = arith.constant 0 : i32
    return %arg0, %c0_i32 : i32, i32
  }
  func.func @transform_5(%arg0: i32) -> (i32, i32) {
    %c0_i32 = arith.constant 0 : i32
    %c0_i32_0 = arith.constant 0 : i32
    %c0_i32_1 = arith.constant 0 : i32
    return %c0_i32, %c0_i32_0 : i32, i32
  }
  func.func @transform_6(%arg0: i32) -> (i32, i32) {
    %c0_i32 = arith.constant 0 : i32
    %c0_i32_0 = arith.constant 0 : i32
    %c0_i32_1 = arith.constant 0 : i32
    return %c0_i32, %c0_i32_0 : i32, i32
  }
  func.func @transform_7(%arg0: i32) -> (i32, i32) {
    %c0_i32 = arith.constant 0 : i32
    %c0_i32_0 = arith.constant 0 : i32
    return %arg0, %c0_i32 : i32, i32
  }
  func.func @transform_8(%arg0: i32) -> (i32, i32) {
    %c0_i32 = arith.constant 0 : i32
    %c0_i32_0 = arith.constant 0 : i32
    return %arg0, %c0_i32 : i32, i32
  }
}

module attributes {stable_mosaic.version = 14 : i64} {
  func.func @body(%arg0: i32, %arg1: memref<1x1x1000xi32, #tpu.memory_space<vmem>>, %arg2: memref<1000x128xf32, #tpu.memory_space<vmem>>, %arg3: memref<128x16xf32, #tpu.memory_space<vmem>>, %arg4: memref<1x16xf32, #tpu.memory_space<vmem>>, %arg5: memref<64x16xf32, #tpu.memory_space<vmem>>, %arg6: memref<64x128xf32, #tpu.memory_space<vmem>>, %arg7: memref<64x1xf32, #tpu.memory_space<vmem>>) attributes {dimension_semantics = [#tpu.dimension_semantics<arbitrary>], iteration_bounds = array<i64: 10>, scalar_prefetch = 0 : i64, scratch_operands = 2 : i64, tpu.core_type = #tpu.core_type<tc>, window_params = [{transform_indices = @transform_0, window_bounds = array<i64: 1, 1, 1000>}, {transform_indices = @transform_1, window_bounds = array<i64: 1000, 128>}, {pipeline_mode = #tpu.pipeline_mode<synchronous>, transform_indices = @transform_2, window_bounds = array<i64: 128, 16>}, {pipeline_mode = #tpu.pipeline_mode<synchronous>, transform_indices = @transform_3, window_bounds = array<i64: 1, 16>}, {pipeline_mode = #tpu.pipeline_mode<synchronous>, transform_indices = @transform_4, window_bounds = array<i64: 64, 16>}]} {
    %eq3A = arith.constant 0 : i32
    %eq3A_0 = arith.cmpi eq, %arg0, %eq3A : i32
    %convert_element_type3A = arith.extui %eq3A_0 : i1 to i32
    %cond3A = arith.constant 0 : i32
    %cond3A_1 = arith.cmpi ne, %convert_element_type3A, %cond3A : i32
    scf.if %cond3A_1 {
      %broadcast_in_dim3A_32 = arith.constant 0.000000e+00 : f32
      %broadcast_in_dim3A_33 = vector.broadcast %broadcast_in_dim3A_32 : f32 to vector<64x128xf32>
      %swap3A_34 = arith.constant 0 : index
      %swap3A_35 = arith.constant 0 : index
      %swap3A_36 = vector.load %arg6[%swap3A_34, %swap3A_35] : memref<64x128xf32, #tpu.memory_space<vmem>>, vector<64x128xf32>
      tpu.vector_store %arg6[%swap3A_34, %swap3A_35], %broadcast_in_dim3A_33 {strides = array<i32>} : memref<64x128xf32, #tpu.memory_space<vmem>>, vector<64x128xf32>,
      %broadcast_in_dim3A_37 = arith.constant 0.000000e+00 : f32
      %broadcast_in_dim3A_38 = vector.broadcast %broadcast_in_dim3A_37 : f32 to vector<64x1xf32>
      %swap3A_39 = arith.constant 0 : index
      %swap3A_40 = arith.constant 0 : index
      %swap3A_41 = vector.load %arg7[%swap3A_39, %swap3A_40] : memref<64x1xf32, #tpu.memory_space<vmem>>, vector<64x1xf32>
      tpu.vector_store %arg7[%swap3A_39, %swap3A_40], %broadcast_in_dim3A_38 {strides = array<i32>} : memref<64x1xf32, #tpu.memory_space<vmem>>, vector<64x1xf32>,
    } else {
    }
    %get3A = arith.constant 0 : index
    %get3A_2 = arith.constant 0 : index
    %get3A_3 = arith.constant 0 : index
    %get3A_4 = vector.load %arg1[%get3A, %get3A_2, %get3A_3] : memref<1x1x1000xi32, #tpu.memory_space<vmem>>, vector<1x1x1000xi32>
    %reshape3A = vector.shape_cast %get3A_4 : vector<1x1x1000xi32> to vector<1x1000xi32>
    %iota3A = tpu.iota {dimensions = array<i32: 0>} : vector<64x1000xi32>
    %eq3A_5 = vector.broadcast %reshape3A : vector<1x1000xi32> to vector<64x1000xi32>
    %eq3A_6 = arith.cmpi eq, %iota3A, %eq3A_5 : vector<64x1000xi32>
    %jit3A = arith.constant 1.000000e+00 : f32
    %jit3A_7 = arith.constant 0.000000e+00 : f32
    %broadcast_in_dim3A = vector.broadcast %jit3A : f32 to vector<64x1000xf32>
    %broadcast_in_dim3A_8 = vector.broadcast %jit3A_7 : f32 to vector<64x1000xf32>
    %select_n3A = arith.select %eq3A_6, %broadcast_in_dim3A, %broadcast_in_dim3A_8 : vector<64x1000xi1>, vector<64x1000xf32>
    %get3A_9 = arith.constant 0 : index
    %get3A_10 = arith.constant 0 : index
    %get3A_11 = vector.load %arg6[%get3A_9, %get3A_10] : memref<64x128xf32, #tpu.memory_space<vmem>>, vector<64x128xf32>
    %get3A_12 = arith.constant 0 : index
    %get3A_13 = arith.constant 0 : index
    %get3A_14 = vector.load %arg2[%get3A_12, %get3A_13] : memref<1000x128xf32, #tpu.memory_space<vmem>>, vector<1000x128xf32>
    %dot_general3A = arith.constant dense<0.000000e+00> : vector<64x128xf32>
    %dot_general3A_15 = tpu.matmul %select_n3A, %get3A_14, %dot_general3A {dimension_numbers = #tpu.dot_dimension_numbers<[1], [0], [0], [1], [0, 0, 1, 1], [], []>, transpose_lhs_hint = false} : vector<64x1000xf32>, vector<1000x128xf32>, vector<64x128xf32> -> vector<64x128xf32>
    %add3A = arith.addf %get3A_11, %dot_general3A_15 : vector<64x128xf32>
    %swap3A = arith.constant 0 : index
    %swap3A_16 = arith.constant 0 : index
    %swap3A_17 = vector.load %arg6[%swap3A, %swap3A_16] : memref<64x128xf32, #tpu.memory_space<vmem>>, vector<64x128xf32>
    tpu.vector_store %arg6[%swap3A, %swap3A_16], %add3A {strides = array<i32>} : memref<64x128xf32, #tpu.memory_space<vmem>>, vector<64x128xf32>,
    %get3A_18 = arith.constant 0 : index
    %get3A_19 = arith.constant 0 : index
    %get3A_20 = vector.load %arg7[%get3A_18, %get3A_19] : memref<64x1xf32, #tpu.memory_space<vmem>>, vector<64x1xf32>
    %reduce_sum3A = arith.constant dense<0.000000e+00> : vector<64xf32>
    %reduce_sum3A_21 = vector.multi_reduction <add>, %select_n3A, %reduce_sum3A [1] : vector<64x1000xf32> to vector<64xf32>
    %broadcast_in_dim3A_22 = vector.shape_cast %reduce_sum3A_21 : vector<64xf32> to vector<64x1xf32>
    %add3A_23 = arith.addf %get3A_20, %broadcast_in_dim3A_22 : vector<64x1xf32>
    %swap3A_24 = arith.constant 0 : index
    %swap3A_25 = arith.constant 0 : index
    %swap3A_26 = vector.load %arg7[%swap3A_24, %swap3A_25] : memref<64x1xf32, #tpu.memory_space<vmem>>, vector<64x1xf32>
    tpu.vector_store %arg7[%swap3A_24, %swap3A_25], %add3A_23 {strides = array<i32>} : memref<64x1xf32, #tpu.memory_space<vmem>>, vector<64x1xf32>,
    %eq3A_27 = arith.constant 9 : i32
    %eq3A_28 = arith.cmpi eq, %arg0, %eq3A_27 : i32
    %convert_element_type3A_29 = arith.extui %eq3A_28 : i1 to i32
    %cond3A_30 = arith.constant 0 : i32
    %cond3A_31 = arith.cmpi ne, %convert_element_type3A_29, %cond3A_30 : i32
    scf.if %cond3A_31 {
      %get3A_32 = arith.constant 0 : index
      %get3A_33 = arith.constant 0 : index
      %get3A_34 = vector.load %arg6[%get3A_32, %get3A_33] : memref<64x128xf32, #tpu.memory_space<vmem>>, vector<64x128xf32>
      %get3A_35 = arith.constant 0 : index
      %get3A_36 = arith.constant 0 : index
      %get3A_37 = vector.load %arg7[%get3A_35, %get3A_36] : memref<64x1xf32, #tpu.memory_space<vmem>>, vector<64x1xf32>
      %max3A = arith.constant 1.000000e+00 : f32
      %max3A_38 = vector.broadcast %max3A : f32 to vector<64x1xf32>
      %max3A_39 = arith.maximumf %get3A_37, %max3A_38 : vector<64x1xf32>
      %div3A = vector.broadcast %max3A_39 : vector<64x1xf32> to vector<64x128xf32>
      %div3A_40 = arith.divf %get3A_34, %div3A : vector<64x128xf32>
      %get3A_41 = arith.constant 0 : index
      %get3A_42 = arith.constant 0 : index
      %get3A_43 = vector.load %arg3[%get3A_41, %get3A_42] : memref<128x16xf32, #tpu.memory_space<vmem>>, vector<128x16xf32>
      %dot_general3A_44 = arith.constant dense<0.000000e+00> : vector<64x16xf32>
      %dot_general3A_45 = tpu.matmul %div3A_40, %get3A_43, %dot_general3A_44 {dimension_numbers = #tpu.dot_dimension_numbers<[1], [0], [0], [1], [0, 0, 1, 1], [], []>, transpose_lhs_hint = false} : vector<64x128xf32>, vector<128x16xf32>, vector<64x16xf32> -> vector<64x16xf32>
      %get3A_46 = arith.constant 0 : index
      %get3A_47 = arith.constant 0 : index
      %get3A_48 = vector.load %arg4[%get3A_46, %get3A_47] : memref<1x16xf32, #tpu.memory_space<vmem>>, vector<1x16xf32>
      %add3A_49 = vector.broadcast %get3A_48 : vector<1x16xf32> to vector<64x16xf32>
      %add3A_50 = arith.addf %dot_general3A_45, %add3A_49 : vector<64x16xf32>
      %reduce_max3A = arith.constant dense<0xFF800000> : vector<64xf32>
      %reduce_max3A_51 = vector.multi_reduction <maximumf>, %add3A_50, %reduce_max3A [1] : vector<64x16xf32> to vector<64xf32>
      %broadcast_in_dim3A_52 = vector.shape_cast %reduce_max3A_51 : vector<64xf32> to vector<64x1xf32>
      %sub3A = vector.broadcast %broadcast_in_dim3A_52 : vector<64x1xf32> to vector<64x16xf32>
      %sub3A_53 = arith.subf %add3A_50, %sub3A : vector<64x16xf32>
      %exp3A = math.exp %sub3A_53 : vector<64x16xf32>
      %reduce_sum3A_54 = arith.constant dense<0.000000e+00> : vector<64xf32>
      %reduce_sum3A_55 = vector.multi_reduction <add>, %exp3A, %reduce_sum3A_54 [1] : vector<64x16xf32> to vector<64xf32>
      %broadcast_in_dim3A_56 = vector.shape_cast %reduce_sum3A_55 : vector<64xf32> to vector<64x1xf32>
      %log3A = math.log %broadcast_in_dim3A_56 : vector<64x1xf32>
      %sub3A_57 = vector.broadcast %log3A : vector<64x1xf32> to vector<64x16xf32>
      %sub3A_58 = arith.subf %sub3A_53, %sub3A_57 : vector<64x16xf32>
      %swap3A_59 = arith.constant 0 : index
      %swap3A_60 = arith.constant 0 : index
      %swap3A_61 = vector.load %arg5[%swap3A_59, %swap3A_60] : memref<64x16xf32, #tpu.memory_space<vmem>>, vector<64x16xf32>
      tpu.vector_store %arg5[%swap3A_59, %swap3A_60], %sub3A_58 {strides = array<i32>} : memref<64x16xf32, #tpu.memory_space<vmem>>, vector<64x16xf32>,
    } else {
    }
    return
  }
  func.func @transform_0(%arg0: i32) -> (i32, i32, i32) {
    %c0_i32 = arith.constant 0 : i32
    %c0_i32_0 = arith.constant 0 : i32
    %c0_i32_1 = arith.constant 0 : i32
    return %arg0, %c0_i32, %c0_i32_0 : i32, i32, i32
  }
  func.func @transform_1(%arg0: i32) -> (i32, i32) {
    %c0_i32 = arith.constant 0 : i32
    %c0_i32_0 = arith.constant 0 : i32
    return %arg0, %c0_i32 : i32, i32
  }
  func.func @transform_2(%arg0: i32) -> (i32, i32) {
    %c0_i32 = arith.constant 0 : i32
    %c0_i32_0 = arith.constant 0 : i32
    %c0_i32_1 = arith.constant 0 : i32
    return %c0_i32, %c0_i32_0 : i32, i32
  }
  func.func @transform_3(%arg0: i32) -> (i32, i32) {
    %c0_i32 = arith.constant 0 : i32
    %c0_i32_0 = arith.constant 0 : i32
    %c0_i32_1 = arith.constant 0 : i32
    return %c0_i32, %c0_i32_0 : i32, i32
  }
  func.func @transform_4(%arg0: i32) -> (i32, i32) {
    %c0_i32 = arith.constant 0 : i32
    %c0_i32_0 = arith.constant 0 : i32
    %c0_i32_1 = arith.constant 0 : i32
    return %c0_i32, %c0_i32_0 : i32, i32
  }
}

</mosaic_0001>

<sc_bundles>
// kernel: kernel.21.cloned.1.call-start
scs
__scs_entry_jumppad:
0x0: {  	(pc) =	sbr.rel $0x88, $3  }
0x1: {  	(tag) =	ssettag $0x0;
	lr =	simm.s32 $0x1  }
0x2: {  	[smem:$0x3F99] =	sst lr;
	_ =	strace $0xD0000000  }
0x3: {  	_ = 	snop  }
0x4: {  	_ = 	snop  }
0x5: {  	_ = 	snop  }
0x6: {  	_ = 	snop  }
0x7: {  	_ = 	snop  }
__scs_overlays_trampoline_lowered:
0x8: {  	[smem:$0x3FA8] =	sst s0  }
0x9: {  	[smem:$0x3FA9] =	sst s1  }
0xa: {  	[smem:$0x3FAA] =	sst s2  }
0xb: {  	[smem:$0x3FAB] =	sst s3  }
0xc: {  	[smem:$0x3FAC] =	sst s4  }
0xd: {  	[smem:$0x3FAD] =	sst s5  }
0xe: {  	[smem:$0x3FAE] =	sst s6  }
0xf: {  	[smem:$0x3FAF] =	sst s7  }
0x10: {  	[smem:$0x3FB0] =	sst s8  }
0x11: {  	[smem:$0x3FB1] =	sst s9;
	s0 =	simm.s32 @!p0 $0x0  }
0x12: {  	s1 =	sld [smem:$0x3F97];
	s0 =	simm.s32 @p0 $0x1  }
0x13: {  	[smem:$0x3FB2] =	sst s0;
	s0 =	simm.s32 @!p1 $0x0  }
0x14: {  	s2 =	sld [smem:$0x3F96];
	s0 =	simm.s32 @p1 $0x1  }
0x15: {  	[smem:$0x3FB3] =	sst s0;
	s0 =	simm.s32 @!p2 $0x0  }
0x16: {  	s3 =	sld [smem:$0x3FDB];
	s0 =	simm.s32 @p2 $0x1  }
0x17: {  	s4 =	simm.s32 $0x1BF5;
	[smem:$0x3FB5] =	sst s0  }
0x18: {  	s0 =	sld [smem:$0x3F98];
	_ =	swait.ge [sflag:s4], $0x0  }
0x19: {  	s7 =	sld [smem:$0x3F99]  }
0x1a: {  	s8 =	sadd.s32 $0xFFFFE003, lr  }
0x1b: {  	s9 =	sadd.s32 $0xFFFFFEF7, lr;
	s5 =	simm.s32 $0xFFFFFFFF;
	p2 =	slt.u32 s8, $0xFFFFF086  }
0x1c: {  	p1 =	slt.u32 s9, $0xF7A;
	s5 =	simm.s32 @!p2 $0x0  }
0x1d: {  	s5 =	simm.s32 @p1 $0x1;
	p0 =	seq.s32 s7, s2  }
0x1e: {  	s7 =	smul.u32 @!p0 $0xF7A, s2;
	p2 =	seq.s32 @!p0 s5, $0x0  }
0x1f: {  	s9 =	smul.u32 $0xF7A, s1;
	s8 =	simm.s32 @!p0 $0x1BF5;
	p2 =	por !p2, p0  }
0x20: {  	[sflag:s8] =	ssyncset.s32 @!p0 $0xFFFFF086;
	s6 =	sadd.s32 @!p0 s3, s7;
	s7 =	simm.s32 @!p0 $0x108  }
0x21: {  	s3 =	sadd.s32 s3, s9;
	s6 =	sadd.s32 @!p0 $0x88, s6;
	s7 =	simm.s32 @p2 $0x1082  }
0x22: {  	[simem:s7], [sflag:s8] =	dma.local @!p0 [hbm:s6], $0xF7A  }
0x23: {  	s9 =	sor.u32 $0xD0000000, s2;
	s6 =	simm.s32 $0x108;
	_ =	swait.ge @!p0 [sflag:s8], $0x0  }
0x24: {  	s3 =	sadd.s32 $0x88, s3;
	s6 =	simm.s32 @!p1 $0x1082;
	[sflag:s4] =	ssyncset.s32 $0xFFFFF086  }
0x25: {  	[simem:s6], [sflag:s4] =	dma.local [hbm:s3], $0xF7A  }
0x26: {  	[smem:$0x3F99] =	sst s1;
	(tag) =	ssettag s2;
	_ =	strace s9  }
0x27: {  	s1 =	sld [smem:$0x3FA9]  }
0x28: {  	s2 =	sld [smem:$0x3FAA]  }
0x29: {  	s4 =	sld [smem:$0x3FAC]  }
0x2a: {  	p0 =	seq.s32 s5, $0x0;
	s5 =	sld [smem:$0x3FAD]  }
0x2b: {  	s6 =	sld [smem:$0x3FAE]  }
0x2c: {  	s7 =	sld [smem:$0x3FAF]  }
0x2d: {  	s3 =	simm.s32 $0x108;
	s8 =	sld [smem:$0x3FB0]  }
0x2e: {  	s3 =	simm.s32 @!p0 $0x1082;
	s9 =	sld [smem:$0x3FB1]  }
0x2f: {  	lr =	sadd.s32 s0, s3;
	s0 =	sld [smem:$0x3FA8]  }
0x30: {  	s3 =	sld [smem:$0x3FAB]  }
0x31: {  	[smem:$0x3FB4] =	sst s10  }
0x32: {  	s10 =	sld [smem:$0x3FB2];
	_ =	sdelay $0x3  }
0x33: {  	p0 =	seq.s32 s10, $0x1;
	s10 =	sld [smem:$0x3FB4];
	_ =	sdelay $0x3  }
0x34: {  	[smem:$0x3FB4] =	sst s10  }
0x35: {  	s10 =	sld [smem:$0x3FB3];
	_ =	sdelay $0x3  }
0x36: {  	p1 =	seq.s32 s10, $0x1;
	s10 =	sld [smem:$0x3FB4];
	_ =	sdelay $0x3  }
0x37: {  	[smem:$0x3FB4] =	sst s10  }
0x38: {  	s10 =	sld [smem:$0x3FB5]  }
0x39: {  	_ = 	snop;
	(pc) =	sbr.ind lr, $3  }
0x3a: {  	_ = 	snop  }
0x3b: {  	_ = 	snop  }
0x3c: {  	p2 =	seq.s32 s10, $0x1;
	s10 =	sld [smem:$0x3FB4]  }
0x3d: {  	_ =	shalt  }
0x3e: {  	_ =	shalt  }
0x3f: {  	_ =	shalt  }
0x40: {  	_ =	shalt  }
0x41: {  	_ =	shalt  }
0x42: {  	_ =	shalt  }
0x43: {  	_ =	shalt  }
0x44: {  	_ =	shalt  }
0x45: {  	_ =	shalt  }
0x46: {  	_ =	shalt  }
0x47: {  	_ =	shalt  }
0x48: {  	_ =	shalt  }
0x49: {  	_ =	shalt  }
0x4a: {  	_ =	shalt  }
0x4b: {  	_ =	shalt  }
0x4c: {  	_ =	shalt  }
0x4d: {  	_ =	shalt  }
0x4e: {  	_ =	shalt  }
0x4f: {  	_ =	shalt  }
0x50: {  	_ =	shalt  }
0x51: {  	_ =	shalt  }
0x52: {  	_ =	shalt  }
0x53: {  	_ =	shalt  }
0x54: {  	_ =	shalt  }
0x55: {  	_ =	shalt  }
0x56: {  	_ =	shalt  }
0x57: {  	_ =	shalt  }
0x58: {  	_ =	shalt  }
0x59: {  	_ =	shalt  }
0x5a: {  	_ =	shalt  }
0x5b: {  	_ =	shalt  }
0x5c: {  	_ =	shalt  }
0x5d: {  	_ =	shalt  }
0x5e: {  	_ =	shalt  }
0x5f: {  	_ =	shalt  }
0x60: {  	_ =	shalt  }
0x61: {  	_ =	shalt  }
0x62: {  	_ =	shalt  }
0x63: {  	_ =	shalt  }
0x64: {  	_ =	shalt  }
0x65: {  	_ =	shalt  }
0x66: {  	_ =	shalt  }
0x67: {  	_ =	shalt  }
0x68: {  	_ =	shalt  }
0x69: {  	_ =	shalt  }
0x6a: {  	_ =	shalt  }
0x6b: {  	_ =	shalt  }
0x6c: {  	_ =	shalt  }
0x6d: {  	_ =	shalt  }
0x6e: {  	_ =	shalt  }
0x6f: {  	_ =	shalt  }
0x70: {  	_ =	shalt  }
0x71: {  	_ =	shalt  }
0x72: {  	_ =	shalt  }
0x73: {  	_ =	shalt  }
0x74: {  	_ =	shalt  }
0x75: {  	_ =	shalt  }
0x76: {  	_ =	shalt  }
0x77: {  	_ =	shalt  }
0x78: {  	_ =	shalt  }
0x79: {  	_ =	shalt  }
0x7a: {  	_ =	shalt  }
0x7b: {  	_ =	shalt  }
0x7c: {  	_ =	shalt  }
0x7d: {  	_ =	shalt  }
0x7e: {  	_ =	shalt  }
0x7f: {  	_ =	shalt  }
0x80: {  	_ =	shalt  }
0x81: {  	_ =	shalt  }
0x82: {  	_ =	shalt  }
0x83: {  	_ =	shalt  }
0x84: {  	_ =	shalt  }
0x85: {  	_ =	shalt  }
0x86: {  	_ =	shalt  }
0x87: {  	_ =	shalt  }
.Lfunc_end0:
.L_simem_size_0:
called_computation_lowered:
.L_overlay_start_0:
0x88: {  	s2 =	sld [smem:$0x3FD9]  }
0x89: {  	s3 =	sld [smem:$0x3FFE];
	_ =	sdelay $0x1  }
0x8a: {  	s1 =	srdreg.scid  }
0x8b: {  	s0 =	sand.u32 $0x1, s1  }
0x8c: {  	s16 =	sshll.u32 s0, $0xA;
	s2 =	sadd.s32 s3, s2  }
0x8d: {  	s2 =	sadd.s32 s2, s16  }
0x8e: {  	[smem:$0x3FC0] =	sst s2  }
0x8f: {  	_ = 	snop  }
0x90: {  	(tm) =	ssettm $0x1  }
0x91: {  	s17 =	sld [smem:$0x3FFB];
	_ =	sdelay $0x3  }
0x92: {  	_ =	strace s17  }
0x93: {  	s2 =	sld [smem:$0x3FFC];
	_ =	sdelay $0x3  }
0x94: {  	_ =	strace s2  }
0x95: {  	s2 =	sld [smem:$0x3FFD];
	_ =	sdelay $0x3  }
0x96: {  	_ =	strace s2  }
0x97: {  	_ =	strace $0x8FFFFFFF  }
0x98: {  	s18 =	sld [smem:$0x3FDB];
	_ =	sdelay $0x1  }
0x99: {  	s19 =	simm.s32 $_scs_section_size  }
0x9a: {  	s4 =	simm.s32 $_size__tile_overlayer_lowered;
	s5 =	simm.s32 $_tile_overlayer_lowered  }
0x9b: {  	s22 =	simm.s32 $0x1BFF;
	s21 =	sshll.u32 s5, $0x1;
	s2 =	sadd.s32 s19, s18  }
0x9c: {  	s6 =	simm.s32 $0x0;
	s20 =	sshll.u32 s4, $0x1;
	s4 =	sadd.s32 s21, s2  }
0x9d: {  	[timem:s6], [sflag:s22] =	dma.local [hbm:s4], s20  }
0x9e: {  	_ =	swait.ge [sflag:s22], s20  }
0x9f: {  	s3 =	ssub.s32 $0x0, s20;
	[sflag:s22] =	ssyncset.done $0x0  }
0xa0: {  	[sflag:s22] =	ssyncadd.s32 s3;
	_ =	sdelay $0x1  }
0xa1: {  	s23 =	simm.s32 $0x1B8B  }
0xa2: {  	_ =	swait.ge [sflag:s23], $0x1  }
0xa3: {  	[sflag:s23] =	ssyncset.done $0x0  }
0xa4: {  	s25 =	simm.s32 $0x1B8E;
	s24 =	sld [smem:$0x3FFE];
	[sflag:s23] =	ssyncadd.s32 $0xFFFFFFFF  }
0xa5: {  	s26 =	simm.s32 $execute0_lowered;
	[smem:$0x3FD2] =	sst s25  }
0xa6: {  	s4 =	sshll.u32 s26, $0x1;
	_ =	strace $0x80000046;
	[dreg:$0x1] =	wrdreg $0xFFFFFFFF  }
0xa7: {  	s28 =	simm.s32 $_size_execute0_lowered;
	s2 =	sadd.s32 s2, s4;
	[dreg:$0x0] =	wrdreg $0x0  }
0xa8: {  	s4 =	sshll.u32 s28, $0x1;
	[dreg:$0x2] =	wrdreg s2  }
0xa9: {  	[dreg:$0x3] =	wrdreg s4  }
0xaa: {  	[dreg:$0x4] =	wrdreg $0xC0  }
0xab: {  	_ =	task [dreg:s6], $0x5FFFF  }
0xac: {  	[dreg:$0x1] =	wrdreg $0xFFFFFFFF  }
0xad: {  	[dreg:$0x0] =	wrdreg $0x60  }
0xae: {  	[dreg:$0x2] =	wrdreg s24  }
0xaf: {  	[dreg:$0x3] =	wrdreg $0x2B000  }
0xb0: {  	[dreg:$0x4] =	wrdreg $0x9  }
0xb1: {  	_ =	task.clear_ibuf [dreg:s6], $0x5FFFF;
	_ =	strace $0x90000046  }
0xb2: {  	s29 =	simm.s32 $0x9;
	_ =	strace $0x80000048  }
0xb3: {  	_ =	swait.ge [sflag:s29], $0x1  }
0xb4: {  	[sflag:s29] =	ssyncadd.s32 $0xFFFFFFFF  }
0xb5: {  	_ =	strace $0x90000048  }
0xb6: {  	_ =	sfence  }
0xb7: {  	s30 =	sld [smem:$0x0];
	_ =	sdelay $0x2  }
0xb8: {  	s31 =	sshll.u32 s1, $0xD;
	s1 =	sshrl.u32 s1, $0x2  }
0xb9: {  	s3 =	sand.u32 $0x4000, s31;
	s1 =	sadd.s32 s1, s30  }
0xba: {  	s0 =	sor.u32 s3, s0;
	s1 =	sshll.u32 s1, $0x11  }
0xbb: {  	s0 =	sor.u32 s1, s0  }
0xbc: {  	s0 =	sadd.s32 $0x8F2B, s0  }
0xbd: {  	[sflag:s0] =	ssyncadd.remote.s32 $0x1  }
0xbe: {  	_ =	sfence.sel $0xFFFF  }
0xbf: {  	[dreg:$0x0] =	wrdreg $0xFFFFFFFF;
	(pc) =	sbr.abs _section_cstart, $3  }
0xc0: {  	[dreg:$0x1] =	wrdreg $0xFFFFFFFF  }
0xc1: {  	_ =	task.clear_ibuf [dreg:s6], $0x2FFFF;
	_ =	strace $0x9FFFFFFF  }
0xc2: {  	(tm) =	ssettm $0x7FFFFFFF  }
0xc3: {  	_ =	shalt  }
tec
execute0_lowered:
.L_overlay_start_1:
0x0: {  	(tag) =	ssettag $0x1  }
0x1: {  	s4 =	rddreg [dreg:$0x0]  }
0x2: {  	s2 =	rddreg [dreg:$0x1]  }
0x3: {  	s0 =	rddreg [dreg:$0x2]  }
0x4: {  	s3 =	simm.s32 $0x0;
	s5 =	srdreg.scid;
	s1 =	stileid.u32  }
0x5: {  	s10 =	simm.s32 $0x80;
	s11 =	simm.s32 $0x2800;
	s12 =	simm.s32 $0x100  }
0x6: {  	s13 =	simm.s32 $0x0;
	s5 =	sand.u32 $0x1, s5;
	s7 =	smul.u32 $0x500, s1  }
0x7: {  	s6 =	sshll.u32 s1, $0x1;
	[smem:$0x7FF] =	sst s3;
	s29 =	smul.u32 $0xA00, s1  }
0x8: {  	s6 =	sor.u32 s5, s6;
	s8 =	sshll.u32 s5, $0x7;
	_ =	strace $0x80000047  }
0x9: {  	s5 =	ssub.s32 $0x2, s5;
	s6 =	smul.u32 $0x500, s6;
	s7 =	sor.u32 s8, s7  }
0xa: {  	s30 =	sshrl.u32 s5, $0x1;
	s31 =	sshrl.u32 s29, $0x2;
	s8 =	simm.s32 $0x1  }
0xb: {  	s7 =	sshrl.u32 s7, $0x3;
	s9 =	ssub.s32 s5, s30;
	s6 =	sadd.s32 s6, s4  }
0xc: {  	s5 =	sadd.s32 s31, s2;
	s7 =	sadd.s32 s7, s4;
	s4 =	sadd.s32 $0x7000, s6  }
0xd: {  	v0 =	vimm.f32 $1.000000000e+00;
	v1 =	vimm.f32 $0.0e+00;
	s6 =	sadd.s32 $0x11000, s7;
	s7 =	smax.u32 s9, $0x1;
	s9 =	simm.s32 $0x2880  }
.LBB2_1:
0xe: {  	[tilespmem:s3], [sflag:$0x1] =	stream.linear.gather [hbm4b:s4+s3], $0x2800, $0x38;
	[tilespmem:$0x2D80] =	vst v63  }
0xf: {  	_ =	swait.ge [sflag:s8], $0x2800  }
0x10: {  	[sflag:s8] =	ssyncset.done $0x0  }
0x11: {  	[sflag:s8] =	ssyncadd.s32 $0xFFFFD800  }
0x12: {  	[tilespmem:$0x2800] =	vst v0  }
0x13: {  	[tilespmem:$0x2810] =	vst v0  }
0x14: {  	[tilespmem:$0x2820] =	vst v0  }
0x15: {  	[tilespmem:$0x2830] =	vst v0  }
0x16: {  	[tilespmem:$0x2840] =	vst v0  }
0x17: {  	[tilespmem:$0x2850] =	vst v0  }
0x18: {  	[tilespmem:$0x2860] =	vst v0  }
0x19: {  	[tilespmem:$0x2870] =	vst v0  }
0x1a: {  	[tilespmem:$0x2880] =	vst v1  }
0x1b: {  	[tilespmem:$0x2890] =	vst v1  }
0x1c: {  	[tilespmem:$0x28A0] =	vst v1  }
0x1d: {  	[tilespmem:$0x28B0] =	vst v1  }
0x1e: {  	[tilespmem:$0x28C0] =	vst v1  }
0x1f: {  	[tilespmem:$0x28D0] =	vst v1  }
0x20: {  	[tilespmem:$0x28E0] =	vst v1  }
0x21: {  	[tilespmem:$0x28F0] =	vst v1  }
0x22: {  	[tilespmem:$0x2900] =	vst v1  }
0x23: {  	[tilespmem:$0x2910] =	vst v1  }
0x24: {  	[tilespmem:$0x2920] =	vst v1  }
0x25: {  	[tilespmem:$0x2930] =	vst v1  }
0x26: {  	[tilespmem:$0x2940] =	vst v1  }
0x27: {  	[tilespmem:$0x2950] =	vst v1  }
0x28: {  	[tilespmem:$0x2960] =	vst v1  }
0x29: {  	[tilespmem:$0x2970] =	vst v1  }
0x2a: {  	[tilespmem:$0x2980] =	vst v1  }
0x2b: {  	[tilespmem:$0x2990] =	vst v1  }
0x2c: {  	[tilespmem:$0x29A0] =	vst v1  }
0x2d: {  	[tilespmem:$0x29B0] =	vst v1  }
0x2e: {  	[tilespmem:$0x29C0] =	vst v1  }
0x2f: {  	[tilespmem:$0x29D0] =	vst v1  }
0x30: {  	[tilespmem:$0x29E0] =	vst v1  }
0x31: {  	[tilespmem:$0x29F0] =	vst v1  }
0x32: {  	[tilespmem:$0x2A00] =	vst v1  }
0x33: {  	[tilespmem:$0x2A10] =	vst v1  }
0x34: {  	[tilespmem:$0x2A20] =	vst v1  }
0x35: {  	[tilespmem:$0x2A30] =	vst v1  }
0x36: {  	[tilespmem:$0x2A40] =	vst v1  }
0x37: {  	[tilespmem:$0x2A50] =	vst v1  }
0x38: {  	[tilespmem:$0x2A60] =	vst v1  }
0x39: {  	[tilespmem:$0x2A70] =	vst v1  }
0x3a: {  	[tilespmem:$0x2A80] =	vst v1  }
0x3b: {  	[tilespmem:$0x2A90] =	vst v1  }
0x3c: {  	[tilespmem:$0x2AA0] =	vst v1  }
0x3d: {  	[tilespmem:$0x2AB0] =	vst v1  }
0x3e: {  	[tilespmem:$0x2AC0] =	vst v1  }
0x3f: {  	[tilespmem:$0x2AD0] =	vst v1  }
0x40: {  	[tilespmem:$0x2AE0] =	vst v1  }
0x41: {  	[tilespmem:$0x2AF0] =	vst v1  }
0x42: {  	[spmem:s5] =	stream.linear.scatter [tilespmem:s9], [sflag:$0x1], $0x280, $0x38;
	[tilespmem:$0x2D80] =	vst v63  }
0x43: {  	_ =	swait.ge [sflag:s8], $0x280  }
0x44: {  	[sflag:s8] =	ssyncset.done $0x0  }
0x45: {  	[sflag:s8] =	ssyncadd.s32 $0xFFFFFD80  }
0x46: {  	s14 =	simm.s32 $0x0;
	[bflag:$0x0] =	sbarrier.arrive $0xFFFF  }
0x47: {  	[spmem:s2] =	stream.indirect.scatter.add.f32 [tilespmem:s11], [sflag:$0x1], $0x1, s14, s10, $0xb8;
	[tilespmem:$0x2D80] =	vst v63  }
0x48: {  	_ =	swait.ge [sflag:s8], $0x80  }
0x49: {  	s14 =	simm.s32 $0x200;
	[sflag:s8] =	ssyncset.done $0x0  }
.LBB2_2:
0x4a: {  	s15 =	sshra.s32 s14, $0x2;
	[sflag:s8] =	ssyncadd.s32 $0xFFFFFF80;
	p0 =	sne.s32 s14, $0x9E00  }
0x4b: {  	[spmem:s2] =	stream.indirect.scatter.add.f32 [tilespmem:s11], [sflag:$0x1], $0x1, s15, s10, $0xb8;
	[tilespmem:$0x2D80] =	vst v63  }
.Ltmp0:
0x4c: {  	_ = 	snop;
	(pc) =	sbr.rel @p0 .LBB2_2-.Ltmp0, $4  }
0x4d: {  	_ = 	snop  }
0x4e: {  	s14 =	sadd.s32 $0x200, s14  }
0x4f: {  	_ =	swait.ge [sflag:s8], $0x80  }
0x50: {  	[sflag:s8] =	ssyncset.done $0x0  }
0x51: {  	[sflag:s8] =	ssyncadd.s32 $0xFFFFFF80  }
0x52: {  	[bflag:$0x0] =	sbarrier.arrive $0xFFFF  }
0x53: {  	[tilespmem:s9], [sflag:$0x1] =	stream.linear.gather [spmem:s5], $0x280, $0x38;
	[tilespmem:$0x2D80] =	vst v63  }
0x54: {  	s13 =	sadd.s32 $0x1, s13;
	_ =	swait.ge [sflag:s8], $0x280  }
0x55: {  	p0 =	sne.s32 s13, s7;
	[sflag:s8] =	ssyncset.done $0x0  }
.Ltmp1:
0x56: {  	[sflag:s8] =	ssyncadd.s32 $0xFFFFFD80;
	(pc) =	sbr.rel @p0 .LBB2_1-.Ltmp1, $4  }
0x57: {  	[hbm4b:s6+s10] =	stream.strided.scatter [tilespmem:s9], [sflag:$0x1], $0x280, s12, s10, $0x38;
	[tilespmem:$0x2D80] =	vst v63  }
0x58: {  	_ =	swait.ge [sflag:s8], $0x280  }
0x59: {  	[sflag:s8] =	ssyncset.done $0x0  }
0x5a: {  	[sflag:s8] =	ssyncadd.s32 $0xFFFFFD80  }
0x5b: {  	_ =	sfence.sel $0x180000  }
0x5c: {  	[bflag:$0x0] =	sbarrier.arrive $0xFFFF  }
0x5d: {  	p0 =	sne.s32 s1, $0x0;
	_ =	strace $0x90000047  }
0x5e: {  	s0 =	sadd.s32 @!p0 $0x100000, s0;
	[bflag:$0x2] =	sbarrier.arrive $0xFFFF  }
0x5f: {  	[sflag:s0] =	ssyncadd.tile.s32 @!p0 $0x1;
	_ =	shalt  }
.Lfunc_end2:
_tile_overlayer_lowered:
.L_overlay_start_2:
0x60: {  	(tag) =	ssettag $0x2  }
0x61: {  	s0 =	rddreg [dreg:$0x0];
	s2 =	stileid.u32  }
0x62: {  	s1 =	rddreg [dreg:$0x1];
	p0 =	sne.s32 s2, $0x0  }
0x63: {  	s3 =	rddreg [dreg:$0x2];
	[bflag:$0x3] =	sbarrier.arrive $0xFFFF;
	s2 =	simm.s32 @!p0 $0x1C01  }
0x64: {  	[timem:s3], [sflag:s2] =	dma.local @!p0 [hbm:s0], s1  }
0x65: {  	s0 =	simm.s32 @!p0 $0x1  }
0x66: {  	_ =	swait.ge @!p0 [sflag:s0], s1  }
0x67: {  	s1 =	ssub.s32 @!p0 $0x0, s1;
	[sflag:s0] =	ssyncset.done @!p0 $0x0  }
0x68: {  	[sflag:s0] =	ssyncadd.s32 @!p0 s1  }
0x69: {  	[bflag:$0x3] =	sbarrier.arrive $0xFFFF  }
0x6a: {  	_ =	shalt  }

// kernel: kernel.24.cloned.1.call-start
scs
__scs_entry_jumppad:
0x0: {  	(pc) =	sbr.rel $0x88, $3  }
0x1: {  	(tag) =	ssettag $0x0;
	lr =	simm.s32 $0x1  }
0x2: {  	[smem:$0x3F99] =	sst lr;
	_ =	strace $0xD0000000  }
0x3: {  	_ = 	snop  }
0x4: {  	_ = 	snop  }
0x5: {  	_ = 	snop  }
0x6: {  	_ = 	snop  }
0x7: {  	_ = 	snop  }
__scs_overlays_trampoline_lowered:
0x8: {  	[smem:$0x3FA8] =	sst s0  }
0x9: {  	[smem:$0x3FA9] =	sst s1  }
0xa: {  	[smem:$0x3FAA] =	sst s2  }
0xb: {  	[smem:$0x3FAB] =	sst s3  }
0xc: {  	[smem:$0x3FAC] =	sst s4  }
0xd: {  	[smem:$0x3FAD] =	sst s5  }
0xe: {  	[smem:$0x3FAE] =	sst s6  }
0xf: {  	[smem:$0x3FAF] =	sst s7  }
0x10: {  	[smem:$0x3FB0] =	sst s8  }
0x11: {  	[smem:$0x3FB1] =	sst s9;
	s0 =	simm.s32 @!p0 $0x0  }
0x12: {  	s1 =	sld [smem:$0x3F97];
	s0 =	simm.s32 @p0 $0x1  }
0x13: {  	[smem:$0x3FB2] =	sst s0;
	s0 =	simm.s32 @!p1 $0x0  }
0x14: {  	s2 =	sld [smem:$0x3F96];
	s0 =	simm.s32 @p1 $0x1  }
0x15: {  	[smem:$0x3FB3] =	sst s0;
	s0 =	simm.s32 @!p2 $0x0  }
0x16: {  	s3 =	sld [smem:$0x3FDB];
	s0 =	simm.s32 @p2 $0x1  }
0x17: {  	s4 =	simm.s32 $0x1BF5;
	[smem:$0x3FB5] =	sst s0  }
0x18: {  	s0 =	sld [smem:$0x3F98];
	_ =	swait.ge [sflag:s4], $0x0  }
0x19: {  	s7 =	sld [smem:$0x3F99]  }
0x1a: {  	s8 =	sadd.s32 $0xFFFFE003, lr  }
0x1b: {  	s9 =	sadd.s32 $0xFFFFFEF7, lr;
	s5 =	simm.s32 $0xFFFFFFFF;
	p2 =	slt.u32 s8, $0xFFFFF086  }
0x1c: {  	p1 =	slt.u32 s9, $0xF7A;
	s5 =	simm.s32 @!p2 $0x0  }
0x1d: {  	s5 =	simm.s32 @p1 $0x1;
	p0 =	seq.s32 s7, s2  }
0x1e: {  	s7 =	smul.u32 @!p0 $0xF7A, s2;
	p2 =	seq.s32 @!p0 s5, $0x0  }
0x1f: {  	s9 =	smul.u32 $0xF7A, s1;
	s8 =	simm.s32 @!p0 $0x1BF5;
	p2 =	por !p2, p0  }
0x20: {  	[sflag:s8] =	ssyncset.s32 @!p0 $0xFFFFF086;
	s6 =	sadd.s32 @!p0 s3, s7;
	s7 =	simm.s32 @!p0 $0x108  }
0x21: {  	s3 =	sadd.s32 s3, s9;
	s6 =	sadd.s32 @!p0 $0x88, s6;
	s7 =	simm.s32 @p2 $0x1082  }
0x22: {  	[simem:s7], [sflag:s8] =	dma.local @!p0 [hbm:s6], $0xF7A  }
0x23: {  	s9 =	sor.u32 $0xD0000000, s2;
	s6 =	simm.s32 $0x108;
	_ =	swait.ge @!p0 [sflag:s8], $0x0  }
0x24: {  	s3 =	sadd.s32 $0x88, s3;
	s6 =	simm.s32 @!p1 $0x1082;
	[sflag:s4] =	ssyncset.s32 $0xFFFFF086  }
0x25: {  	[simem:s6], [sflag:s4] =	dma.local [hbm:s3], $0xF7A  }
0x26: {  	[smem:$0x3F99] =	sst s1;
	(tag) =	ssettag s2;
	_ =	strace s9  }
0x27: {  	s1 =	sld [smem:$0x3FA9]  }
0x28: {  	s2 =	sld [smem:$0x3FAA]  }
0x29: {  	s4 =	sld [smem:$0x3FAC]  }
0x2a: {  	p0 =	seq.s32 s5, $0x0;
	s5 =	sld [smem:$0x3FAD]  }
0x2b: {  	s6 =	sld [smem:$0x3FAE]  }
0x2c: {  	s7 =	sld [smem:$0x3FAF]  }
0x2d: {  	s3 =	simm.s32 $0x108;
	s8 =	sld [smem:$0x3FB0]  }
0x2e: {  	s3 =	simm.s32 @!p0 $0x1082;
	s9 =	sld [smem:$0x3FB1]  }
0x2f: {  	lr =	sadd.s32 s0, s3;
	s0 =	sld [smem:$0x3FA8]  }
0x30: {  	s3 =	sld [smem:$0x3FAB]  }
0x31: {  	[smem:$0x3FB4] =	sst s10  }
0x32: {  	s10 =	sld [smem:$0x3FB2];
	_ =	sdelay $0x3  }
0x33: {  	p0 =	seq.s32 s10, $0x1;
	s10 =	sld [smem:$0x3FB4];
	_ =	sdelay $0x3  }
0x34: {  	[smem:$0x3FB4] =	sst s10  }
0x35: {  	s10 =	sld [smem:$0x3FB3];
	_ =	sdelay $0x3  }
0x36: {  	p1 =	seq.s32 s10, $0x1;
	s10 =	sld [smem:$0x3FB4];
	_ =	sdelay $0x3  }
0x37: {  	[smem:$0x3FB4] =	sst s10  }
0x38: {  	s10 =	sld [smem:$0x3FB5]  }
0x39: {  	_ = 	snop;
	(pc) =	sbr.ind lr, $3  }
0x3a: {  	_ = 	snop  }
0x3b: {  	_ = 	snop  }
0x3c: {  	p2 =	seq.s32 s10, $0x1;
	s10 =	sld [smem:$0x3FB4]  }
0x3d: {  	_ =	shalt  }
0x3e: {  	_ =	shalt  }
0x3f: {  	_ =	shalt  }
0x40: {  	_ =	shalt  }
0x41: {  	_ =	shalt  }
0x42: {  	_ =	shalt  }
0x43: {  	_ =	shalt  }
0x44: {  	_ =	shalt  }
0x45: {  	_ =	shalt  }
0x46: {  	_ =	shalt  }
0x47: {  	_ =	shalt  }
0x48: {  	_ =	shalt  }
0x49: {  	_ =	shalt  }
0x4a: {  	_ =	shalt  }
0x4b: {  	_ =	shalt  }
0x4c: {  	_ =	shalt  }
0x4d: {  	_ =	shalt  }
0x4e: {  	_ =	shalt  }
0x4f: {  	_ =	shalt  }
0x50: {  	_ =	shalt  }
0x51: {  	_ =	shalt  }
0x52: {  	_ =	shalt  }
0x53: {  	_ =	shalt  }
0x54: {  	_ =	shalt  }
0x55: {  	_ =	shalt  }
0x56: {  	_ =	shalt  }
0x57: {  	_ =	shalt  }
0x58: {  	_ =	shalt  }
0x59: {  	_ =	shalt  }
0x5a: {  	_ =	shalt  }
0x5b: {  	_ =	shalt  }
0x5c: {  	_ =	shalt  }
0x5d: {  	_ =	shalt  }
0x5e: {  	_ =	shalt  }
0x5f: {  	_ =	shalt  }
0x60: {  	_ =	shalt  }
0x61: {  	_ =	shalt  }
0x62: {  	_ =	shalt  }
0x63: {  	_ =	shalt  }
0x64: {  	_ =	shalt  }
0x65: {  	_ =	shalt  }
0x66: {  	_ =	shalt  }
0x67: {  	_ =	shalt  }
0x68: {  	_ =	shalt  }
0x69: {  	_ =	shalt  }
0x6a: {  	_ =	shalt  }
0x6b: {  	_ =	shalt  }
0x6c: {  	_ =	shalt  }
0x6d: {  	_ =	shalt  }
0x6e: {  	_ =	shalt  }
0x6f: {  	_ =	shalt  }
0x70: {  	_ =	shalt  }
0x71: {  	_ =	shalt  }
0x72: {  	_ =	shalt  }
0x73: {  	_ =	shalt  }
0x74: {  	_ =	shalt  }
0x75: {  	_ =	shalt  }
0x76: {  	_ =	shalt  }
0x77: {  	_ =	shalt  }
0x78: {  	_ =	shalt  }
0x79: {  	_ =	shalt  }
0x7a: {  	_ =	shalt  }
0x7b: {  	_ =	shalt  }
0x7c: {  	_ =	shalt  }
0x7d: {  	_ =	shalt  }
0x7e: {  	_ =	shalt  }
0x7f: {  	_ =	shalt  }
0x80: {  	_ =	shalt  }
0x81: {  	_ =	shalt  }
0x82: {  	_ =	shalt  }
0x83: {  	_ =	shalt  }
0x84: {  	_ =	shalt  }
0x85: {  	_ =	shalt  }
0x86: {  	_ =	shalt  }
0x87: {  	_ =	shalt  }
.Lfunc_end0:
.L_simem_size_0:
called_computation.1_lowered:
.L_overlay_start_0:
0x88: {  	s2 =	sld [smem:$0x3FD9]  }
0x89: {  	s3 =	sld [smem:$0x3FFE];
	_ =	sdelay $0x1  }
0x8a: {  	s1 =	srdreg.scid  }
0x8b: {  	s0 =	sand.u32 $0x1, s1  }
0x8c: {  	s16 =	sshll.u32 s0, $0xA;
	s2 =	sadd.s32 s3, s2  }
0x8d: {  	s2 =	sadd.s32 s2, s16  }
0x8e: {  	[smem:$0x3FC0] =	sst s2  }
0x8f: {  	_ = 	snop  }
0x90: {  	(tm) =	ssettm $0x1  }
0x91: {  	s17 =	sld [smem:$0x3FFB];
	_ =	sdelay $0x3  }
0x92: {  	_ =	strace s17  }
0x93: {  	s2 =	sld [smem:$0x3FFC];
	_ =	sdelay $0x3  }
0x94: {  	_ =	strace s2  }
0x95: {  	s2 =	sld [smem:$0x3FFD];
	_ =	sdelay $0x3  }
0x96: {  	_ =	strace s2  }
0x97: {  	_ =	strace $0x8FFFFFFF  }
0x98: {  	s18 =	sld [smem:$0x3FDB];
	_ =	sdelay $0x1  }
0x99: {  	s19 =	simm.s32 $_scs_section_size  }
0x9a: {  	s4 =	simm.s32 $_size__tile_overlayer_lowered;
	s5 =	simm.s32 $_tile_overlayer_lowered  }
0x9b: {  	s22 =	simm.s32 $0x1BFF;
	s21 =	sshll.u32 s5, $0x1;
	s2 =	sadd.s32 s19, s18  }
0x9c: {  	s6 =	simm.s32 $0x0;
	s20 =	sshll.u32 s4, $0x1;
	s4 =	sadd.s32 s21, s2  }
0x9d: {  	[timem:s6], [sflag:s22] =	dma.local [hbm:s4], s20  }
0x9e: {  	_ =	swait.ge [sflag:s22], s20  }
0x9f: {  	s3 =	ssub.s32 $0x0, s20;
	[sflag:s22] =	ssyncset.done $0x0  }
0xa0: {  	[sflag:s22] =	ssyncadd.s32 s3;
	_ =	sdelay $0x1  }
0xa1: {  	s23 =	simm.s32 $0x1B8B  }
0xa2: {  	_ =	swait.ge [sflag:s23], $0x1  }
0xa3: {  	[sflag:s23] =	ssyncset.done $0x0  }
0xa4: {  	s25 =	simm.s32 $0x1B8E;
	s24 =	sld [smem:$0x3FFE];
	[sflag:s23] =	ssyncadd.s32 $0xFFFFFFFF  }
0xa5: {  	s26 =	simm.s32 $execute0_lowered;
	[smem:$0x3FD2] =	sst s25  }
0xa6: {  	s4 =	sshll.u32 s26, $0x1;
	_ =	strace $0x80000049;
	[dreg:$0x1] =	wrdreg $0xFFFFFFFF  }
0xa7: {  	s28 =	simm.s32 $_size_execute0_lowered;
	s2 =	sadd.s32 s2, s4;
	[dreg:$0x0] =	wrdreg $0x0  }
0xa8: {  	s4 =	sshll.u32 s28, $0x1;
	[dreg:$0x2] =	wrdreg s2  }
0xa9: {  	[dreg:$0x3] =	wrdreg s4  }
0xaa: {  	[dreg:$0x4] =	wrdreg $0xC0  }
0xab: {  	_ =	task [dreg:s6], $0x5FFFF  }
0xac: {  	[dreg:$0x1] =	wrdreg $0xFFFFFFFF  }
0xad: {  	[dreg:$0x0] =	wrdreg $0x60  }
0xae: {  	[dreg:$0x2] =	wrdreg s24  }
0xaf: {  	[dreg:$0x3] =	wrdreg $0x90000  }
0xb0: {  	[dreg:$0x4] =	wrdreg $0x9  }
0xb1: {  	_ =	task.clear_ibuf [dreg:s6], $0x5FFFF;
	_ =	strace $0x90000049  }
0xb2: {  	s29 =	simm.s32 $0x9;
	_ =	strace $0x8000004B  }
0xb3: {  	_ =	swait.ge [sflag:s29], $0x1  }
0xb4: {  	[sflag:s29] =	ssyncadd.s32 $0xFFFFFFFF  }
0xb5: {  	_ =	strace $0x9000004B  }
0xb6: {  	_ =	sfence  }
0xb7: {  	s30 =	sld [smem:$0x0];
	_ =	sdelay $0x2  }
0xb8: {  	s31 =	sshll.u32 s1, $0xD;
	s1 =	sshrl.u32 s1, $0x2  }
0xb9: {  	s3 =	sand.u32 $0x4000, s31;
	s1 =	sadd.s32 s1, s30  }
0xba: {  	s0 =	sor.u32 s3, s0;
	s1 =	sshll.u32 s1, $0x11  }
0xbb: {  	s0 =	sor.u32 s1, s0  }
0xbc: {  	s0 =	sadd.s32 $0x8F2B, s0  }
0xbd: {  	[sflag:s0] =	ssyncadd.remote.s32 $0x1  }
0xbe: {  	_ =	sfence.sel $0xFFFF  }
0xbf: {  	[dreg:$0x0] =	wrdreg $0xFFFFFFFF;
	(pc) =	sbr.abs _section_cstart, $3  }
0xc0: {  	[dreg:$0x1] =	wrdreg $0xFFFFFFFF  }
0xc1: {  	_ =	task.clear_ibuf [dreg:s6], $0x2FFFF;
	_ =	strace $0x9FFFFFFF  }
0xc2: {  	(tm) =	ssettm $0x7FFFFFFF  }
0xc3: {  	_ =	shalt  }
tec
execute0_lowered:
.L_overlay_start_1:
0x0: {  	(tag) =	ssettag $0x1  }
0x1: {  	s5 =	rddreg [dreg:$0x0];
	s1 =	srdreg.scid  }
0x2: {  	s0 =	stileid.u32;
	s2 =	rddreg [dreg:$0x1]  }
0x3: {  	s3 =	simm.s32 $0x0;
	s24 =	simm.s32 $0x5000;
	s25 =	simm.s32 $0x80  }
0x4: {  	s26 =	simm.s32 $0x1;
	s28 =	simm.s32 $0x0;
	s6 =	sand.u32 $0x1, s1  }
0x5: {  	s4 =	sshll.u32 s0, $0x1;
	[smem:$0x7FF] =	sst s3;
	s10 =	smul.u32 $0x50000, s0  }
0x6: {  	s21 =	sadd.s32 $0x91000, s5;
	s17 =	smul.u32 $0x14000, s0;
	s4 =	sor.u32 s6, s4  }
0x7: {  	_ =	strace $0x8000004A;
	s8 =	ssub.s32 $0x2, s6;
	s18 =	smul.u32 $0x140000, s6  }
0x8: {  	s7 =	smul.u32 $0x500, s4;
	s4 =	sadd.s32 $0x1BA00, s5;
	s9 =	sshrl.u32 s8, $0x1  }
0x9: {  	s30 =	sshrl.u32 s10, $0x2;
	s14 =	sadd.s32 $0x4000, s17;
	s19 =	sadd.s32 $0x8000, s17  }
0xa: {  	s20 =	sadd.s32 $0xC000, s17;
	s22 =	sadd.s32 $0x10000, s17;
	s8 =	ssub.s32 s8, s9  }
0xb: {  	s12 =	sadd.s32 s18, s17;
	s15 =	sadd.s32 s18, s14;
	s14 =	sadd.s32 s14, s2  }
0xc: {  	s16 =	sadd.s32 s19, s2;
	s19 =	sadd.s32 s18, s19;
	s31 =	sadd.s32 s18, s20  }
0xd: {  	s23 =	sadd.s32 s18, s22;
	s18 =	sadd.s32 s20, s2;
	s20 =	sadd.s32 s22, s2  }
0xe: {  	s22 =	simm.s32 $0x2;
	s7 =	sadd.s32 s7, s5;
	s8 =	smax.u32 s8, $0x1  }
0xf: {  	s13 =	sshrl.u32 s12, $0x3;
	s15 =	sshrl.u32 s15, $0x3;
	s19 =	sshrl.u32 s19, $0x3  }
0x10: {  	s23 =	sshrl.u32 s23, $0x3;
	s5 =	sadd.s32 $0x11A00, s7;
	s6 =	sadd.s32 $0x7000, s7  }
0x11: {  	s7 =	sadd.s32 s30, s2;
	s13 =	sadd.s32 s21, s13;
	s15 =	sadd.s32 s21, s15  }
0x12: {  	s17 =	sadd.s32 s21, s19;
	s19 =	sshrl.u32 s31, $0x3;
	s9 =	sadd.s32 $0x4000, s7  }
0x13: {  	s10 =	sadd.s32 $0x8000, s7;
	s11 =	sadd.s32 $0xC000, s7;
	s12 =	sadd.s32 $0x10000, s7  }
0x14: {  	v0 =	vimm.f32 $0.0e+00;
	s19 =	sadd.s32 s21, s19;
	s21 =	sadd.s32 s21, s23;
	s23 =	simm.s32 $0x2800  }
.LBB2_1:
0x15: {  	[tilespmem:s3], [sflag:$0x2] =	stream.linear.gather [hbm4b:s5+s3], $0x2800, $0x38;
	[tilespmem:$0x1D000] =	vst v63  }
0x16: {  	_ =	swait.ge [sflag:s22], $0x2800  }
0x17: {  	[sflag:s22] =	ssyncset.done $0x0  }
0x18: {  	[sflag:s22] =	ssyncadd.s32 $0xFFFFD800  }
0x19: {  	[tilespmem:s23], [sflag:$0x2] =	stream.linear.gather [hbm4b:s6+s3], $0x2800, $0x38;
	[tilespmem:$0x1D000] =	vst v63  }
0x1a: {  	_ =	swait.ge [sflag:s22], $0x2800  }
0x1b: {  	[sflag:s22] =	ssyncset.done $0x0  }
0x1c: {  	s29 =	simm.s32 $0x0;
	s30 =	simm.s32 $0x200;
	[sflag:s22] =	ssyncadd.s32 $0xFFFFD800  }
.LBB2_2:
0x1d: {  	p0 =	sne.s32 s30, $0xFE00;
	[tilespmem:s29+$0x5070] =	vst v0  }
0x1e: {  	[tilespmem:s29+$0x5000] =	vst v0  }
0x1f: {  	[tilespmem:s29+$0x5010] =	vst v0  }
.Ltmp0:
0x20: {  	[tilespmem:s29+$0x5020] =	vst v0;
	(pc) =	sbr.rel @p0 .LBB2_2-.Ltmp0, $4  }
0x21: {  	[tilespmem:s29+$0x5030] =	vst v0  }
0x22: {  	[tilespmem:s29+$0x5040] =	vst v0  }
0x23: {  	[tilespmem:s29+$0x5050] =	vst v0  }
0x24: {  	[tilespmem:s29+$0x5060] =	vst v0;
	s29 =	sshra.s32 s30, $0x2;
	s30 =	sadd.s32 $0x200, s30  }
0x25: {  	[tilespmem:s29+$0x5070] =	vst v0  }
0x26: {  	[tilespmem:s29+$0x5000] =	vst v0  }
0x27: {  	[tilespmem:s29+$0x5010] =	vst v0  }
0x28: {  	[tilespmem:s29+$0x5020] =	vst v0  }
0x29: {  	[tilespmem:s29+$0x5030] =	vst v0  }
0x2a: {  	[tilespmem:s29+$0x5040] =	vst v0  }
0x2b: {  	[tilespmem:s29+$0x5050] =	vst v0  }
0x2c: {  	[tilespmem:s29+$0x5060] =	vst v0  }
0x2d: {  	[spmem:s7] =	stream.linear.scatter [tilespmem:s24], [sflag:$0x2], $0x4000, $0x38;
	[tilespmem:$0x1D000] =	vst v63  }
0x2e: {  	_ =	swait.ge [sflag:s22], $0x4000  }
0x2f: {  	[sflag:s22] =	ssyncset.done $0x0  }
0x30: {  	[sflag:s22] =	ssyncadd.s32 $0xFFFFC000  }
0x31: {  	[spmem:s9] =	stream.linear.scatter [tilespmem:s24], [sflag:$0x2], $0x4000, $0x38;
	[tilespmem:$0x1D000] =	vst v63  }
0x32: {  	_ =	swait.ge [sflag:s22], $0x4000  }
0x33: {  	[sflag:s22] =	ssyncset.done $0x0  }
0x34: {  	[sflag:s22] =	ssyncadd.s32 $0xFFFFC000  }
0x35: {  	[spmem:s10] =	stream.linear.scatter [tilespmem:s24], [sflag:$0x2], $0x4000, $0x38;
	[tilespmem:$0x1D000] =	vst v63  }
0x36: {  	_ =	swait.ge [sflag:s22], $0x4000  }
0x37: {  	[sflag:s22] =	ssyncset.done $0x0  }
0x38: {  	[sflag:s22] =	ssyncadd.s32 $0xFFFFC000  }
0x39: {  	[spmem:s11] =	stream.linear.scatter [tilespmem:s24], [sflag:$0x2], $0x4000, $0x38;
	[tilespmem:$0x1D000] =	vst v63  }
0x3a: {  	_ =	swait.ge [sflag:s22], $0x4000  }
0x3b: {  	[sflag:s22] =	ssyncset.done $0x0  }
0x3c: {  	[sflag:s22] =	ssyncadd.s32 $0xFFFFC000  }
0x3d: {  	[spmem:s12] =	stream.linear.scatter [tilespmem:s24], [sflag:$0x2], $0x4000, $0x38;
	[tilespmem:$0x1D000] =	vst v63  }
0x3e: {  	_ =	swait.ge [sflag:s22], $0x4000  }
0x3f: {  	[sflag:s22] =	ssyncset.done $0x0  }
0x40: {  	[sflag:s22] =	ssyncadd.s32 $0xFFFFC000  }
0x41: {  	s29 =	simm.s32 $0x0;
	[bflag:$0x0] =	sbarrier.arrive $0xFFFF  }
0x42: {  	[tilespmem:s24], [sflag:$0x1] =	stream.indirect.gather [hbm4b:s4+s25], $0x80, s29, s25, $0xb8;
	[tilespmem:$0x1D000] =	vst v63  }
0x43: {  	_ =	swait.ge [sflag:s26], $0x4000  }
0x44: {  	[sflag:s26] =	ssyncset.done $0x0  }
0x45: {  	s29 =	simm.s32 $0x2800;
	[sflag:s26] =	ssyncadd.s32 $0xFFFFC000  }
0x46: {  	[spmem:s2] =	stream.indirect.scatter.add.f32 [tilespmem:s24], [sflag:$0x2], $0x80, s29, s25, $0xb8;
	[tilespmem:$0x1D000] =	vst v63  }
0x47: {  	_ =	swait.ge [sflag:s22], $0x4000  }
0x48: {  	s30 =	simm.s32 $0x400;
	s29 =	simm.s32 $0x200;
	[sflag:s22] =	ssyncset.done $0x0  }
.LBB2_4:
0x49: {  	s31 =	sshra.s32 s29, $0x2  }
0x4a: {  	[sflag:s22] =	ssyncadd.s32 $0xFFFFC000;
	s29 =	smov.u32 s30;
	s1 =	sadd.s32 $0x200, s30  }
0x4b: {  	[tilespmem:s24], [sflag:$0x1] =	stream.indirect.gather [hbm4b:s4+s25], $0x80, s31, s25, $0xb8;
	[tilespmem:$0x1D000] =	vst v63  }
0x4c: {  	p0 =	sne.s32 s30, $0x9E00;
	_ =	swait.ge [sflag:s26], $0x4000  }
.Ltmp1:
0x4d: {  	[sflag:s26] =	ssyncset.done $0x0;
	(pc) =	sbr.rel @p0 .LBB2_4-.Ltmp1, $4  }
0x4e: {  	s30 =	sadd.s32 $0x2800, s31;
	[sflag:s26] =	ssyncadd.s32 $0xFFFFC000  }
0x4f: {  	[spmem:s2] =	stream.indirect.scatter.add.f32 [tilespmem:s24], [sflag:$0x2], $0x80, s30, s25, $0xb8;
	[tilespmem:$0x1D000] =	vst v63  }
0x50: {  	_ =	swait.ge [sflag:s22], $0x4000  }
0x51: {  	s30 =	smov.u32 s1;
	[sflag:s22] =	ssyncset.done $0x0  }
0x52: {  	s1 =	sshra.s32 s29, $0x2;
	[sflag:s22] =	ssyncadd.s32 $0xFFFFC000  }
0x53: {  	[tilespmem:s24], [sflag:$0x1] =	stream.indirect.gather [hbm4b:s4+s25], $0x80, s1, s25, $0xb8;
	[tilespmem:$0x1D000] =	vst v63  }
0x54: {  	_ =	swait.ge [sflag:s26], $0x4000  }
0x55: {  	[sflag:s26] =	ssyncset.done $0x0  }
0x56: {  	s1 =	sadd.s32 $0x2800, s1;
	[sflag:s26] =	ssyncadd.s32 $0xFFFFC000  }
0x57: {  	[spmem:s2] =	stream.indirect.scatter.add.f32 [tilespmem:s24], [sflag:$0x2], $0x80, s1, s25, $0xb8;
	[tilespmem:$0x1D000] =	vst v63  }
0x58: {  	_ =	swait.ge [sflag:s22], $0x4000  }
0x59: {  	[sflag:s22] =	ssyncset.done $0x0  }
0x5a: {  	[sflag:s22] =	ssyncadd.s32 $0xFFFFC000  }
0x5b: {  	[bflag:$0x0] =	sbarrier.arrive $0xFFFF  }
0x5c: {  	[tilespmem:s24], [sflag:$0x2] =	stream.linear.gather [spmem:s7], $0x4000, $0x38;
	[tilespmem:$0x1D000] =	vst v63  }
0x5d: {  	_ =	swait.ge [sflag:s22], $0x4000  }
0x5e: {  	[sflag:s22] =	ssyncset.done $0x0  }
0x5f: {  	[sflag:s22] =	ssyncadd.s32 $0xFFFFC000  }
0x60: {  	[hbm4b:s13+s3] =	stream.linear.scatter [tilespmem:s24], [sflag:$0x2], $0x4000, $0x38;
	[tilespmem:$0x1D000] =	vst v63  }
0x61: {  	_ =	swait.ge [sflag:s22], $0x4000  }
0x62: {  	[sflag:s22] =	ssyncset.done $0x0  }
0x63: {  	[sflag:s22] =	ssyncadd.s32 $0xFFFFC000  }
0x64: {  	[tilespmem:s24], [sflag:$0x2] =	stream.linear.gather [spmem:s14], $0x4000, $0x38;
	[tilespmem:$0x1D000] =	vst v63  }
0x65: {  	_ =	swait.ge [sflag:s22], $0x4000  }
0x66: {  	[sflag:s22] =	ssyncset.done $0x0  }
0x67: {  	[sflag:s22] =	ssyncadd.s32 $0xFFFFC000  }
0x68: {  	[hbm4b:s15+s3] =	stream.linear.scatter [tilespmem:s24], [sflag:$0x2], $0x4000, $0x38;
	[tilespmem:$0x1D000] =	vst v63  }
0x69: {  	_ =	swait.ge [sflag:s22], $0x4000  }
0x6a: {  	[sflag:s22] =	ssyncset.done $0x0  }
0x6b: {  	[sflag:s22] =	ssyncadd.s32 $0xFFFFC000  }
0x6c: {  	[tilespmem:s24], [sflag:$0x2] =	stream.linear.gather [spmem:s16], $0x4000, $0x38;
	[tilespmem:$0x1D000] =	vst v63  }
0x6d: {  	_ =	swait.ge [sflag:s22], $0x4000  }
0x6e: {  	[sflag:s22] =	ssyncset.done $0x0  }
0x6f: {  	[sflag:s22] =	ssyncadd.s32 $0xFFFFC000  }
0x70: {  	[hbm4b:s17+s3] =	stream.linear.scatter [tilespmem:s24], [sflag:$0x2], $0x4000, $0x38;
	[tilespmem:$0x1D000] =	vst v63  }
0x71: {  	_ =	swait.ge [sflag:s22], $0x4000  }
0x72: {  	[sflag:s22] =	ssyncset.done $0x0  }
0x73: {  	[sflag:s22] =	ssyncadd.s32 $0xFFFFC000  }
0x74: {  	[tilespmem:s24], [sflag:$0x2] =	stream.linear.gather [spmem:s18], $0x4000, $0x38;
	[tilespmem:$0x1D000] =	vst v63  }
0x75: {  	_ =	swait.ge [sflag:s22], $0x4000  }
0x76: {  	[sflag:s22] =	ssyncset.done $0x0  }
0x77: {  	[sflag:s22] =	ssyncadd.s32 $0xFFFFC000  }
0x78: {  	[hbm4b:s19+s3] =	stream.linear.scatter [tilespmem:s24], [sflag:$0x2], $0x4000, $0x38;
	[tilespmem:$0x1D000] =	vst v63  }
0x79: {  	_ =	swait.ge [sflag:s22], $0x4000  }
0x7a: {  	[sflag:s22] =	ssyncset.done $0x0  }
0x7b: {  	[sflag:s22] =	ssyncadd.s32 $0xFFFFC000  }
0x7c: {  	[tilespmem:s24], [sflag:$0x2] =	stream.linear.gather [spmem:s20], $0x4000, $0x38;
	[tilespmem:$0x1D000] =	vst v63  }
0x7d: {  	s28 =	sadd.s32 $0x1, s28;
	_ =	swait.ge [sflag:s22], $0x4000  }
0x7e: {  	p0 =	sne.s32 s28, s8;
	[sflag:s22] =	ssyncset.done $0x0  }
.Ltmp2:
0x7f: {  	[sflag:s22] =	ssyncadd.s32 $0xFFFFC000;
	(pc) =	sbr.rel @p0 .LBB2_1-.Ltmp2, $4  }
0x80: {  	[hbm4b:s21+s3] =	stream.linear.scatter [tilespmem:s24], [sflag:$0x2], $0x4000, $0x38;
	[tilespmem:$0x1D000] =	vst v63  }
0x81: {  	_ =	swait.ge [sflag:s22], $0x4000  }
0x82: {  	[sflag:s22] =	ssyncset.done $0x0  }
0x83: {  	[sflag:s22] =	ssyncadd.s32 $0xFFFFC000  }
0x84: {  	_ =	sfence.sel $0x180000  }
0x85: {  	[bflag:$0x0] =	sbarrier.arrive $0xFFFF  }
0x86: {  	_ =	strace $0x9000004A  }
0x87: {  	[bflag:$0x2] =	sbarrier.arrive $0xFFFF  }
0x88: {  	p0 =	sne.s32 s0, $0x0;
	s0 =	rddreg [dreg:$0x2]  }
0x89: {  	s0 =	sadd.s32 @!p0 $0x100000, s0  }
0x8a: {  	[sflag:s0] =	ssyncadd.tile.s32 @!p0 $0x1;
	_ =	shalt  }
.Lfunc_end2:
_tile_overlayer_lowered:
.L_overlay_start_2:
0x8b: {  	(tag) =	ssettag $0x2  }
0x8c: {  	s0 =	rddreg [dreg:$0x0];
	s2 =	stileid.u32  }
0x8d: {  	s1 =	rddreg [dreg:$0x1];
	p0 =	sne.s32 s2, $0x0  }
0x8e: {  	s3 =	rddreg [dreg:$0x2];
	[bflag:$0x3] =	sbarrier.arrive $0xFFFF;
	s2 =	simm.s32 @!p0 $0x1C02  }
0x8f: {  	[timem:s3], [sflag:s2] =	dma.local @!p0 [hbm:s0], s1  }
0x90: {  	s0 =	simm.s32 @!p0 $0x2  }
0x91: {  	_ =	swait.ge @!p0 [sflag:s0], s1  }
0x92: {  	s1 =	ssub.s32 @!p0 $0x0, s1;
	[sflag:s0] =	ssyncset.done @!p0 $0x0  }
0x93: {  	[sflag:s0] =	ssyncadd.s32 @!p0 s1  }
0x94: {  	[bflag:$0x3] =	sbarrier.arrive $0xFFFF  }
0x95: {  	_ =	shalt  }

// kernel: kernel.27.cloned.1.call-start
scs
__scs_entry_jumppad:
0x0: {  	(pc) =	sbr.rel $0x88, $3  }
0x1: {  	(tag) =	ssettag $0x0;
	lr =	simm.s32 $0x1  }
0x2: {  	[smem:$0x3F99] =	sst lr;
	_ =	strace $0xD0000000  }
0x3: {  	_ = 	snop  }
0x4: {  	_ = 	snop  }
0x5: {  	_ = 	snop  }
0x6: {  	_ = 	snop  }
0x7: {  	_ = 	snop  }
__scs_overlays_trampoline_lowered:
0x8: {  	[smem:$0x3FA8] =	sst s0  }
0x9: {  	[smem:$0x3FA9] =	sst s1  }
0xa: {  	[smem:$0x3FAA] =	sst s2  }
0xb: {  	[smem:$0x3FAB] =	sst s3  }
0xc: {  	[smem:$0x3FAC] =	sst s4  }
0xd: {  	[smem:$0x3FAD] =	sst s5  }
0xe: {  	[smem:$0x3FAE] =	sst s6  }
0xf: {  	[smem:$0x3FAF] =	sst s7  }
0x10: {  	[smem:$0x3FB0] =	sst s8  }
0x11: {  	[smem:$0x3FB1] =	sst s9;
	s0 =	simm.s32 @!p0 $0x0  }
0x12: {  	s1 =	sld [smem:$0x3F97];
	s0 =	simm.s32 @p0 $0x1  }
0x13: {  	[smem:$0x3FB2] =	sst s0;
	s0 =	simm.s32 @!p1 $0x0  }
0x14: {  	s2 =	sld [smem:$0x3F96];
	s0 =	simm.s32 @p1 $0x1  }
0x15: {  	[smem:$0x3FB3] =	sst s0;
	s0 =	simm.s32 @!p2 $0x0  }
0x16: {  	s3 =	sld [smem:$0x3FDB];
	s0 =	simm.s32 @p2 $0x1  }
0x17: {  	s4 =	simm.s32 $0x1BF5;
	[smem:$0x3FB5] =	sst s0  }
0x18: {  	s0 =	sld [smem:$0x3F98];
	_ =	swait.ge [sflag:s4], $0x0  }
0x19: {  	s7 =	sld [smem:$0x3F99]  }
0x1a: {  	s8 =	sadd.s32 $0xFFFFE003, lr  }
0x1b: {  	s9 =	sadd.s32 $0xFFFFFEF7, lr;
	s5 =	simm.s32 $0xFFFFFFFF;
	p2 =	slt.u32 s8, $0xFFFFF086  }
0x1c: {  	p1 =	slt.u32 s9, $0xF7A;
	s5 =	simm.s32 @!p2 $0x0  }
0x1d: {  	s5 =	simm.s32 @p1 $0x1;
	p0 =	seq.s32 s7, s2  }
0x1e: {  	s7 =	smul.u32 @!p0 $0xF7A, s2;
	p2 =	seq.s32 @!p0 s5, $0x0  }
0x1f: {  	s9 =	smul.u32 $0xF7A, s1;
	s8 =	simm.s32 @!p0 $0x1BF5;
	p2 =	por !p2, p0  }
0x20: {  	[sflag:s8] =	ssyncset.s32 @!p0 $0xFFFFF086;
	s6 =	sadd.s32 @!p0 s3, s7;
	s7 =	simm.s32 @!p0 $0x108  }
0x21: {  	s3 =	sadd.s32 s3, s9;
	s6 =	sadd.s32 @!p0 $0x88, s6;
	s7 =	simm.s32 @p2 $0x1082  }
0x22: {  	[simem:s7], [sflag:s8] =	dma.local @!p0 [hbm:s6], $0xF7A  }
0x23: {  	s9 =	sor.u32 $0xD0000000, s2;
	s6 =	simm.s32 $0x108;
	_ =	swait.ge @!p0 [sflag:s8], $0x0  }
0x24: {  	s3 =	sadd.s32 $0x88, s3;
	s6 =	simm.s32 @!p1 $0x1082;
	[sflag:s4] =	ssyncset.s32 $0xFFFFF086  }
0x25: {  	[simem:s6], [sflag:s4] =	dma.local [hbm:s3], $0xF7A  }
0x26: {  	[smem:$0x3F99] =	sst s1;
	(tag) =	ssettag s2;
	_ =	strace s9  }
0x27: {  	s1 =	sld [smem:$0x3FA9]  }
0x28: {  	s2 =	sld [smem:$0x3FAA]  }
0x29: {  	s4 =	sld [smem:$0x3FAC]  }
0x2a: {  	p0 =	seq.s32 s5, $0x0;
	s5 =	sld [smem:$0x3FAD]  }
0x2b: {  	s6 =	sld [smem:$0x3FAE]  }
0x2c: {  	s7 =	sld [smem:$0x3FAF]  }
0x2d: {  	s3 =	simm.s32 $0x108;
	s8 =	sld [smem:$0x3FB0]  }
0x2e: {  	s3 =	simm.s32 @!p0 $0x1082;
	s9 =	sld [smem:$0x3FB1]  }
0x2f: {  	lr =	sadd.s32 s0, s3;
	s0 =	sld [smem:$0x3FA8]  }
0x30: {  	s3 =	sld [smem:$0x3FAB]  }
0x31: {  	[smem:$0x3FB4] =	sst s10  }
0x32: {  	s10 =	sld [smem:$0x3FB2];
	_ =	sdelay $0x3  }
0x33: {  	p0 =	seq.s32 s10, $0x1;
	s10 =	sld [smem:$0x3FB4];
	_ =	sdelay $0x3  }
0x34: {  	[smem:$0x3FB4] =	sst s10  }
0x35: {  	s10 =	sld [smem:$0x3FB3];
	_ =	sdelay $0x3  }
0x36: {  	p1 =	seq.s32 s10, $0x1;
	s10 =	sld [smem:$0x3FB4];
	_ =	sdelay $0x3  }
0x37: {  	[smem:$0x3FB4] =	sst s10  }
0x38: {  	s10 =	sld [smem:$0x3FB5]  }
0x39: {  	_ = 	snop;
	(pc) =	sbr.ind lr, $3  }
0x3a: {  	_ = 	snop  }
0x3b: {  	_ = 	snop  }
0x3c: {  	p2 =	seq.s32 s10, $0x1;
	s10 =	sld [smem:$0x3FB4]  }
0x3d: {  	_ =	shalt  }
0x3e: {  	_ =	shalt  }
0x3f: {  	_ =	shalt  }
0x40: {  	_ =	shalt  }
0x41: {  	_ =	shalt  }
0x42: {  	_ =	shalt  }
0x43: {  	_ =	shalt  }
0x44: {  	_ =	shalt  }
0x45: {  	_ =	shalt  }
0x46: {  	_ =	shalt  }
0x47: {  	_ =	shalt  }
0x48: {  	_ =	shalt  }
0x49: {  	_ =	shalt  }
0x4a: {  	_ =	shalt  }
0x4b: {  	_ =	shalt  }
0x4c: {  	_ =	shalt  }
0x4d: {  	_ =	shalt  }
0x4e: {  	_ =	shalt  }
0x4f: {  	_ =	shalt  }
0x50: {  	_ =	shalt  }
0x51: {  	_ =	shalt  }
0x52: {  	_ =	shalt  }
0x53: {  	_ =	shalt  }
0x54: {  	_ =	shalt  }
0x55: {  	_ =	shalt  }
0x56: {  	_ =	shalt  }
0x57: {  	_ =	shalt  }
0x58: {  	_ =	shalt  }
0x59: {  	_ =	shalt  }
0x5a: {  	_ =	shalt  }
0x5b: {  	_ =	shalt  }
0x5c: {  	_ =	shalt  }
0x5d: {  	_ =	shalt  }
0x5e: {  	_ =	shalt  }
0x5f: {  	_ =	shalt  }
0x60: {  	_ =	shalt  }
0x61: {  	_ =	shalt  }
0x62: {  	_ =	shalt  }
0x63: {  	_ =	shalt  }
0x64: {  	_ =	shalt  }
0x65: {  	_ =	shalt  }
0x66: {  	_ =	shalt  }
0x67: {  	_ =	shalt  }
0x68: {  	_ =	shalt  }
0x69: {  	_ =	shalt  }
0x6a: {  	_ =	shalt  }
0x6b: {  	_ =	shalt  }
0x6c: {  	_ =	shalt  }
0x6d: {  	_ =	shalt  }
0x6e: {  	_ =	shalt  }
0x6f: {  	_ =	shalt  }
0x70: {  	_ =	shalt  }
0x71: {  	_ =	shalt  }
0x72: {  	_ =	shalt  }
0x73: {  	_ =	shalt  }
0x74: {  	_ =	shalt  }
0x75: {  	_ =	shalt  }
0x76: {  	_ =	shalt  }
0x77: {  	_ =	shalt  }
0x78: {  	_ =	shalt  }
0x79: {  	_ =	shalt  }
0x7a: {  	_ =	shalt  }
0x7b: {  	_ =	shalt  }
0x7c: {  	_ =	shalt  }
0x7d: {  	_ =	shalt  }
0x7e: {  	_ =	shalt  }
0x7f: {  	_ =	shalt  }
0x80: {  	_ =	shalt  }
0x81: {  	_ =	shalt  }
0x82: {  	_ =	shalt  }
0x83: {  	_ =	shalt  }
0x84: {  	_ =	shalt  }
0x85: {  	_ =	shalt  }
0x86: {  	_ =	shalt  }
0x87: {  	_ =	shalt  }
.Lfunc_end0:
.L_simem_size_0:
called_computation.2_lowered:
.L_overlay_start_0:
0x88: {  	s2 =	sld [smem:$0x3FD9]  }
0x89: {  	s3 =	sld [smem:$0x3FFE];
	_ =	sdelay $0x1  }
0x8a: {  	s1 =	srdreg.scid  }
0x8b: {  	s0 =	sand.u32 $0x1, s1  }
0x8c: {  	s16 =	sshll.u32 s0, $0xA;
	s2 =	sadd.s32 s3, s2  }
0x8d: {  	s2 =	sadd.s32 s2, s16  }
0x8e: {  	[smem:$0x3FC0] =	sst s2  }
0x8f: {  	_ = 	snop  }
0x90: {  	(tm) =	ssettm $0x1  }
0x91: {  	s17 =	sld [smem:$0x3FFB];
	_ =	sdelay $0x3  }
0x92: {  	_ =	strace s17  }
0x93: {  	s2 =	sld [smem:$0x3FFC];
	_ =	sdelay $0x3  }
0x94: {  	_ =	strace s2  }
0x95: {  	s2 =	sld [smem:$0x3FFD];
	_ =	sdelay $0x3  }
0x96: {  	_ =	strace s2  }
0x97: {  	_ =	strace $0x8FFFFFFF  }
0x98: {  	s18 =	sld [smem:$0x3FDB];
	_ =	sdelay $0x1  }
0x99: {  	s19 =	simm.s32 $_scs_section_size  }
0x9a: {  	s4 =	simm.s32 $_size__tile_overlayer_lowered;
	s5 =	simm.s32 $_tile_overlayer_lowered  }
0x9b: {  	s22 =	simm.s32 $0x1BFF;
	s21 =	sshll.u32 s5, $0x1;
	s2 =	sadd.s32 s19, s18  }
0x9c: {  	s6 =	simm.s32 $0x0;
	s20 =	sshll.u32 s4, $0x1;
	s4 =	sadd.s32 s21, s2  }
0x9d: {  	[timem:s6], [sflag:s22] =	dma.local [hbm:s4], s20  }
0x9e: {  	_ =	swait.ge [sflag:s22], s20  }
0x9f: {  	s3 =	ssub.s32 $0x0, s20;
	[sflag:s22] =	ssyncset.done $0x0  }
0xa0: {  	[sflag:s22] =	ssyncadd.s32 s3;
	_ =	sdelay $0x1  }
0xa1: {  	s23 =	simm.s32 $0x1B8B  }
0xa2: {  	_ =	swait.ge [sflag:s23], $0x1  }
0xa3: {  	[sflag:s23] =	ssyncset.done $0x0  }
0xa4: {  	s25 =	simm.s32 $0x1B8E;
	s24 =	sld [smem:$0x3FFE];
	[sflag:s23] =	ssyncadd.s32 $0xFFFFFFFF  }
0xa5: {  	s26 =	simm.s32 $execute0_lowered;
	[smem:$0x3FD2] =	sst s25  }
0xa6: {  	s4 =	sshll.u32 s26, $0x1;
	_ =	strace $0x8000004C;
	[dreg:$0x1] =	wrdreg $0xFFFFFFFF  }
0xa7: {  	s28 =	simm.s32 $_size_execute0_lowered;
	s2 =	sadd.s32 s2, s4;
	[dreg:$0x0] =	wrdreg $0x0  }
0xa8: {  	s4 =	sshll.u32 s28, $0x1;
	[dreg:$0x2] =	wrdreg s2  }
0xa9: {  	[dreg:$0x3] =	wrdreg s4  }
0xaa: {  	[dreg:$0x4] =	wrdreg $0xC0  }
0xab: {  	_ =	task [dreg:s6], $0x5FFFF  }
0xac: {  	[dreg:$0x1] =	wrdreg $0xFFFFFFFF  }
0xad: {  	[dreg:$0x0] =	wrdreg $0x60  }
0xae: {  	[dreg:$0x2] =	wrdreg s24  }
0xaf: {  	[dreg:$0x3] =	wrdreg $0x90000  }
0xb0: {  	[dreg:$0x4] =	wrdreg $0x9  }
0xb1: {  	_ =	task.clear_ibuf [dreg:s6], $0x5FFFF;
	_ =	strace $0x9000004C  }
0xb2: {  	s29 =	simm.s32 $0x9;
	_ =	strace $0x8000004E  }
0xb3: {  	_ =	swait.ge [sflag:s29], $0x1  }
0xb4: {  	[sflag:s29] =	ssyncadd.s32 $0xFFFFFFFF  }
0xb5: {  	_ =	strace $0x9000004E  }
0xb6: {  	_ =	sfence  }
0xb7: {  	s30 =	sld [smem:$0x0];
	_ =	sdelay $0x2  }
0xb8: {  	s31 =	sshll.u32 s1, $0xD;
	s1 =	sshrl.u32 s1, $0x2  }
0xb9: {  	s3 =	sand.u32 $0x4000, s31;
	s1 =	sadd.s32 s1, s30  }
0xba: {  	s0 =	sor.u32 s3, s0;
	s1 =	sshll.u32 s1, $0x11  }
0xbb: {  	s0 =	sor.u32 s1, s0  }
0xbc: {  	s0 =	sadd.s32 $0x8F2B, s0  }
0xbd: {  	[sflag:s0] =	ssyncadd.remote.s32 $0x1  }
0xbe: {  	_ =	sfence.sel $0xFFFF  }
0xbf: {  	[dreg:$0x0] =	wrdreg $0xFFFFFFFF;
	(pc) =	sbr.abs _section_cstart, $3  }
0xc0: {  	[dreg:$0x1] =	wrdreg $0xFFFFFFFF  }
0xc1: {  	_ =	task.clear_ibuf [dreg:s6], $0x2FFFF;
	_ =	strace $0x9FFFFFFF  }
0xc2: {  	(tm) =	ssettm $0x7FFFFFFF  }
0xc3: {  	_ =	shalt  }
tec
execute0_lowered:
.L_overlay_start_1:
0x0: {  	(tag) =	ssettag $0x1  }
0x1: {  	s5 =	rddreg [dreg:$0x0];
	s1 =	srdreg.scid  }
0x2: {  	s0 =	stileid.u32;
	s2 =	rddreg [dreg:$0x1]  }
0x3: {  	s3 =	simm.s32 $0x0;
	s24 =	simm.s32 $0x5000;
	s25 =	simm.s32 $0x80  }
0x4: {  	s26 =	simm.s32 $0x1;
	s28 =	simm.s32 $0x0;
	s6 =	sand.u32 $0x1, s1  }
0x5: {  	s4 =	sshll.u32 s0, $0x1;
	[smem:$0x7FF] =	sst s3;
	s10 =	smul.u32 $0x50000, s0  }
0x6: {  	s21 =	sadd.s32 $0x91000, s5;
	s17 =	smul.u32 $0x14000, s0;
	s4 =	sor.u32 s6, s4  }
0x7: {  	_ =	strace $0x8000004D;
	s8 =	ssub.s32 $0x2, s6;
	s18 =	smul.u32 $0x140000, s6  }
0x8: {  	s7 =	smul.u32 $0x500, s4;
	s4 =	sadd.s32 $0x1BA00, s5;
	s9 =	sshrl.u32 s8, $0x1  }
0x9: {  	s30 =	sshrl.u32 s10, $0x2;
	s14 =	sadd.s32 $0x4000, s17;
	s19 =	sadd.s32 $0x8000, s17  }
0xa: {  	s20 =	sadd.s32 $0xC000, s17;
	s22 =	sadd.s32 $0x10000, s17;
	s8 =	ssub.s32 s8, s9  }
0xb: {  	s12 =	sadd.s32 s18, s17;
	s15 =	sadd.s32 s18, s14;
	s14 =	sadd.s32 s14, s2  }
0xc: {  	s16 =	sadd.s32 s19, s2;
	s19 =	sadd.s32 s18, s19;
	s31 =	sadd.s32 s18, s20  }
0xd: {  	s23 =	sadd.s32 s18, s22;
	s18 =	sadd.s32 s20, s2;
	s20 =	sadd.s32 s22, s2  }
0xe: {  	s22 =	simm.s32 $0x2;
	s7 =	sadd.s32 s7, s5;
	s8 =	smax.u32 s8, $0x1  }
0xf: {  	s13 =	sshrl.u32 s12, $0x3;
	s15 =	sshrl.u32 s15, $0x3;
	s19 =	sshrl.u32 s19, $0x3  }
0x10: {  	s23 =	sshrl.u32 s23, $0x3;
	s5 =	sadd.s32 $0x11A00, s7;
	s6 =	sadd.s32 $0x7000, s7  }
0x11: {  	s7 =	sadd.s32 s30, s2;
	s13 =	sadd.s32 s21, s13;
	s15 =	sadd.s32 s21, s15  }
0x12: {  	s17 =	sadd.s32 s21, s19;
	s19 =	sshrl.u32 s31, $0x3;
	s9 =	sadd.s32 $0x4000, s7  }
0x13: {  	s10 =	sadd.s32 $0x8000, s7;
	s11 =	sadd.s32 $0xC000, s7;
	s12 =	sadd.s32 $0x10000, s7  }
0x14: {  	v0 =	vimm.f32 $0.0e+00;
	s19 =	sadd.s32 s21, s19;
	s21 =	sadd.s32 s21, s23;
	s23 =	simm.s32 $0x2800  }
.LBB2_1:
0x15: {  	[tilespmem:s3], [sflag:$0x2] =	stream.linear.gather [hbm4b:s5+s3], $0x2800, $0x38;
	[tilespmem:$0x1D000] =	vst v63  }
0x16: {  	_ =	swait.ge [sflag:s22], $0x2800  }
0x17: {  	[sflag:s22] =	ssyncset.done $0x0  }
0x18: {  	[sflag:s22] =	ssyncadd.s32 $0xFFFFD800  }
0x19: {  	[tilespmem:s23], [sflag:$0x2] =	stream.linear.gather [hbm4b:s6+s3], $0x2800, $0x38;
	[tilespmem:$0x1D000] =	vst v63  }
0x1a: {  	_ =	swait.ge [sflag:s22], $0x2800  }
0x1b: {  	[sflag:s22] =	ssyncset.done $0x0  }
0x1c: {  	s29 =	simm.s32 $0x0;
	s30 =	simm.s32 $0x200;
	[sflag:s22] =	ssyncadd.s32 $0xFFFFD800  }
.LBB2_2:
0x1d: {  	p0 =	sne.s32 s30, $0xFE00;
	[tilespmem:s29+$0x5070] =	vst v0  }
0x1e: {  	[tilespmem:s29+$0x5000] =	vst v0  }
0x1f: {  	[tilespmem:s29+$0x5010] =	vst v0  }
.Ltmp0:
0x20: {  	[tilespmem:s29+$0x5020] =	vst v0;
	(pc) =	sbr.rel @p0 .LBB2_2-.Ltmp0, $4  }
0x21: {  	[tilespmem:s29+$0x5030] =	vst v0  }
0x22: {  	[tilespmem:s29+$0x5040] =	vst v0  }
0x23: {  	[tilespmem:s29+$0x5050] =	vst v0  }
0x24: {  	[tilespmem:s29+$0x5060] =	vst v0;
	s29 =	sshra.s32 s30, $0x2;
	s30 =	sadd.s32 $0x200, s30  }
0x25: {  	[tilespmem:s29+$0x5070] =	vst v0  }
0x26: {  	[tilespmem:s29+$0x5000] =	vst v0  }
0x27: {  	[tilespmem:s29+$0x5010] =	vst v0  }
0x28: {  	[tilespmem:s29+$0x5020] =	vst v0  }
0x29: {  	[tilespmem:s29+$0x5030] =	vst v0  }
0x2a: {  	[tilespmem:s29+$0x5040] =	vst v0  }
0x2b: {  	[tilespmem:s29+$0x5050] =	vst v0  }
0x2c: {  	[tilespmem:s29+$0x5060] =	vst v0  }
0x2d: {  	[spmem:s7] =	stream.linear.scatter [tilespmem:s24], [sflag:$0x2], $0x4000, $0x38;
	[tilespmem:$0x1D000] =	vst v63  }
0x2e: {  	_ =	swait.ge [sflag:s22], $0x4000  }
0x2f: {  	[sflag:s22] =	ssyncset.done $0x0  }
0x30: {  	[sflag:s22] =	ssyncadd.s32 $0xFFFFC000  }
0x31: {  	[spmem:s9] =	stream.linear.scatter [tilespmem:s24], [sflag:$0x2], $0x4000, $0x38;
	[tilespmem:$0x1D000] =	vst v63  }
0x32: {  	_ =	swait.ge [sflag:s22], $0x4000  }
0x33: {  	[sflag:s22] =	ssyncset.done $0x0  }
0x34: {  	[sflag:s22] =	ssyncadd.s32 $0xFFFFC000  }
0x35: {  	[spmem:s10] =	stream.linear.scatter [tilespmem:s24], [sflag:$0x2], $0x4000, $0x38;
	[tilespmem:$0x1D000] =	vst v63  }
0x36: {  	_ =	swait.ge [sflag:s22], $0x4000  }
0x37: {  	[sflag:s22] =	ssyncset.done $0x0  }
0x38: {  	[sflag:s22] =	ssyncadd.s32 $0xFFFFC000  }
0x39: {  	[spmem:s11] =	stream.linear.scatter [tilespmem:s24], [sflag:$0x2], $0x4000, $0x38;
	[tilespmem:$0x1D000] =	vst v63  }
0x3a: {  	_ =	swait.ge [sflag:s22], $0x4000  }
0x3b: {  	[sflag:s22] =	ssyncset.done $0x0  }
0x3c: {  	[sflag:s22] =	ssyncadd.s32 $0xFFFFC000  }
0x3d: {  	[spmem:s12] =	stream.linear.scatter [tilespmem:s24], [sflag:$0x2], $0x4000, $0x38;
	[tilespmem:$0x1D000] =	vst v63  }
0x3e: {  	_ =	swait.ge [sflag:s22], $0x4000  }
0x3f: {  	[sflag:s22] =	ssyncset.done $0x0  }
0x40: {  	[sflag:s22] =	ssyncadd.s32 $0xFFFFC000  }
0x41: {  	s29 =	simm.s32 $0x0;
	[bflag:$0x0] =	sbarrier.arrive $0xFFFF  }
0x42: {  	[tilespmem:s24], [sflag:$0x1] =	stream.indirect.gather [hbm4b:s4+s25], $0x80, s29, s25, $0xb8;
	[tilespmem:$0x1D000] =	vst v63  }
0x43: {  	_ =	swait.ge [sflag:s26], $0x4000  }
0x44: {  	[sflag:s26] =	ssyncset.done $0x0  }
0x45: {  	s29 =	simm.s32 $0x2800;
	[sflag:s26] =	ssyncadd.s32 $0xFFFFC000  }
0x46: {  	[spmem:s2] =	stream.indirect.scatter.add.f32 [tilespmem:s24], [sflag:$0x2], $0x80, s29, s25, $0xb8;
	[tilespmem:$0x1D000] =	vst v63  }
0x47: {  	_ =	swait.ge [sflag:s22], $0x4000  }
0x48: {  	s30 =	simm.s32 $0x400;
	s29 =	simm.s32 $0x200;
	[sflag:s22] =	ssyncset.done $0x0  }
.LBB2_4:
0x49: {  	s31 =	sshra.s32 s29, $0x2  }
0x4a: {  	[sflag:s22] =	ssyncadd.s32 $0xFFFFC000;
	s29 =	smov.u32 s30;
	s1 =	sadd.s32 $0x200, s30  }
0x4b: {  	[tilespmem:s24], [sflag:$0x1] =	stream.indirect.gather [hbm4b:s4+s25], $0x80, s31, s25, $0xb8;
	[tilespmem:$0x1D000] =	vst v63  }
0x4c: {  	p0 =	sne.s32 s30, $0x9E00;
	_ =	swait.ge [sflag:s26], $0x4000  }
.Ltmp1:
0x4d: {  	[sflag:s26] =	ssyncset.done $0x0;
	(pc) =	sbr.rel @p0 .LBB2_4-.Ltmp1, $4  }
0x4e: {  	s30 =	sadd.s32 $0x2800, s31;
	[sflag:s26] =	ssyncadd.s32 $0xFFFFC000  }
0x4f: {  	[spmem:s2] =	stream.indirect.scatter.add.f32 [tilespmem:s24], [sflag:$0x2], $0x80, s30, s25, $0xb8;
	[tilespmem:$0x1D000] =	vst v63  }
0x50: {  	_ =	swait.ge [sflag:s22], $0x4000  }
0x51: {  	s30 =	smov.u32 s1;
	[sflag:s22] =	ssyncset.done $0x0  }
0x52: {  	s1 =	sshra.s32 s29, $0x2;
	[sflag:s22] =	ssyncadd.s32 $0xFFFFC000  }
0x53: {  	[tilespmem:s24], [sflag:$0x1] =	stream.indirect.gather [hbm4b:s4+s25], $0x80, s1, s25, $0xb8;
	[tilespmem:$0x1D000] =	vst v63  }
0x54: {  	_ =	swait.ge [sflag:s26], $0x4000  }
0x55: {  	[sflag:s26] =	ssyncset.done $0x0  }
0x56: {  	s1 =	sadd.s32 $0x2800, s1;
	[sflag:s26] =	ssyncadd.s32 $0xFFFFC000  }
0x57: {  	[spmem:s2] =	stream.indirect.scatter.add.f32 [tilespmem:s24], [sflag:$0x2], $0x80, s1, s25, $0xb8;
	[tilespmem:$0x1D000] =	vst v63  }
0x58: {  	_ =	swait.ge [sflag:s22], $0x4000  }
0x59: {  	[sflag:s22] =	ssyncset.done $0x0  }
0x5a: {  	[sflag:s22] =	ssyncadd.s32 $0xFFFFC000  }
0x5b: {  	[bflag:$0x0] =	sbarrier.arrive $0xFFFF  }
0x5c: {  	[tilespmem:s24], [sflag:$0x2] =	stream.linear.gather [spmem:s7], $0x4000, $0x38;
	[tilespmem:$0x1D000] =	vst v63  }
0x5d: {  	_ =	swait.ge [sflag:s22], $0x4000  }
0x5e: {  	[sflag:s22] =	ssyncset.done $0x0  }
0x5f: {  	[sflag:s22] =	ssyncadd.s32 $0xFFFFC000  }
0x60: {  	[hbm4b:s13+s3] =	stream.linear.scatter [tilespmem:s24], [sflag:$0x2], $0x4000, $0x38;
	[tilespmem:$0x1D000] =	vst v63  }
0x61: {  	_ =	swait.ge [sflag:s22], $0x4000  }
0x62: {  	[sflag:s22] =	ssyncset.done $0x0  }
0x63: {  	[sflag:s22] =	ssyncadd.s32 $0xFFFFC000  }
0x64: {  	[tilespmem:s24], [sflag:$0x2] =	stream.linear.gather [spmem:s14], $0x4000, $0x38;
	[tilespmem:$0x1D000] =	vst v63  }
0x65: {  	_ =	swait.ge [sflag:s22], $0x4000  }
0x66: {  	[sflag:s22] =	ssyncset.done $0x0  }
0x67: {  	[sflag:s22] =	ssyncadd.s32 $0xFFFFC000  }
0x68: {  	[hbm4b:s15+s3] =	stream.linear.scatter [tilespmem:s24], [sflag:$0x2], $0x4000, $0x38;
	[tilespmem:$0x1D000] =	vst v63  }
0x69: {  	_ =	swait.ge [sflag:s22], $0x4000  }
0x6a: {  	[sflag:s22] =	ssyncset.done $0x0  }
0x6b: {  	[sflag:s22] =	ssyncadd.s32 $0xFFFFC000  }
0x6c: {  	[tilespmem:s24], [sflag:$0x2] =	stream.linear.gather [spmem:s16], $0x4000, $0x38;
	[tilespmem:$0x1D000] =	vst v63  }
0x6d: {  	_ =	swait.ge [sflag:s22], $0x4000  }
0x6e: {  	[sflag:s22] =	ssyncset.done $0x0  }
0x6f: {  	[sflag:s22] =	ssyncadd.s32 $0xFFFFC000  }
0x70: {  	[hbm4b:s17+s3] =	stream.linear.scatter [tilespmem:s24], [sflag:$0x2], $0x4000, $0x38;
	[tilespmem:$0x1D000] =	vst v63  }
0x71: {  	_ =	swait.ge [sflag:s22], $0x4000  }
0x72: {  	[sflag:s22] =	ssyncset.done $0x0  }
0x73: {  	[sflag:s22] =	ssyncadd.s32 $0xFFFFC000  }
0x74: {  	[tilespmem:s24], [sflag:$0x2] =	stream.linear.gather [spmem:s18], $0x4000, $0x38;
	[tilespmem:$0x1D000] =	vst v63  }
0x75: {  	_ =	swait.ge [sflag:s22], $0x4000  }
0x76: {  	[sflag:s22] =	ssyncset.done $0x0  }
0x77: {  	[sflag:s22] =	ssyncadd.s32 $0xFFFFC000  }
0x78: {  	[hbm4b:s19+s3] =	stream.linear.scatter [tilespmem:s24], [sflag:$0x2], $0x4000, $0x38;
	[tilespmem:$0x1D000] =	vst v63  }
0x79: {  	_ =	swait.ge [sflag:s22], $0x4000  }
0x7a: {  	[sflag:s22] =	ssyncset.done $0x0  }
0x7b: {  	[sflag:s22] =	ssyncadd.s32 $0xFFFFC000  }
0x7c: {  	[tilespmem:s24], [sflag:$0x2] =	stream.linear.gather [spmem:s20], $0x4000, $0x38;
	[tilespmem:$0x1D000] =	vst v63  }
0x7d: {  	s28 =	sadd.s32 $0x1, s28;
	_ =	swait.ge [sflag:s22], $0x4000  }
0x7e: {  	p0 =	sne.s32 s28, s8;
	[sflag:s22] =	ssyncset.done $0x0  }
.Ltmp2:
0x7f: {  	[sflag:s22] =	ssyncadd.s32 $0xFFFFC000;
	(pc) =	sbr.rel @p0 .LBB2_1-.Ltmp2, $4  }
0x80: {  	[hbm4b:s21+s3] =	stream.linear.scatter [tilespmem:s24], [sflag:$0x2], $0x4000, $0x38;
	[tilespmem:$0x1D000] =	vst v63  }
0x81: {  	_ =	swait.ge [sflag:s22], $0x4000  }
0x82: {  	[sflag:s22] =	ssyncset.done $0x0  }
0x83: {  	[sflag:s22] =	ssyncadd.s32 $0xFFFFC000  }
0x84: {  	_ =	sfence.sel $0x180000  }
0x85: {  	[bflag:$0x0] =	sbarrier.arrive $0xFFFF  }
0x86: {  	_ =	strace $0x9000004D  }
0x87: {  	[bflag:$0x2] =	sbarrier.arrive $0xFFFF  }
0x88: {  	p0 =	sne.s32 s0, $0x0;
	s0 =	rddreg [dreg:$0x2]  }
0x89: {  	s0 =	sadd.s32 @!p0 $0x100000, s0  }
0x8a: {  	[sflag:s0] =	ssyncadd.tile.s32 @!p0 $0x1;
	_ =	shalt  }
.Lfunc_end2:
_tile_overlayer_lowered:
.L_overlay_start_2:
0x8b: {  	(tag) =	ssettag $0x2  }
0x8c: {  	s0 =	rddreg [dreg:$0x0];
	s2 =	stileid.u32  }
0x8d: {  	s1 =	rddreg [dreg:$0x1];
	p0 =	sne.s32 s2, $0x0  }
0x8e: {  	s3 =	rddreg [dreg:$0x2];
	[bflag:$0x3] =	sbarrier.arrive $0xFFFF;
	s2 =	simm.s32 @!p0 $0x1C02  }
0x8f: {  	[timem:s3], [sflag:s2] =	dma.local @!p0 [hbm:s0], s1  }
0x90: {  	s0 =	simm.s32 @!p0 $0x2  }
0x91: {  	_ =	swait.ge @!p0 [sflag:s0], s1  }
0x92: {  	s1 =	ssub.s32 @!p0 $0x0, s1;
	[sflag:s0] =	ssyncset.done @!p0 $0x0  }
0x93: {  	[sflag:s0] =	ssyncadd.s32 @!p0 s1  }
0x94: {  	[bflag:$0x3] =	sbarrier.arrive $0xFFFF  }
0x95: {  	_ =	shalt  }

// kernel: kernel.30.cloned.1.call-start
scs
__scs_entry_jumppad:
0x0: {  	(pc) =	sbr.rel $0x88, $3  }
0x1: {  	(tag) =	ssettag $0x0;
	lr =	simm.s32 $0x1  }
0x2: {  	[smem:$0x3F99] =	sst lr;
	_ =	strace $0xD0000000  }
0x3: {  	_ = 	snop  }
0x4: {  	_ = 	snop  }
0x5: {  	_ = 	snop  }
0x6: {  	_ = 	snop  }
0x7: {  	_ = 	snop  }
__scs_overlays_trampoline_lowered:
0x8: {  	[smem:$0x3FA8] =	sst s0  }
0x9: {  	[smem:$0x3FA9] =	sst s1  }
0xa: {  	[smem:$0x3FAA] =	sst s2  }
0xb: {  	[smem:$0x3FAB] =	sst s3  }
0xc: {  	[smem:$0x3FAC] =	sst s4  }
0xd: {  	[smem:$0x3FAD] =	sst s5  }
0xe: {  	[smem:$0x3FAE] =	sst s6  }
0xf: {  	[smem:$0x3FAF] =	sst s7  }
0x10: {  	[smem:$0x3FB0] =	sst s8  }
0x11: {  	[smem:$0x3FB1] =	sst s9;
	s0 =	simm.s32 @!p0 $0x0  }
0x12: {  	s1 =	sld [smem:$0x3F97];
	s0 =	simm.s32 @p0 $0x1  }
0x13: {  	[smem:$0x3FB2] =	sst s0;
	s0 =	simm.s32 @!p1 $0x0  }
0x14: {  	s2 =	sld [smem:$0x3F96];
	s0 =	simm.s32 @p1 $0x1  }
0x15: {  	[smem:$0x3FB3] =	sst s0;
	s0 =	simm.s32 @!p2 $0x0  }
0x16: {  	s3 =	sld [smem:$0x3FDB];
	s0 =	simm.s32 @p2 $0x1  }
0x17: {  	s4 =	simm.s32 $0x1BF5;
	[smem:$0x3FB5] =	sst s0  }
0x18: {  	s0 =	sld [smem:$0x3F98];
	_ =	swait.ge [sflag:s4], $0x0  }
0x19: {  	s7 =	sld [smem:$0x3F99]  }
0x1a: {  	s8 =	sadd.s32 $0xFFFFE003, lr  }
0x1b: {  	s9 =	sadd.s32 $0xFFFFFEF7, lr;
	s5 =	simm.s32 $0xFFFFFFFF;
	p2 =	slt.u32 s8, $0xFFFFF086  }
0x1c: {  	p1 =	slt.u32 s9, $0xF7A;
	s5 =	simm.s32 @!p2 $0x0  }
0x1d: {  	s5 =	simm.s32 @p1 $0x1;
	p0 =	seq.s32 s7, s2  }
0x1e: {  	s7 =	smul.u32 @!p0 $0xF7A, s2;
	p2 =	seq.s32 @!p0 s5, $0x0  }
0x1f: {  	s9 =	smul.u32 $0xF7A, s1;
	s8 =	simm.s32 @!p0 $0x1BF5;
	p2 =	por !p2, p0  }
0x20: {  	[sflag:s8] =	ssyncset.s32 @!p0 $0xFFFFF086;
	s6 =	sadd.s32 @!p0 s3, s7;
	s7 =	simm.s32 @!p0 $0x108  }
0x21: {  	s3 =	sadd.s32 s3, s9;
	s6 =	sadd.s32 @!p0 $0x88, s6;
	s7 =	simm.s32 @p2 $0x1082  }
0x22: {  	[simem:s7], [sflag:s8] =	dma.local @!p0 [hbm:s6], $0xF7A  }
0x23: {  	s9 =	sor.u32 $0xD0000000, s2;
	s6 =	simm.s32 $0x108;
	_ =	swait.ge @!p0 [sflag:s8], $0x0  }
0x24: {  	s3 =	sadd.s32 $0x88, s3;
	s6 =	simm.s32 @!p1 $0x1082;
	[sflag:s4] =	ssyncset.s32 $0xFFFFF086  }
0x25: {  	[simem:s6], [sflag:s4] =	dma.local [hbm:s3], $0xF7A  }
0x26: {  	[smem:$0x3F99] =	sst s1;
	(tag) =	ssettag s2;
	_ =	strace s9  }
0x27: {  	s1 =	sld [smem:$0x3FA9]  }
0x28: {  	s2 =	sld [smem:$0x3FAA]  }
0x29: {  	s4 =	sld [smem:$0x3FAC]  }
0x2a: {  	p0 =	seq.s32 s5, $0x0;
	s5 =	sld [smem:$0x3FAD]  }
0x2b: {  	s6 =	sld [smem:$0x3FAE]  }
0x2c: {  	s7 =	sld [smem:$0x3FAF]  }
0x2d: {  	s3 =	simm.s32 $0x108;
	s8 =	sld [smem:$0x3FB0]  }
0x2e: {  	s3 =	simm.s32 @!p0 $0x1082;
	s9 =	sld [smem:$0x3FB1]  }
0x2f: {  	lr =	sadd.s32 s0, s3;
	s0 =	sld [smem:$0x3FA8]  }
0x30: {  	s3 =	sld [smem:$0x3FAB]  }
0x31: {  	[smem:$0x3FB4] =	sst s10  }
0x32: {  	s10 =	sld [smem:$0x3FB2];
	_ =	sdelay $0x3  }
0x33: {  	p0 =	seq.s32 s10, $0x1;
	s10 =	sld [smem:$0x3FB4];
	_ =	sdelay $0x3  }
0x34: {  	[smem:$0x3FB4] =	sst s10  }
0x35: {  	s10 =	sld [smem:$0x3FB3];
	_ =	sdelay $0x3  }
0x36: {  	p1 =	seq.s32 s10, $0x1;
	s10 =	sld [smem:$0x3FB4];
	_ =	sdelay $0x3  }
0x37: {  	[smem:$0x3FB4] =	sst s10  }
0x38: {  	s10 =	sld [smem:$0x3FB5]  }
0x39: {  	_ = 	snop;
	(pc) =	sbr.ind lr, $3  }
0x3a: {  	_ = 	snop  }
0x3b: {  	_ = 	snop  }
0x3c: {  	p2 =	seq.s32 s10, $0x1;
	s10 =	sld [smem:$0x3FB4]  }
0x3d: {  	_ =	shalt  }
0x3e: {  	_ =	shalt  }
0x3f: {  	_ =	shalt  }
0x40: {  	_ =	shalt  }
0x41: {  	_ =	shalt  }
0x42: {  	_ =	shalt  }
0x43: {  	_ =	shalt  }
0x44: {  	_ =	shalt  }
0x45: {  	_ =	shalt  }
0x46: {  	_ =	shalt  }
0x47: {  	_ =	shalt  }
0x48: {  	_ =	shalt  }
0x49: {  	_ =	shalt  }
0x4a: {  	_ =	shalt  }
0x4b: {  	_ =	shalt  }
0x4c: {  	_ =	shalt  }
0x4d: {  	_ =	shalt  }
0x4e: {  	_ =	shalt  }
0x4f: {  	_ =	shalt  }
0x50: {  	_ =	shalt  }
0x51: {  	_ =	shalt  }
0x52: {  	_ =	shalt  }
0x53: {  	_ =	shalt  }
0x54: {  	_ =	shalt  }
0x55: {  	_ =	shalt  }
0x56: {  	_ =	shalt  }
0x57: {  	_ =	shalt  }
0x58: {  	_ =	shalt  }
0x59: {  	_ =	shalt  }
0x5a: {  	_ =	shalt  }
0x5b: {  	_ =	shalt  }
0x5c: {  	_ =	shalt  }
0x5d: {  	_ =	shalt  }
0x5e: {  	_ =	shalt  }
0x5f: {  	_ =	shalt  }
0x60: {  	_ =	shalt  }
0x61: {  	_ =	shalt  }
0x62: {  	_ =	shalt  }
0x63: {  	_ =	shalt  }
0x64: {  	_ =	shalt  }
0x65: {  	_ =	shalt  }
0x66: {  	_ =	shalt  }
0x67: {  	_ =	shalt  }
0x68: {  	_ =	shalt  }
0x69: {  	_ =	shalt  }
0x6a: {  	_ =	shalt  }
0x6b: {  	_ =	shalt  }
0x6c: {  	_ =	shalt  }
0x6d: {  	_ =	shalt  }
0x6e: {  	_ =	shalt  }
0x6f: {  	_ =	shalt  }
0x70: {  	_ =	shalt  }
0x71: {  	_ =	shalt  }
0x72: {  	_ =	shalt  }
0x73: {  	_ =	shalt  }
0x74: {  	_ =	shalt  }
0x75: {  	_ =	shalt  }
0x76: {  	_ =	shalt  }
0x77: {  	_ =	shalt  }
0x78: {  	_ =	shalt  }
0x79: {  	_ =	shalt  }
0x7a: {  	_ =	shalt  }
0x7b: {  	_ =	shalt  }
0x7c: {  	_ =	shalt  }
0x7d: {  	_ =	shalt  }
0x7e: {  	_ =	shalt  }
0x7f: {  	_ =	shalt  }
0x80: {  	_ =	shalt  }
0x81: {  	_ =	shalt  }
0x82: {  	_ =	shalt  }
0x83: {  	_ =	shalt  }
0x84: {  	_ =	shalt  }
0x85: {  	_ =	shalt  }
0x86: {  	_ =	shalt  }
0x87: {  	_ =	shalt  }
.Lfunc_end0:
.L_simem_size_0:
called_computation.3_lowered:
.L_overlay_start_0:
0x88: {  	s2 =	sld [smem:$0x3FD9]  }
0x89: {  	s3 =	sld [smem:$0x3FFE];
	_ =	sdelay $0x1  }
0x8a: {  	s1 =	srdreg.scid  }
0x8b: {  	s0 =	sand.u32 $0x1, s1  }
0x8c: {  	s16 =	sshll.u32 s0, $0xA;
	s2 =	sadd.s32 s3, s2  }
0x8d: {  	s2 =	sadd.s32 s2, s16  }
0x8e: {  	[smem:$0x3FC0] =	sst s2  }
0x8f: {  	_ = 	snop  }
0x90: {  	(tm) =	ssettm $0x1  }
0x91: {  	s17 =	sld [smem:$0x3FFB];
	_ =	sdelay $0x3  }
0x92: {  	_ =	strace s17  }
0x93: {  	s2 =	sld [smem:$0x3FFC];
	_ =	sdelay $0x3  }
0x94: {  	_ =	strace s2  }
0x95: {  	s2 =	sld [smem:$0x3FFD];
	_ =	sdelay $0x3  }
0x96: {  	_ =	strace s2  }
0x97: {  	_ =	strace $0x8FFFFFFF  }
0x98: {  	s18 =	sld [smem:$0x3FDB];
	_ =	sdelay $0x1  }
0x99: {  	s19 =	simm.s32 $_scs_section_size  }
0x9a: {  	s4 =	simm.s32 $_size__tile_overlayer_lowered;
	s5 =	simm.s32 $_tile_overlayer_lowered  }
0x9b: {  	s22 =	simm.s32 $0x1BFF;
	s21 =	sshll.u32 s5, $0x1;
	s2 =	sadd.s32 s19, s18  }
0x9c: {  	s6 =	simm.s32 $0x0;
	s20 =	sshll.u32 s4, $0x1;
	s4 =	sadd.s32 s21, s2  }
0x9d: {  	[timem:s6], [sflag:s22] =	dma.local [hbm:s4], s20  }
0x9e: {  	_ =	swait.ge [sflag:s22], s20  }
0x9f: {  	s3 =	ssub.s32 $0x0, s20;
	[sflag:s22] =	ssyncset.done $0x0  }
0xa0: {  	[sflag:s22] =	ssyncadd.s32 s3;
	_ =	sdelay $0x1  }
0xa1: {  	s23 =	simm.s32 $0x1B8B  }
0xa2: {  	_ =	swait.ge [sflag:s23], $0x1  }
0xa3: {  	[sflag:s23] =	ssyncset.done $0x0  }
0xa4: {  	s25 =	simm.s32 $0x1B8E;
	s24 =	sld [smem:$0x3FFE];
	[sflag:s23] =	ssyncadd.s32 $0xFFFFFFFF  }
0xa5: {  	s26 =	simm.s32 $execute0_lowered;
	[smem:$0x3FD2] =	sst s25  }
0xa6: {  	s4 =	sshll.u32 s26, $0x1;
	_ =	strace $0x8000004F;
	[dreg:$0x1] =	wrdreg $0xFFFFFFFF  }
0xa7: {  	s28 =	simm.s32 $_size_execute0_lowered;
	s2 =	sadd.s32 s2, s4;
	[dreg:$0x0] =	wrdreg $0x0  }
0xa8: {  	s4 =	sshll.u32 s28, $0x1;
	[dreg:$0x2] =	wrdreg s2  }
0xa9: {  	[dreg:$0x3] =	wrdreg s4  }
0xaa: {  	[dreg:$0x4] =	wrdreg $0xC0  }
0xab: {  	_ =	task [dreg:s6], $0x5FFFF  }
0xac: {  	[dreg:$0x1] =	wrdreg $0xFFFFFFFF  }
0xad: {  	[dreg:$0x0] =	wrdreg $0x60  }
0xae: {  	[dreg:$0x2] =	wrdreg s24  }
0xaf: {  	[dreg:$0x3] =	wrdreg $0x90000  }
0xb0: {  	[dreg:$0x4] =	wrdreg $0x9  }
0xb1: {  	_ =	task.clear_ibuf [dreg:s6], $0x5FFFF;
	_ =	strace $0x9000004F  }
0xb2: {  	s29 =	simm.s32 $0x9;
	_ =	strace $0x80000051  }
0xb3: {  	_ =	swait.ge [sflag:s29], $0x1  }
0xb4: {  	[sflag:s29] =	ssyncadd.s32 $0xFFFFFFFF  }
0xb5: {  	_ =	strace $0x90000051  }
0xb6: {  	_ =	sfence  }
0xb7: {  	s30 =	sld [smem:$0x0];
	_ =	sdelay $0x2  }
0xb8: {  	s31 =	sshll.u32 s1, $0xD;
	s1 =	sshrl.u32 s1, $0x2  }
0xb9: {  	s3 =	sand.u32 $0x4000, s31;
	s1 =	sadd.s32 s1, s30  }
0xba: {  	s0 =	sor.u32 s3, s0;
	s1 =	sshll.u32 s1, $0x11  }
0xbb: {  	s0 =	sor.u32 s1, s0  }
0xbc: {  	s0 =	sadd.s32 $0x8F2B, s0  }
0xbd: {  	[sflag:s0] =	ssyncadd.remote.s32 $0x1  }
0xbe: {  	_ =	sfence.sel $0xFFFF  }
0xbf: {  	[dreg:$0x0] =	wrdreg $0xFFFFFFFF;
	(pc) =	sbr.abs _section_cstart, $3  }
0xc0: {  	[dreg:$0x1] =	wrdreg $0xFFFFFFFF  }
0xc1: {  	_ =	task.clear_ibuf [dreg:s6], $0x2FFFF;
	_ =	strace $0x9FFFFFFF  }
0xc2: {  	(tm) =	ssettm $0x7FFFFFFF  }
0xc3: {  	_ =	shalt  }
tec
execute0_lowered:
.L_overlay_start_1:
0x0: {  	(tag) =	ssettag $0x1  }
0x1: {  	s5 =	rddreg [dreg:$0x0];
	s1 =	srdreg.scid  }
0x2: {  	s0 =	stileid.u32;
	s2 =	rddreg [dreg:$0x1]  }
0x3: {  	s3 =	simm.s32 $0x0;
	s24 =	simm.s32 $0x5000;
	s25 =	simm.s32 $0x80  }
0x4: {  	s26 =	simm.s32 $0x1;
	s28 =	simm.s32 $0x0;
	s6 =	sand.u32 $0x1, s1  }
0x5: {  	s4 =	sshll.u32 s0, $0x1;
	[smem:$0x7FF] =	sst s3;
	s10 =	smul.u32 $0x50000, s0  }
0x6: {  	s21 =	sadd.s32 $0x91000, s5;
	s17 =	smul.u32 $0x14000, s0;
	s4 =	sor.u32 s6, s4  }
0x7: {  	_ =	strace $0x80000050;
	s8 =	ssub.s32 $0x2, s6;
	s18 =	smul.u32 $0x140000, s6  }
0x8: {  	s7 =	smul.u32 $0x500, s4;
	s4 =	sadd.s32 $0x1BA00, s5;
	s9 =	sshrl.u32 s8, $0x1  }
0x9: {  	s30 =	sshrl.u32 s10, $0x2;
	s14 =	sadd.s32 $0x4000, s17;
	s19 =	sadd.s32 $0x8000, s17  }
0xa: {  	s20 =	sadd.s32 $0xC000, s17;
	s22 =	sadd.s32 $0x10000, s17;
	s8 =	ssub.s32 s8, s9  }
0xb: {  	s12 =	sadd.s32 s18, s17;
	s15 =	sadd.s32 s18, s14;
	s14 =	sadd.s32 s14, s2  }
0xc: {  	s16 =	sadd.s32 s19, s2;
	s19 =	sadd.s32 s18, s19;
	s31 =	sadd.s32 s18, s20  }
0xd: {  	s23 =	sadd.s32 s18, s22;
	s18 =	sadd.s32 s20, s2;
	s20 =	sadd.s32 s22, s2  }
0xe: {  	s22 =	simm.s32 $0x2;
	s7 =	sadd.s32 s7, s5;
	s8 =	smax.u32 s8, $0x1  }
0xf: {  	s13 =	sshrl.u32 s12, $0x3;
	s15 =	sshrl.u32 s15, $0x3;
	s19 =	sshrl.u32 s19, $0x3  }
0x10: {  	s23 =	sshrl.u32 s23, $0x3;
	s5 =	sadd.s32 $0x11A00, s7;
	s6 =	sadd.s32 $0x7000, s7  }
0x11: {  	s7 =	sadd.s32 s30, s2;
	s13 =	sadd.s32 s21, s13;
	s15 =	sadd.s32 s21, s15  }
0x12: {  	s17 =	sadd.s32 s21, s19;
	s19 =	sshrl.u32 s31, $0x3;
	s9 =	sadd.s32 $0x4000, s7  }
0x13: {  	s10 =	sadd.s32 $0x8000, s7;
	s11 =	sadd.s32 $0xC000, s7;
	s12 =	sadd.s32 $0x10000, s7  }
0x14: {  	v0 =	vimm.f32 $0.0e+00;
	s19 =	sadd.s32 s21, s19;
	s21 =	sadd.s32 s21, s23;
	s23 =	simm.s32 $0x2800  }
.LBB2_1:
0x15: {  	[tilespmem:s3], [sflag:$0x2] =	stream.linear.gather [hbm4b:s5+s3], $0x2800, $0x38;
	[tilespmem:$0x1D000] =	vst v63  }
0x16: {  	_ =	swait.ge [sflag:s22], $0x2800  }
0x17: {  	[sflag:s22] =	ssyncset.done $0x0  }
0x18: {  	[sflag:s22] =	ssyncadd.s32 $0xFFFFD800  }
0x19: {  	[tilespmem:s23], [sflag:$0x2] =	stream.linear.gather [hbm4b:s6+s3], $0x2800, $0x38;
	[tilespmem:$0x1D000] =	vst v63  }
0x1a: {  	_ =	swait.ge [sflag:s22], $0x2800  }
0x1b: {  	[sflag:s22] =	ssyncset.done $0x0  }
0x1c: {  	s29 =	simm.s32 $0x0;
	s30 =	simm.s32 $0x200;
	[sflag:s22] =	ssyncadd.s32 $0xFFFFD800  }
.LBB2_2:
0x1d: {  	p0 =	sne.s32 s30, $0xFE00;
	[tilespmem:s29+$0x5070] =	vst v0  }
0x1e: {  	[tilespmem:s29+$0x5000] =	vst v0  }
0x1f: {  	[tilespmem:s29+$0x5010] =	vst v0  }
.Ltmp0:
0x20: {  	[tilespmem:s29+$0x5020] =	vst v0;
	(pc) =	sbr.rel @p0 .LBB2_2-.Ltmp0, $4  }
0x21: {  	[tilespmem:s29+$0x5030] =	vst v0  }
0x22: {  	[tilespmem:s29+$0x5040] =	vst v0  }
0x23: {  	[tilespmem:s29+$0x5050] =	vst v0  }
0x24: {  	[tilespmem:s29+$0x5060] =	vst v0;
	s29 =	sshra.s32 s30, $0x2;
	s30 =	sadd.s32 $0x200, s30  }
0x25: {  	[tilespmem:s29+$0x5070] =	vst v0  }
0x26: {  	[tilespmem:s29+$0x5000] =	vst v0  }
0x27: {  	[tilespmem:s29+$0x5010] =	vst v0  }
0x28: {  	[tilespmem:s29+$0x5020] =	vst v0  }
0x29: {  	[tilespmem:s29+$0x5030] =	vst v0  }
0x2a: {  	[tilespmem:s29+$0x5040] =	vst v0  }
0x2b: {  	[tilespmem:s29+$0x5050] =	vst v0  }
0x2c: {  	[tilespmem:s29+$0x5060] =	vst v0  }
0x2d: {  	[spmem:s7] =	stream.linear.scatter [tilespmem:s24], [sflag:$0x2], $0x4000, $0x38;
	[tilespmem:$0x1D000] =	vst v63  }
0x2e: {  	_ =	swait.ge [sflag:s22], $0x4000  }
0x2f: {  	[sflag:s22] =	ssyncset.done $0x0  }
0x30: {  	[sflag:s22] =	ssyncadd.s32 $0xFFFFC000  }
0x31: {  	[spmem:s9] =	stream.linear.scatter [tilespmem:s24], [sflag:$0x2], $0x4000, $0x38;
	[tilespmem:$0x1D000] =	vst v63  }
0x32: {  	_ =	swait.ge [sflag:s22], $0x4000  }
0x33: {  	[sflag:s22] =	ssyncset.done $0x0  }
0x34: {  	[sflag:s22] =	ssyncadd.s32 $0xFFFFC000  }
0x35: {  	[spmem:s10] =	stream.linear.scatter [tilespmem:s24], [sflag:$0x2], $0x4000, $0x38;
	[tilespmem:$0x1D000] =	vst v63  }
0x36: {  	_ =	swait.ge [sflag:s22], $0x4000  }
0x37: {  	[sflag:s22] =	ssyncset.done $0x0  }
0x38: {  	[sflag:s22] =	ssyncadd.s32 $0xFFFFC000  }
0x39: {  	[spmem:s11] =	stream.linear.scatter [tilespmem:s24], [sflag:$0x2], $0x4000, $0x38;
	[tilespmem:$0x1D000] =	vst v63  }
0x3a: {  	_ =	swait.ge [sflag:s22], $0x4000  }
0x3b: {  	[sflag:s22] =	ssyncset.done $0x0  }
0x3c: {  	[sflag:s22] =	ssyncadd.s32 $0xFFFFC000  }
0x3d: {  	[spmem:s12] =	stream.linear.scatter [tilespmem:s24], [sflag:$0x2], $0x4000, $0x38;
	[tilespmem:$0x1D000] =	vst v63  }
0x3e: {  	_ =	swait.ge [sflag:s22], $0x4000  }
0x3f: {  	[sflag:s22] =	ssyncset.done $0x0  }
0x40: {  	[sflag:s22] =	ssyncadd.s32 $0xFFFFC000  }
0x41: {  	s29 =	simm.s32 $0x0;
	[bflag:$0x0] =	sbarrier.arrive $0xFFFF  }
0x42: {  	[tilespmem:s24], [sflag:$0x1] =	stream.indirect.gather [hbm4b:s4+s25], $0x80, s29, s25, $0xb8;
	[tilespmem:$0x1D000] =	vst v63  }
0x43: {  	_ =	swait.ge [sflag:s26], $0x4000  }
0x44: {  	[sflag:s26] =	ssyncset.done $0x0  }
0x45: {  	s29 =	simm.s32 $0x2800;
	[sflag:s26] =	ssyncadd.s32 $0xFFFFC000  }
0x46: {  	[spmem:s2] =	stream.indirect.scatter.add.f32 [tilespmem:s24], [sflag:$0x2], $0x80, s29, s25, $0xb8;
	[tilespmem:$0x1D000] =	vst v63  }
0x47: {  	_ =	swait.ge [sflag:s22], $0x4000  }
0x48: {  	s30 =	simm.s32 $0x400;
	s29 =	simm.s32 $0x200;
	[sflag:s22] =	ssyncset.done $0x0  }
.LBB2_4:
0x49: {  	s31 =	sshra.s32 s29, $0x2  }
0x4a: {  	[sflag:s22] =	ssyncadd.s32 $0xFFFFC000;
	s29 =	smov.u32 s30;
	s1 =	sadd.s32 $0x200, s30  }
0x4b: {  	[tilespmem:s24], [sflag:$0x1] =	stream.indirect.gather [hbm4b:s4+s25], $0x80, s31, s25, $0xb8;
	[tilespmem:$0x1D000] =	vst v63  }
0x4c: {  	p0 =	sne.s32 s30, $0x9E00;
	_ =	swait.ge [sflag:s26], $0x4000  }
.Ltmp1:
0x4d: {  	[sflag:s26] =	ssyncset.done $0x0;
	(pc) =	sbr.rel @p0 .LBB2_4-.Ltmp1, $4  }
0x4e: {  	s30 =	sadd.s32 $0x2800, s31;
	[sflag:s26] =	ssyncadd.s32 $0xFFFFC000  }
0x4f: {  	[spmem:s2] =	stream.indirect.scatter.add.f32 [tilespmem:s24], [sflag:$0x2], $0x80, s30, s25, $0xb8;
	[tilespmem:$0x1D000] =	vst v63  }
0x50: {  	_ =	swait.ge [sflag:s22], $0x4000  }
0x51: {  	s30 =	smov.u32 s1;
	[sflag:s22] =	ssyncset.done $0x0  }
0x52: {  	s1 =	sshra.s32 s29, $0x2;
	[sflag:s22] =	ssyncadd.s32 $0xFFFFC000  }
0x53: {  	[tilespmem:s24], [sflag:$0x1] =	stream.indirect.gather [hbm4b:s4+s25], $0x80, s1, s25, $0xb8;
	[tilespmem:$0x1D000] =	vst v63  }
0x54: {  	_ =	swait.ge [sflag:s26], $0x4000  }
0x55: {  	[sflag:s26] =	ssyncset.done $0x0  }
0x56: {  	s1 =	sadd.s32 $0x2800, s1;
	[sflag:s26] =	ssyncadd.s32 $0xFFFFC000  }
0x57: {  	[spmem:s2] =	stream.indirect.scatter.add.f32 [tilespmem:s24], [sflag:$0x2], $0x80, s1, s25, $0xb8;
	[tilespmem:$0x1D000] =	vst v63  }
0x58: {  	_ =	swait.ge [sflag:s22], $0x4000  }
0x59: {  	[sflag:s22] =	ssyncset.done $0x0  }
0x5a: {  	[sflag:s22] =	ssyncadd.s32 $0xFFFFC000  }
0x5b: {  	[bflag:$0x0] =	sbarrier.arrive $0xFFFF  }
0x5c: {  	[tilespmem:s24], [sflag:$0x2] =	stream.linear.gather [spmem:s7], $0x4000, $0x38;
	[tilespmem:$0x1D000] =	vst v63  }
0x5d: {  	_ =	swait.ge [sflag:s22], $0x4000  }
0x5e: {  	[sflag:s22] =	ssyncset.done $0x0  }
0x5f: {  	[sflag:s22] =	ssyncadd.s32 $0xFFFFC000  }
0x60: {  	[hbm4b:s13+s3] =	stream.linear.scatter [tilespmem:s24], [sflag:$0x2], $0x4000, $0x38;
	[tilespmem:$0x1D000] =	vst v63  }
0x61: {  	_ =	swait.ge [sflag:s22], $0x4000  }
0x62: {  	[sflag:s22] =	ssyncset.done $0x0  }
0x63: {  	[sflag:s22] =	ssyncadd.s32 $0xFFFFC000  }
0x64: {  	[tilespmem:s24], [sflag:$0x2] =	stream.linear.gather [spmem:s14], $0x4000, $0x38;
	[tilespmem:$0x1D000] =	vst v63  }
0x65: {  	_ =	swait.ge [sflag:s22], $0x4000  }
0x66: {  	[sflag:s22] =	ssyncset.done $0x0  }
0x67: {  	[sflag:s22] =	ssyncadd.s32 $0xFFFFC000  }
0x68: {  	[hbm4b:s15+s3] =	stream.linear.scatter [tilespmem:s24], [sflag:$0x2], $0x4000, $0x38;
	[tilespmem:$0x1D000] =	vst v63  }
0x69: {  	_ =	swait.ge [sflag:s22], $0x4000  }
0x6a: {  	[sflag:s22] =	ssyncset.done $0x0  }
0x6b: {  	[sflag:s22] =	ssyncadd.s32 $0xFFFFC000  }
0x6c: {  	[tilespmem:s24], [sflag:$0x2] =	stream.linear.gather [spmem:s16], $0x4000, $0x38;
	[tilespmem:$0x1D000] =	vst v63  }
0x6d: {  	_ =	swait.ge [sflag:s22], $0x4000  }
0x6e: {  	[sflag:s22] =	ssyncset.done $0x0  }
0x6f: {  	[sflag:s22] =	ssyncadd.s32 $0xFFFFC000  }
0x70: {  	[hbm4b:s17+s3] =	stream.linear.scatter [tilespmem:s24], [sflag:$0x2], $0x4000, $0x38;
	[tilespmem:$0x1D000] =	vst v63  }
0x71: {  	_ =	swait.ge [sflag:s22], $0x4000  }
0x72: {  	[sflag:s22] =	ssyncset.done $0x0  }
0x73: {  	[sflag:s22] =	ssyncadd.s32 $0xFFFFC000  }
0x74: {  	[tilespmem:s24], [sflag:$0x2] =	stream.linear.gather [spmem:s18], $0x4000, $0x38;
	[tilespmem:$0x1D000] =	vst v63  }
0x75: {  	_ =	swait.ge [sflag:s22], $0x4000  }
0x76: {  	[sflag:s22] =	ssyncset.done $0x0  }
0x77: {  	[sflag:s22] =	ssyncadd.s32 $0xFFFFC000  }
0x78: {  	[hbm4b:s19+s3] =	stream.linear.scatter [tilespmem:s24], [sflag:$0x2], $0x4000, $0x38;
	[tilespmem:$0x1D000] =	vst v63  }
0x79: {  	_ =	swait.ge [sflag:s22], $0x4000  }
0x7a: {  	[sflag:s22] =	ssyncset.done $0x0  }
0x7b: {  	[sflag:s22] =	ssyncadd.s32 $0xFFFFC000  }
0x7c: {  	[tilespmem:s24], [sflag:$0x2] =	stream.linear.gather [spmem:s20], $0x4000, $0x38;
	[tilespmem:$0x1D000] =	vst v63  }
0x7d: {  	s28 =	sadd.s32 $0x1, s28;
	_ =	swait.ge [sflag:s22], $0x4000  }
0x7e: {  	p0 =	sne.s32 s28, s8;
	[sflag:s22] =	ssyncset.done $0x0  }
.Ltmp2:
0x7f: {  	[sflag:s22] =	ssyncadd.s32 $0xFFFFC000;
	(pc) =	sbr.rel @p0 .LBB2_1-.Ltmp2, $4  }
0x80: {  	[hbm4b:s21+s3] =	stream.linear.scatter [tilespmem:s24], [sflag:$0x2], $0x4000, $0x38;
	[tilespmem:$0x1D000] =	vst v63  }
0x81: {  	_ =	swait.ge [sflag:s22], $0x4000  }
0x82: {  	[sflag:s22] =	ssyncset.done $0x0  }
0x83: {  	[sflag:s22] =	ssyncadd.s32 $0xFFFFC000  }
0x84: {  	_ =	sfence.sel $0x180000  }
0x85: {  	[bflag:$0x0] =	sbarrier.arrive $0xFFFF  }
0x86: {  	_ =	strace $0x90000050  }
0x87: {  	[bflag:$0x2] =	sbarrier.arrive $0xFFFF  }
0x88: {  	p0 =	sne.s32 s0, $0x0;
	s0 =	rddreg [dreg:$0x2]  }
0x89: {  	s0 =	sadd.s32 @!p0 $0x100000, s0  }
0x8a: {  	[sflag:s0] =	ssyncadd.tile.s32 @!p0 $0x1;
	_ =	shalt  }
.Lfunc_end2:
_tile_overlayer_lowered:
.L_overlay_start_2:
0x8b: {  	(tag) =	ssettag $0x2  }
0x8c: {  	s0 =	rddreg [dreg:$0x0];
	s2 =	stileid.u32  }
0x8d: {  	s1 =	rddreg [dreg:$0x1];
	p0 =	sne.s32 s2, $0x0  }
0x8e: {  	s3 =	rddreg [dreg:$0x2];
	[bflag:$0x3] =	sbarrier.arrive $0xFFFF;
	s2 =	simm.s32 @!p0 $0x1C02  }
0x8f: {  	[timem:s3], [sflag:s2] =	dma.local @!p0 [hbm:s0], s1  }
0x90: {  	s0 =	simm.s32 @!p0 $0x2  }
0x91: {  	_ =	swait.ge @!p0 [sflag:s0], s1  }
0x92: {  	s1 =	ssub.s32 @!p0 $0x0, s1;
	[sflag:s0] =	ssyncset.done @!p0 $0x0  }
0x93: {  	[sflag:s0] =	ssyncadd.s32 @!p0 s1  }
0x94: {  	[bflag:$0x3] =	sbarrier.arrive $0xFFFF  }
0x95: {  	_ =	shalt  }

// kernel: kernel.33.cloned.1.call-start
scs
__scs_entry_jumppad:
0x0: {  	(pc) =	sbr.rel $0x88, $3  }
0x1: {  	(tag) =	ssettag $0x0;
	lr =	simm.s32 $0x1  }
0x2: {  	[smem:$0x3F99] =	sst lr;
	_ =	strace $0xD0000000  }
0x3: {  	_ = 	snop  }
0x4: {  	_ = 	snop  }
0x5: {  	_ = 	snop  }
0x6: {  	_ = 	snop  }
0x7: {  	_ = 	snop  }
__scs_overlays_trampoline_lowered:
0x8: {  	[smem:$0x3FA8] =	sst s0  }
0x9: {  	[smem:$0x3FA9] =	sst s1  }
0xa: {  	[smem:$0x3FAA] =	sst s2  }
0xb: {  	[smem:$0x3FAB] =	sst s3  }
0xc: {  	[smem:$0x3FAC] =	sst s4  }
0xd: {  	[smem:$0x3FAD] =	sst s5  }
0xe: {  	[smem:$0x3FAE] =	sst s6  }
0xf: {  	[smem:$0x3FAF] =	sst s7  }
0x10: {  	[smem:$0x3FB0] =	sst s8  }
0x11: {  	[smem:$0x3FB1] =	sst s9;
	s0 =	simm.s32 @!p0 $0x0  }
0x12: {  	s1 =	sld [smem:$0x3F97];
	s0 =	simm.s32 @p0 $0x1  }
0x13: {  	[smem:$0x3FB2] =	sst s0;
	s0 =	simm.s32 @!p1 $0x0  }
0x14: {  	s2 =	sld [smem:$0x3F96];
	s0 =	simm.s32 @p1 $0x1  }
0x15: {  	[smem:$0x3FB3] =	sst s0;
	s0 =	simm.s32 @!p2 $0x0  }
0x16: {  	s3 =	sld [smem:$0x3FDB];
	s0 =	simm.s32 @p2 $0x1  }
0x17: {  	s4 =	simm.s32 $0x1BF5;
	[smem:$0x3FB5] =	sst s0  }
0x18: {  	s0 =	sld [smem:$0x3F98];
	_ =	swait.ge [sflag:s4], $0x0  }
0x19: {  	s7 =	sld [smem:$0x3F99]  }
0x1a: {  	s8 =	sadd.s32 $0xFFFFE003, lr  }
0x1b: {  	s9 =	sadd.s32 $0xFFFFFEF7, lr;
	s5 =	simm.s32 $0xFFFFFFFF;
	p2 =	slt.u32 s8, $0xFFFFF086  }
0x1c: {  	p1 =	slt.u32 s9, $0xF7A;
	s5 =	simm.s32 @!p2 $0x0  }
0x1d: {  	s5 =	simm.s32 @p1 $0x1;
	p0 =	seq.s32 s7, s2  }
0x1e: {  	s7 =	smul.u32 @!p0 $0xF7A, s2;
	p2 =	seq.s32 @!p0 s5, $0x0  }
0x1f: {  	s9 =	smul.u32 $0xF7A, s1;
	s8 =	simm.s32 @!p0 $0x1BF5;
	p2 =	por !p2, p0  }
0x20: {  	[sflag:s8] =	ssyncset.s32 @!p0 $0xFFFFF086;
	s6 =	sadd.s32 @!p0 s3, s7;
	s7 =	simm.s32 @!p0 $0x108  }
0x21: {  	s3 =	sadd.s32 s3, s9;
	s6 =	sadd.s32 @!p0 $0x88, s6;
	s7 =	simm.s32 @p2 $0x1082  }
0x22: {  	[simem:s7], [sflag:s8] =	dma.local @!p0 [hbm:s6], $0xF7A  }
0x23: {  	s9 =	sor.u32 $0xD0000000, s2;
	s6 =	simm.s32 $0x108;
	_ =	swait.ge @!p0 [sflag:s8], $0x0  }
0x24: {  	s3 =	sadd.s32 $0x88, s3;
	s6 =	simm.s32 @!p1 $0x1082;
	[sflag:s4] =	ssyncset.s32 $0xFFFFF086  }
0x25: {  	[simem:s6], [sflag:s4] =	dma.local [hbm:s3], $0xF7A  }
0x26: {  	[smem:$0x3F99] =	sst s1;
	(tag) =	ssettag s2;
	_ =	strace s9  }
0x27: {  	s1 =	sld [smem:$0x3FA9]  }
0x28: {  	s2 =	sld [smem:$0x3FAA]  }
0x29: {  	s4 =	sld [smem:$0x3FAC]  }
0x2a: {  	p0 =	seq.s32 s5, $0x0;
	s5 =	sld [smem:$0x3FAD]  }
0x2b: {  	s6 =	sld [smem:$0x3FAE]  }
0x2c: {  	s7 =	sld [smem:$0x3FAF]  }
0x2d: {  	s3 =	simm.s32 $0x108;
	s8 =	sld [smem:$0x3FB0]  }
0x2e: {  	s3 =	simm.s32 @!p0 $0x1082;
	s9 =	sld [smem:$0x3FB1]  }
0x2f: {  	lr =	sadd.s32 s0, s3;
	s0 =	sld [smem:$0x3FA8]  }
0x30: {  	s3 =	sld [smem:$0x3FAB]  }
0x31: {  	[smem:$0x3FB4] =	sst s10  }
0x32: {  	s10 =	sld [smem:$0x3FB2];
	_ =	sdelay $0x3  }
0x33: {  	p0 =	seq.s32 s10, $0x1;
	s10 =	sld [smem:$0x3FB4];
	_ =	sdelay $0x3  }
0x34: {  	[smem:$0x3FB4] =	sst s10  }
0x35: {  	s10 =	sld [smem:$0x3FB3];
	_ =	sdelay $0x3  }
0x36: {  	p1 =	seq.s32 s10, $0x1;
	s10 =	sld [smem:$0x3FB4];
	_ =	sdelay $0x3  }
0x37: {  	[smem:$0x3FB4] =	sst s10  }
0x38: {  	s10 =	sld [smem:$0x3FB5]  }
0x39: {  	_ = 	snop;
	(pc) =	sbr.ind lr, $3  }
0x3a: {  	_ = 	snop  }
0x3b: {  	_ = 	snop  }
0x3c: {  	p2 =	seq.s32 s10, $0x1;
	s10 =	sld [smem:$0x3FB4]  }
0x3d: {  	_ =	shalt  }
0x3e: {  	_ =	shalt  }
0x3f: {  	_ =	shalt  }
0x40: {  	_ =	shalt  }
0x41: {  	_ =	shalt  }
0x42: {  	_ =	shalt  }
0x43: {  	_ =	shalt  }
0x44: {  	_ =	shalt  }
0x45: {  	_ =	shalt  }
0x46: {  	_ =	shalt  }
0x47: {  	_ =	shalt  }
0x48: {  	_ =	shalt  }
0x49: {  	_ =	shalt  }
0x4a: {  	_ =	shalt  }
0x4b: {  	_ =	shalt  }
0x4c: {  	_ =	shalt  }
0x4d: {  	_ =	shalt  }
0x4e: {  	_ =	shalt  }
0x4f: {  	_ =	shalt  }
0x50: {  	_ =	shalt  }
0x51: {  	_ =	shalt  }
0x52: {  	_ =	shalt  }
0x53: {  	_ =	shalt  }
0x54: {  	_ =	shalt  }
0x55: {  	_ =	shalt  }
0x56: {  	_ =	shalt  }
0x57: {  	_ =	shalt  }
0x58: {  	_ =	shalt  }
0x59: {  	_ =	shalt  }
0x5a: {  	_ =	shalt  }
0x5b: {  	_ =	shalt  }
0x5c: {  	_ =	shalt  }
0x5d: {  	_ =	shalt  }
0x5e: {  	_ =	shalt  }
0x5f: {  	_ =	shalt  }
0x60: {  	_ =	shalt  }
0x61: {  	_ =	shalt  }
0x62: {  	_ =	shalt  }
0x63: {  	_ =	shalt  }
0x64: {  	_ =	shalt  }
0x65: {  	_ =	shalt  }
0x66: {  	_ =	shalt  }
0x67: {  	_ =	shalt  }
0x68: {  	_ =	shalt  }
0x69: {  	_ =	shalt  }
0x6a: {  	_ =	shalt  }
0x6b: {  	_ =	shalt  }
0x6c: {  	_ =	shalt  }
0x6d: {  	_ =	shalt  }
0x6e: {  	_ =	shalt  }
0x6f: {  	_ =	shalt  }
0x70: {  	_ =	shalt  }
0x71: {  	_ =	shalt  }
0x72: {  	_ =	shalt  }
0x73: {  	_ =	shalt  }
0x74: {  	_ =	shalt  }
0x75: {  	_ =	shalt  }
0x76: {  	_ =	shalt  }
0x77: {  	_ =	shalt  }
0x78: {  	_ =	shalt  }
0x79: {  	_ =	shalt  }
0x7a: {  	_ =	shalt  }
0x7b: {  	_ =	shalt  }
0x7c: {  	_ =	shalt  }
0x7d: {  	_ =	shalt  }
0x7e: {  	_ =	shalt  }
0x7f: {  	_ =	shalt  }
0x80: {  	_ =	shalt  }
0x81: {  	_ =	shalt  }
0x82: {  	_ =	shalt  }
0x83: {  	_ =	shalt  }
0x84: {  	_ =	shalt  }
0x85: {  	_ =	shalt  }
0x86: {  	_ =	shalt  }
0x87: {  	_ =	shalt  }
.Lfunc_end0:
.L_simem_size_0:
called_computation.4_lowered:
.L_overlay_start_0:
0x88: {  	s2 =	sld [smem:$0x3FD9]  }
0x89: {  	s3 =	sld [smem:$0x3FFE];
	_ =	sdelay $0x1  }
0x8a: {  	s1 =	srdreg.scid  }
0x8b: {  	s0 =	sand.u32 $0x1, s1  }
0x8c: {  	s16 =	sshll.u32 s0, $0xA;
	s2 =	sadd.s32 s3, s2  }
0x8d: {  	s2 =	sadd.s32 s2, s16  }
0x8e: {  	[smem:$0x3FC0] =	sst s2  }
0x8f: {  	_ = 	snop  }
0x90: {  	(tm) =	ssettm $0x1  }
0x91: {  	s17 =	sld [smem:$0x3FFB];
	_ =	sdelay $0x3  }
0x92: {  	_ =	strace s17  }
0x93: {  	s2 =	sld [smem:$0x3FFC];
	_ =	sdelay $0x3  }
0x94: {  	_ =	strace s2  }
0x95: {  	s2 =	sld [smem:$0x3FFD];
	_ =	sdelay $0x3  }
0x96: {  	_ =	strace s2  }
0x97: {  	_ =	strace $0x8FFFFFFF  }
0x98: {  	s18 =	sld [smem:$0x3FDB];
	_ =	sdelay $0x1  }
0x99: {  	s19 =	simm.s32 $_scs_section_size  }
0x9a: {  	s4 =	simm.s32 $_size__tile_overlayer_lowered;
	s5 =	simm.s32 $_tile_overlayer_lowered  }
0x9b: {  	s22 =	simm.s32 $0x1BFF;
	s21 =	sshll.u32 s5, $0x1;
	s2 =	sadd.s32 s19, s18  }
0x9c: {  	s6 =	simm.s32 $0x0;
	s20 =	sshll.u32 s4, $0x1;
	s4 =	sadd.s32 s21, s2  }
0x9d: {  	[timem:s6], [sflag:s22] =	dma.local [hbm:s4], s20  }
0x9e: {  	_ =	swait.ge [sflag:s22], s20  }
0x9f: {  	s3 =	ssub.s32 $0x0, s20;
	[sflag:s22] =	ssyncset.done $0x0  }
0xa0: {  	[sflag:s22] =	ssyncadd.s32 s3;
	_ =	sdelay $0x1  }
0xa1: {  	s23 =	simm.s32 $0x1B8B  }
0xa2: {  	_ =	swait.ge [sflag:s23], $0x1  }
0xa3: {  	[sflag:s23] =	ssyncset.done $0x0  }
0xa4: {  	s25 =	simm.s32 $0x1B8E;
	s24 =	sld [smem:$0x3FFE];
	[sflag:s23] =	ssyncadd.s32 $0xFFFFFFFF  }
0xa5: {  	s26 =	simm.s32 $execute0_lowered;
	[smem:$0x3FD2] =	sst s25  }
0xa6: {  	s4 =	sshll.u32 s26, $0x1;
	_ =	strace $0x80000052;
	[dreg:$0x1] =	wrdreg $0xFFFFFFFF  }
0xa7: {  	s28 =	simm.s32 $_size_execute0_lowered;
	s2 =	sadd.s32 s2, s4;
	[dreg:$0x0] =	wrdreg $0x0  }
0xa8: {  	s4 =	sshll.u32 s28, $0x1;
	[dreg:$0x2] =	wrdreg s2  }
0xa9: {  	[dreg:$0x3] =	wrdreg s4  }
0xaa: {  	[dreg:$0x4] =	wrdreg $0xC0  }
0xab: {  	_ =	task [dreg:s6], $0x5FFFF  }
0xac: {  	[dreg:$0x1] =	wrdreg $0xFFFFFFFF  }
0xad: {  	[dreg:$0x0] =	wrdreg $0x60  }
0xae: {  	[dreg:$0x2] =	wrdreg s24  }
0xaf: {  	[dreg:$0x3] =	wrdreg $0x90000  }
0xb0: {  	[dreg:$0x4] =	wrdreg $0x9  }
0xb1: {  	_ =	task.clear_ibuf [dreg:s6], $0x5FFFF;
	_ =	strace $0x90000052  }
0xb2: {  	s29 =	simm.s32 $0x9;
	_ =	strace $0x80000054  }
0xb3: {  	_ =	swait.ge [sflag:s29], $0x1  }
0xb4: {  	[sflag:s29] =	ssyncadd.s32 $0xFFFFFFFF  }
0xb5: {  	_ =	strace $0x90000054  }
0xb6: {  	_ =	sfence  }
0xb7: {  	s30 =	sld [smem:$0x0];
	_ =	sdelay $0x2  }
0xb8: {  	s31 =	sshll.u32 s1, $0xD;
	s1 =	sshrl.u32 s1, $0x2  }
0xb9: {  	s3 =	sand.u32 $0x4000, s31;
	s1 =	sadd.s32 s1, s30  }
0xba: {  	s0 =	sor.u32 s3, s0;
	s1 =	sshll.u32 s1, $0x11  }
0xbb: {  	s0 =	sor.u32 s1, s0  }
0xbc: {  	s0 =	sadd.s32 $0x8F2B, s0  }
0xbd: {  	[sflag:s0] =	ssyncadd.remote.s32 $0x1  }
0xbe: {  	_ =	sfence.sel $0xFFFF  }
0xbf: {  	[dreg:$0x0] =	wrdreg $0xFFFFFFFF;
	(pc) =	sbr.abs _section_cstart, $3  }
0xc0: {  	[dreg:$0x1] =	wrdreg $0xFFFFFFFF  }
0xc1: {  	_ =	task.clear_ibuf [dreg:s6], $0x2FFFF;
	_ =	strace $0x9FFFFFFF  }
0xc2: {  	(tm) =	ssettm $0x7FFFFFFF  }
0xc3: {  	_ =	shalt  }
tec
execute0_lowered:
.L_overlay_start_1:
0x0: {  	(tag) =	ssettag $0x1  }
0x1: {  	s5 =	rddreg [dreg:$0x0];
	s1 =	srdreg.scid  }
0x2: {  	s0 =	stileid.u32;
	s2 =	rddreg [dreg:$0x1]  }
0x3: {  	s3 =	simm.s32 $0x0;
	s24 =	simm.s32 $0x5000;
	s25 =	simm.s32 $0x80  }
0x4: {  	s26 =	simm.s32 $0x1;
	s28 =	simm.s32 $0x0;
	s6 =	sand.u32 $0x1, s1  }
0x5: {  	s4 =	sshll.u32 s0, $0x1;
	[smem:$0x7FF] =	sst s3;
	s10 =	smul.u32 $0x50000, s0  }
0x6: {  	s21 =	sadd.s32 $0x91000, s5;
	s17 =	smul.u32 $0x14000, s0;
	s4 =	sor.u32 s6, s4  }
0x7: {  	_ =	strace $0x80000053;
	s8 =	ssub.s32 $0x2, s6;
	s18 =	smul.u32 $0x140000, s6  }
0x8: {  	s7 =	smul.u32 $0x500, s4;
	s4 =	sadd.s32 $0x1BA00, s5;
	s9 =	sshrl.u32 s8, $0x1  }
0x9: {  	s30 =	sshrl.u32 s10, $0x2;
	s14 =	sadd.s32 $0x4000, s17;
	s19 =	sadd.s32 $0x8000, s17  }
0xa: {  	s20 =	sadd.s32 $0xC000, s17;
	s22 =	sadd.s32 $0x10000, s17;
	s8 =	ssub.s32 s8, s9  }
0xb: {  	s12 =	sadd.s32 s18, s17;
	s15 =	sadd.s32 s18, s14;
	s14 =	sadd.s32 s14, s2  }
0xc: {  	s16 =	sadd.s32 s19, s2;
	s19 =	sadd.s32 s18, s19;
	s31 =	sadd.s32 s18, s20  }
0xd: {  	s23 =	sadd.s32 s18, s22;
	s18 =	sadd.s32 s20, s2;
	s20 =	sadd.s32 s22, s2  }
0xe: {  	s22 =	simm.s32 $0x2;
	s7 =	sadd.s32 s7, s5;
	s8 =	smax.u32 s8, $0x1  }
0xf: {  	s13 =	sshrl.u32 s12, $0x3;
	s15 =	sshrl.u32 s15, $0x3;
	s19 =	sshrl.u32 s19, $0x3  }
0x10: {  	s23 =	sshrl.u32 s23, $0x3;
	s5 =	sadd.s32 $0x11A00, s7;
	s6 =	sadd.s32 $0x7000, s7  }
0x11: {  	s7 =	sadd.s32 s30, s2;
	s13 =	sadd.s32 s21, s13;
	s15 =	sadd.s32 s21, s15  }
0x12: {  	s17 =	sadd.s32 s21, s19;
	s19 =	sshrl.u32 s31, $0x3;
	s9 =	sadd.s32 $0x4000, s7  }
0x13: {  	s10 =	sadd.s32 $0x8000, s7;
	s11 =	sadd.s32 $0xC000, s7;
	s12 =	sadd.s32 $0x10000, s7  }
0x14: {  	v0 =	vimm.f32 $0.0e+00;
	s19 =	sadd.s32 s21, s19;
	s21 =	sadd.s32 s21, s23;
	s23 =	simm.s32 $0x2800  }
.LBB2_1:
0x15: {  	[tilespmem:s3], [sflag:$0x2] =	stream.linear.gather [hbm4b:s5+s3], $0x2800, $0x38;
	[tilespmem:$0x1D000] =	vst v63  }
0x16: {  	_ =	swait.ge [sflag:s22], $0x2800  }
0x17: {  	[sflag:s22] =	ssyncset.done $0x0  }
0x18: {  	[sflag:s22] =	ssyncadd.s32 $0xFFFFD800  }
0x19: {  	[tilespmem:s23], [sflag:$0x2] =	stream.linear.gather [hbm4b:s6+s3], $0x2800, $0x38;
	[tilespmem:$0x1D000] =	vst v63  }
0x1a: {  	_ =	swait.ge [sflag:s22], $0x2800  }
0x1b: {  	[sflag:s22] =	ssyncset.done $0x0  }
0x1c: {  	s29 =	simm.s32 $0x0;
	s30 =	simm.s32 $0x200;
	[sflag:s22] =	ssyncadd.s32 $0xFFFFD800  }
.LBB2_2:
0x1d: {  	p0 =	sne.s32 s30, $0xFE00;
	[tilespmem:s29+$0x5070] =	vst v0  }
0x1e: {  	[tilespmem:s29+$0x5000] =	vst v0  }
0x1f: {  	[tilespmem:s29+$0x5010] =	vst v0  }
.Ltmp0:
0x20: {  	[tilespmem:s29+$0x5020] =	vst v0;
	(pc) =	sbr.rel @p0 .LBB2_2-.Ltmp0, $4  }
0x21: {  	[tilespmem:s29+$0x5030] =	vst v0  }
0x22: {  	[tilespmem:s29+$0x5040] =	vst v0  }
0x23: {  	[tilespmem:s29+$0x5050] =	vst v0  }
0x24: {  	[tilespmem:s29+$0x5060] =	vst v0;
	s29 =	sshra.s32 s30, $0x2;
	s30 =	sadd.s32 $0x200, s30  }
0x25: {  	[tilespmem:s29+$0x5070] =	vst v0  }
0x26: {  	[tilespmem:s29+$0x5000] =	vst v0  }
0x27: {  	[tilespmem:s29+$0x5010] =	vst v0  }
0x28: {  	[tilespmem:s29+$0x5020] =	vst v0  }
0x29: {  	[tilespmem:s29+$0x5030] =	vst v0  }
0x2a: {  	[tilespmem:s29+$0x5040] =	vst v0  }
0x2b: {  	[tilespmem:s29+$0x5050] =	vst v0  }
0x2c: {  	[tilespmem:s29+$0x5060] =	vst v0  }
0x2d: {  	[spmem:s7] =	stream.linear.scatter [tilespmem:s24], [sflag:$0x2], $0x4000, $0x38;
	[tilespmem:$0x1D000] =	vst v63  }
0x2e: {  	_ =	swait.ge [sflag:s22], $0x4000  }
0x2f: {  	[sflag:s22] =	ssyncset.done $0x0  }
0x30: {  	[sflag:s22] =	ssyncadd.s32 $0xFFFFC000  }
0x31: {  	[spmem:s9] =	stream.linear.scatter [tilespmem:s24], [sflag:$0x2], $0x4000, $0x38;
	[tilespmem:$0x1D000] =	vst v63  }
0x32: {  	_ =	swait.ge [sflag:s22], $0x4000  }
0x33: {  	[sflag:s22] =	ssyncset.done $0x0  }
0x34: {  	[sflag:s22] =	ssyncadd.s32 $0xFFFFC000  }
0x35: {  	[spmem:s10] =	stream.linear.scatter [tilespmem:s24], [sflag:$0x2], $0x4000, $0x38;
	[tilespmem:$0x1D000] =	vst v63  }
0x36: {  	_ =	swait.ge [sflag:s22], $0x4000  }
0x37: {  	[sflag:s22] =	ssyncset.done $0x0  }
0x38: {  	[sflag:s22] =	ssyncadd.s32 $0xFFFFC000  }
0x39: {  	[spmem:s11] =	stream.linear.scatter [tilespmem:s24], [sflag:$0x2], $0x4000, $0x38;
	[tilespmem:$0x1D000] =	vst v63  }
0x3a: {  	_ =	swait.ge [sflag:s22], $0x4000  }
0x3b: {  	[sflag:s22] =	ssyncset.done $0x0  }
0x3c: {  	[sflag:s22] =	ssyncadd.s32 $0xFFFFC000  }
0x3d: {  	[spmem:s12] =	stream.linear.scatter [tilespmem:s24], [sflag:$0x2], $0x4000, $0x38;
	[tilespmem:$0x1D000] =	vst v63  }
0x3e: {  	_ =	swait.ge [sflag:s22], $0x4000  }
0x3f: {  	[sflag:s22] =	ssyncset.done $0x0  }
0x40: {  	[sflag:s22] =	ssyncadd.s32 $0xFFFFC000  }
0x41: {  	s29 =	simm.s32 $0x0;
	[bflag:$0x0] =	sbarrier.arrive $0xFFFF  }
0x42: {  	[tilespmem:s24], [sflag:$0x1] =	stream.indirect.gather [hbm4b:s4+s25], $0x80, s29, s25, $0xb8;
	[tilespmem:$0x1D000] =	vst v63  }
0x43: {  	_ =	swait.ge [sflag:s26], $0x4000  }
0x44: {  	[sflag:s26] =	ssyncset.done $0x0  }
0x45: {  	s29 =	simm.s32 $0x2800;
	[sflag:s26] =	ssyncadd.s32 $0xFFFFC000  }
0x46: {  	[spmem:s2] =	stream.indirect.scatter.add.f32 [tilespmem:s24], [sflag:$0x2], $0x80, s29, s25, $0xb8;
	[tilespmem:$0x1D000] =	vst v63  }
0x47: {  	_ =	swait.ge [sflag:s22], $0x4000  }
0x48: {  	s30 =	simm.s32 $0x400;
	s29 =	simm.s32 $0x200;
	[sflag:s22] =	ssyncset.done $0x0  }
.LBB2_4:
0x49: {  	s31 =	sshra.s32 s29, $0x2  }
0x4a: {  	[sflag:s22] =	ssyncadd.s32 $0xFFFFC000;
	s29 =	smov.u32 s30;
	s1 =	sadd.s32 $0x200, s30  }
0x4b: {  	[tilespmem:s24], [sflag:$0x1] =	stream.indirect.gather [hbm4b:s4+s25], $0x80, s31, s25, $0xb8;
	[tilespmem:$0x1D000] =	vst v63  }
0x4c: {  	p0 =	sne.s32 s30, $0x9E00;
	_ =	swait.ge [sflag:s26], $0x4000  }
.Ltmp1:
0x4d: {  	[sflag:s26] =	ssyncset.done $0x0;
	(pc) =	sbr.rel @p0 .LBB2_4-.Ltmp1, $4  }
0x4e: {  	s30 =	sadd.s32 $0x2800, s31;
	[sflag:s26] =	ssyncadd.s32 $0xFFFFC000  }
0x4f: {  	[spmem:s2] =	stream.indirect.scatter.add.f32 [tilespmem:s24], [sflag:$0x2], $0x80, s30, s25, $0xb8;
	[tilespmem:$0x1D000] =	vst v63  }
0x50: {  	_ =	swait.ge [sflag:s22], $0x4000  }
0x51: {  	s30 =	smov.u32 s1;
	[sflag:s22] =	ssyncset.done $0x0  }
0x52: {  	s1 =	sshra.s32 s29, $0x2;
	[sflag:s22] =	ssyncadd.s32 $0xFFFFC000  }
0x53: {  	[tilespmem:s24], [sflag:$0x1] =	stream.indirect.gather [hbm4b:s4+s25], $0x80, s1, s25, $0xb8;
	[tilespmem:$0x1D000] =	vst v63  }
0x54: {  	_ =	swait.ge [sflag:s26], $0x4000  }
0x55: {  	[sflag:s26] =	ssyncset.done $0x0  }
0x56: {  	s1 =	sadd.s32 $0x2800, s1;
	[sflag:s26] =	ssyncadd.s32 $0xFFFFC000  }
0x57: {  	[spmem:s2] =	stream.indirect.scatter.add.f32 [tilespmem:s24], [sflag:$0x2], $0x80, s1, s25, $0xb8;
	[tilespmem:$0x1D000] =	vst v63  }
0x58: {  	_ =	swait.ge [sflag:s22], $0x4000  }
0x59: {  	[sflag:s22] =	ssyncset.done $0x0  }
0x5a: {  	[sflag:s22] =	ssyncadd.s32 $0xFFFFC000  }
0x5b: {  	[bflag:$0x0] =	sbarrier.arrive $0xFFFF  }
0x5c: {  	[tilespmem:s24], [sflag:$0x2] =	stream.linear.gather [spmem:s7], $0x4000, $0x38;
	[tilespmem:$0x1D000] =	vst v63  }
0x5d: {  	_ =	swait.ge [sflag:s22], $0x4000  }
0x5e: {  	[sflag:s22] =	ssyncset.done $0x0  }
0x5f: {  	[sflag:s22] =	ssyncadd.s32 $0xFFFFC000  }
0x60: {  	[hbm4b:s13+s3] =	stream.linear.scatter [tilespmem:s24], [sflag:$0x2], $0x4000, $0x38;
	[tilespmem:$0x1D000] =	vst v63  }
0x61: {  	_ =	swait.ge [sflag:s22], $0x4000  }
0x62: {  	[sflag:s22] =	ssyncset.done $0x0  }
0x63: {  	[sflag:s22] =	ssyncadd.s32 $0xFFFFC000  }
0x64: {  	[tilespmem:s24], [sflag:$0x2] =	stream.linear.gather [spmem:s14], $0x4000, $0x38;
	[tilespmem:$0x1D000] =	vst v63  }
0x65: {  	_ =	swait.ge [sflag:s22], $0x4000  }
0x66: {  	[sflag:s22] =	ssyncset.done $0x0  }
0x67: {  	[sflag:s22] =	ssyncadd.s32 $0xFFFFC000  }
0x68: {  	[hbm4b:s15+s3] =	stream.linear.scatter [tilespmem:s24], [sflag:$0x2], $0x4000, $0x38;
	[tilespmem:$0x1D000] =	vst v63  }
0x69: {  	_ =	swait.ge [sflag:s22], $0x4000  }
0x6a: {  	[sflag:s22] =	ssyncset.done $0x0  }
0x6b: {  	[sflag:s22] =	ssyncadd.s32 $0xFFFFC000  }
0x6c: {  	[tilespmem:s24], [sflag:$0x2] =	stream.linear.gather [spmem:s16], $0x4000, $0x38;
	[tilespmem:$0x1D000] =	vst v63  }
0x6d: {  	_ =	swait.ge [sflag:s22], $0x4000  }
0x6e: {  	[sflag:s22] =	ssyncset.done $0x0  }
0x6f: {  	[sflag:s22] =	ssyncadd.s32 $0xFFFFC000  }
0x70: {  	[hbm4b:s17+s3] =	stream.linear.scatter [tilespmem:s24], [sflag:$0x2], $0x4000, $0x38;
	[tilespmem:$0x1D000] =	vst v63  }
0x71: {  	_ =	swait.ge [sflag:s22], $0x4000  }
0x72: {  	[sflag:s22] =	ssyncset.done $0x0  }
0x73: {  	[sflag:s22] =	ssyncadd.s32 $0xFFFFC000  }
0x74: {  	[tilespmem:s24], [sflag:$0x2] =	stream.linear.gather [spmem:s18], $0x4000, $0x38;
	[tilespmem:$0x1D000] =	vst v63  }
0x75: {  	_ =	swait.ge [sflag:s22], $0x4000  }
0x76: {  	[sflag:s22] =	ssyncset.done $0x0  }
0x77: {  	[sflag:s22] =	ssyncadd.s32 $0xFFFFC000  }
0x78: {  	[hbm4b:s19+s3] =	stream.linear.scatter [tilespmem:s24], [sflag:$0x2], $0x4000, $0x38;
	[tilespmem:$0x1D000] =	vst v63  }
0x79: {  	_ =	swait.ge [sflag:s22], $0x4000  }
0x7a: {  	[sflag:s22] =	ssyncset.done $0x0  }
0x7b: {  	[sflag:s22] =	ssyncadd.s32 $0xFFFFC000  }
0x7c: {  	[tilespmem:s24], [sflag:$0x2] =	stream.linear.gather [spmem:s20], $0x4000, $0x38;
	[tilespmem:$0x1D000] =	vst v63  }
0x7d: {  	s28 =	sadd.s32 $0x1, s28;
	_ =	swait.ge [sflag:s22], $0x4000  }
0x7e: {  	p0 =	sne.s32 s28, s8;
	[sflag:s22] =	ssyncset.done $0x0  }
.Ltmp2:
0x7f: {  	[sflag:s22] =	ssyncadd.s32 $0xFFFFC000;
	(pc) =	sbr.rel @p0 .LBB2_1-.Ltmp2, $4  }
0x80: {  	[hbm4b:s21+s3] =	stream.linear.scatter [tilespmem:s24], [sflag:$0x2], $0x4000, $0x38;
	[tilespmem:$0x1D000] =	vst v63  }
0x81: {  	_ =	swait.ge [sflag:s22], $0x4000  }
0x82: {  	[sflag:s22] =	ssyncset.done $0x0  }
0x83: {  	[sflag:s22] =	ssyncadd.s32 $0xFFFFC000  }
0x84: {  	_ =	sfence.sel $0x180000  }
0x85: {  	[bflag:$0x0] =	sbarrier.arrive $0xFFFF  }
0x86: {  	_ =	strace $0x90000053  }
0x87: {  	[bflag:$0x2] =	sbarrier.arrive $0xFFFF  }
0x88: {  	p0 =	sne.s32 s0, $0x0;
	s0 =	rddreg [dreg:$0x2]  }
0x89: {  	s0 =	sadd.s32 @!p0 $0x100000, s0  }
0x8a: {  	[sflag:s0] =	ssyncadd.tile.s32 @!p0 $0x1;
	_ =	shalt  }
.Lfunc_end2:
_tile_overlayer_lowered:
.L_overlay_start_2:
0x8b: {  	(tag) =	ssettag $0x2  }
0x8c: {  	s0 =	rddreg [dreg:$0x0];
	s2 =	stileid.u32  }
0x8d: {  	s1 =	rddreg [dreg:$0x1];
	p0 =	sne.s32 s2, $0x0  }
0x8e: {  	s3 =	rddreg [dreg:$0x2];
	[bflag:$0x3] =	sbarrier.arrive $0xFFFF;
	s2 =	simm.s32 @!p0 $0x1C02  }
0x8f: {  	[timem:s3], [sflag:s2] =	dma.local @!p0 [hbm:s0], s1  }
0x90: {  	s0 =	simm.s32 @!p0 $0x2  }
0x91: {  	_ =	swait.ge @!p0 [sflag:s0], s1  }
0x92: {  	s1 =	ssub.s32 @!p0 $0x0, s1;
	[sflag:s0] =	ssyncset.done @!p0 $0x0  }
0x93: {  	[sflag:s0] =	ssyncadd.s32 @!p0 s1  }
0x94: {  	[bflag:$0x3] =	sbarrier.arrive $0xFFFF  }
0x95: {  	_ =	shalt  }

// kernel: kernel.36.cloned.1.call-start
scs
__scs_entry_jumppad:
0x0: {  	(pc) =	sbr.rel $0x88, $3  }
0x1: {  	(tag) =	ssettag $0x0;
	lr =	simm.s32 $0x1  }
0x2: {  	[smem:$0x3F99] =	sst lr;
	_ =	strace $0xD0000000  }
0x3: {  	_ = 	snop  }
0x4: {  	_ = 	snop  }
0x5: {  	_ = 	snop  }
0x6: {  	_ = 	snop  }
0x7: {  	_ = 	snop  }
__scs_overlays_trampoline_lowered:
0x8: {  	[smem:$0x3FA8] =	sst s0  }
0x9: {  	[smem:$0x3FA9] =	sst s1  }
0xa: {  	[smem:$0x3FAA] =	sst s2  }
0xb: {  	[smem:$0x3FAB] =	sst s3  }
0xc: {  	[smem:$0x3FAC] =	sst s4  }
0xd: {  	[smem:$0x3FAD] =	sst s5  }
0xe: {  	[smem:$0x3FAE] =	sst s6  }
0xf: {  	[smem:$0x3FAF] =	sst s7  }
0x10: {  	[smem:$0x3FB0] =	sst s8  }
0x11: {  	[smem:$0x3FB1] =	sst s9;
	s0 =	simm.s32 @!p0 $0x0  }
0x12: {  	s1 =	sld [smem:$0x3F97];
	s0 =	simm.s32 @p0 $0x1  }
0x13: {  	[smem:$0x3FB2] =	sst s0;
	s0 =	simm.s32 @!p1 $0x0  }
0x14: {  	s2 =	sld [smem:$0x3F96];
	s0 =	simm.s32 @p1 $0x1  }
0x15: {  	[smem:$0x3FB3] =	sst s0;
	s0 =	simm.s32 @!p2 $0x0  }
0x16: {  	s3 =	sld [smem:$0x3FDB];
	s0 =	simm.s32 @p2 $0x1  }
0x17: {  	s4 =	simm.s32 $0x1BF5;
	[smem:$0x3FB5] =	sst s0  }
0x18: {  	s0 =	sld [smem:$0x3F98];
	_ =	swait.ge [sflag:s4], $0x0  }
0x19: {  	s7 =	sld [smem:$0x3F99]  }
0x1a: {  	s8 =	sadd.s32 $0xFFFFE003, lr  }
0x1b: {  	s9 =	sadd.s32 $0xFFFFFEF7, lr;
	s5 =	simm.s32 $0xFFFFFFFF;
	p2 =	slt.u32 s8, $0xFFFFF086  }
0x1c: {  	p1 =	slt.u32 s9, $0xF7A;
	s5 =	simm.s32 @!p2 $0x0  }
0x1d: {  	s5 =	simm.s32 @p1 $0x1;
	p0 =	seq.s32 s7, s2  }
0x1e: {  	s7 =	smul.u32 @!p0 $0xF7A, s2;
	p2 =	seq.s32 @!p0 s5, $0x0  }
0x1f: {  	s9 =	smul.u32 $0xF7A, s1;
	s8 =	simm.s32 @!p0 $0x1BF5;
	p2 =	por !p2, p0  }
0x20: {  	[sflag:s8] =	ssyncset.s32 @!p0 $0xFFFFF086;
	s6 =	sadd.s32 @!p0 s3, s7;
	s7 =	simm.s32 @!p0 $0x108  }
0x21: {  	s3 =	sadd.s32 s3, s9;
	s6 =	sadd.s32 @!p0 $0x88, s6;
	s7 =	simm.s32 @p2 $0x1082  }
0x22: {  	[simem:s7], [sflag:s8] =	dma.local @!p0 [hbm:s6], $0xF7A  }
0x23: {  	s9 =	sor.u32 $0xD0000000, s2;
	s6 =	simm.s32 $0x108;
	_ =	swait.ge @!p0 [sflag:s8], $0x0  }
0x24: {  	s3 =	sadd.s32 $0x88, s3;
	s6 =	simm.s32 @!p1 $0x1082;
	[sflag:s4] =	ssyncset.s32 $0xFFFFF086  }
0x25: {  	[simem:s6], [sflag:s4] =	dma.local [hbm:s3], $0xF7A  }
0x26: {  	[smem:$0x3F99] =	sst s1;
	(tag) =	ssettag s2;
	_ =	strace s9  }
0x27: {  	s1 =	sld [smem:$0x3FA9]  }
0x28: {  	s2 =	sld [smem:$0x3FAA]  }
0x29: {  	s4 =	sld [smem:$0x3FAC]  }
0x2a: {  	p0 =	seq.s32 s5, $0x0;
	s5 =	sld [smem:$0x3FAD]  }
0x2b: {  	s6 =	sld [smem:$0x3FAE]  }
0x2c: {  	s7 =	sld [smem:$0x3FAF]  }
0x2d: {  	s3 =	simm.s32 $0x108;
	s8 =	sld [smem:$0x3FB0]  }
0x2e: {  	s3 =	simm.s32 @!p0 $0x1082;
	s9 =	sld [smem:$0x3FB1]  }
0x2f: {  	lr =	sadd.s32 s0, s3;
	s0 =	sld [smem:$0x3FA8]  }
0x30: {  	s3 =	sld [smem:$0x3FAB]  }
0x31: {  	[smem:$0x3FB4] =	sst s10  }
0x32: {  	s10 =	sld [smem:$0x3FB2];
	_ =	sdelay $0x3  }
0x33: {  	p0 =	seq.s32 s10, $0x1;
	s10 =	sld [smem:$0x3FB4];
	_ =	sdelay $0x3  }
0x34: {  	[smem:$0x3FB4] =	sst s10  }
0x35: {  	s10 =	sld [smem:$0x3FB3];
	_ =	sdelay $0x3  }
0x36: {  	p1 =	seq.s32 s10, $0x1;
	s10 =	sld [smem:$0x3FB4];
	_ =	sdelay $0x3  }
0x37: {  	[smem:$0x3FB4] =	sst s10  }
0x38: {  	s10 =	sld [smem:$0x3FB5]  }
0x39: {  	_ = 	snop;
	(pc) =	sbr.ind lr, $3  }
0x3a: {  	_ = 	snop  }
0x3b: {  	_ = 	snop  }
0x3c: {  	p2 =	seq.s32 s10, $0x1;
	s10 =	sld [smem:$0x3FB4]  }
0x3d: {  	_ =	shalt  }
0x3e: {  	_ =	shalt  }
0x3f: {  	_ =	shalt  }
0x40: {  	_ =	shalt  }
0x41: {  	_ =	shalt  }
0x42: {  	_ =	shalt  }
0x43: {  	_ =	shalt  }
0x44: {  	_ =	shalt  }
0x45: {  	_ =	shalt  }
0x46: {  	_ =	shalt  }
0x47: {  	_ =	shalt  }
0x48: {  	_ =	shalt  }
0x49: {  	_ =	shalt  }
0x4a: {  	_ =	shalt  }
0x4b: {  	_ =	shalt  }
0x4c: {  	_ =	shalt  }
0x4d: {  	_ =	shalt  }
0x4e: {  	_ =	shalt  }
0x4f: {  	_ =	shalt  }
0x50: {  	_ =	shalt  }
0x51: {  	_ =	shalt  }
0x52: {  	_ =	shalt  }
0x53: {  	_ =	shalt  }
0x54: {  	_ =	shalt  }
0x55: {  	_ =	shalt  }
0x56: {  	_ =	shalt  }
0x57: {  	_ =	shalt  }
0x58: {  	_ =	shalt  }
0x59: {  	_ =	shalt  }
0x5a: {  	_ =	shalt  }
0x5b: {  	_ =	shalt  }
0x5c: {  	_ =	shalt  }
0x5d: {  	_ =	shalt  }
0x5e: {  	_ =	shalt  }
0x5f: {  	_ =	shalt  }
0x60: {  	_ =	shalt  }
0x61: {  	_ =	shalt  }
0x62: {  	_ =	shalt  }
0x63: {  	_ =	shalt  }
0x64: {  	_ =	shalt  }
0x65: {  	_ =	shalt  }
0x66: {  	_ =	shalt  }
0x67: {  	_ =	shalt  }
0x68: {  	_ =	shalt  }
0x69: {  	_ =	shalt  }
0x6a: {  	_ =	shalt  }
0x6b: {  	_ =	shalt  }
0x6c: {  	_ =	shalt  }
0x6d: {  	_ =	shalt  }
0x6e: {  	_ =	shalt  }
0x6f: {  	_ =	shalt  }
0x70: {  	_ =	shalt  }
0x71: {  	_ =	shalt  }
0x72: {  	_ =	shalt  }
0x73: {  	_ =	shalt  }
0x74: {  	_ =	shalt  }
0x75: {  	_ =	shalt  }
0x76: {  	_ =	shalt  }
0x77: {  	_ =	shalt  }
0x78: {  	_ =	shalt  }
0x79: {  	_ =	shalt  }
0x7a: {  	_ =	shalt  }
0x7b: {  	_ =	shalt  }
0x7c: {  	_ =	shalt  }
0x7d: {  	_ =	shalt  }
0x7e: {  	_ =	shalt  }
0x7f: {  	_ =	shalt  }
0x80: {  	_ =	shalt  }
0x81: {  	_ =	shalt  }
0x82: {  	_ =	shalt  }
0x83: {  	_ =	shalt  }
0x84: {  	_ =	shalt  }
0x85: {  	_ =	shalt  }
0x86: {  	_ =	shalt  }
0x87: {  	_ =	shalt  }
.Lfunc_end0:
.L_simem_size_0:
called_computation.5_lowered:
.L_overlay_start_0:
0x88: {  	s2 =	sld [smem:$0x3FD9]  }
0x89: {  	s3 =	sld [smem:$0x3FFE];
	_ =	sdelay $0x1  }
0x8a: {  	s1 =	srdreg.scid  }
0x8b: {  	s0 =	sand.u32 $0x1, s1  }
0x8c: {  	s16 =	sshll.u32 s0, $0xA;
	s2 =	sadd.s32 s3, s2  }
0x8d: {  	s2 =	sadd.s32 s2, s16  }
0x8e: {  	[smem:$0x3FC0] =	sst s2  }
0x8f: {  	_ = 	snop  }
0x90: {  	(tm) =	ssettm $0x1  }
0x91: {  	s17 =	sld [smem:$0x3FFB];
	_ =	sdelay $0x3  }
0x92: {  	_ =	strace s17  }
0x93: {  	s2 =	sld [smem:$0x3FFC];
	_ =	sdelay $0x3  }
0x94: {  	_ =	strace s2  }
0x95: {  	s2 =	sld [smem:$0x3FFD];
	_ =	sdelay $0x3  }
0x96: {  	_ =	strace s2  }
0x97: {  	_ =	strace $0x8FFFFFFF  }
0x98: {  	s18 =	sld [smem:$0x3FDB];
	_ =	sdelay $0x1  }
0x99: {  	s19 =	simm.s32 $_scs_section_size  }
0x9a: {  	s4 =	simm.s32 $_size__tile_overlayer_lowered;
	s5 =	simm.s32 $_tile_overlayer_lowered  }
0x9b: {  	s22 =	simm.s32 $0x1BFF;
	s21 =	sshll.u32 s5, $0x1;
	s2 =	sadd.s32 s19, s18  }
0x9c: {  	s6 =	simm.s32 $0x0;
	s20 =	sshll.u32 s4, $0x1;
	s4 =	sadd.s32 s21, s2  }
0x9d: {  	[timem:s6], [sflag:s22] =	dma.local [hbm:s4], s20  }
0x9e: {  	_ =	swait.ge [sflag:s22], s20  }
0x9f: {  	s3 =	ssub.s32 $0x0, s20;
	[sflag:s22] =	ssyncset.done $0x0  }
0xa0: {  	[sflag:s22] =	ssyncadd.s32 s3;
	_ =	sdelay $0x1  }
0xa1: {  	s23 =	simm.s32 $0x1B8B  }
0xa2: {  	_ =	swait.ge [sflag:s23], $0x1  }
0xa3: {  	[sflag:s23] =	ssyncset.done $0x0  }
0xa4: {  	s25 =	simm.s32 $0x1B8E;
	s24 =	sld [smem:$0x3FFE];
	[sflag:s23] =	ssyncadd.s32 $0xFFFFFFFF  }
0xa5: {  	s26 =	simm.s32 $execute0_lowered;
	[smem:$0x3FD2] =	sst s25  }
0xa6: {  	s4 =	sshll.u32 s26, $0x1;
	_ =	strace $0x80000055;
	[dreg:$0x1] =	wrdreg $0xFFFFFFFF  }
0xa7: {  	s28 =	simm.s32 $_size_execute0_lowered;
	s2 =	sadd.s32 s2, s4;
	[dreg:$0x0] =	wrdreg $0x0  }
0xa8: {  	s4 =	sshll.u32 s28, $0x1;
	[dreg:$0x2] =	wrdreg s2  }
0xa9: {  	[dreg:$0x3] =	wrdreg s4  }
0xaa: {  	[dreg:$0x4] =	wrdreg $0xC0  }
0xab: {  	_ =	task [dreg:s6], $0x5FFFF  }
0xac: {  	[dreg:$0x1] =	wrdreg $0xFFFFFFFF  }
0xad: {  	[dreg:$0x0] =	wrdreg $0x60  }
0xae: {  	[dreg:$0x2] =	wrdreg s24  }
0xaf: {  	[dreg:$0x3] =	wrdreg $0x90000  }
0xb0: {  	[dreg:$0x4] =	wrdreg $0x9  }
0xb1: {  	_ =	task.clear_ibuf [dreg:s6], $0x5FFFF;
	_ =	strace $0x90000055  }
0xb2: {  	s29 =	simm.s32 $0x9;
	_ =	strace $0x80000057  }
0xb3: {  	_ =	swait.ge [sflag:s29], $0x1  }
0xb4: {  	[sflag:s29] =	ssyncadd.s32 $0xFFFFFFFF  }
0xb5: {  	_ =	strace $0x90000057  }
0xb6: {  	_ =	sfence  }
0xb7: {  	s30 =	sld [smem:$0x0];
	_ =	sdelay $0x2  }
0xb8: {  	s31 =	sshll.u32 s1, $0xD;
	s1 =	sshrl.u32 s1, $0x2  }
0xb9: {  	s3 =	sand.u32 $0x4000, s31;
	s1 =	sadd.s32 s1, s30  }
0xba: {  	s0 =	sor.u32 s3, s0;
	s1 =	sshll.u32 s1, $0x11  }
0xbb: {  	s0 =	sor.u32 s1, s0  }
0xbc: {  	s0 =	sadd.s32 $0x8F2B, s0  }
0xbd: {  	[sflag:s0] =	ssyncadd.remote.s32 $0x1  }
0xbe: {  	_ =	sfence.sel $0xFFFF  }
0xbf: {  	[dreg:$0x0] =	wrdreg $0xFFFFFFFF;
	(pc) =	sbr.abs _section_cstart, $3  }
0xc0: {  	[dreg:$0x1] =	wrdreg $0xFFFFFFFF  }
0xc1: {  	_ =	task.clear_ibuf [dreg:s6], $0x2FFFF;
	_ =	strace $0x9FFFFFFF  }
0xc2: {  	(tm) =	ssettm $0x7FFFFFFF  }
0xc3: {  	_ =	shalt  }
tec
execute0_lowered:
.L_overlay_start_1:
0x0: {  	(tag) =	ssettag $0x1  }
0x1: {  	s5 =	rddreg [dreg:$0x0];
	s1 =	srdreg.scid  }
0x2: {  	s0 =	stileid.u32;
	s2 =	rddreg [dreg:$0x1]  }
0x3: {  	s3 =	simm.s32 $0x0;
	s24 =	simm.s32 $0x5000;
	s25 =	simm.s32 $0x80  }
0x4: {  	s26 =	simm.s32 $0x1;
	s28 =	simm.s32 $0x0;
	s6 =	sand.u32 $0x1, s1  }
0x5: {  	s4 =	sshll.u32 s0, $0x1;
	[smem:$0x7FF] =	sst s3;
	s10 =	smul.u32 $0x50000, s0  }
0x6: {  	s21 =	sadd.s32 $0x91000, s5;
	s17 =	smul.u32 $0x14000, s0;
	s4 =	sor.u32 s6, s4  }
0x7: {  	_ =	strace $0x80000056;
	s8 =	ssub.s32 $0x2, s6;
	s18 =	smul.u32 $0x140000, s6  }
0x8: {  	s7 =	smul.u32 $0x500, s4;
	s4 =	sadd.s32 $0x1BA00, s5;
	s9 =	sshrl.u32 s8, $0x1  }
0x9: {  	s30 =	sshrl.u32 s10, $0x2;
	s14 =	sadd.s32 $0x4000, s17;
	s19 =	sadd.s32 $0x8000, s17  }
0xa: {  	s20 =	sadd.s32 $0xC000, s17;
	s22 =	sadd.s32 $0x10000, s17;
	s8 =	ssub.s32 s8, s9  }
0xb: {  	s12 =	sadd.s32 s18, s17;
	s15 =	sadd.s32 s18, s14;
	s14 =	sadd.s32 s14, s2  }
0xc: {  	s16 =	sadd.s32 s19, s2;
	s19 =	sadd.s32 s18, s19;
	s31 =	sadd.s32 s18, s20  }
0xd: {  	s23 =	sadd.s32 s18, s22;
	s18 =	sadd.s32 s20, s2;
	s20 =	sadd.s32 s22, s2  }
0xe: {  	s22 =	simm.s32 $0x2;
	s7 =	sadd.s32 s7, s5;
	s8 =	smax.u32 s8, $0x1  }
0xf: {  	s13 =	sshrl.u32 s12, $0x3;
	s15 =	sshrl.u32 s15, $0x3;
	s19 =	sshrl.u32 s19, $0x3  }
0x10: {  	s23 =	sshrl.u32 s23, $0x3;
	s5 =	sadd.s32 $0x11A00, s7;
	s6 =	sadd.s32 $0x7000, s7  }
0x11: {  	s7 =	sadd.s32 s30, s2;
	s13 =	sadd.s32 s21, s13;
	s15 =	sadd.s32 s21, s15  }
0x12: {  	s17 =	sadd.s32 s21, s19;
	s19 =	sshrl.u32 s31, $0x3;
	s9 =	sadd.s32 $0x4000, s7  }
0x13: {  	s10 =	sadd.s32 $0x8000, s7;
	s11 =	sadd.s32 $0xC000, s7;
	s12 =	sadd.s32 $0x10000, s7  }
0x14: {  	v0 =	vimm.f32 $0.0e+00;
	s19 =	sadd.s32 s21, s19;
	s21 =	sadd.s32 s21, s23;
	s23 =	simm.s32 $0x2800  }
.LBB2_1:
0x15: {  	[tilespmem:s3], [sflag:$0x2] =	stream.linear.gather [hbm4b:s5+s3], $0x2800, $0x38;
	[tilespmem:$0x1D000] =	vst v63  }
0x16: {  	_ =	swait.ge [sflag:s22], $0x2800  }
0x17: {  	[sflag:s22] =	ssyncset.done $0x0  }
0x18: {  	[sflag:s22] =	ssyncadd.s32 $0xFFFFD800  }
0x19: {  	[tilespmem:s23], [sflag:$0x2] =	stream.linear.gather [hbm4b:s6+s3], $0x2800, $0x38;
	[tilespmem:$0x1D000] =	vst v63  }
0x1a: {  	_ =	swait.ge [sflag:s22], $0x2800  }
0x1b: {  	[sflag:s22] =	ssyncset.done $0x0  }
0x1c: {  	s29 =	simm.s32 $0x0;
	s30 =	simm.s32 $0x200;
	[sflag:s22] =	ssyncadd.s32 $0xFFFFD800  }
.LBB2_2:
0x1d: {  	p0 =	sne.s32 s30, $0xFE00;
	[tilespmem:s29+$0x5070] =	vst v0  }
0x1e: {  	[tilespmem:s29+$0x5000] =	vst v0  }
0x1f: {  	[tilespmem:s29+$0x5010] =	vst v0  }
.Ltmp0:
0x20: {  	[tilespmem:s29+$0x5020] =	vst v0;
	(pc) =	sbr.rel @p0 .LBB2_2-.Ltmp0, $4  }
0x21: {  	[tilespmem:s29+$0x5030] =	vst v0  }
0x22: {  	[tilespmem:s29+$0x5040] =	vst v0  }
0x23: {  	[tilespmem:s29+$0x5050] =	vst v0  }
0x24: {  	[tilespmem:s29+$0x5060] =	vst v0;
	s29 =	sshra.s32 s30, $0x2;
	s30 =	sadd.s32 $0x200, s30  }
0x25: {  	[tilespmem:s29+$0x5070] =	vst v0  }
0x26: {  	[tilespmem:s29+$0x5000] =	vst v0  }
0x27: {  	[tilespmem:s29+$0x5010] =	vst v0  }
0x28: {  	[tilespmem:s29+$0x5020] =	vst v0  }
0x29: {  	[tilespmem:s29+$0x5030] =	vst v0  }
0x2a: {  	[tilespmem:s29+$0x5040] =	vst v0  }
0x2b: {  	[tilespmem:s29+$0x5050] =	vst v0  }
0x2c: {  	[tilespmem:s29+$0x5060] =	vst v0  }
0x2d: {  	[spmem:s7] =	stream.linear.scatter [tilespmem:s24], [sflag:$0x2], $0x4000, $0x38;
	[tilespmem:$0x1D000] =	vst v63  }
0x2e: {  	_ =	swait.ge [sflag:s22], $0x4000  }
0x2f: {  	[sflag:s22] =	ssyncset.done $0x0  }
0x30: {  	[sflag:s22] =	ssyncadd.s32 $0xFFFFC000  }
0x31: {  	[spmem:s9] =	stream.linear.scatter [tilespmem:s24], [sflag:$0x2], $0x4000, $0x38;
	[tilespmem:$0x1D000] =	vst v63  }
0x32: {  	_ =	swait.ge [sflag:s22], $0x4000  }
0x33: {  	[sflag:s22] =	ssyncset.done $0x0  }
0x34: {  	[sflag:s22] =	ssyncadd.s32 $0xFFFFC000  }
0x35: {  	[spmem:s10] =	stream.linear.scatter [tilespmem:s24], [sflag:$0x2], $0x4000, $0x38;
	[tilespmem:$0x1D000] =	vst v63  }
0x36: {  	_ =	swait.ge [sflag:s22], $0x4000  }
0x37: {  	[sflag:s22] =	ssyncset.done $0x0  }
0x38: {  	[sflag:s22] =	ssyncadd.s32 $0xFFFFC000  }
0x39: {  	[spmem:s11] =	stream.linear.scatter [tilespmem:s24], [sflag:$0x2], $0x4000, $0x38;
	[tilespmem:$0x1D000] =	vst v63  }
0x3a: {  	_ =	swait.ge [sflag:s22], $0x4000  }
0x3b: {  	[sflag:s22] =	ssyncset.done $0x0  }
0x3c: {  	[sflag:s22] =	ssyncadd.s32 $0xFFFFC000  }
0x3d: {  	[spmem:s12] =	stream.linear.scatter [tilespmem:s24], [sflag:$0x2], $0x4000, $0x38;
	[tilespmem:$0x1D000] =	vst v63  }
0x3e: {  	_ =	swait.ge [sflag:s22], $0x4000  }
0x3f: {  	[sflag:s22] =	ssyncset.done $0x0  }
0x40: {  	[sflag:s22] =	ssyncadd.s32 $0xFFFFC000  }
0x41: {  	s29 =	simm.s32 $0x0;
	[bflag:$0x0] =	sbarrier.arrive $0xFFFF  }
0x42: {  	[tilespmem:s24], [sflag:$0x1] =	stream.indirect.gather [hbm4b:s4+s25], $0x80, s29, s25, $0xb8;
	[tilespmem:$0x1D000] =	vst v63  }
0x43: {  	_ =	swait.ge [sflag:s26], $0x4000  }
0x44: {  	[sflag:s26] =	ssyncset.done $0x0  }
0x45: {  	s29 =	simm.s32 $0x2800;
	[sflag:s26] =	ssyncadd.s32 $0xFFFFC000  }
0x46: {  	[spmem:s2] =	stream.indirect.scatter.add.f32 [tilespmem:s24], [sflag:$0x2], $0x80, s29, s25, $0xb8;
	[tilespmem:$0x1D000] =	vst v63  }
0x47: {  	_ =	swait.ge [sflag:s22], $0x4000  }
0x48: {  	s30 =	simm.s32 $0x400;
	s29 =	simm.s32 $0x200;
	[sflag:s22] =	ssyncset.done $0x0  }
.LBB2_4:
0x49: {  	s31 =	sshra.s32 s29, $0x2  }
0x4a: {  	[sflag:s22] =	ssyncadd.s32 $0xFFFFC000;
	s29 =	smov.u32 s30;
	s1 =	sadd.s32 $0x200, s30  }
0x4b: {  	[tilespmem:s24], [sflag:$0x1] =	stream.indirect.gather [hbm4b:s4+s25], $0x80, s31, s25, $0xb8;
	[tilespmem:$0x1D000] =	vst v63  }
0x4c: {  	p0 =	sne.s32 s30, $0x9E00;
	_ =	swait.ge [sflag:s26], $0x4000  }
.Ltmp1:
0x4d: {  	[sflag:s26] =	ssyncset.done $0x0;
	(pc) =	sbr.rel @p0 .LBB2_4-.Ltmp1, $4  }
0x4e: {  	s30 =	sadd.s32 $0x2800, s31;
	[sflag:s26] =	ssyncadd.s32 $0xFFFFC000  }
0x4f: {  	[spmem:s2] =	stream.indirect.scatter.add.f32 [tilespmem:s24], [sflag:$0x2], $0x80, s30, s25, $0xb8;
	[tilespmem:$0x1D000] =	vst v63  }
0x50: {  	_ =	swait.ge [sflag:s22], $0x4000  }
0x51: {  	s30 =	smov.u32 s1;
	[sflag:s22] =	ssyncset.done $0x0  }
0x52: {  	s1 =	sshra.s32 s29, $0x2;
	[sflag:s22] =	ssyncadd.s32 $0xFFFFC000  }
0x53: {  	[tilespmem:s24], [sflag:$0x1] =	stream.indirect.gather [hbm4b:s4+s25], $0x80, s1, s25, $0xb8;
	[tilespmem:$0x1D000] =	vst v63  }
0x54: {  	_ =	swait.ge [sflag:s26], $0x4000  }
0x55: {  	[sflag:s26] =	ssyncset.done $0x0  }
0x56: {  	s1 =	sadd.s32 $0x2800, s1;
	[sflag:s26] =	ssyncadd.s32 $0xFFFFC000  }
0x57: {  	[spmem:s2] =	stream.indirect.scatter.add.f32 [tilespmem:s24], [sflag:$0x2], $0x80, s1, s25, $0xb8;
	[tilespmem:$0x1D000] =	vst v63  }
0x58: {  	_ =	swait.ge [sflag:s22], $0x4000  }
0x59: {  	[sflag:s22] =	ssyncset.done $0x0  }
0x5a: {  	[sflag:s22] =	ssyncadd.s32 $0xFFFFC000  }
0x5b: {  	[bflag:$0x0] =	sbarrier.arrive $0xFFFF  }
0x5c: {  	[tilespmem:s24], [sflag:$0x2] =	stream.linear.gather [spmem:s7], $0x4000, $0x38;
	[tilespmem:$0x1D000] =	vst v63  }
0x5d: {  	_ =	swait.ge [sflag:s22], $0x4000  }
0x5e: {  	[sflag:s22] =	ssyncset.done $0x0  }
0x5f: {  	[sflag:s22] =	ssyncadd.s32 $0xFFFFC000  }
0x60: {  	[hbm4b:s13+s3] =	stream.linear.scatter [tilespmem:s24], [sflag:$0x2], $0x4000, $0x38;
	[tilespmem:$0x1D000] =	vst v63  }
0x61: {  	_ =	swait.ge [sflag:s22], $0x4000  }
0x62: {  	[sflag:s22] =	ssyncset.done $0x0  }
0x63: {  	[sflag:s22] =	ssyncadd.s32 $0xFFFFC000  }
0x64: {  	[tilespmem:s24], [sflag:$0x2] =	stream.linear.gather [spmem:s14], $0x4000, $0x38;
	[tilespmem:$0x1D000] =	vst v63  }
0x65: {  	_ =	swait.ge [sflag:s22], $0x4000  }
0x66: {  	[sflag:s22] =	ssyncset.done $0x0  }
0x67: {  	[sflag:s22] =	ssyncadd.s32 $0xFFFFC000  }
0x68: {  	[hbm4b:s15+s3] =	stream.linear.scatter [tilespmem:s24], [sflag:$0x2], $0x4000, $0x38;
	[tilespmem:$0x1D000] =	vst v63  }
0x69: {  	_ =	swait.ge [sflag:s22], $0x4000  }
0x6a: {  	[sflag:s22] =	ssyncset.done $0x0  }
0x6b: {  	[sflag:s22] =	ssyncadd.s32 $0xFFFFC000  }
0x6c: {  	[tilespmem:s24], [sflag:$0x2] =	stream.linear.gather [spmem:s16], $0x4000, $0x38;
	[tilespmem:$0x1D000] =	vst v63  }
0x6d: {  	_ =	swait.ge [sflag:s22], $0x4000  }
0x6e: {  	[sflag:s22] =	ssyncset.done $0x0  }
0x6f: {  	[sflag:s22] =	ssyncadd.s32 $0xFFFFC000  }
0x70: {  	[hbm4b:s17+s3] =	stream.linear.scatter [tilespmem:s24], [sflag:$0x2], $0x4000, $0x38;
	[tilespmem:$0x1D000] =	vst v63  }
0x71: {  	_ =	swait.ge [sflag:s22], $0x4000  }
0x72: {  	[sflag:s22] =	ssyncset.done $0x0  }
0x73: {  	[sflag:s22] =	ssyncadd.s32 $0xFFFFC000  }
0x74: {  	[tilespmem:s24], [sflag:$0x2] =	stream.linear.gather [spmem:s18], $0x4000, $0x38;
	[tilespmem:$0x1D000] =	vst v63  }
0x75: {  	_ =	swait.ge [sflag:s22], $0x4000  }
0x76: {  	[sflag:s22] =	ssyncset.done $0x0  }
0x77: {  	[sflag:s22] =	ssyncadd.s32 $0xFFFFC000  }
0x78: {  	[hbm4b:s19+s3] =	stream.linear.scatter [tilespmem:s24], [sflag:$0x2], $0x4000, $0x38;
	[tilespmem:$0x1D000] =	vst v63  }
0x79: {  	_ =	swait.ge [sflag:s22], $0x4000  }
0x7a: {  	[sflag:s22] =	ssyncset.done $0x0  }
0x7b: {  	[sflag:s22] =	ssyncadd.s32 $0xFFFFC000  }
0x7c: {  	[tilespmem:s24], [sflag:$0x2] =	stream.linear.gather [spmem:s20], $0x4000, $0x38;
	[tilespmem:$0x1D000] =	vst v63  }
0x7d: {  	s28 =	sadd.s32 $0x1, s28;
	_ =	swait.ge [sflag:s22], $0x4000  }
0x7e: {  	p0 =	sne.s32 s28, s8;
	[sflag:s22] =	ssyncset.done $0x0  }
.Ltmp2:
0x7f: {  	[sflag:s22] =	ssyncadd.s32 $0xFFFFC000;
	(pc) =	sbr.rel @p0 .LBB2_1-.Ltmp2, $4  }
0x80: {  	[hbm4b:s21+s3] =	stream.linear.scatter [tilespmem:s24], [sflag:$0x2], $0x4000, $0x38;
	[tilespmem:$0x1D000] =	vst v63  }
0x81: {  	_ =	swait.ge [sflag:s22], $0x4000  }
0x82: {  	[sflag:s22] =	ssyncset.done $0x0  }
0x83: {  	[sflag:s22] =	ssyncadd.s32 $0xFFFFC000  }
0x84: {  	_ =	sfence.sel $0x180000  }
0x85: {  	[bflag:$0x0] =	sbarrier.arrive $0xFFFF  }
0x86: {  	_ =	strace $0x90000056  }
0x87: {  	[bflag:$0x2] =	sbarrier.arrive $0xFFFF  }
0x88: {  	p0 =	sne.s32 s0, $0x0;
	s0 =	rddreg [dreg:$0x2]  }
0x89: {  	s0 =	sadd.s32 @!p0 $0x100000, s0  }
0x8a: {  	[sflag:s0] =	ssyncadd.tile.s32 @!p0 $0x1;
	_ =	shalt  }
.Lfunc_end2:
_tile_overlayer_lowered:
.L_overlay_start_2:
0x8b: {  	(tag) =	ssettag $0x2  }
0x8c: {  	s0 =	rddreg [dreg:$0x0];
	s2 =	stileid.u32  }
0x8d: {  	s1 =	rddreg [dreg:$0x1];
	p0 =	sne.s32 s2, $0x0  }
0x8e: {  	s3 =	rddreg [dreg:$0x2];
	[bflag:$0x3] =	sbarrier.arrive $0xFFFF;
	s2 =	simm.s32 @!p0 $0x1C02  }
0x8f: {  	[timem:s3], [sflag:s2] =	dma.local @!p0 [hbm:s0], s1  }
0x90: {  	s0 =	simm.s32 @!p0 $0x2  }
0x91: {  	_ =	swait.ge @!p0 [sflag:s0], s1  }
0x92: {  	s1 =	ssub.s32 @!p0 $0x0, s1;
	[sflag:s0] =	ssyncset.done @!p0 $0x0  }
0x93: {  	[sflag:s0] =	ssyncadd.s32 @!p0 s1  }
0x94: {  	[bflag:$0x3] =	sbarrier.arrive $0xFFFF  }
0x95: {  	_ =	shalt  }

// kernel: kernel.39.cloned.1.call-start
scs
__scs_entry_jumppad:
0x0: {  	(pc) =	sbr.rel $0x88, $3  }
0x1: {  	(tag) =	ssettag $0x0;
	lr =	simm.s32 $0x1  }
0x2: {  	[smem:$0x3F99] =	sst lr;
	_ =	strace $0xD0000000  }
0x3: {  	_ = 	snop  }
0x4: {  	_ = 	snop  }
0x5: {  	_ = 	snop  }
0x6: {  	_ = 	snop  }
0x7: {  	_ = 	snop  }
__scs_overlays_trampoline_lowered:
0x8: {  	[smem:$0x3FA8] =	sst s0  }
0x9: {  	[smem:$0x3FA9] =	sst s1  }
0xa: {  	[smem:$0x3FAA] =	sst s2  }
0xb: {  	[smem:$0x3FAB] =	sst s3  }
0xc: {  	[smem:$0x3FAC] =	sst s4  }
0xd: {  	[smem:$0x3FAD] =	sst s5  }
0xe: {  	[smem:$0x3FAE] =	sst s6  }
0xf: {  	[smem:$0x3FAF] =	sst s7  }
0x10: {  	[smem:$0x3FB0] =	sst s8  }
0x11: {  	[smem:$0x3FB1] =	sst s9;
	s0 =	simm.s32 @!p0 $0x0  }
0x12: {  	s1 =	sld [smem:$0x3F97];
	s0 =	simm.s32 @p0 $0x1  }
0x13: {  	[smem:$0x3FB2] =	sst s0;
	s0 =	simm.s32 @!p1 $0x0  }
0x14: {  	s2 =	sld [smem:$0x3F96];
	s0 =	simm.s32 @p1 $0x1  }
0x15: {  	[smem:$0x3FB3] =	sst s0;
	s0 =	simm.s32 @!p2 $0x0  }
0x16: {  	s3 =	sld [smem:$0x3FDB];
	s0 =	simm.s32 @p2 $0x1  }
0x17: {  	s4 =	simm.s32 $0x1BF5;
	[smem:$0x3FB5] =	sst s0  }
0x18: {  	s0 =	sld [smem:$0x3F98];
	_ =	swait.ge [sflag:s4], $0x0  }
0x19: {  	s7 =	sld [smem:$0x3F99]  }
0x1a: {  	s8 =	sadd.s32 $0xFFFFE003, lr  }
0x1b: {  	s9 =	sadd.s32 $0xFFFFFEF7, lr;
	s5 =	simm.s32 $0xFFFFFFFF;
	p2 =	slt.u32 s8, $0xFFFFF086  }
0x1c: {  	p1 =	slt.u32 s9, $0xF7A;
	s5 =	simm.s32 @!p2 $0x0  }
0x1d: {  	s5 =	simm.s32 @p1 $0x1;
	p0 =	seq.s32 s7, s2  }
0x1e: {  	s7 =	smul.u32 @!p0 $0xF7A, s2;
	p2 =	seq.s32 @!p0 s5, $0x0  }
0x1f: {  	s9 =	smul.u32 $0xF7A, s1;
	s8 =	simm.s32 @!p0 $0x1BF5;
	p2 =	por !p2, p0  }
0x20: {  	[sflag:s8] =	ssyncset.s32 @!p0 $0xFFFFF086;
	s6 =	sadd.s32 @!p0 s3, s7;
	s7 =	simm.s32 @!p0 $0x108  }
0x21: {  	s3 =	sadd.s32 s3, s9;
	s6 =	sadd.s32 @!p0 $0x88, s6;
	s7 =	simm.s32 @p2 $0x1082  }
0x22: {  	[simem:s7], [sflag:s8] =	dma.local @!p0 [hbm:s6], $0xF7A  }
0x23: {  	s9 =	sor.u32 $0xD0000000, s2;
	s6 =	simm.s32 $0x108;
	_ =	swait.ge @!p0 [sflag:s8], $0x0  }
0x24: {  	s3 =	sadd.s32 $0x88, s3;
	s6 =	simm.s32 @!p1 $0x1082;
	[sflag:s4] =	ssyncset.s32 $0xFFFFF086  }
0x25: {  	[simem:s6], [sflag:s4] =	dma.local [hbm:s3], $0xF7A  }
0x26: {  	[smem:$0x3F99] =	sst s1;
	(tag) =	ssettag s2;
	_ =	strace s9  }
0x27: {  	s1 =	sld [smem:$0x3FA9]  }
0x28: {  	s2 =	sld [smem:$0x3FAA]  }
0x29: {  	s4 =	sld [smem:$0x3FAC]  }
0x2a: {  	p0 =	seq.s32 s5, $0x0;
	s5 =	sld [smem:$0x3FAD]  }
0x2b: {  	s6 =	sld [smem:$0x3FAE]  }
0x2c: {  	s7 =	sld [smem:$0x3FAF]  }
0x2d: {  	s3 =	simm.s32 $0x108;
	s8 =	sld [smem:$0x3FB0]  }
0x2e: {  	s3 =	simm.s32 @!p0 $0x1082;
	s9 =	sld [smem:$0x3FB1]  }
0x2f: {  	lr =	sadd.s32 s0, s3;
	s0 =	sld [smem:$0x3FA8]  }
0x30: {  	s3 =	sld [smem:$0x3FAB]  }
0x31: {  	[smem:$0x3FB4] =	sst s10  }
0x32: {  	s10 =	sld [smem:$0x3FB2];
	_ =	sdelay $0x3  }
0x33: {  	p0 =	seq.s32 s10, $0x1;
	s10 =	sld [smem:$0x3FB4];
	_ =	sdelay $0x3  }
0x34: {  	[smem:$0x3FB4] =	sst s10  }
0x35: {  	s10 =	sld [smem:$0x3FB3];
	_ =	sdelay $0x3  }
0x36: {  	p1 =	seq.s32 s10, $0x1;
	s10 =	sld [smem:$0x3FB4];
	_ =	sdelay $0x3  }
0x37: {  	[smem:$0x3FB4] =	sst s10  }
0x38: {  	s10 =	sld [smem:$0x3FB5]  }
0x39: {  	_ = 	snop;
	(pc) =	sbr.ind lr, $3  }
0x3a: {  	_ = 	snop  }
0x3b: {  	_ = 	snop  }
0x3c: {  	p2 =	seq.s32 s10, $0x1;
	s10 =	sld [smem:$0x3FB4]  }
0x3d: {  	_ =	shalt  }
0x3e: {  	_ =	shalt  }
0x3f: {  	_ =	shalt  }
0x40: {  	_ =	shalt  }
0x41: {  	_ =	shalt  }
0x42: {  	_ =	shalt  }
0x43: {  	_ =	shalt  }
0x44: {  	_ =	shalt  }
0x45: {  	_ =	shalt  }
0x46: {  	_ =	shalt  }
0x47: {  	_ =	shalt  }
0x48: {  	_ =	shalt  }
0x49: {  	_ =	shalt  }
0x4a: {  	_ =	shalt  }
0x4b: {  	_ =	shalt  }
0x4c: {  	_ =	shalt  }
0x4d: {  	_ =	shalt  }
0x4e: {  	_ =	shalt  }
0x4f: {  	_ =	shalt  }
0x50: {  	_ =	shalt  }
0x51: {  	_ =	shalt  }
0x52: {  	_ =	shalt  }
0x53: {  	_ =	shalt  }
0x54: {  	_ =	shalt  }
0x55: {  	_ =	shalt  }
0x56: {  	_ =	shalt  }
0x57: {  	_ =	shalt  }
0x58: {  	_ =	shalt  }
0x59: {  	_ =	shalt  }
0x5a: {  	_ =	shalt  }
0x5b: {  	_ =	shalt  }
0x5c: {  	_ =	shalt  }
0x5d: {  	_ =	shalt  }
0x5e: {  	_ =	shalt  }
0x5f: {  	_ =	shalt  }
0x60: {  	_ =	shalt  }
0x61: {  	_ =	shalt  }
0x62: {  	_ =	shalt  }
0x63: {  	_ =	shalt  }
0x64: {  	_ =	shalt  }
0x65: {  	_ =	shalt  }
0x66: {  	_ =	shalt  }
0x67: {  	_ =	shalt  }
0x68: {  	_ =	shalt  }
0x69: {  	_ =	shalt  }
0x6a: {  	_ =	shalt  }
0x6b: {  	_ =	shalt  }
0x6c: {  	_ =	shalt  }
0x6d: {  	_ =	shalt  }
0x6e: {  	_ =	shalt  }
0x6f: {  	_ =	shalt  }
0x70: {  	_ =	shalt  }
0x71: {  	_ =	shalt  }
0x72: {  	_ =	shalt  }
0x73: {  	_ =	shalt  }
0x74: {  	_ =	shalt  }
0x75: {  	_ =	shalt  }
0x76: {  	_ =	shalt  }
0x77: {  	_ =	shalt  }
0x78: {  	_ =	shalt  }
0x79: {  	_ =	shalt  }
0x7a: {  	_ =	shalt  }
0x7b: {  	_ =	shalt  }
0x7c: {  	_ =	shalt  }
0x7d: {  	_ =	shalt  }
0x7e: {  	_ =	shalt  }
0x7f: {  	_ =	shalt  }
0x80: {  	_ =	shalt  }
0x81: {  	_ =	shalt  }
0x82: {  	_ =	shalt  }
0x83: {  	_ =	shalt  }
0x84: {  	_ =	shalt  }
0x85: {  	_ =	shalt  }
0x86: {  	_ =	shalt  }
0x87: {  	_ =	shalt  }
.Lfunc_end0:
.L_simem_size_0:
called_computation.6_lowered:
.L_overlay_start_0:
0x88: {  	s2 =	sld [smem:$0x3FD9]  }
0x89: {  	s3 =	sld [smem:$0x3FFE];
	_ =	sdelay $0x1  }
0x8a: {  	s1 =	srdreg.scid  }
0x8b: {  	s0 =	sand.u32 $0x1, s1  }
0x8c: {  	s16 =	sshll.u32 s0, $0xA;
	s2 =	sadd.s32 s3, s2  }
0x8d: {  	s2 =	sadd.s32 s2, s16  }
0x8e: {  	[smem:$0x3FC0] =	sst s2  }
0x8f: {  	_ = 	snop  }
0x90: {  	(tm) =	ssettm $0x1  }
0x91: {  	s17 =	sld [smem:$0x3FFB];
	_ =	sdelay $0x3  }
0x92: {  	_ =	strace s17  }
0x93: {  	s2 =	sld [smem:$0x3FFC];
	_ =	sdelay $0x3  }
0x94: {  	_ =	strace s2  }
0x95: {  	s2 =	sld [smem:$0x3FFD];
	_ =	sdelay $0x3  }
0x96: {  	_ =	strace s2  }
0x97: {  	_ =	strace $0x8FFFFFFF  }
0x98: {  	s18 =	sld [smem:$0x3FDB];
	_ =	sdelay $0x1  }
0x99: {  	s19 =	simm.s32 $_scs_section_size  }
0x9a: {  	s4 =	simm.s32 $_size__tile_overlayer_lowered;
	s5 =	simm.s32 $_tile_overlayer_lowered  }
0x9b: {  	s22 =	simm.s32 $0x1BFF;
	s21 =	sshll.u32 s5, $0x1;
	s2 =	sadd.s32 s19, s18  }
0x9c: {  	s6 =	simm.s32 $0x0;
	s20 =	sshll.u32 s4, $0x1;
	s4 =	sadd.s32 s21, s2  }
0x9d: {  	[timem:s6], [sflag:s22] =	dma.local [hbm:s4], s20  }
0x9e: {  	_ =	swait.ge [sflag:s22], s20  }
0x9f: {  	s3 =	ssub.s32 $0x0, s20;
	[sflag:s22] =	ssyncset.done $0x0  }
0xa0: {  	[sflag:s22] =	ssyncadd.s32 s3;
	_ =	sdelay $0x1  }
0xa1: {  	s23 =	simm.s32 $0x1B8B  }
0xa2: {  	_ =	swait.ge [sflag:s23], $0x1  }
0xa3: {  	[sflag:s23] =	ssyncset.done $0x0  }
0xa4: {  	s25 =	simm.s32 $0x1B8E;
	s24 =	sld [smem:$0x3FFE];
	[sflag:s23] =	ssyncadd.s32 $0xFFFFFFFF  }
0xa5: {  	s26 =	simm.s32 $execute0_lowered;
	[smem:$0x3FD2] =	sst s25  }
0xa6: {  	s4 =	sshll.u32 s26, $0x1;
	_ =	strace $0x80000058;
	[dreg:$0x1] =	wrdreg $0xFFFFFFFF  }
0xa7: {  	s28 =	simm.s32 $_size_execute0_lowered;
	s2 =	sadd.s32 s2, s4;
	[dreg:$0x0] =	wrdreg $0x0  }
0xa8: {  	s4 =	sshll.u32 s28, $0x1;
	[dreg:$0x2] =	wrdreg s2  }
0xa9: {  	[dreg:$0x3] =	wrdreg s4  }
0xaa: {  	[dreg:$0x4] =	wrdreg $0xC0  }
0xab: {  	_ =	task [dreg:s6], $0x5FFFF  }
0xac: {  	[dreg:$0x1] =	wrdreg $0xFFFFFFFF  }
0xad: {  	[dreg:$0x0] =	wrdreg $0x60  }
0xae: {  	[dreg:$0x2] =	wrdreg s24  }
0xaf: {  	[dreg:$0x3] =	wrdreg $0x90000  }
0xb0: {  	[dreg:$0x4] =	wrdreg $0x9  }
0xb1: {  	_ =	task.clear_ibuf [dreg:s6], $0x5FFFF;
	_ =	strace $0x90000058  }
0xb2: {  	s29 =	simm.s32 $0x9;
	_ =	strace $0x8000005A  }
0xb3: {  	_ =	swait.ge [sflag:s29], $0x1  }
0xb4: {  	[sflag:s29] =	ssyncadd.s32 $0xFFFFFFFF  }
0xb5: {  	_ =	strace $0x9000005A  }
0xb6: {  	_ =	sfence  }
0xb7: {  	s30 =	sld [smem:$0x0];
	_ =	sdelay $0x2  }
0xb8: {  	s31 =	sshll.u32 s1, $0xD;
	s1 =	sshrl.u32 s1, $0x2  }
0xb9: {  	s3 =	sand.u32 $0x4000, s31;
	s1 =	sadd.s32 s1, s30  }
0xba: {  	s0 =	sor.u32 s3, s0;
	s1 =	sshll.u32 s1, $0x11  }
0xbb: {  	s0 =	sor.u32 s1, s0  }
0xbc: {  	s0 =	sadd.s32 $0x8F2B, s0  }
0xbd: {  	[sflag:s0] =	ssyncadd.remote.s32 $0x1  }
0xbe: {  	_ =	sfence.sel $0xFFFF  }
0xbf: {  	[dreg:$0x0] =	wrdreg $0xFFFFFFFF;
	(pc) =	sbr.abs _section_cstart, $3  }
0xc0: {  	[dreg:$0x1] =	wrdreg $0xFFFFFFFF  }
0xc1: {  	_ =	task.clear_ibuf [dreg:s6], $0x2FFFF;
	_ =	strace $0x9FFFFFFF  }
0xc2: {  	(tm) =	ssettm $0x7FFFFFFF  }
0xc3: {  	_ =	shalt  }
tec
execute0_lowered:
.L_overlay_start_1:
0x0: {  	(tag) =	ssettag $0x1  }
0x1: {  	s5 =	rddreg [dreg:$0x0];
	s1 =	srdreg.scid  }
0x2: {  	s0 =	stileid.u32;
	s2 =	rddreg [dreg:$0x1]  }
0x3: {  	s3 =	simm.s32 $0x0;
	s24 =	simm.s32 $0x5000;
	s25 =	simm.s32 $0x80  }
0x4: {  	s26 =	simm.s32 $0x1;
	s28 =	simm.s32 $0x0;
	s6 =	sand.u32 $0x1, s1  }
0x5: {  	s4 =	sshll.u32 s0, $0x1;
	[smem:$0x7FF] =	sst s3;
	s10 =	smul.u32 $0x50000, s0  }
0x6: {  	s21 =	sadd.s32 $0x91000, s5;
	s17 =	smul.u32 $0x14000, s0;
	s4 =	sor.u32 s6, s4  }
0x7: {  	_ =	strace $0x80000059;
	s8 =	ssub.s32 $0x2, s6;
	s18 =	smul.u32 $0x140000, s6  }
0x8: {  	s7 =	smul.u32 $0x500, s4;
	s4 =	sadd.s32 $0x1BA00, s5;
	s9 =	sshrl.u32 s8, $0x1  }
0x9: {  	s30 =	sshrl.u32 s10, $0x2;
	s14 =	sadd.s32 $0x4000, s17;
	s19 =	sadd.s32 $0x8000, s17  }
0xa: {  	s20 =	sadd.s32 $0xC000, s17;
	s22 =	sadd.s32 $0x10000, s17;
	s8 =	ssub.s32 s8, s9  }
0xb: {  	s12 =	sadd.s32 s18, s17;
	s15 =	sadd.s32 s18, s14;
	s14 =	sadd.s32 s14, s2  }
0xc: {  	s16 =	sadd.s32 s19, s2;
	s19 =	sadd.s32 s18, s19;
	s31 =	sadd.s32 s18, s20  }
0xd: {  	s23 =	sadd.s32 s18, s22;
	s18 =	sadd.s32 s20, s2;
	s20 =	sadd.s32 s22, s2  }
0xe: {  	s22 =	simm.s32 $0x2;
	s7 =	sadd.s32 s7, s5;
	s8 =	smax.u32 s8, $0x1  }
0xf: {  	s13 =	sshrl.u32 s12, $0x3;
	s15 =	sshrl.u32 s15, $0x3;
	s19 =	sshrl.u32 s19, $0x3  }
0x10: {  	s23 =	sshrl.u32 s23, $0x3;
	s5 =	sadd.s32 $0x11A00, s7;
	s6 =	sadd.s32 $0x7000, s7  }
0x11: {  	s7 =	sadd.s32 s30, s2;
	s13 =	sadd.s32 s21, s13;
	s15 =	sadd.s32 s21, s15  }
0x12: {  	s17 =	sadd.s32 s21, s19;
	s19 =	sshrl.u32 s31, $0x3;
	s9 =	sadd.s32 $0x4000, s7  }
0x13: {  	s10 =	sadd.s32 $0x8000, s7;
	s11 =	sadd.s32 $0xC000, s7;
	s12 =	sadd.s32 $0x10000, s7  }
0x14: {  	v0 =	vimm.f32 $0.0e+00;
	s19 =	sadd.s32 s21, s19;
	s21 =	sadd.s32 s21, s23;
	s23 =	simm.s32 $0x2800  }
.LBB2_1:
0x15: {  	[tilespmem:s3], [sflag:$0x2] =	stream.linear.gather [hbm4b:s5+s3], $0x2800, $0x38;
	[tilespmem:$0x1D000] =	vst v63  }
0x16: {  	_ =	swait.ge [sflag:s22], $0x2800  }
0x17: {  	[sflag:s22] =	ssyncset.done $0x0  }
0x18: {  	[sflag:s22] =	ssyncadd.s32 $0xFFFFD800  }
0x19: {  	[tilespmem:s23], [sflag:$0x2] =	stream.linear.gather [hbm4b:s6+s3], $0x2800, $0x38;
	[tilespmem:$0x1D000] =	vst v63  }
0x1a: {  	_ =	swait.ge [sflag:s22], $0x2800  }
0x1b: {  	[sflag:s22] =	ssyncset.done $0x0  }
0x1c: {  	s29 =	simm.s32 $0x0;
	s30 =	simm.s32 $0x200;
	[sflag:s22] =	ssyncadd.s32 $0xFFFFD800  }
.LBB2_2:
0x1d: {  	p0 =	sne.s32 s30, $0xFE00;
	[tilespmem:s29+$0x5070] =	vst v0  }
0x1e: {  	[tilespmem:s29+$0x5000] =	vst v0  }
0x1f: {  	[tilespmem:s29+$0x5010] =	vst v0  }
.Ltmp0:
0x20: {  	[tilespmem:s29+$0x5020] =	vst v0;
	(pc) =	sbr.rel @p0 .LBB2_2-.Ltmp0, $4  }
0x21: {  	[tilespmem:s29+$0x5030] =	vst v0  }
0x22: {  	[tilespmem:s29+$0x5040] =	vst v0  }
0x23: {  	[tilespmem:s29+$0x5050] =	vst v0  }
0x24: {  	[tilespmem:s29+$0x5060] =	vst v0;
	s29 =	sshra.s32 s30, $0x2;
	s30 =	sadd.s32 $0x200, s30  }
0x25: {  	[tilespmem:s29+$0x5070] =	vst v0  }
0x26: {  	[tilespmem:s29+$0x5000] =	vst v0  }
0x27: {  	[tilespmem:s29+$0x5010] =	vst v0  }
0x28: {  	[tilespmem:s29+$0x5020] =	vst v0  }
0x29: {  	[tilespmem:s29+$0x5030] =	vst v0  }
0x2a: {  	[tilespmem:s29+$0x5040] =	vst v0  }
0x2b: {  	[tilespmem:s29+$0x5050] =	vst v0  }
0x2c: {  	[tilespmem:s29+$0x5060] =	vst v0  }
0x2d: {  	[spmem:s7] =	stream.linear.scatter [tilespmem:s24], [sflag:$0x2], $0x4000, $0x38;
	[tilespmem:$0x1D000] =	vst v63  }
0x2e: {  	_ =	swait.ge [sflag:s22], $0x4000  }
0x2f: {  	[sflag:s22] =	ssyncset.done $0x0  }
0x30: {  	[sflag:s22] =	ssyncadd.s32 $0xFFFFC000  }
0x31: {  	[spmem:s9] =	stream.linear.scatter [tilespmem:s24], [sflag:$0x2], $0x4000, $0x38;
	[tilespmem:$0x1D000] =	vst v63  }
0x32: {  	_ =	swait.ge [sflag:s22], $0x4000  }
0x33: {  	[sflag:s22] =	ssyncset.done $0x0  }
0x34: {  	[sflag:s22] =	ssyncadd.s32 $0xFFFFC000  }
0x35: {  	[spmem:s10] =	stream.linear.scatter [tilespmem:s24], [sflag:$0x2], $0x4000, $0x38;
	[tilespmem:$0x1D000] =	vst v63  }
0x36: {  	_ =	swait.ge [sflag:s22], $0x4000  }
0x37: {  	[sflag:s22] =	ssyncset.done $0x0  }
0x38: {  	[sflag:s22] =	ssyncadd.s32 $0xFFFFC000  }
0x39: {  	[spmem:s11] =	stream.linear.scatter [tilespmem:s24], [sflag:$0x2], $0x4000, $0x38;
	[tilespmem:$0x1D000] =	vst v63  }
0x3a: {  	_ =	swait.ge [sflag:s22], $0x4000  }
0x3b: {  	[sflag:s22] =	ssyncset.done $0x0  }
0x3c: {  	[sflag:s22] =	ssyncadd.s32 $0xFFFFC000  }
0x3d: {  	[spmem:s12] =	stream.linear.scatter [tilespmem:s24], [sflag:$0x2], $0x4000, $0x38;
	[tilespmem:$0x1D000] =	vst v63  }
0x3e: {  	_ =	swait.ge [sflag:s22], $0x4000  }
0x3f: {  	[sflag:s22] =	ssyncset.done $0x0  }
0x40: {  	[sflag:s22] =	ssyncadd.s32 $0xFFFFC000  }
0x41: {  	s29 =	simm.s32 $0x0;
	[bflag:$0x0] =	sbarrier.arrive $0xFFFF  }
0x42: {  	[tilespmem:s24], [sflag:$0x1] =	stream.indirect.gather [hbm4b:s4+s25], $0x80, s29, s25, $0xb8;
	[tilespmem:$0x1D000] =	vst v63  }
0x43: {  	_ =	swait.ge [sflag:s26], $0x4000  }
0x44: {  	[sflag:s26] =	ssyncset.done $0x0  }
0x45: {  	s29 =	simm.s32 $0x2800;
	[sflag:s26] =	ssyncadd.s32 $0xFFFFC000  }
0x46: {  	[spmem:s2] =	stream.indirect.scatter.add.f32 [tilespmem:s24], [sflag:$0x2], $0x80, s29, s25, $0xb8;
	[tilespmem:$0x1D000] =	vst v63  }
0x47: {  	_ =	swait.ge [sflag:s22], $0x4000  }
0x48: {  	s30 =	simm.s32 $0x400;
	s29 =	simm.s32 $0x200;
	[sflag:s22] =	ssyncset.done $0x0  }
.LBB2_4:
0x49: {  	s31 =	sshra.s32 s29, $0x2  }
0x4a: {  	[sflag:s22] =	ssyncadd.s32 $0xFFFFC000;
	s29 =	smov.u32 s30;
	s1 =	sadd.s32 $0x200, s30  }
0x4b: {  	[tilespmem:s24], [sflag:$0x1] =	stream.indirect.gather [hbm4b:s4+s25], $0x80, s31, s25, $0xb8;
	[tilespmem:$0x1D000] =	vst v63  }
0x4c: {  	p0 =	sne.s32 s30, $0x9E00;
	_ =	swait.ge [sflag:s26], $0x4000  }
.Ltmp1:
0x4d: {  	[sflag:s26] =	ssyncset.done $0x0;
	(pc) =	sbr.rel @p0 .LBB2_4-.Ltmp1, $4  }
0x4e: {  	s30 =	sadd.s32 $0x2800, s31;
	[sflag:s26] =	ssyncadd.s32 $0xFFFFC000  }
0x4f: {  	[spmem:s2] =	stream.indirect.scatter.add.f32 [tilespmem:s24], [sflag:$0x2], $0x80, s30, s25, $0xb8;
	[tilespmem:$0x1D000] =	vst v63  }
0x50: {  	_ =	swait.ge [sflag:s22], $0x4000  }
0x51: {  	s30 =	smov.u32 s1;
	[sflag:s22] =	ssyncset.done $0x0  }
0x52: {  	s1 =	sshra.s32 s29, $0x2;
	[sflag:s22] =	ssyncadd.s32 $0xFFFFC000  }
0x53: {  	[tilespmem:s24], [sflag:$0x1] =	stream.indirect.gather [hbm4b:s4+s25], $0x80, s1, s25, $0xb8;
	[tilespmem:$0x1D000] =	vst v63  }
0x54: {  	_ =	swait.ge [sflag:s26], $0x4000  }
0x55: {  	[sflag:s26] =	ssyncset.done $0x0  }
0x56: {  	s1 =	sadd.s32 $0x2800, s1;
	[sflag:s26] =	ssyncadd.s32 $0xFFFFC000  }
0x57: {  	[spmem:s2] =	stream.indirect.scatter.add.f32 [tilespmem:s24], [sflag:$0x2], $0x80, s1, s25, $0xb8;
	[tilespmem:$0x1D000] =	vst v63  }
0x58: {  	_ =	swait.ge [sflag:s22], $0x4000  }
0x59: {  	[sflag:s22] =	ssyncset.done $0x0  }
0x5a: {  	[sflag:s22] =	ssyncadd.s32 $0xFFFFC000  }
0x5b: {  	[bflag:$0x0] =	sbarrier.arrive $0xFFFF  }
0x5c: {  	[tilespmem:s24], [sflag:$0x2] =	stream.linear.gather [spmem:s7], $0x4000, $0x38;
	[tilespmem:$0x1D000] =	vst v63  }
0x5d: {  	_ =	swait.ge [sflag:s22], $0x4000  }
0x5e: {  	[sflag:s22] =	ssyncset.done $0x0  }
0x5f: {  	[sflag:s22] =	ssyncadd.s32 $0xFFFFC000  }
0x60: {  	[hbm4b:s13+s3] =	stream.linear.scatter [tilespmem:s24], [sflag:$0x2], $0x4000, $0x38;
	[tilespmem:$0x1D000] =	vst v63  }
0x61: {  	_ =	swait.ge [sflag:s22], $0x4000  }
0x62: {  	[sflag:s22] =	ssyncset.done $0x0  }
0x63: {  	[sflag:s22] =	ssyncadd.s32 $0xFFFFC000  }
0x64: {  	[tilespmem:s24], [sflag:$0x2] =	stream.linear.gather [spmem:s14], $0x4000, $0x38;
	[tilespmem:$0x1D000] =	vst v63  }
0x65: {  	_ =	swait.ge [sflag:s22], $0x4000  }
0x66: {  	[sflag:s22] =	ssyncset.done $0x0  }
0x67: {  	[sflag:s22] =	ssyncadd.s32 $0xFFFFC000  }
0x68: {  	[hbm4b:s15+s3] =	stream.linear.scatter [tilespmem:s24], [sflag:$0x2], $0x4000, $0x38;
	[tilespmem:$0x1D000] =	vst v63  }
0x69: {  	_ =	swait.ge [sflag:s22], $0x4000  }
0x6a: {  	[sflag:s22] =	ssyncset.done $0x0  }
0x6b: {  	[sflag:s22] =	ssyncadd.s32 $0xFFFFC000  }
0x6c: {  	[tilespmem:s24], [sflag:$0x2] =	stream.linear.gather [spmem:s16], $0x4000, $0x38;
	[tilespmem:$0x1D000] =	vst v63  }
0x6d: {  	_ =	swait.ge [sflag:s22], $0x4000  }
0x6e: {  	[sflag:s22] =	ssyncset.done $0x0  }
0x6f: {  	[sflag:s22] =	ssyncadd.s32 $0xFFFFC000  }
0x70: {  	[hbm4b:s17+s3] =	stream.linear.scatter [tilespmem:s24], [sflag:$0x2], $0x4000, $0x38;
	[tilespmem:$0x1D000] =	vst v63  }
0x71: {  	_ =	swait.ge [sflag:s22], $0x4000  }
0x72: {  	[sflag:s22] =	ssyncset.done $0x0  }
0x73: {  	[sflag:s22] =	ssyncadd.s32 $0xFFFFC000  }
0x74: {  	[tilespmem:s24], [sflag:$0x2] =	stream.linear.gather [spmem:s18], $0x4000, $0x38;
	[tilespmem:$0x1D000] =	vst v63  }
0x75: {  	_ =	swait.ge [sflag:s22], $0x4000  }
0x76: {  	[sflag:s22] =	ssyncset.done $0x0  }
0x77: {  	[sflag:s22] =	ssyncadd.s32 $0xFFFFC000  }
0x78: {  	[hbm4b:s19+s3] =	stream.linear.scatter [tilespmem:s24], [sflag:$0x2], $0x4000, $0x38;
	[tilespmem:$0x1D000] =	vst v63  }
0x79: {  	_ =	swait.ge [sflag:s22], $0x4000  }
0x7a: {  	[sflag:s22] =	ssyncset.done $0x0  }
0x7b: {  	[sflag:s22] =	ssyncadd.s32 $0xFFFFC000  }
0x7c: {  	[tilespmem:s24], [sflag:$0x2] =	stream.linear.gather [spmem:s20], $0x4000, $0x38;
	[tilespmem:$0x1D000] =	vst v63  }
0x7d: {  	s28 =	sadd.s32 $0x1, s28;
	_ =	swait.ge [sflag:s22], $0x4000  }
0x7e: {  	p0 =	sne.s32 s28, s8;
	[sflag:s22] =	ssyncset.done $0x0  }
.Ltmp2:
0x7f: {  	[sflag:s22] =	ssyncadd.s32 $0xFFFFC000;
	(pc) =	sbr.rel @p0 .LBB2_1-.Ltmp2, $4  }
0x80: {  	[hbm4b:s21+s3] =	stream.linear.scatter [tilespmem:s24], [sflag:$0x2], $0x4000, $0x38;
	[tilespmem:$0x1D000] =	vst v63  }
0x81: {  	_ =	swait.ge [sflag:s22], $0x4000  }
0x82: {  	[sflag:s22] =	ssyncset.done $0x0  }
0x83: {  	[sflag:s22] =	ssyncadd.s32 $0xFFFFC000  }
0x84: {  	_ =	sfence.sel $0x180000  }
0x85: {  	[bflag:$0x0] =	sbarrier.arrive $0xFFFF  }
0x86: {  	_ =	strace $0x90000059  }
0x87: {  	[bflag:$0x2] =	sbarrier.arrive $0xFFFF  }
0x88: {  	p0 =	sne.s32 s0, $0x0;
	s0 =	rddreg [dreg:$0x2]  }
0x89: {  	s0 =	sadd.s32 @!p0 $0x100000, s0  }
0x8a: {  	[sflag:s0] =	ssyncadd.tile.s32 @!p0 $0x1;
	_ =	shalt  }
.Lfunc_end2:
_tile_overlayer_lowered:
.L_overlay_start_2:
0x8b: {  	(tag) =	ssettag $0x2  }
0x8c: {  	s0 =	rddreg [dreg:$0x0];
	s2 =	stileid.u32  }
0x8d: {  	s1 =	rddreg [dreg:$0x1];
	p0 =	sne.s32 s2, $0x0  }
0x8e: {  	s3 =	rddreg [dreg:$0x2];
	[bflag:$0x3] =	sbarrier.arrive $0xFFFF;
	s2 =	simm.s32 @!p0 $0x1C02  }
0x8f: {  	[timem:s3], [sflag:s2] =	dma.local @!p0 [hbm:s0], s1  }
0x90: {  	s0 =	simm.s32 @!p0 $0x2  }
0x91: {  	_ =	swait.ge @!p0 [sflag:s0], s1  }
0x92: {  	s1 =	ssub.s32 @!p0 $0x0, s1;
	[sflag:s0] =	ssyncset.done @!p0 $0x0  }
0x93: {  	[sflag:s0] =	ssyncadd.s32 @!p0 s1  }
0x94: {  	[bflag:$0x3] =	sbarrier.arrive $0xFFFF  }
0x95: {  	_ =	shalt  }

// kernel: kernel.42.cloned.1.call-start
scs
__scs_entry_jumppad:
0x0: {  	(pc) =	sbr.rel $0x88, $3  }
0x1: {  	(tag) =	ssettag $0x0;
	lr =	simm.s32 $0x1  }
0x2: {  	[smem:$0x3F99] =	sst lr;
	_ =	strace $0xD0000000  }
0x3: {  	_ = 	snop  }
0x4: {  	_ = 	snop  }
0x5: {  	_ = 	snop  }
0x6: {  	_ = 	snop  }
0x7: {  	_ = 	snop  }
__scs_overlays_trampoline_lowered:
0x8: {  	[smem:$0x3FA8] =	sst s0  }
0x9: {  	[smem:$0x3FA9] =	sst s1  }
0xa: {  	[smem:$0x3FAA] =	sst s2  }
0xb: {  	[smem:$0x3FAB] =	sst s3  }
0xc: {  	[smem:$0x3FAC] =	sst s4  }
0xd: {  	[smem:$0x3FAD] =	sst s5  }
0xe: {  	[smem:$0x3FAE] =	sst s6  }
0xf: {  	[smem:$0x3FAF] =	sst s7  }
0x10: {  	[smem:$0x3FB0] =	sst s8  }
0x11: {  	[smem:$0x3FB1] =	sst s9;
	s0 =	simm.s32 @!p0 $0x0  }
0x12: {  	s1 =	sld [smem:$0x3F97];
	s0 =	simm.s32 @p0 $0x1  }
0x13: {  	[smem:$0x3FB2] =	sst s0;
	s0 =	simm.s32 @!p1 $0x0  }
0x14: {  	s2 =	sld [smem:$0x3F96];
	s0 =	simm.s32 @p1 $0x1  }
0x15: {  	[smem:$0x3FB3] =	sst s0;
	s0 =	simm.s32 @!p2 $0x0  }
0x16: {  	s3 =	sld [smem:$0x3FDB];
	s0 =	simm.s32 @p2 $0x1  }
0x17: {  	s4 =	simm.s32 $0x1BF5;
	[smem:$0x3FB5] =	sst s0  }
0x18: {  	s0 =	sld [smem:$0x3F98];
	_ =	swait.ge [sflag:s4], $0x0  }
0x19: {  	s7 =	sld [smem:$0x3F99]  }
0x1a: {  	s8 =	sadd.s32 $0xFFFFE003, lr  }
0x1b: {  	s9 =	sadd.s32 $0xFFFFFEF7, lr;
	s5 =	simm.s32 $0xFFFFFFFF;
	p2 =	slt.u32 s8, $0xFFFFF086  }
0x1c: {  	p1 =	slt.u32 s9, $0xF7A;
	s5 =	simm.s32 @!p2 $0x0  }
0x1d: {  	s5 =	simm.s32 @p1 $0x1;
	p0 =	seq.s32 s7, s2  }
0x1e: {  	s7 =	smul.u32 @!p0 $0xF7A, s2;
	p2 =	seq.s32 @!p0 s5, $0x0  }
0x1f: {  	s9 =	smul.u32 $0xF7A, s1;
	s8 =	simm.s32 @!p0 $0x1BF5;
	p2 =	por !p2, p0  }
0x20: {  	[sflag:s8] =	ssyncset.s32 @!p0 $0xFFFFF086;
	s6 =	sadd.s32 @!p0 s3, s7;
	s7 =	simm.s32 @!p0 $0x108  }
0x21: {  	s3 =	sadd.s32 s3, s9;
	s6 =	sadd.s32 @!p0 $0x88, s6;
	s7 =	simm.s32 @p2 $0x1082  }
0x22: {  	[simem:s7], [sflag:s8] =	dma.local @!p0 [hbm:s6], $0xF7A  }
0x23: {  	s9 =	sor.u32 $0xD0000000, s2;
	s6 =	simm.s32 $0x108;
	_ =	swait.ge @!p0 [sflag:s8], $0x0  }
0x24: {  	s3 =	sadd.s32 $0x88, s3;
	s6 =	simm.s32 @!p1 $0x1082;
	[sflag:s4] =	ssyncset.s32 $0xFFFFF086  }
0x25: {  	[simem:s6], [sflag:s4] =	dma.local [hbm:s3], $0xF7A  }
0x26: {  	[smem:$0x3F99] =	sst s1;
	(tag) =	ssettag s2;
	_ =	strace s9  }
0x27: {  	s1 =	sld [smem:$0x3FA9]  }
0x28: {  	s2 =	sld [smem:$0x3FAA]  }
0x29: {  	s4 =	sld [smem:$0x3FAC]  }
0x2a: {  	p0 =	seq.s32 s5, $0x0;
	s5 =	sld [smem:$0x3FAD]  }
0x2b: {  	s6 =	sld [smem:$0x3FAE]  }
0x2c: {  	s7 =	sld [smem:$0x3FAF]  }
0x2d: {  	s3 =	simm.s32 $0x108;
	s8 =	sld [smem:$0x3FB0]  }
0x2e: {  	s3 =	simm.s32 @!p0 $0x1082;
	s9 =	sld [smem:$0x3FB1]  }
0x2f: {  	lr =	sadd.s32 s0, s3;
	s0 =	sld [smem:$0x3FA8]  }
0x30: {  	s3 =	sld [smem:$0x3FAB]  }
0x31: {  	[smem:$0x3FB4] =	sst s10  }
0x32: {  	s10 =	sld [smem:$0x3FB2];
	_ =	sdelay $0x3  }
0x33: {  	p0 =	seq.s32 s10, $0x1;
	s10 =	sld [smem:$0x3FB4];
	_ =	sdelay $0x3  }
0x34: {  	[smem:$0x3FB4] =	sst s10  }
0x35: {  	s10 =	sld [smem:$0x3FB3];
	_ =	sdelay $0x3  }
0x36: {  	p1 =	seq.s32 s10, $0x1;
	s10 =	sld [smem:$0x3FB4];
	_ =	sdelay $0x3  }
0x37: {  	[smem:$0x3FB4] =	sst s10  }
0x38: {  	s10 =	sld [smem:$0x3FB5]  }
0x39: {  	_ = 	snop;
	(pc) =	sbr.ind lr, $3  }
0x3a: {  	_ = 	snop  }
0x3b: {  	_ = 	snop  }
0x3c: {  	p2 =	seq.s32 s10, $0x1;
	s10 =	sld [smem:$0x3FB4]  }
0x3d: {  	_ =	shalt  }
0x3e: {  	_ =	shalt  }
0x3f: {  	_ =	shalt  }
0x40: {  	_ =	shalt  }
0x41: {  	_ =	shalt  }
0x42: {  	_ =	shalt  }
0x43: {  	_ =	shalt  }
0x44: {  	_ =	shalt  }
0x45: {  	_ =	shalt  }
0x46: {  	_ =	shalt  }
0x47: {  	_ =	shalt  }
0x48: {  	_ =	shalt  }
0x49: {  	_ =	shalt  }
0x4a: {  	_ =	shalt  }
0x4b: {  	_ =	shalt  }
0x4c: {  	_ =	shalt  }
0x4d: {  	_ =	shalt  }
0x4e: {  	_ =	shalt  }
0x4f: {  	_ =	shalt  }
0x50: {  	_ =	shalt  }
0x51: {  	_ =	shalt  }
0x52: {  	_ =	shalt  }
0x53: {  	_ =	shalt  }
0x54: {  	_ =	shalt  }
0x55: {  	_ =	shalt  }
0x56: {  	_ =	shalt  }
0x57: {  	_ =	shalt  }
0x58: {  	_ =	shalt  }
0x59: {  	_ =	shalt  }
0x5a: {  	_ =	shalt  }
0x5b: {  	_ =	shalt  }
0x5c: {  	_ =	shalt  }
0x5d: {  	_ =	shalt  }
0x5e: {  	_ =	shalt  }
0x5f: {  	_ =	shalt  }
0x60: {  	_ =	shalt  }
0x61: {  	_ =	shalt  }
0x62: {  	_ =	shalt  }
0x63: {  	_ =	shalt  }
0x64: {  	_ =	shalt  }
0x65: {  	_ =	shalt  }
0x66: {  	_ =	shalt  }
0x67: {  	_ =	shalt  }
0x68: {  	_ =	shalt  }
0x69: {  	_ =	shalt  }
0x6a: {  	_ =	shalt  }
0x6b: {  	_ =	shalt  }
0x6c: {  	_ =	shalt  }
0x6d: {  	_ =	shalt  }
0x6e: {  	_ =	shalt  }
0x6f: {  	_ =	shalt  }
0x70: {  	_ =	shalt  }
0x71: {  	_ =	shalt  }
0x72: {  	_ =	shalt  }
0x73: {  	_ =	shalt  }
0x74: {  	_ =	shalt  }
0x75: {  	_ =	shalt  }
0x76: {  	_ =	shalt  }
0x77: {  	_ =	shalt  }
0x78: {  	_ =	shalt  }
0x79: {  	_ =	shalt  }
0x7a: {  	_ =	shalt  }
0x7b: {  	_ =	shalt  }
0x7c: {  	_ =	shalt  }
0x7d: {  	_ =	shalt  }
0x7e: {  	_ =	shalt  }
0x7f: {  	_ =	shalt  }
0x80: {  	_ =	shalt  }
0x81: {  	_ =	shalt  }
0x82: {  	_ =	shalt  }
0x83: {  	_ =	shalt  }
0x84: {  	_ =	shalt  }
0x85: {  	_ =	shalt  }
0x86: {  	_ =	shalt  }
0x87: {  	_ =	shalt  }
.Lfunc_end0:
.L_simem_size_0:
called_computation.7_lowered:
.L_overlay_start_0:
0x88: {  	s2 =	sld [smem:$0x3FD9]  }
0x89: {  	s3 =	sld [smem:$0x3FFE];
	_ =	sdelay $0x1  }
0x8a: {  	s1 =	srdreg.scid  }
0x8b: {  	s0 =	sand.u32 $0x1, s1  }
0x8c: {  	s16 =	sshll.u32 s0, $0xA;
	s2 =	sadd.s32 s3, s2  }
0x8d: {  	s2 =	sadd.s32 s2, s16  }
0x8e: {  	[smem:$0x3FC0] =	sst s2  }
0x8f: {  	_ = 	snop  }
0x90: {  	(tm) =	ssettm $0x1  }
0x91: {  	s17 =	sld [smem:$0x3FFB];
	_ =	sdelay $0x3  }
0x92: {  	_ =	strace s17  }
0x93: {  	s2 =	sld [smem:$0x3FFC];
	_ =	sdelay $0x3  }
0x94: {  	_ =	strace s2  }
0x95: {  	s2 =	sld [smem:$0x3FFD];
	_ =	sdelay $0x3  }
0x96: {  	_ =	strace s2  }
0x97: {  	_ =	strace $0x8FFFFFFF  }
0x98: {  	s18 =	sld [smem:$0x3FDB];
	_ =	sdelay $0x1  }
0x99: {  	s19 =	simm.s32 $_scs_section_size  }
0x9a: {  	s4 =	simm.s32 $_size__tile_overlayer_lowered;
	s5 =	simm.s32 $_tile_overlayer_lowered  }
0x9b: {  	s22 =	simm.s32 $0x1BFF;
	s21 =	sshll.u32 s5, $0x1;
	s2 =	sadd.s32 s19, s18  }
0x9c: {  	s6 =	simm.s32 $0x0;
	s20 =	sshll.u32 s4, $0x1;
	s4 =	sadd.s32 s21, s2  }
0x9d: {  	[timem:s6], [sflag:s22] =	dma.local [hbm:s4], s20  }
0x9e: {  	_ =	swait.ge [sflag:s22], s20  }
0x9f: {  	s3 =	ssub.s32 $0x0, s20;
	[sflag:s22] =	ssyncset.done $0x0  }
0xa0: {  	[sflag:s22] =	ssyncadd.s32 s3;
	_ =	sdelay $0x1  }
0xa1: {  	s23 =	simm.s32 $0x1B8B  }
0xa2: {  	_ =	swait.ge [sflag:s23], $0x1  }
0xa3: {  	[sflag:s23] =	ssyncset.done $0x0  }
0xa4: {  	s25 =	simm.s32 $0x1B8E;
	s24 =	sld [smem:$0x3FFE];
	[sflag:s23] =	ssyncadd.s32 $0xFFFFFFFF  }
0xa5: {  	s26 =	simm.s32 $execute0_lowered;
	[smem:$0x3FD2] =	sst s25  }
0xa6: {  	s4 =	sshll.u32 s26, $0x1;
	_ =	strace $0x8000005B;
	[dreg:$0x1] =	wrdreg $0xFFFFFFFF  }
0xa7: {  	s28 =	simm.s32 $_size_execute0_lowered;
	s2 =	sadd.s32 s2, s4;
	[dreg:$0x0] =	wrdreg $0x0  }
0xa8: {  	s4 =	sshll.u32 s28, $0x1;
	[dreg:$0x2] =	wrdreg s2  }
0xa9: {  	[dreg:$0x3] =	wrdreg s4  }
0xaa: {  	[dreg:$0x4] =	wrdreg $0xC0  }
0xab: {  	_ =	task [dreg:s6], $0x5FFFF  }
0xac: {  	[dreg:$0x1] =	wrdreg $0xFFFFFFFF  }
0xad: {  	[dreg:$0x0] =	wrdreg $0x60  }
0xae: {  	[dreg:$0x2] =	wrdreg s24  }
0xaf: {  	[dreg:$0x3] =	wrdreg $0x90000  }
0xb0: {  	[dreg:$0x4] =	wrdreg $0x9  }
0xb1: {  	_ =	task.clear_ibuf [dreg:s6], $0x5FFFF;
	_ =	strace $0x9000005B  }
0xb2: {  	s29 =	simm.s32 $0x9;
	_ =	strace $0x8000005D  }
0xb3: {  	_ =	swait.ge [sflag:s29], $0x1  }
0xb4: {  	[sflag:s29] =	ssyncadd.s32 $0xFFFFFFFF  }
0xb5: {  	_ =	strace $0x9000005D  }
0xb6: {  	_ =	sfence  }
0xb7: {  	s30 =	sld [smem:$0x0];
	_ =	sdelay $0x2  }
0xb8: {  	s31 =	sshll.u32 s1, $0xD;
	s1 =	sshrl.u32 s1, $0x2  }
0xb9: {  	s3 =	sand.u32 $0x4000, s31;
	s1 =	sadd.s32 s1, s30  }
0xba: {  	s0 =	sor.u32 s3, s0;
	s1 =	sshll.u32 s1, $0x11  }
0xbb: {  	s0 =	sor.u32 s1, s0  }
0xbc: {  	s0 =	sadd.s32 $0x8F2B, s0  }
0xbd: {  	[sflag:s0] =	ssyncadd.remote.s32 $0x1  }
0xbe: {  	_ =	sfence.sel $0xFFFF  }
0xbf: {  	[dreg:$0x0] =	wrdreg $0xFFFFFFFF;
	(pc) =	sbr.abs _section_cstart, $3  }
0xc0: {  	[dreg:$0x1] =	wrdreg $0xFFFFFFFF  }
0xc1: {  	_ =	task.clear_ibuf [dreg:s6], $0x2FFFF;
	_ =	strace $0x9FFFFFFF  }
0xc2: {  	(tm) =	ssettm $0x7FFFFFFF  }
0xc3: {  	_ =	shalt  }
tec
execute0_lowered:
.L_overlay_start_1:
0x0: {  	(tag) =	ssettag $0x1  }
0x1: {  	s5 =	rddreg [dreg:$0x0];
	s1 =	srdreg.scid  }
0x2: {  	s0 =	stileid.u32;
	s2 =	rddreg [dreg:$0x1]  }
0x3: {  	s3 =	simm.s32 $0x0;
	s24 =	simm.s32 $0x5000;
	s25 =	simm.s32 $0x80  }
0x4: {  	s26 =	simm.s32 $0x1;
	s28 =	simm.s32 $0x0;
	s6 =	sand.u32 $0x1, s1  }
0x5: {  	s4 =	sshll.u32 s0, $0x1;
	[smem:$0x7FF] =	sst s3;
	s10 =	smul.u32 $0x50000, s0  }
0x6: {  	s21 =	sadd.s32 $0x91000, s5;
	s17 =	smul.u32 $0x14000, s0;
	s4 =	sor.u32 s6, s4  }
0x7: {  	_ =	strace $0x8000005C;
	s8 =	ssub.s32 $0x2, s6;
	s18 =	smul.u32 $0x140000, s6  }
0x8: {  	s7 =	smul.u32 $0x500, s4;
	s4 =	sadd.s32 $0x1BA00, s5;
	s9 =	sshrl.u32 s8, $0x1  }
0x9: {  	s30 =	sshrl.u32 s10, $0x2;
	s14 =	sadd.s32 $0x4000, s17;
	s19 =	sadd.s32 $0x8000, s17  }
0xa: {  	s20 =	sadd.s32 $0xC000, s17;
	s22 =	sadd.s32 $0x10000, s17;
	s8 =	ssub.s32 s8, s9  }
0xb: {  	s12 =	sadd.s32 s18, s17;
	s15 =	sadd.s32 s18, s14;
	s14 =	sadd.s32 s14, s2  }
0xc: {  	s16 =	sadd.s32 s19, s2;
	s19 =	sadd.s32 s18, s19;
	s31 =	sadd.s32 s18, s20  }
0xd: {  	s23 =	sadd.s32 s18, s22;
	s18 =	sadd.s32 s20, s2;
	s20 =	sadd.s32 s22, s2  }
0xe: {  	s22 =	simm.s32 $0x2;
	s7 =	sadd.s32 s7, s5;
	s8 =	smax.u32 s8, $0x1  }
0xf: {  	s13 =	sshrl.u32 s12, $0x3;
	s15 =	sshrl.u32 s15, $0x3;
	s19 =	sshrl.u32 s19, $0x3  }
0x10: {  	s23 =	sshrl.u32 s23, $0x3;
	s5 =	sadd.s32 $0x11A00, s7;
	s6 =	sadd.s32 $0x7000, s7  }
0x11: {  	s7 =	sadd.s32 s30, s2;
	s13 =	sadd.s32 s21, s13;
	s15 =	sadd.s32 s21, s15  }
0x12: {  	s17 =	sadd.s32 s21, s19;
	s19 =	sshrl.u32 s31, $0x3;
	s9 =	sadd.s32 $0x4000, s7  }
0x13: {  	s10 =	sadd.s32 $0x8000, s7;
	s11 =	sadd.s32 $0xC000, s7;
	s12 =	sadd.s32 $0x10000, s7  }
0x14: {  	v0 =	vimm.f32 $0.0e+00;
	s19 =	sadd.s32 s21, s19;
	s21 =	sadd.s32 s21, s23;
	s23 =	simm.s32 $0x2800  }
.LBB2_1:
0x15: {  	[tilespmem:s3], [sflag:$0x2] =	stream.linear.gather [hbm4b:s5+s3], $0x2800, $0x38;
	[tilespmem:$0x1D000] =	vst v63  }
0x16: {  	_ =	swait.ge [sflag:s22], $0x2800  }
0x17: {  	[sflag:s22] =	ssyncset.done $0x0  }
0x18: {  	[sflag:s22] =	ssyncadd.s32 $0xFFFFD800  }
0x19: {  	[tilespmem:s23], [sflag:$0x2] =	stream.linear.gather [hbm4b:s6+s3], $0x2800, $0x38;
	[tilespmem:$0x1D000] =	vst v63  }
0x1a: {  	_ =	swait.ge [sflag:s22], $0x2800  }
0x1b: {  	[sflag:s22] =	ssyncset.done $0x0  }
0x1c: {  	s29 =	simm.s32 $0x0;
	s30 =	simm.s32 $0x200;
	[sflag:s22] =	ssyncadd.s32 $0xFFFFD800  }
.LBB2_2:
0x1d: {  	p0 =	sne.s32 s30, $0xFE00;
	[tilespmem:s29+$0x5070] =	vst v0  }
0x1e: {  	[tilespmem:s29+$0x5000] =	vst v0  }
0x1f: {  	[tilespmem:s29+$0x5010] =	vst v0  }
.Ltmp0:
0x20: {  	[tilespmem:s29+$0x5020] =	vst v0;
	(pc) =	sbr.rel @p0 .LBB2_2-.Ltmp0, $4  }
0x21: {  	[tilespmem:s29+$0x5030] =	vst v0  }
0x22: {  	[tilespmem:s29+$0x5040] =	vst v0  }
0x23: {  	[tilespmem:s29+$0x5050] =	vst v0  }
0x24: {  	[tilespmem:s29+$0x5060] =	vst v0;
	s29 =	sshra.s32 s30, $0x2;
	s30 =	sadd.s32 $0x200, s30  }
0x25: {  	[tilespmem:s29+$0x5070] =	vst v0  }
0x26: {  	[tilespmem:s29+$0x5000] =	vst v0  }
0x27: {  	[tilespmem:s29+$0x5010] =	vst v0  }
0x28: {  	[tilespmem:s29+$0x5020] =	vst v0  }
0x29: {  	[tilespmem:s29+$0x5030] =	vst v0  }
0x2a: {  	[tilespmem:s29+$0x5040] =	vst v0  }
0x2b: {  	[tilespmem:s29+$0x5050] =	vst v0  }
0x2c: {  	[tilespmem:s29+$0x5060] =	vst v0  }
0x2d: {  	[spmem:s7] =	stream.linear.scatter [tilespmem:s24], [sflag:$0x2], $0x4000, $0x38;
	[tilespmem:$0x1D000] =	vst v63  }
0x2e: {  	_ =	swait.ge [sflag:s22], $0x4000  }
0x2f: {  	[sflag:s22] =	ssyncset.done $0x0  }
0x30: {  	[sflag:s22] =	ssyncadd.s32 $0xFFFFC000  }
0x31: {  	[spmem:s9] =	stream.linear.scatter [tilespmem:s24], [sflag:$0x2], $0x4000, $0x38;
	[tilespmem:$0x1D000] =	vst v63  }
0x32: {  	_ =	swait.ge [sflag:s22], $0x4000  }
0x33: {  	[sflag:s22] =	ssyncset.done $0x0  }
0x34: {  	[sflag:s22] =	ssyncadd.s32 $0xFFFFC000  }
0x35: {  	[spmem:s10] =	stream.linear.scatter [tilespmem:s24], [sflag:$0x2], $0x4000, $0x38;
	[tilespmem:$0x1D000] =	vst v63  }
0x36: {  	_ =	swait.ge [sflag:s22], $0x4000  }
0x37: {  	[sflag:s22] =	ssyncset.done $0x0  }
0x38: {  	[sflag:s22] =	ssyncadd.s32 $0xFFFFC000  }
0x39: {  	[spmem:s11] =	stream.linear.scatter [tilespmem:s24], [sflag:$0x2], $0x4000, $0x38;
	[tilespmem:$0x1D000] =	vst v63  }
0x3a: {  	_ =	swait.ge [sflag:s22], $0x4000  }
0x3b: {  	[sflag:s22] =	ssyncset.done $0x0  }
0x3c: {  	[sflag:s22] =	ssyncadd.s32 $0xFFFFC000  }
0x3d: {  	[spmem:s12] =	stream.linear.scatter [tilespmem:s24], [sflag:$0x2], $0x4000, $0x38;
	[tilespmem:$0x1D000] =	vst v63  }
0x3e: {  	_ =	swait.ge [sflag:s22], $0x4000  }
0x3f: {  	[sflag:s22] =	ssyncset.done $0x0  }
0x40: {  	[sflag:s22] =	ssyncadd.s32 $0xFFFFC000  }
0x41: {  	s29 =	simm.s32 $0x0;
	[bflag:$0x0] =	sbarrier.arrive $0xFFFF  }
0x42: {  	[tilespmem:s24], [sflag:$0x1] =	stream.indirect.gather [hbm4b:s4+s25], $0x80, s29, s25, $0xb8;
	[tilespmem:$0x1D000] =	vst v63  }
0x43: {  	_ =	swait.ge [sflag:s26], $0x4000  }
0x44: {  	[sflag:s26] =	ssyncset.done $0x0  }
0x45: {  	s29 =	simm.s32 $0x2800;
	[sflag:s26] =	ssyncadd.s32 $0xFFFFC000  }
0x46: {  	[spmem:s2] =	stream.indirect.scatter.add.f32 [tilespmem:s24], [sflag:$0x2], $0x80, s29, s25, $0xb8;
	[tilespmem:$0x1D000] =	vst v63  }
0x47: {  	_ =	swait.ge [sflag:s22], $0x4000  }
0x48: {  	s30 =	simm.s32 $0x400;
	s29 =	simm.s32 $0x200;
	[sflag:s22] =	ssyncset.done $0x0  }
.LBB2_4:
0x49: {  	s31 =	sshra.s32 s29, $0x2  }
0x4a: {  	[sflag:s22] =	ssyncadd.s32 $0xFFFFC000;
	s29 =	smov.u32 s30;
	s1 =	sadd.s32 $0x200, s30  }
0x4b: {  	[tilespmem:s24], [sflag:$0x1] =	stream.indirect.gather [hbm4b:s4+s25], $0x80, s31, s25, $0xb8;
	[tilespmem:$0x1D000] =	vst v63  }
0x4c: {  	p0 =	sne.s32 s30, $0x9E00;
	_ =	swait.ge [sflag:s26], $0x4000  }
.Ltmp1:
0x4d: {  	[sflag:s26] =	ssyncset.done $0x0;
	(pc) =	sbr.rel @p0 .LBB2_4-.Ltmp1, $4  }
0x4e: {  	s30 =	sadd.s32 $0x2800, s31;
	[sflag:s26] =	ssyncadd.s32 $0xFFFFC000  }
0x4f: {  	[spmem:s2] =	stream.indirect.scatter.add.f32 [tilespmem:s24], [sflag:$0x2], $0x80, s30, s25, $0xb8;
	[tilespmem:$0x1D000] =	vst v63  }
0x50: {  	_ =	swait.ge [sflag:s22], $0x4000  }
0x51: {  	s30 =	smov.u32 s1;
	[sflag:s22] =	ssyncset.done $0x0  }
0x52: {  	s1 =	sshra.s32 s29, $0x2;
	[sflag:s22] =	ssyncadd.s32 $0xFFFFC000  }
0x53: {  	[tilespmem:s24], [sflag:$0x1] =	stream.indirect.gather [hbm4b:s4+s25], $0x80, s1, s25, $0xb8;
	[tilespmem:$0x1D000] =	vst v63  }
0x54: {  	_ =	swait.ge [sflag:s26], $0x4000  }
0x55: {  	[sflag:s26] =	ssyncset.done $0x0  }
0x56: {  	s1 =	sadd.s32 $0x2800, s1;
	[sflag:s26] =	ssyncadd.s32 $0xFFFFC000  }
0x57: {  	[spmem:s2] =	stream.indirect.scatter.add.f32 [tilespmem:s24], [sflag:$0x2], $0x80, s1, s25, $0xb8;
	[tilespmem:$0x1D000] =	vst v63  }
0x58: {  	_ =	swait.ge [sflag:s22], $0x4000  }
0x59: {  	[sflag:s22] =	ssyncset.done $0x0  }
0x5a: {  	[sflag:s22] =	ssyncadd.s32 $0xFFFFC000  }
0x5b: {  	[bflag:$0x0] =	sbarrier.arrive $0xFFFF  }
0x5c: {  	[tilespmem:s24], [sflag:$0x2] =	stream.linear.gather [spmem:s7], $0x4000, $0x38;
	[tilespmem:$0x1D000] =	vst v63  }
0x5d: {  	_ =	swait.ge [sflag:s22], $0x4000  }
0x5e: {  	[sflag:s22] =	ssyncset.done $0x0  }
0x5f: {  	[sflag:s22] =	ssyncadd.s32 $0xFFFFC000  }
0x60: {  	[hbm4b:s13+s3] =	stream.linear.scatter [tilespmem:s24], [sflag:$0x2], $0x4000, $0x38;
	[tilespmem:$0x1D000] =	vst v63  }
0x61: {  	_ =	swait.ge [sflag:s22], $0x4000  }
0x62: {  	[sflag:s22] =	ssyncset.done $0x0  }
0x63: {  	[sflag:s22] =	ssyncadd.s32 $0xFFFFC000  }
0x64: {  	[tilespmem:s24], [sflag:$0x2] =	stream.linear.gather [spmem:s14], $0x4000, $0x38;
	[tilespmem:$0x1D000] =	vst v63  }
0x65: {  	_ =	swait.ge [sflag:s22], $0x4000  }
0x66: {  	[sflag:s22] =	ssyncset.done $0x0  }
0x67: {  	[sflag:s22] =	ssyncadd.s32 $0xFFFFC000  }
0x68: {  	[hbm4b:s15+s3] =	stream.linear.scatter [tilespmem:s24], [sflag:$0x2], $0x4000, $0x38;
	[tilespmem:$0x1D000] =	vst v63  }
0x69: {  	_ =	swait.ge [sflag:s22], $0x4000  }
0x6a: {  	[sflag:s22] =	ssyncset.done $0x0  }
0x6b: {  	[sflag:s22] =	ssyncadd.s32 $0xFFFFC000  }
0x6c: {  	[tilespmem:s24], [sflag:$0x2] =	stream.linear.gather [spmem:s16], $0x4000, $0x38;
	[tilespmem:$0x1D000] =	vst v63  }
0x6d: {  	_ =	swait.ge [sflag:s22], $0x4000  }
0x6e: {  	[sflag:s22] =	ssyncset.done $0x0  }
0x6f: {  	[sflag:s22] =	ssyncadd.s32 $0xFFFFC000  }
0x70: {  	[hbm4b:s17+s3] =	stream.linear.scatter [tilespmem:s24], [sflag:$0x2], $0x4000, $0x38;
	[tilespmem:$0x1D000] =	vst v63  }
0x71: {  	_ =	swait.ge [sflag:s22], $0x4000  }
0x72: {  	[sflag:s22] =	ssyncset.done $0x0  }
0x73: {  	[sflag:s22] =	ssyncadd.s32 $0xFFFFC000  }
0x74: {  	[tilespmem:s24], [sflag:$0x2] =	stream.linear.gather [spmem:s18], $0x4000, $0x38;
	[tilespmem:$0x1D000] =	vst v63  }
0x75: {  	_ =	swait.ge [sflag:s22], $0x4000  }
0x76: {  	[sflag:s22] =	ssyncset.done $0x0  }
0x77: {  	[sflag:s22] =	ssyncadd.s32 $0xFFFFC000  }
0x78: {  	[hbm4b:s19+s3] =	stream.linear.scatter [tilespmem:s24], [sflag:$0x2], $0x4000, $0x38;
	[tilespmem:$0x1D000] =	vst v63  }
0x79: {  	_ =	swait.ge [sflag:s22], $0x4000  }
0x7a: {  	[sflag:s22] =	ssyncset.done $0x0  }
0x7b: {  	[sflag:s22] =	ssyncadd.s32 $0xFFFFC000  }
0x7c: {  	[tilespmem:s24], [sflag:$0x2] =	stream.linear.gather [spmem:s20], $0x4000, $0x38;
	[tilespmem:$0x1D000] =	vst v63  }
0x7d: {  	s28 =	sadd.s32 $0x1, s28;
	_ =	swait.ge [sflag:s22], $0x4000  }
0x7e: {  	p0 =	sne.s32 s28, s8;
	[sflag:s22] =	ssyncset.done $0x0  }
.Ltmp2:
0x7f: {  	[sflag:s22] =	ssyncadd.s32 $0xFFFFC000;
	(pc) =	sbr.rel @p0 .LBB2_1-.Ltmp2, $4  }
0x80: {  	[hbm4b:s21+s3] =	stream.linear.scatter [tilespmem:s24], [sflag:$0x2], $0x4000, $0x38;
	[tilespmem:$0x1D000] =	vst v63  }
0x81: {  	_ =	swait.ge [sflag:s22], $0x4000  }
0x82: {  	[sflag:s22] =	ssyncset.done $0x0  }
0x83: {  	[sflag:s22] =	ssyncadd.s32 $0xFFFFC000  }
0x84: {  	_ =	sfence.sel $0x180000  }
0x85: {  	[bflag:$0x0] =	sbarrier.arrive $0xFFFF  }
0x86: {  	_ =	strace $0x9000005C  }
0x87: {  	[bflag:$0x2] =	sbarrier.arrive $0xFFFF  }
0x88: {  	p0 =	sne.s32 s0, $0x0;
	s0 =	rddreg [dreg:$0x2]  }
0x89: {  	s0 =	sadd.s32 @!p0 $0x100000, s0  }
0x8a: {  	[sflag:s0] =	ssyncadd.tile.s32 @!p0 $0x1;
	_ =	shalt  }
.Lfunc_end2:
_tile_overlayer_lowered:
.L_overlay_start_2:
0x8b: {  	(tag) =	ssettag $0x2  }
0x8c: {  	s0 =	rddreg [dreg:$0x0];
	s2 =	stileid.u32  }
0x8d: {  	s1 =	rddreg [dreg:$0x1];
	p0 =	sne.s32 s2, $0x0  }
0x8e: {  	s3 =	rddreg [dreg:$0x2];
	[bflag:$0x3] =	sbarrier.arrive $0xFFFF;
	s2 =	simm.s32 @!p0 $0x1C02  }
0x8f: {  	[timem:s3], [sflag:s2] =	dma.local @!p0 [hbm:s0], s1  }
0x90: {  	s0 =	simm.s32 @!p0 $0x2  }
0x91: {  	_ =	swait.ge @!p0 [sflag:s0], s1  }
0x92: {  	s1 =	ssub.s32 @!p0 $0x0, s1;
	[sflag:s0] =	ssyncset.done @!p0 $0x0  }
0x93: {  	[sflag:s0] =	ssyncadd.s32 @!p0 s1  }
0x94: {  	[bflag:$0x3] =	sbarrier.arrive $0xFFFF  }
0x95: {  	_ =	shalt  }

// kernel: kernel.45.cloned.1.call-start
scs
__scs_entry_jumppad:
0x0: {  	(pc) =	sbr.rel $0x88, $3  }
0x1: {  	(tag) =	ssettag $0x0;
	lr =	simm.s32 $0x1  }
0x2: {  	[smem:$0x3F99] =	sst lr;
	_ =	strace $0xD0000000  }
0x3: {  	_ = 	snop  }
0x4: {  	_ = 	snop  }
0x5: {  	_ = 	snop  }
0x6: {  	_ = 	snop  }
0x7: {  	_ = 	snop  }
__scs_overlays_trampoline_lowered:
0x8: {  	[smem:$0x3FA8] =	sst s0  }
0x9: {  	[smem:$0x3FA9] =	sst s1  }
0xa: {  	[smem:$0x3FAA] =	sst s2  }
0xb: {  	[smem:$0x3FAB] =	sst s3  }
0xc: {  	[smem:$0x3FAC] =	sst s4  }
0xd: {  	[smem:$0x3FAD] =	sst s5  }
0xe: {  	[smem:$0x3FAE] =	sst s6  }
0xf: {  	[smem:$0x3FAF] =	sst s7  }
0x10: {  	[smem:$0x3FB0] =	sst s8  }
0x11: {  	[smem:$0x3FB1] =	sst s9;
	s0 =	simm.s32 @!p0 $0x0  }
0x12: {  	s1 =	sld [smem:$0x3F97];
	s0 =	simm.s32 @p0 $0x1  }
0x13: {  	[smem:$0x3FB2] =	sst s0;
	s0 =	simm.s32 @!p1 $0x0  }
0x14: {  	s2 =	sld [smem:$0x3F96];
	s0 =	simm.s32 @p1 $0x1  }
0x15: {  	[smem:$0x3FB3] =	sst s0;
	s0 =	simm.s32 @!p2 $0x0  }
0x16: {  	s3 =	sld [smem:$0x3FDB];
	s0 =	simm.s32 @p2 $0x1  }
0x17: {  	s4 =	simm.s32 $0x1BF5;
	[smem:$0x3FB5] =	sst s0  }
0x18: {  	s0 =	sld [smem:$0x3F98];
	_ =	swait.ge [sflag:s4], $0x0  }
0x19: {  	s7 =	sld [smem:$0x3F99]  }
0x1a: {  	s8 =	sadd.s32 $0xFFFFE003, lr  }
0x1b: {  	s9 =	sadd.s32 $0xFFFFFEF7, lr;
	s5 =	simm.s32 $0xFFFFFFFF;
	p2 =	slt.u32 s8, $0xFFFFF086  }
0x1c: {  	p1 =	slt.u32 s9, $0xF7A;
	s5 =	simm.s32 @!p2 $0x0  }
0x1d: {  	s5 =	simm.s32 @p1 $0x1;
	p0 =	seq.s32 s7, s2  }
0x1e: {  	s7 =	smul.u32 @!p0 $0xF7A, s2;
	p2 =	seq.s32 @!p0 s5, $0x0  }
0x1f: {  	s9 =	smul.u32 $0xF7A, s1;
	s8 =	simm.s32 @!p0 $0x1BF5;
	p2 =	por !p2, p0  }
0x20: {  	[sflag:s8] =	ssyncset.s32 @!p0 $0xFFFFF086;
	s6 =	sadd.s32 @!p0 s3, s7;
	s7 =	simm.s32 @!p0 $0x108  }
0x21: {  	s3 =	sadd.s32 s3, s9;
	s6 =	sadd.s32 @!p0 $0x88, s6;
	s7 =	simm.s32 @p2 $0x1082  }
0x22: {  	[simem:s7], [sflag:s8] =	dma.local @!p0 [hbm:s6], $0xF7A  }
0x23: {  	s9 =	sor.u32 $0xD0000000, s2;
	s6 =	simm.s32 $0x108;
	_ =	swait.ge @!p0 [sflag:s8], $0x0  }
0x24: {  	s3 =	sadd.s32 $0x88, s3;
	s6 =	simm.s32 @!p1 $0x1082;
	[sflag:s4] =	ssyncset.s32 $0xFFFFF086  }
0x25: {  	[simem:s6], [sflag:s4] =	dma.local [hbm:s3], $0xF7A  }
0x26: {  	[smem:$0x3F99] =	sst s1;
	(tag) =	ssettag s2;
	_ =	strace s9  }
0x27: {  	s1 =	sld [smem:$0x3FA9]  }
0x28: {  	s2 =	sld [smem:$0x3FAA]  }
0x29: {  	s4 =	sld [smem:$0x3FAC]  }
0x2a: {  	p0 =	seq.s32 s5, $0x0;
	s5 =	sld [smem:$0x3FAD]  }
0x2b: {  	s6 =	sld [smem:$0x3FAE]  }
0x2c: {  	s7 =	sld [smem:$0x3FAF]  }
0x2d: {  	s3 =	simm.s32 $0x108;
	s8 =	sld [smem:$0x3FB0]  }
0x2e: {  	s3 =	simm.s32 @!p0 $0x1082;
	s9 =	sld [smem:$0x3FB1]  }
0x2f: {  	lr =	sadd.s32 s0, s3;
	s0 =	sld [smem:$0x3FA8]  }
0x30: {  	s3 =	sld [smem:$0x3FAB]  }
0x31: {  	[smem:$0x3FB4] =	sst s10  }
0x32: {  	s10 =	sld [smem:$0x3FB2];
	_ =	sdelay $0x3  }
0x33: {  	p0 =	seq.s32 s10, $0x1;
	s10 =	sld [smem:$0x3FB4];
	_ =	sdelay $0x3  }
0x34: {  	[smem:$0x3FB4] =	sst s10  }
0x35: {  	s10 =	sld [smem:$0x3FB3];
	_ =	sdelay $0x3  }
0x36: {  	p1 =	seq.s32 s10, $0x1;
	s10 =	sld [smem:$0x3FB4];
	_ =	sdelay $0x3  }
0x37: {  	[smem:$0x3FB4] =	sst s10  }
0x38: {  	s10 =	sld [smem:$0x3FB5]  }
0x39: {  	_ = 	snop;
	(pc) =	sbr.ind lr, $3  }
0x3a: {  	_ = 	snop  }
0x3b: {  	_ = 	snop  }
0x3c: {  	p2 =	seq.s32 s10, $0x1;
	s10 =	sld [smem:$0x3FB4]  }
0x3d: {  	_ =	shalt  }
0x3e: {  	_ =	shalt  }
0x3f: {  	_ =	shalt  }
0x40: {  	_ =	shalt  }
0x41: {  	_ =	shalt  }
0x42: {  	_ =	shalt  }
0x43: {  	_ =	shalt  }
0x44: {  	_ =	shalt  }
0x45: {  	_ =	shalt  }
0x46: {  	_ =	shalt  }
0x47: {  	_ =	shalt  }
0x48: {  	_ =	shalt  }
0x49: {  	_ =	shalt  }
0x4a: {  	_ =	shalt  }
0x4b: {  	_ =	shalt  }
0x4c: {  	_ =	shalt  }
0x4d: {  	_ =	shalt  }
0x4e: {  	_ =	shalt  }
0x4f: {  	_ =	shalt  }
0x50: {  	_ =	shalt  }
0x51: {  	_ =	shalt  }
0x52: {  	_ =	shalt  }
0x53: {  	_ =	shalt  }
0x54: {  	_ =	shalt  }
0x55: {  	_ =	shalt  }
0x56: {  	_ =	shalt  }
0x57: {  	_ =	shalt  }
0x58: {  	_ =	shalt  }
0x59: {  	_ =	shalt  }
0x5a: {  	_ =	shalt  }
0x5b: {  	_ =	shalt  }
0x5c: {  	_ =	shalt  }
0x5d: {  	_ =	shalt  }
0x5e: {  	_ =	shalt  }
0x5f: {  	_ =	shalt  }
0x60: {  	_ =	shalt  }
0x61: {  	_ =	shalt  }
0x62: {  	_ =	shalt  }
0x63: {  	_ =	shalt  }
0x64: {  	_ =	shalt  }
0x65: {  	_ =	shalt  }
0x66: {  	_ =	shalt  }
0x67: {  	_ =	shalt  }
0x68: {  	_ =	shalt  }
0x69: {  	_ =	shalt  }
0x6a: {  	_ =	shalt  }
0x6b: {  	_ =	shalt  }
0x6c: {  	_ =	shalt  }
0x6d: {  	_ =	shalt  }
0x6e: {  	_ =	shalt  }
0x6f: {  	_ =	shalt  }
0x70: {  	_ =	shalt  }
0x71: {  	_ =	shalt  }
0x72: {  	_ =	shalt  }
0x73: {  	_ =	shalt  }
0x74: {  	_ =	shalt  }
0x75: {  	_ =	shalt  }
0x76: {  	_ =	shalt  }
0x77: {  	_ =	shalt  }
0x78: {  	_ =	shalt  }
0x79: {  	_ =	shalt  }
0x7a: {  	_ =	shalt  }
0x7b: {  	_ =	shalt  }
0x7c: {  	_ =	shalt  }
0x7d: {  	_ =	shalt  }
0x7e: {  	_ =	shalt  }
0x7f: {  	_ =	shalt  }
0x80: {  	_ =	shalt  }
0x81: {  	_ =	shalt  }
0x82: {  	_ =	shalt  }
0x83: {  	_ =	shalt  }
0x84: {  	_ =	shalt  }
0x85: {  	_ =	shalt  }
0x86: {  	_ =	shalt  }
0x87: {  	_ =	shalt  }
.Lfunc_end0:
.L_simem_size_0:
called_computation.8_lowered:
.L_overlay_start_0:
0x88: {  	s2 =	sld [smem:$0x3FD9]  }
0x89: {  	s3 =	sld [smem:$0x3FFE];
	_ =	sdelay $0x1  }
0x8a: {  	s1 =	srdreg.scid  }
0x8b: {  	s0 =	sand.u32 $0x1, s1  }
0x8c: {  	s16 =	sshll.u32 s0, $0xA;
	s2 =	sadd.s32 s3, s2  }
0x8d: {  	s2 =	sadd.s32 s2, s16  }
0x8e: {  	[smem:$0x3FC0] =	sst s2  }
0x8f: {  	_ = 	snop  }
0x90: {  	(tm) =	ssettm $0x1  }
0x91: {  	s17 =	sld [smem:$0x3FFB];
	_ =	sdelay $0x3  }
0x92: {  	_ =	strace s17  }
0x93: {  	s2 =	sld [smem:$0x3FFC];
	_ =	sdelay $0x3  }
0x94: {  	_ =	strace s2  }
0x95: {  	s2 =	sld [smem:$0x3FFD];
	_ =	sdelay $0x3  }
0x96: {  	_ =	strace s2  }
0x97: {  	_ =	strace $0x8FFFFFFF  }
0x98: {  	s18 =	sld [smem:$0x3FDB];
	_ =	sdelay $0x1  }
0x99: {  	s19 =	simm.s32 $_scs_section_size  }
0x9a: {  	s4 =	simm.s32 $_size__tile_overlayer_lowered;
	s5 =	simm.s32 $_tile_overlayer_lowered  }
0x9b: {  	s22 =	simm.s32 $0x1BFF;
	s21 =	sshll.u32 s5, $0x1;
	s2 =	sadd.s32 s19, s18  }
0x9c: {  	s6 =	simm.s32 $0x0;
	s20 =	sshll.u32 s4, $0x1;
	s4 =	sadd.s32 s21, s2  }
0x9d: {  	[timem:s6], [sflag:s22] =	dma.local [hbm:s4], s20  }
0x9e: {  	_ =	swait.ge [sflag:s22], s20  }
0x9f: {  	s3 =	ssub.s32 $0x0, s20;
	[sflag:s22] =	ssyncset.done $0x0  }
0xa0: {  	[sflag:s22] =	ssyncadd.s32 s3;
	_ =	sdelay $0x1  }
0xa1: {  	s23 =	simm.s32 $0x1B8B  }
0xa2: {  	_ =	swait.ge [sflag:s23], $0x1  }
0xa3: {  	[sflag:s23] =	ssyncset.done $0x0  }
0xa4: {  	s25 =	simm.s32 $0x1B8E;
	s24 =	sld [smem:$0x3FFE];
	[sflag:s23] =	ssyncadd.s32 $0xFFFFFFFF  }
0xa5: {  	s26 =	simm.s32 $execute0_lowered;
	[smem:$0x3FD2] =	sst s25  }
0xa6: {  	s4 =	sshll.u32 s26, $0x1;
	_ =	strace $0x8000005E;
	[dreg:$0x1] =	wrdreg $0xFFFFFFFF  }
0xa7: {  	s28 =	simm.s32 $_size_execute0_lowered;
	s2 =	sadd.s32 s2, s4;
	[dreg:$0x0] =	wrdreg $0x0  }
0xa8: {  	s4 =	sshll.u32 s28, $0x1;
	[dreg:$0x2] =	wrdreg s2  }
0xa9: {  	[dreg:$0x3] =	wrdreg s4  }
0xaa: {  	[dreg:$0x4] =	wrdreg $0xC0  }
0xab: {  	_ =	task [dreg:s6], $0x5FFFF  }
0xac: {  	[dreg:$0x1] =	wrdreg $0xFFFFFFFF  }
0xad: {  	[dreg:$0x0] =	wrdreg $0x60  }
0xae: {  	[dreg:$0x2] =	wrdreg s24  }
0xaf: {  	[dreg:$0x3] =	wrdreg $0x90000  }
0xb0: {  	[dreg:$0x4] =	wrdreg $0x9  }
0xb1: {  	_ =	task.clear_ibuf [dreg:s6], $0x5FFFF;
	_ =	strace $0x9000005E  }
0xb2: {  	s29 =	simm.s32 $0x9;
	_ =	strace $0x80000060  }
0xb3: {  	_ =	swait.ge [sflag:s29], $0x1  }
0xb4: {  	[sflag:s29] =	ssyncadd.s32 $0xFFFFFFFF  }
0xb5: {  	_ =	strace $0x90000060  }
0xb6: {  	_ =	sfence  }
0xb7: {  	s30 =	sld [smem:$0x0];
	_ =	sdelay $0x2  }
0xb8: {  	s31 =	sshll.u32 s1, $0xD;
	s1 =	sshrl.u32 s1, $0x2  }
0xb9: {  	s3 =	sand.u32 $0x4000, s31;
	s1 =	sadd.s32 s1, s30  }
0xba: {  	s0 =	sor.u32 s3, s0;
	s1 =	sshll.u32 s1, $0x11  }
0xbb: {  	s0 =	sor.u32 s1, s0  }
0xbc: {  	s0 =	sadd.s32 $0x8F2B, s0  }
0xbd: {  	[sflag:s0] =	ssyncadd.remote.s32 $0x1  }
0xbe: {  	_ =	sfence.sel $0xFFFF  }
0xbf: {  	[dreg:$0x0] =	wrdreg $0xFFFFFFFF;
	(pc) =	sbr.abs _section_cstart, $3  }
0xc0: {  	[dreg:$0x1] =	wrdreg $0xFFFFFFFF  }
0xc1: {  	_ =	task.clear_ibuf [dreg:s6], $0x2FFFF;
	_ =	strace $0x9FFFFFFF  }
0xc2: {  	(tm) =	ssettm $0x7FFFFFFF  }
0xc3: {  	_ =	shalt  }
tec
execute0_lowered:
.L_overlay_start_1:
0x0: {  	(tag) =	ssettag $0x1  }
0x1: {  	s5 =	rddreg [dreg:$0x0];
	s1 =	srdreg.scid  }
0x2: {  	s0 =	stileid.u32;
	s2 =	rddreg [dreg:$0x1]  }
0x3: {  	s3 =	simm.s32 $0x0;
	s24 =	simm.s32 $0x5000;
	s25 =	simm.s32 $0x80  }
0x4: {  	s26 =	simm.s32 $0x1;
	s28 =	simm.s32 $0x0;
	s6 =	sand.u32 $0x1, s1  }
0x5: {  	s4 =	sshll.u32 s0, $0x1;
	[smem:$0x7FF] =	sst s3;
	s10 =	smul.u32 $0x50000, s0  }
0x6: {  	s21 =	sadd.s32 $0x91000, s5;
	s17 =	smul.u32 $0x14000, s0;
	s4 =	sor.u32 s6, s4  }
0x7: {  	_ =	strace $0x8000005F;
	s8 =	ssub.s32 $0x2, s6;
	s18 =	smul.u32 $0x140000, s6  }
0x8: {  	s7 =	smul.u32 $0x500, s4;
	s4 =	sadd.s32 $0x1BA00, s5;
	s9 =	sshrl.u32 s8, $0x1  }
0x9: {  	s30 =	sshrl.u32 s10, $0x2;
	s14 =	sadd.s32 $0x4000, s17;
	s19 =	sadd.s32 $0x8000, s17  }
0xa: {  	s20 =	sadd.s32 $0xC000, s17;
	s22 =	sadd.s32 $0x10000, s17;
	s8 =	ssub.s32 s8, s9  }
0xb: {  	s12 =	sadd.s32 s18, s17;
	s15 =	sadd.s32 s18, s14;
	s14 =	sadd.s32 s14, s2  }
0xc: {  	s16 =	sadd.s32 s19, s2;
	s19 =	sadd.s32 s18, s19;
	s31 =	sadd.s32 s18, s20  }
0xd: {  	s23 =	sadd.s32 s18, s22;
	s18 =	sadd.s32 s20, s2;
	s20 =	sadd.s32 s22, s2  }
0xe: {  	s22 =	simm.s32 $0x2;
	s7 =	sadd.s32 s7, s5;
	s8 =	smax.u32 s8, $0x1  }
0xf: {  	s13 =	sshrl.u32 s12, $0x3;
	s15 =	sshrl.u32 s15, $0x3;
	s19 =	sshrl.u32 s19, $0x3  }
0x10: {  	s23 =	sshrl.u32 s23, $0x3;
	s5 =	sadd.s32 $0x11A00, s7;
	s6 =	sadd.s32 $0x7000, s7  }
0x11: {  	s7 =	sadd.s32 s30, s2;
	s13 =	sadd.s32 s21, s13;
	s15 =	sadd.s32 s21, s15  }
0x12: {  	s17 =	sadd.s32 s21, s19;
	s19 =	sshrl.u32 s31, $0x3;
	s9 =	sadd.s32 $0x4000, s7  }
0x13: {  	s10 =	sadd.s32 $0x8000, s7;
	s11 =	sadd.s32 $0xC000, s7;
	s12 =	sadd.s32 $0x10000, s7  }
0x14: {  	v0 =	vimm.f32 $0.0e+00;
	s19 =	sadd.s32 s21, s19;
	s21 =	sadd.s32 s21, s23;
	s23 =	simm.s32 $0x2800  }
.LBB2_1:
0x15: {  	[tilespmem:s3], [sflag:$0x2] =	stream.linear.gather [hbm4b:s5+s3], $0x2800, $0x38;
	[tilespmem:$0x1D000] =	vst v63  }
0x16: {  	_ =	swait.ge [sflag:s22], $0x2800  }
0x17: {  	[sflag:s22] =	ssyncset.done $0x0  }
0x18: {  	[sflag:s22] =	ssyncadd.s32 $0xFFFFD800  }
0x19: {  	[tilespmem:s23], [sflag:$0x2] =	stream.linear.gather [hbm4b:s6+s3], $0x2800, $0x38;
	[tilespmem:$0x1D000] =	vst v63  }
0x1a: {  	_ =	swait.ge [sflag:s22], $0x2800  }
0x1b: {  	[sflag:s22] =	ssyncset.done $0x0  }
0x1c: {  	s29 =	simm.s32 $0x0;
	s30 =	simm.s32 $0x200;
	[sflag:s22] =	ssyncadd.s32 $0xFFFFD800  }
.LBB2_2:
0x1d: {  	p0 =	sne.s32 s30, $0xFE00;
	[tilespmem:s29+$0x5070] =	vst v0  }
0x1e: {  	[tilespmem:s29+$0x5000] =	vst v0  }
0x1f: {  	[tilespmem:s29+$0x5010] =	vst v0  }
.Ltmp0:
0x20: {  	[tilespmem:s29+$0x5020] =	vst v0;
	(pc) =	sbr.rel @p0 .LBB2_2-.Ltmp0, $4  }
0x21: {  	[tilespmem:s29+$0x5030] =	vst v0  }
0x22: {  	[tilespmem:s29+$0x5040] =	vst v0  }
0x23: {  	[tilespmem:s29+$0x5050] =	vst v0  }
0x24: {  	[tilespmem:s29+$0x5060] =	vst v0;
	s29 =	sshra.s32 s30, $0x2;
	s30 =	sadd.s32 $0x200, s30  }
0x25: {  	[tilespmem:s29+$0x5070] =	vst v0  }
0x26: {  	[tilespmem:s29+$0x5000] =	vst v0  }
0x27: {  	[tilespmem:s29+$0x5010] =	vst v0  }
0x28: {  	[tilespmem:s29+$0x5020] =	vst v0  }
0x29: {  	[tilespmem:s29+$0x5030] =	vst v0  }
0x2a: {  	[tilespmem:s29+$0x5040] =	vst v0  }
0x2b: {  	[tilespmem:s29+$0x5050] =	vst v0  }
0x2c: {  	[tilespmem:s29+$0x5060] =	vst v0  }
0x2d: {  	[spmem:s7] =	stream.linear.scatter [tilespmem:s24], [sflag:$0x2], $0x4000, $0x38;
	[tilespmem:$0x1D000] =	vst v63  }
0x2e: {  	_ =	swait.ge [sflag:s22], $0x4000  }
0x2f: {  	[sflag:s22] =	ssyncset.done $0x0  }
0x30: {  	[sflag:s22] =	ssyncadd.s32 $0xFFFFC000  }
0x31: {  	[spmem:s9] =	stream.linear.scatter [tilespmem:s24], [sflag:$0x2], $0x4000, $0x38;
	[tilespmem:$0x1D000] =	vst v63  }
0x32: {  	_ =	swait.ge [sflag:s22], $0x4000  }
0x33: {  	[sflag:s22] =	ssyncset.done $0x0  }
0x34: {  	[sflag:s22] =	ssyncadd.s32 $0xFFFFC000  }
0x35: {  	[spmem:s10] =	stream.linear.scatter [tilespmem:s24], [sflag:$0x2], $0x4000, $0x38;
	[tilespmem:$0x1D000] =	vst v63  }
0x36: {  	_ =	swait.ge [sflag:s22], $0x4000  }
0x37: {  	[sflag:s22] =	ssyncset.done $0x0  }
0x38: {  	[sflag:s22] =	ssyncadd.s32 $0xFFFFC000  }
0x39: {  	[spmem:s11] =	stream.linear.scatter [tilespmem:s24], [sflag:$0x2], $0x4000, $0x38;
	[tilespmem:$0x1D000] =	vst v63  }
0x3a: {  	_ =	swait.ge [sflag:s22], $0x4000  }
0x3b: {  	[sflag:s22] =	ssyncset.done $0x0  }
0x3c: {  	[sflag:s22] =	ssyncadd.s32 $0xFFFFC000  }
0x3d: {  	[spmem:s12] =	stream.linear.scatter [tilespmem:s24], [sflag:$0x2], $0x4000, $0x38;
	[tilespmem:$0x1D000] =	vst v63  }
0x3e: {  	_ =	swait.ge [sflag:s22], $0x4000  }
0x3f: {  	[sflag:s22] =	ssyncset.done $0x0  }
0x40: {  	[sflag:s22] =	ssyncadd.s32 $0xFFFFC000  }
0x41: {  	s29 =	simm.s32 $0x0;
	[bflag:$0x0] =	sbarrier.arrive $0xFFFF  }
0x42: {  	[tilespmem:s24], [sflag:$0x1] =	stream.indirect.gather [hbm4b:s4+s25], $0x80, s29, s25, $0xb8;
	[tilespmem:$0x1D000] =	vst v63  }
0x43: {  	_ =	swait.ge [sflag:s26], $0x4000  }
0x44: {  	[sflag:s26] =	ssyncset.done $0x0  }
0x45: {  	s29 =	simm.s32 $0x2800;
	[sflag:s26] =	ssyncadd.s32 $0xFFFFC000  }
0x46: {  	[spmem:s2] =	stream.indirect.scatter.add.f32 [tilespmem:s24], [sflag:$0x2], $0x80, s29, s25, $0xb8;
	[tilespmem:$0x1D000] =	vst v63  }
0x47: {  	_ =	swait.ge [sflag:s22], $0x4000  }
0x48: {  	s30 =	simm.s32 $0x400;
	s29 =	simm.s32 $0x200;
	[sflag:s22] =	ssyncset.done $0x0  }
.LBB2_4:
0x49: {  	s31 =	sshra.s32 s29, $0x2  }
0x4a: {  	[sflag:s22] =	ssyncadd.s32 $0xFFFFC000;
	s29 =	smov.u32 s30;
	s1 =	sadd.s32 $0x200, s30  }
0x4b: {  	[tilespmem:s24], [sflag:$0x1] =	stream.indirect.gather [hbm4b:s4+s25], $0x80, s31, s25, $0xb8;
	[tilespmem:$0x1D000] =	vst v63  }
0x4c: {  	p0 =	sne.s32 s30, $0x9E00;
	_ =	swait.ge [sflag:s26], $0x4000  }
.Ltmp1:
0x4d: {  	[sflag:s26] =	ssyncset.done $0x0;
	(pc) =	sbr.rel @p0 .LBB2_4-.Ltmp1, $4  }
0x4e: {  	s30 =	sadd.s32 $0x2800, s31;
	[sflag:s26] =	ssyncadd.s32 $0xFFFFC000  }
0x4f: {  	[spmem:s2] =	stream.indirect.scatter.add.f32 [tilespmem:s24], [sflag:$0x2], $0x80, s30, s25, $0xb8;
	[tilespmem:$0x1D000] =	vst v63  }
0x50: {  	_ =	swait.ge [sflag:s22], $0x4000  }
0x51: {  	s30 =	smov.u32 s1;
	[sflag:s22] =	ssyncset.done $0x0  }
0x52: {  	s1 =	sshra.s32 s29, $0x2;
	[sflag:s22] =	ssyncadd.s32 $0xFFFFC000  }
0x53: {  	[tilespmem:s24], [sflag:$0x1] =	stream.indirect.gather [hbm4b:s4+s25], $0x80, s1, s25, $0xb8;
	[tilespmem:$0x1D000] =	vst v63  }
0x54: {  	_ =	swait.ge [sflag:s26], $0x4000  }
0x55: {  	[sflag:s26] =	ssyncset.done $0x0  }
0x56: {  	s1 =	sadd.s32 $0x2800, s1;
	[sflag:s26] =	ssyncadd.s32 $0xFFFFC000  }
0x57: {  	[spmem:s2] =	stream.indirect.scatter.add.f32 [tilespmem:s24], [sflag:$0x2], $0x80, s1, s25, $0xb8;
	[tilespmem:$0x1D000] =	vst v63  }
0x58: {  	_ =	swait.ge [sflag:s22], $0x4000  }
0x59: {  	[sflag:s22] =	ssyncset.done $0x0  }
0x5a: {  	[sflag:s22] =	ssyncadd.s32 $0xFFFFC000  }
0x5b: {  	[bflag:$0x0] =	sbarrier.arrive $0xFFFF  }
0x5c: {  	[tilespmem:s24], [sflag:$0x2] =	stream.linear.gather [spmem:s7], $0x4000, $0x38;
	[tilespmem:$0x1D000] =	vst v63  }
0x5d: {  	_ =	swait.ge [sflag:s22], $0x4000  }
0x5e: {  	[sflag:s22] =	ssyncset.done $0x0  }
0x5f: {  	[sflag:s22] =	ssyncadd.s32 $0xFFFFC000  }
0x60: {  	[hbm4b:s13+s3] =	stream.linear.scatter [tilespmem:s24], [sflag:$0x2], $0x4000, $0x38;
	[tilespmem:$0x1D000] =	vst v63  }
0x61: {  	_ =	swait.ge [sflag:s22], $0x4000  }
0x62: {  	[sflag:s22] =	ssyncset.done $0x0  }
0x63: {  	[sflag:s22] =	ssyncadd.s32 $0xFFFFC000  }
0x64: {  	[tilespmem:s24], [sflag:$0x2] =	stream.linear.gather [spmem:s14], $0x4000, $0x38;
	[tilespmem:$0x1D000] =	vst v63  }
0x65: {  	_ =	swait.ge [sflag:s22], $0x4000  }
0x66: {  	[sflag:s22] =	ssyncset.done $0x0  }
0x67: {  	[sflag:s22] =	ssyncadd.s32 $0xFFFFC000  }
0x68: {  	[hbm4b:s15+s3] =	stream.linear.scatter [tilespmem:s24], [sflag:$0x2], $0x4000, $0x38;
	[tilespmem:$0x1D000] =	vst v63  }
0x69: {  	_ =	swait.ge [sflag:s22], $0x4000  }
0x6a: {  	[sflag:s22] =	ssyncset.done $0x0  }
0x6b: {  	[sflag:s22] =	ssyncadd.s32 $0xFFFFC000  }
0x6c: {  	[tilespmem:s24], [sflag:$0x2] =	stream.linear.gather [spmem:s16], $0x4000, $0x38;
	[tilespmem:$0x1D000] =	vst v63  }
0x6d: {  	_ =	swait.ge [sflag:s22], $0x4000  }
0x6e: {  	[sflag:s22] =	ssyncset.done $0x0  }
0x6f: {  	[sflag:s22] =	ssyncadd.s32 $0xFFFFC000  }
0x70: {  	[hbm4b:s17+s3] =	stream.linear.scatter [tilespmem:s24], [sflag:$0x2], $0x4000, $0x38;
	[tilespmem:$0x1D000] =	vst v63  }
0x71: {  	_ =	swait.ge [sflag:s22], $0x4000  }
0x72: {  	[sflag:s22] =	ssyncset.done $0x0  }
0x73: {  	[sflag:s22] =	ssyncadd.s32 $0xFFFFC000  }
0x74: {  	[tilespmem:s24], [sflag:$0x2] =	stream.linear.gather [spmem:s18], $0x4000, $0x38;
	[tilespmem:$0x1D000] =	vst v63  }
0x75: {  	_ =	swait.ge [sflag:s22], $0x4000  }
0x76: {  	[sflag:s22] =	ssyncset.done $0x0  }
0x77: {  	[sflag:s22] =	ssyncadd.s32 $0xFFFFC000  }
0x78: {  	[hbm4b:s19+s3] =	stream.linear.scatter [tilespmem:s24], [sflag:$0x2], $0x4000, $0x38;
	[tilespmem:$0x1D000] =	vst v63  }
0x79: {  	_ =	swait.ge [sflag:s22], $0x4000  }
0x7a: {  	[sflag:s22] =	ssyncset.done $0x0  }
0x7b: {  	[sflag:s22] =	ssyncadd.s32 $0xFFFFC000  }
0x7c: {  	[tilespmem:s24], [sflag:$0x2] =	stream.linear.gather [spmem:s20], $0x4000, $0x38;
	[tilespmem:$0x1D000] =	vst v63  }
0x7d: {  	s28 =	sadd.s32 $0x1, s28;
	_ =	swait.ge [sflag:s22], $0x4000  }
0x7e: {  	p0 =	sne.s32 s28, s8;
	[sflag:s22] =	ssyncset.done $0x0  }
.Ltmp2:
0x7f: {  	[sflag:s22] =	ssyncadd.s32 $0xFFFFC000;
	(pc) =	sbr.rel @p0 .LBB2_1-.Ltmp2, $4  }
0x80: {  	[hbm4b:s21+s3] =	stream.linear.scatter [tilespmem:s24], [sflag:$0x2], $0x4000, $0x38;
	[tilespmem:$0x1D000] =	vst v63  }
0x81: {  	_ =	swait.ge [sflag:s22], $0x4000  }
0x82: {  	[sflag:s22] =	ssyncset.done $0x0  }
0x83: {  	[sflag:s22] =	ssyncadd.s32 $0xFFFFC000  }
0x84: {  	_ =	sfence.sel $0x180000  }
0x85: {  	[bflag:$0x0] =	sbarrier.arrive $0xFFFF  }
0x86: {  	_ =	strace $0x9000005F  }
0x87: {  	[bflag:$0x2] =	sbarrier.arrive $0xFFFF  }
0x88: {  	p0 =	sne.s32 s0, $0x0;
	s0 =	rddreg [dreg:$0x2]  }
0x89: {  	s0 =	sadd.s32 @!p0 $0x100000, s0  }
0x8a: {  	[sflag:s0] =	ssyncadd.tile.s32 @!p0 $0x1;
	_ =	shalt  }
.Lfunc_end2:
_tile_overlayer_lowered:
.L_overlay_start_2:
0x8b: {  	(tag) =	ssettag $0x2  }
0x8c: {  	s0 =	rddreg [dreg:$0x0];
	s2 =	stileid.u32  }
0x8d: {  	s1 =	rddreg [dreg:$0x1];
	p0 =	sne.s32 s2, $0x0  }
0x8e: {  	s3 =	rddreg [dreg:$0x2];
	[bflag:$0x3] =	sbarrier.arrive $0xFFFF;
	s2 =	simm.s32 @!p0 $0x1C02  }
0x8f: {  	[timem:s3], [sflag:s2] =	dma.local @!p0 [hbm:s0], s1  }
0x90: {  	s0 =	simm.s32 @!p0 $0x2  }
0x91: {  	_ =	swait.ge @!p0 [sflag:s0], s1  }
0x92: {  	s1 =	ssub.s32 @!p0 $0x0, s1;
	[sflag:s0] =	ssyncset.done @!p0 $0x0  }
0x93: {  	[sflag:s0] =	ssyncadd.s32 @!p0 s1  }
0x94: {  	[bflag:$0x3] =	sbarrier.arrive $0xFFFF  }
0x95: {  	_ =	shalt  }

</sc_bundles>
